<compile_context>
chip_gen: v7x
topology: tpu7x:2x2x1
jax: 0.10.2.dev20260603
libtpu: 0.0.44.dev20260713+nightly
codegen_flags: <defaults>
</compile_context>

<pallas_src>
import functools

import jax
import jax.numpy as jnp
from jax import lax
from jax.experimental import pallas as pl
from jax.experimental.pallas import tpu as pltpu
from jax.experimental.pallas import tpu_sc as plsc

_NC = 2
_NS = 16
_NW = _NC * _NS


def _field_embedding_lookup(xTf, Wp, *, B, F, V, E):
    assert E == _NW
    n_sl = B // 16

    mesh = plsc.VectorSubcoreMesh(
        core_axis_name="c", subcore_axis_name="s",
        num_cores=_NC, num_subcores=_NS)

    @functools.partial(
        pl.kernel,
        out_type=jax.ShapeDtypeStruct((F, E, B), jnp.float32),
        mesh=mesh,
        scratch_types=[
            pltpu.VMEM((V,), jnp.float32),
            pltpu.VMEM((B,), jnp.float32),
            pltpu.VMEM_SHARED((2, B), jnp.float32),
            pltpu.SemaphoreType.DMA,
            pltpu.SemaphoreType.DMA,
        ],
        compiler_params=pltpu.CompilerParams(
            use_tc_tiling_on_sc=True, needs_layout_passes=False),
    )
    def k(xTf_hbm, Wp_hbm, out_hbm, plane_v, buf_v, xsp, sem_w, sem_p):
        sid = lax.axis_index("s")
        e = sid * _NC + lax.axis_index("c")

        def stage_idx(f):
            @pl.when(sid == f % _NS)
            def _():
                pltpu.sync_copy(xTf_hbm.at[f], xsp.at[f % 2])

        stage_idx(0)
        pltpu.sync_copy(Wp_hbm.at[0, e], plane_v)
        plsc.subcore_barrier()
        pltpu.sync_copy(xsp.at[0], buf_v)
        for f in range(F):
            @plsc.parallel_loop(0, n_sl, unroll=16)
            def body(i):
                s = pl.ds(i * 16, 16)
                iv = plsc.bitcast(buf_v[s], jnp.int32)
                buf_v[s] = plsc.load_gather(plane_v, [iv])

            wr = pltpu.async_copy(buf_v, out_hbm.at[f, e], sem_w)
            if f + 1 < F:
                stage_idx(f + 1)
                pln = pltpu.async_copy(Wp_hbm.at[f + 1, e], plane_v, sem_p)
            wr.wait()
            if f + 1 < F:
                plsc.subcore_barrier()
                pltpu.sync_copy(xsp.at[(f + 1) % 2], buf_v)
                pln.wait()

    return k(xTf, Wp)


def kernel(x, W):
    B, F = x.shape
    _, V, E = W.shape
    xTf = lax.bitcast_convert_type(x.T, jnp.float32)
    Wp = jnp.transpose(W, (0, 2, 1))
    out_p = _field_embedding_lookup(xTf, Wp, B=B, F=F, V=V, E=E)
    return jnp.transpose(out_p, (2, 0, 1))

# --- scband reference (transcript-rebuilt; emitter-appended) ---
"""Pipeline reference for scband-field-aware-features-embedding-33363305956012 (READ-ONLY COPY).

The authoritative reference and input builder live on the scoring server;
editing this copy changes nothing except your own understanding.
"""

import jax, jax.numpy as jnp
import numpy as np

NUM_FIELDS = 26
VOCAB = 100000
EMB = 32
BATCH = 16384


def setup_inputs(seed: int = 0) -> dict:
    key = jax.random.key(seed)
    k1, k2 = jax.random.split(key)
    x = jax.random.randint(k1, (BATCH, NUM_FIELDS), 0, VOCAB, dtype=jnp.int32)
    # One embedding table per field, stacked: W[f] is the table for field f.
    # Xavier-uniform init, bound = sqrt(6 / (fan_in + fan_out)).
    bound = np.sqrt(6.0 / (VOCAB + EMB))
    W = jax.random.uniform(k2, (NUM_FIELDS, VOCAB, EMB), dtype=jnp.float32, minval=-bound, maxval=bound)
    return {"x": x, "W": W}


def reference(x, W):
    # y[b, f, :] = W[f, x[b, f], :]  (field-aware lookup: each field uses its own table)
    field_idx = jnp.arange(NUM_FIELDS)[None, :]  # [1, F]
    y = W[field_idx, x]  # advanced indexing -> [B, F, E]
    return y

if __name__ == "__main__":
    import jax
    _d = setup_inputs()
    print(jax.jit(kernel)(*tuple(_d.values())))

</pallas_src>

<mosaic_0001>
#map = affine_map<(d0, d1) -> (0, 0)>
#map1 = affine_map<(d0, d1) -> (0, 0, 0)>
module attributes {stable_mosaic.version = 14 : i64} {
  func.func @k(%arg0: i32, %arg1: i32, %arg2: memref<26x16384xf32, #tpu.memory_space<hbm>>, %arg3: memref<26x32x100000xf32, #tpu.memory_space<hbm>>, %arg4: memref<26x32x16384xf32, #tpu.memory_space<hbm>>, %arg5: memref<100000xf32, #tpu.memory_space<vmem>>, %arg6: memref<16384xf32, #tpu.memory_space<vmem>>, %arg7: memref<2x16384xf32, #tpu.memory_space<vmem_shared>>, %arg8: memref<!tpu.dma_semaphore, #tpu.memory_space<semaphore_mem>>, %arg9: memref<!tpu.dma_semaphore, #tpu.memory_space<semaphore_mem>>) attributes {dimension_semantics = [#tpu.dimension_semantics<core_parallel>, #tpu.dimension_semantics<subcore_parallel>], iteration_bounds = array<i64: 2, 16>, scalar_prefetch = 0 : i64, scratch_operands = 5 : i64, tpu.core_type = #tpu.core_type<sc_vector_subcore>, window_params = [{transform_indices = #map}, {transform_indices = #map1}, {transform_indices = #map1}]} {
    %mul3A = arith.constant 2 : i32
    %mul3A_0 = arith.muli %arg1, %mul3A : i32
    %add3A = arith.addi %mul3A_0, %arg0 : i32
    %eq3A = arith.constant 0 : i32
    %eq3A_1 = arith.cmpi eq, %arg1, %eq3A : i32
    %convert_element_type3A = arith.extui %eq3A_1 : i1 to i32
    %cond3A = arith.constant 0 : i32
    %cond3A_2 = arith.cmpi ne, %convert_element_type3A, %cond3A : i32
    scf.if %cond3A_2 {
      %run_scoped3A_968 = arith.constant 0 : i32
      %run_scoped3A_969 = arith.constant 0 : i32
      "tpu.region"() ({
        %run_scoped3A_970 = tpu.sem_alloc : memref<!tpu.dma_semaphore, #tpu.memory_space<semaphore_mem>>
        %dma_start3A_971 = arith.constant 0 : i32
        %dma_start3A_972 = tpu.memref_slice %arg7[%run_scoped3A_969, %dma_start3A_971] : memref<2x16384xf32, #tpu.memory_space<vmem_shared>> -> memref<1x16384xf32, #tpu.memory_space<vmem_shared>>
        %dma_start3A_973 = tpu.memref_squeeze %dma_start3A_972 : memref<1x16384xf32, #tpu.memory_space<vmem_shared>> -> memref<16384xf32, #tpu.memory_space<vmem_shared>>
        %dma_start3A_974 = arith.constant 0 : i32
        %dma_start3A_975 = tpu.memref_slice %arg2[%run_scoped3A_968, %dma_start3A_974] : memref<26x16384xf32, #tpu.memory_space<hbm>> -> memref<1x16384xf32, #tpu.memory_space<hbm>>
        %dma_start3A_976 = tpu.memref_squeeze %dma_start3A_975 : memref<1x16384xf32, #tpu.memory_space<hbm>> -> memref<16384xf32, #tpu.memory_space<hbm>>
        tpu.enqueue_dma source(%dma_start3A_976 : memref<16384xf32, #tpu.memory_space<hbm>>) target(%dma_start3A_973 : memref<16384xf32, #tpu.memory_space<vmem_shared>>) target_semaphore(%run_scoped3A_970 : memref<!tpu.dma_semaphore, #tpu.memory_space<semaphore_mem>>)
        %dma_wait3A_977 = arith.constant 0 : i32
        %dma_wait3A_978 = tpu.memref_slice %arg7[%run_scoped3A_969, %dma_wait3A_977] : memref<2x16384xf32, #tpu.memory_space<vmem_shared>> -> memref<1x16384xf32, #tpu.memory_space<vmem_shared>>
        %dma_wait3A_979 = tpu.memref_squeeze %dma_wait3A_978 : memref<1x16384xf32, #tpu.memory_space<vmem_shared>> -> memref<16384xf32, #tpu.memory_space<vmem_shared>>
        %dma_wait3A_980 = arith.constant 0 : i32
        %dma_wait3A_981 = tpu.memref_slice %arg2[%run_scoped3A_968, %dma_wait3A_980] : memref<26x16384xf32, #tpu.memory_space<hbm>> -> memref<1x16384xf32, #tpu.memory_space<hbm>>
        %dma_wait3A_982 = tpu.memref_squeeze %dma_wait3A_981 : memref<1x16384xf32, #tpu.memory_space<hbm>> -> memref<16384xf32, #tpu.memory_space<hbm>>
        tpu.wait_dma2 semaphore(%run_scoped3A_970 : memref<!tpu.dma_semaphore, #tpu.memory_space<semaphore_mem>>) src(%dma_wait3A_982 : memref<16384xf32, #tpu.memory_space<hbm>>) dst(%dma_wait3A_979 : memref<16384xf32, #tpu.memory_space<vmem_shared>>)
        tpu.yield
      }) : () -> ()
    } else {
    }
    %run_scoped3A = arith.constant 0 : i32
    "tpu.region"() ({
      %run_scoped3A_968 = tpu.sem_alloc : memref<!tpu.dma_semaphore, #tpu.memory_space<semaphore_mem>>
      %dma_start3A_969 = arith.constant 0 : i32
      %dma_start3A_970 = tpu.memref_slice %arg3[%run_scoped3A, %add3A, %dma_start3A_969] : memref<26x32x100000xf32, #tpu.memory_space<hbm>> -> memref<1x1x100000xf32, #tpu.memory_space<hbm>>
      %dma_start3A_971 = tpu.memref_squeeze %dma_start3A_970 : memref<1x1x100000xf32, #tpu.memory_space<hbm>> -> memref<100000xf32, #tpu.memory_space<hbm>>
      %dma_start3A_972 = arith.constant 0 : i32
      %dma_start3A_973 = tpu.memref_slice %arg3[%run_scoped3A, %add3A, %dma_start3A_972] : memref<26x32x100000xf32, #tpu.memory_space<hbm>> -> memref<1x1x100000xf32, #tpu.memory_space<hbm>>
      %dma_start3A_974 = tpu.memref_squeeze %dma_start3A_973 : memref<1x1x100000xf32, #tpu.memory_space<hbm>> -> memref<100000xf32, #tpu.memory_space<hbm>>
      tpu.enqueue_dma source(%dma_start3A_974 : memref<100000xf32, #tpu.memory_space<hbm>>) target(%arg5 : memref<100000xf32, #tpu.memory_space<vmem>>) target_semaphore(%run_scoped3A_968 : memref<!tpu.dma_semaphore, #tpu.memory_space<semaphore_mem>>)
      %dma_wait3A_975 = arith.constant 0 : i32
      %dma_wait3A_976 = tpu.memref_slice %arg3[%run_scoped3A, %add3A, %dma_wait3A_975] : memref<26x32x100000xf32, #tpu.memory_space<hbm>> -> memref<1x1x100000xf32, #tpu.memory_space<hbm>>
      %dma_wait3A_977 = tpu.memref_squeeze %dma_wait3A_976 : memref<1x1x100000xf32, #tpu.memory_space<hbm>> -> memref<100000xf32, #tpu.memory_space<hbm>>
      %dma_wait3A_978 = arith.constant 0 : i32
      %dma_wait3A_979 = tpu.memref_slice %arg3[%run_scoped3A, %add3A, %dma_wait3A_978] : memref<26x32x100000xf32, #tpu.memory_space<hbm>> -> memref<1x1x100000xf32, #tpu.memory_space<hbm>>
      %dma_wait3A_980 = tpu.memref_squeeze %dma_wait3A_979 : memref<1x1x100000xf32, #tpu.memory_space<hbm>> -> memref<100000xf32, #tpu.memory_space<hbm>>
      tpu.wait_dma2 semaphore(%run_scoped3A_968 : memref<!tpu.dma_semaphore, #tpu.memory_space<semaphore_mem>>) src(%dma_wait3A_980 : memref<100000xf32, #tpu.memory_space<hbm>>) dst(%arg5 : memref<100000xf32, #tpu.memory_space<vmem>>)
      tpu.yield
    }) : () -> ()
    %barrier3A = arith.constant 0 : index
    tpu.barrier barrier_id(%barrier3A)
    %run_scoped3A_3 = arith.constant 0 : i32
    "tpu.region"() ({
      %run_scoped3A_968 = tpu.sem_alloc : memref<!tpu.dma_semaphore, #tpu.memory_space<semaphore_mem>>
      %dma_start3A_969 = arith.constant 0 : i32
      %dma_start3A_970 = tpu.memref_slice %arg7[%run_scoped3A_3, %dma_start3A_969] : memref<2x16384xf32, #tpu.memory_space<vmem_shared>> -> memref<1x16384xf32, #tpu.memory_space<vmem_shared>>
      %dma_start3A_971 = tpu.memref_squeeze %dma_start3A_970 : memref<1x16384xf32, #tpu.memory_space<vmem_shared>> -> memref<16384xf32, #tpu.memory_space<vmem_shared>>
      %dma_start3A_972 = arith.constant 0 : i32
      %dma_start3A_973 = tpu.memref_slice %arg7[%run_scoped3A_3, %dma_start3A_972] : memref<2x16384xf32, #tpu.memory_space<vmem_shared>> -> memref<1x16384xf32, #tpu.memory_space<vmem_shared>>
      %dma_start3A_974 = tpu.memref_squeeze %dma_start3A_973 : memref<1x16384xf32, #tpu.memory_space<vmem_shared>> -> memref<16384xf32, #tpu.memory_space<vmem_shared>>
      tpu.enqueue_dma source(%dma_start3A_974 : memref<16384xf32, #tpu.memory_space<vmem_shared>>) target(%arg6 : memref<16384xf32, #tpu.memory_space<vmem>>) target_semaphore(%run_scoped3A_968 : memref<!tpu.dma_semaphore, #tpu.memory_space<semaphore_mem>>)
      %dma_wait3A_975 = arith.constant 0 : i32
      %dma_wait3A_976 = tpu.memref_slice %arg7[%run_scoped3A_3, %dma_wait3A_975] : memref<2x16384xf32, #tpu.memory_space<vmem_shared>> -> memref<1x16384xf32, #tpu.memory_space<vmem_shared>>
      %dma_wait3A_977 = tpu.memref_squeeze %dma_wait3A_976 : memref<1x16384xf32, #tpu.memory_space<vmem_shared>> -> memref<16384xf32, #tpu.memory_space<vmem_shared>>
      %dma_wait3A_978 = arith.constant 0 : i32
      %dma_wait3A_979 = tpu.memref_slice %arg7[%run_scoped3A_3, %dma_wait3A_978] : memref<2x16384xf32, #tpu.memory_space<vmem_shared>> -> memref<1x16384xf32, #tpu.memory_space<vmem_shared>>
      %dma_wait3A_980 = tpu.memref_squeeze %dma_wait3A_979 : memref<1x16384xf32, #tpu.memory_space<vmem_shared>> -> memref<16384xf32, #tpu.memory_space<vmem_shared>>
      tpu.wait_dma2 semaphore(%run_scoped3A_968 : memref<!tpu.dma_semaphore, #tpu.memory_space<semaphore_mem>>) src(%dma_wait3A_980 : memref<16384xf32, #tpu.memory_space<vmem_shared>>) dst(%arg6 : memref<16384xf32, #tpu.memory_space<vmem>>)
      tpu.yield
    }) : () -> ()
    %parallel_loop3A = arith.constant 0 : i32
    %parallel_loop3A_4 = arith.constant 1024 : i32
    %parallel_loop3A_5 = arith.constant 1 : i32
    scf.for %parallel_loop3A_968 = %parallel_loop3A to %parallel_loop3A_4 step %parallel_loop3A_5  : i32 {
      %parallel_loop3A_969 = arith.constant 16 : i32
      %parallel_loop3A_970 = arith.muli %parallel_loop3A_968, %parallel_loop3A_969 : i32
      %parallel_loop3A_971 = arith.index_cast %parallel_loop3A_970 : i32 to index
      %parallel_loop3A_972 = tpu.vector_load %arg6[%parallel_loop3A_971] {strides = array<i32>} : memref<16384xf32, #tpu.memory_space<vmem>>, vector<16xf32>,
      %parallel_loop3A_973 = vector.bitcast %parallel_loop3A_972 : vector<16xf32> to vector<16xi32>
      %parallel_loop3A_974 = tpu.vector_load_idx %arg5[%parallel_loop3A_973] : memref<100000xf32, #tpu.memory_space<vmem>>[vector<16xi32>], vector<16xf32>,
      %parallel_loop3A_975 = arith.index_cast %parallel_loop3A_970 : i32 to index
      %parallel_loop3A_976 = tpu.vector_load %arg6[%parallel_loop3A_975] {strides = array<i32>} : memref<16384xf32, #tpu.memory_space<vmem>>, vector<16xf32>,
      tpu.vector_store %arg6[%parallel_loop3A_975], %parallel_loop3A_974 {strides = array<i32>} : memref<16384xf32, #tpu.memory_space<vmem>>, vector<16xf32>,
    } {sc.loop_unroll_factor = 16 : i64, sc.parallel_access}
    %dma_start3A = arith.constant 0 : i32
    %dma_start3A_6 = arith.constant 0 : i32
    %dma_start3A_7 = tpu.memref_slice %arg4[%dma_start3A, %add3A, %dma_start3A_6] : memref<26x32x16384xf32, #tpu.memory_space<hbm>> -> memref<1x1x16384xf32, #tpu.memory_space<hbm>>
    %dma_start3A_8 = tpu.memref_squeeze %dma_start3A_7 : memref<1x1x16384xf32, #tpu.memory_space<hbm>> -> memref<16384xf32, #tpu.memory_space<hbm>>
    %dma_start3A_9 = arith.constant 0 : i32
    %dma_start3A_10 = tpu.memref_slice %arg4[%dma_start3A, %add3A, %dma_start3A_9] : memref<26x32x16384xf32, #tpu.memory_space<hbm>> -> memref<1x1x16384xf32, #tpu.memory_space<hbm>>
    %dma_start3A_11 = tpu.memref_squeeze %dma_start3A_10 : memref<1x1x16384xf32, #tpu.memory_space<hbm>> -> memref<16384xf32, #tpu.memory_space<hbm>>
    tpu.enqueue_dma source(%arg6 : memref<16384xf32, #tpu.memory_space<vmem>>) target(%dma_start3A_11 : memref<16384xf32, #tpu.memory_space<hbm>>) target_semaphore(%arg8 : memref<!tpu.dma_semaphore, #tpu.memory_space<semaphore_mem>>)
    %eq3A_12 = arith.constant 1 : i32
    %eq3A_13 = arith.cmpi eq, %arg1, %eq3A_12 : i32
    %convert_element_type3A_14 = arith.extui %eq3A_13 : i1 to i32
    %cond3A_15 = arith.constant 0 : i32
    %cond3A_16 = arith.cmpi ne, %convert_element_type3A_14, %cond3A_15 : i32
    scf.if %cond3A_16 {
      %run_scoped3A_968 = arith.constant 1 : i32
      %run_scoped3A_969 = arith.constant 1 : i32
      "tpu.region"() ({
        %run_scoped3A_970 = tpu.sem_alloc : memref<!tpu.dma_semaphore, #tpu.memory_space<semaphore_mem>>
        %dma_start3A_971 = arith.constant 0 : i32
        %dma_start3A_972 = tpu.memref_slice %arg7[%run_scoped3A_969, %dma_start3A_971] : memref<2x16384xf32, #tpu.memory_space<vmem_shared>> -> memref<1x16384xf32, #tpu.memory_space<vmem_shared>>
        %dma_start3A_973 = tpu.memref_squeeze %dma_start3A_972 : memref<1x16384xf32, #tpu.memory_space<vmem_shared>> -> memref<16384xf32, #tpu.memory_space<vmem_shared>>
        %dma_start3A_974 = arith.constant 0 : i32
        %dma_start3A_975 = tpu.memref_slice %arg2[%run_scoped3A_968, %dma_start3A_974] : memref<26x16384xf32, #tpu.memory_space<hbm>> -> memref<1x16384xf32, #tpu.memory_space<hbm>>
        %dma_start3A_976 = tpu.memref_squeeze %dma_start3A_975 : memref<1x16384xf32, #tpu.memory_space<hbm>> -> memref<16384xf32, #tpu.memory_space<hbm>>
        tpu.enqueue_dma source(%dma_start3A_976 : memref<16384xf32, #tpu.memory_space<hbm>>) target(%dma_start3A_973 : memref<16384xf32, #tpu.memory_space<vmem_shared>>) target_semaphore(%run_scoped3A_970 : memref<!tpu.dma_semaphore, #tpu.memory_space<semaphore_mem>>)
        %dma_wait3A_977 = arith.constant 0 : i32
        %dma_wait3A_978 = tpu.memref_slice %arg7[%run_scoped3A_969, %dma_wait3A_977] : memref<2x16384xf32, #tpu.memory_space<vmem_shared>> -> memref<1x16384xf32, #tpu.memory_space<vmem_shared>>
        %dma_wait3A_979 = tpu.memref_squeeze %dma_wait3A_978 : memref<1x16384xf32, #tpu.memory_space<vmem_shared>> -> memref<16384xf32, #tpu.memory_space<vmem_shared>>
        %dma_wait3A_980 = arith.constant 0 : i32
        %dma_wait3A_981 = tpu.memref_slice %arg2[%run_scoped3A_968, %dma_wait3A_980] : memref<26x16384xf32, #tpu.memory_space<hbm>> -> memref<1x16384xf32, #tpu.memory_space<hbm>>
        %dma_wait3A_982 = tpu.memref_squeeze %dma_wait3A_981 : memref<1x16384xf32, #tpu.memory_space<hbm>> -> memref<16384xf32, #tpu.memory_space<hbm>>
        tpu.wait_dma2 semaphore(%run_scoped3A_970 : memref<!tpu.dma_semaphore, #tpu.memory_space<semaphore_mem>>) src(%dma_wait3A_982 : memref<16384xf32, #tpu.memory_space<hbm>>) dst(%dma_wait3A_979 : memref<16384xf32, #tpu.memory_space<vmem_shared>>)
        tpu.yield
      }) : () -> ()
    } else {
    }
    %dma_start3A_17 = arith.constant 1 : i32
    %dma_start3A_18 = arith.constant 0 : i32
    %dma_start3A_19 = tpu.memref_slice %arg3[%dma_start3A_17, %add3A, %dma_start3A_18] : memref<26x32x100000xf32, #tpu.memory_space<hbm>> -> memref<1x1x100000xf32, #tpu.memory_space<hbm>>
    %dma_start3A_20 = tpu.memref_squeeze %dma_start3A_19 : memref<1x1x100000xf32, #tpu.memory_space<hbm>> -> memref<100000xf32, #tpu.memory_space<hbm>>
    %dma_start3A_21 = arith.constant 0 : i32
    %dma_start3A_22 = tpu.memref_slice %arg3[%dma_start3A_17, %add3A, %dma_start3A_21] : memref<26x32x100000xf32, #tpu.memory_space<hbm>> -> memref<1x1x100000xf32, #tpu.memory_space<hbm>>
    %dma_start3A_23 = tpu.memref_squeeze %dma_start3A_22 : memref<1x1x100000xf32, #tpu.memory_space<hbm>> -> memref<100000xf32, #tpu.memory_space<hbm>>
    tpu.enqueue_dma source(%dma_start3A_23 : memref<100000xf32, #tpu.memory_space<hbm>>) target(%arg5 : memref<100000xf32, #tpu.memory_space<vmem>>) target_semaphore(%arg9 : memref<!tpu.dma_semaphore, #tpu.memory_space<semaphore_mem>>)
    %dma_wait3A = arith.constant 0 : i32
    %dma_wait3A_24 = arith.constant 0 : i32
    %dma_wait3A_25 = tpu.memref_slice %arg4[%dma_wait3A, %add3A, %dma_wait3A_24] : memref<26x32x16384xf32, #tpu.memory_space<hbm>> -> memref<1x1x16384xf32, #tpu.memory_space<hbm>>
    %dma_wait3A_26 = tpu.memref_squeeze %dma_wait3A_25 : memref<1x1x16384xf32, #tpu.memory_space<hbm>> -> memref<16384xf32, #tpu.memory_space<hbm>>
    %dma_wait3A_27 = arith.constant 0 : i32
    %dma_wait3A_28 = tpu.memref_slice %arg4[%dma_wait3A, %add3A, %dma_wait3A_27] : memref<26x32x16384xf32, #tpu.memory_space<hbm>> -> memref<1x1x16384xf32, #tpu.memory_space<hbm>>
    %dma_wait3A_29 = tpu.memref_squeeze %dma_wait3A_28 : memref<1x1x16384xf32, #tpu.memory_space<hbm>> -> memref<16384xf32, #tpu.memory_space<hbm>>
    tpu.wait_dma2 semaphore(%arg8 : memref<!tpu.dma_semaphore, #tpu.memory_space<semaphore_mem>>) src(%arg6 : memref<16384xf32, #tpu.memory_space<vmem>>) dst(%dma_wait3A_29 : memref<16384xf32, #tpu.memory_space<hbm>>)
    %barrier3A_30 = arith.constant 0 : index
    tpu.barrier barrier_id(%barrier3A_30)
    %run_scoped3A_31 = arith.constant 1 : i32
    "tpu.region"() ({
      %run_scoped3A_968 = tpu.sem_alloc : memref<!tpu.dma_semaphore, #tpu.memory_space<semaphore_mem>>
      %dma_start3A_969 = arith.constant 0 : i32
      %dma_start3A_970 = tpu.memref_slice %arg7[%run_scoped3A_31, %dma_start3A_969] : memref<2x16384xf32, #tpu.memory_space<vmem_shared>> -> memref<1x16384xf32, #tpu.memory_space<vmem_shared>>
      %dma_start3A_971 = tpu.memref_squeeze %dma_start3A_970 : memref<1x16384xf32, #tpu.memory_space<vmem_shared>> -> memref<16384xf32, #tpu.memory_space<vmem_shared>>
      %dma_start3A_972 = arith.constant 0 : i32
      %dma_start3A_973 = tpu.memref_slice %arg7[%run_scoped3A_31, %dma_start3A_972] : memref<2x16384xf32, #tpu.memory_space<vmem_shared>> -> memref<1x16384xf32, #tpu.memory_space<vmem_shared>>
      %dma_start3A_974 = tpu.memref_squeeze %dma_start3A_973 : memref<1x16384xf32, #tpu.memory_space<vmem_shared>> -> memref<16384xf32, #tpu.memory_space<vmem_shared>>
      tpu.enqueue_dma source(%dma_start3A_974 : memref<16384xf32, #tpu.memory_space<vmem_shared>>) target(%arg6 : memref<16384xf32, #tpu.memory_space<vmem>>) target_semaphore(%run_scoped3A_968 : memref<!tpu.dma_semaphore, #tpu.memory_space<semaphore_mem>>)
      %dma_wait3A_975 = arith.constant 0 : i32
      %dma_wait3A_976 = tpu.memref_slice %arg7[%run_scoped3A_31, %dma_wait3A_975] : memref<2x16384xf32, #tpu.memory_space<vmem_shared>> -> memref<1x16384xf32, #tpu.memory_space<vmem_shared>>
      %dma_wait3A_977 = tpu.memref_squeeze %dma_wait3A_976 : memref<1x16384xf32, #tpu.memory_space<vmem_shared>> -> memref<16384xf32, #tpu.memory_space<vmem_shared>>
      %dma_wait3A_978 = arith.constant 0 : i32
      %dma_wait3A_979 = tpu.memref_slice %arg7[%run_scoped3A_31, %dma_wait3A_978] : memref<2x16384xf32, #tpu.memory_space<vmem_shared>> -> memref<1x16384xf32, #tpu.memory_space<vmem_shared>>
      %dma_wait3A_980 = tpu.memref_squeeze %dma_wait3A_979 : memref<1x16384xf32, #tpu.memory_space<vmem_shared>> -> memref<16384xf32, #tpu.memory_space<vmem_shared>>
      tpu.wait_dma2 semaphore(%run_scoped3A_968 : memref<!tpu.dma_semaphore, #tpu.memory_space<semaphore_mem>>) src(%dma_wait3A_980 : memref<16384xf32, #tpu.memory_space<vmem_shared>>) dst(%arg6 : memref<16384xf32, #tpu.memory_space<vmem>>)
      tpu.yield
    }) : () -> ()
    %dma_wait3A_32 = arith.constant 1 : i32
    %dma_wait3A_33 = arith.constant 0 : i32
    %dma_wait3A_34 = tpu.memref_slice %arg3[%dma_wait3A_32, %add3A, %dma_wait3A_33] : memref<26x32x100000xf32, #tpu.memory_space<hbm>> -> memref<1x1x100000xf32, #tpu.memory_space<hbm>>
    %dma_wait3A_35 = tpu.memref_squeeze %dma_wait3A_34 : memref<1x1x100000xf32, #tpu.memory_space<hbm>> -> memref<100000xf32, #tpu.memory_space<hbm>>
    %dma_wait3A_36 = arith.constant 0 : i32
    %dma_wait3A_37 = tpu.memref_slice %arg3[%dma_wait3A_32, %add3A, %dma_wait3A_36] : memref<26x32x100000xf32, #tpu.memory_space<hbm>> -> memref<1x1x100000xf32, #tpu.memory_space<hbm>>
    %dma_wait3A_38 = tpu.memref_squeeze %dma_wait3A_37 : memref<1x1x100000xf32, #tpu.memory_space<hbm>> -> memref<100000xf32, #tpu.memory_space<hbm>>
    tpu.wait_dma2 semaphore(%arg9 : memref<!tpu.dma_semaphore, #tpu.memory_space<semaphore_mem>>) src(%dma_wait3A_38 : memref<100000xf32, #tpu.memory_space<hbm>>) dst(%arg5 : memref<100000xf32, #tpu.memory_space<vmem>>)
    %parallel_loop3A_39 = arith.constant 0 : i32
    %parallel_loop3A_40 = arith.constant 1024 : i32
    %parallel_loop3A_41 = arith.constant 1 : i32
    scf.for %parallel_loop3A_968 = %parallel_loop3A_39 to %parallel_loop3A_40 step %parallel_loop3A_41  : i32 {
      %parallel_loop3A_969 = arith.constant 16 : i32
      %parallel_loop3A_970 = arith.muli %parallel_loop3A_968, %parallel_loop3A_969 : i32
      %parallel_loop3A_971 = arith.index_cast %parallel_loop3A_970 : i32 to index
      %parallel_loop3A_972 = tpu.vector_load %arg6[%parallel_loop3A_971] {strides = array<i32>} : memref<16384xf32, #tpu.memory_space<vmem>>, vector<16xf32>,
      %parallel_loop3A_973 = vector.bitcast %parallel_loop3A_972 : vector<16xf32> to vector<16xi32>
      %parallel_loop3A_974 = tpu.vector_load_idx %arg5[%parallel_loop3A_973] : memref<100000xf32, #tpu.memory_space<vmem>>[vector<16xi32>], vector<16xf32>,
      %parallel_loop3A_975 = arith.index_cast %parallel_loop3A_970 : i32 to index
      %parallel_loop3A_976 = tpu.vector_load %arg6[%parallel_loop3A_975] {strides = array<i32>} : memref<16384xf32, #tpu.memory_space<vmem>>, vector<16xf32>,
      tpu.vector_store %arg6[%parallel_loop3A_975], %parallel_loop3A_974 {strides = array<i32>} : memref<16384xf32, #tpu.memory_space<vmem>>, vector<16xf32>,
    } {sc.loop_unroll_factor = 16 : i64, sc.parallel_access}
    %dma_start3A_42 = arith.constant 1 : i32
    %dma_start3A_43 = arith.constant 0 : i32
    %dma_start3A_44 = tpu.memref_slice %arg4[%dma_start3A_42, %add3A, %dma_start3A_43] : memref<26x32x16384xf32, #tpu.memory_space<hbm>> -> memref<1x1x16384xf32, #tpu.memory_space<hbm>>
    %dma_start3A_45 = tpu.memref_squeeze %dma_start3A_44 : memref<1x1x16384xf32, #tpu.memory_space<hbm>> -> memref<16384xf32, #tpu.memory_space<hbm>>
    %dma_start3A_46 = arith.constant 0 : i32
    %dma_start3A_47 = tpu.memref_slice %arg4[%dma_start3A_42, %add3A, %dma_start3A_46] : memref<26x32x16384xf32, #tpu.memory_space<hbm>> -> memref<1x1x16384xf32, #tpu.memory_space<hbm>>
    %dma_start3A_48 = tpu.memref_squeeze %dma_start3A_47 : memref<1x1x16384xf32, #tpu.memory_space<hbm>> -> memref<16384xf32, #tpu.memory_space<hbm>>
    tpu.enqueue_dma source(%arg6 : memref<16384xf32, #tpu.memory_space<vmem>>) target(%dma_start3A_48 : memref<16384xf32, #tpu.memory_space<hbm>>) target_semaphore(%arg8 : memref<!tpu.dma_semaphore, #tpu.memory_space<semaphore_mem>>)
    %eq3A_49 = arith.constant 2 : i32
    %eq3A_50 = arith.cmpi eq, %arg1, %eq3A_49 : i32
    %convert_element_type3A_51 = arith.extui %eq3A_50 : i1 to i32
    %cond3A_52 = arith.constant 0 : i32
    %cond3A_53 = arith.cmpi ne, %convert_element_type3A_51, %cond3A_52 : i32
    scf.if %cond3A_53 {
      %run_scoped3A_968 = arith.constant 2 : i32
      %run_scoped3A_969 = arith.constant 0 : i32
      "tpu.region"() ({
        %run_scoped3A_970 = tpu.sem_alloc : memref<!tpu.dma_semaphore, #tpu.memory_space<semaphore_mem>>
        %dma_start3A_971 = arith.constant 0 : i32
        %dma_start3A_972 = tpu.memref_slice %arg7[%run_scoped3A_969, %dma_start3A_971] : memref<2x16384xf32, #tpu.memory_space<vmem_shared>> -> memref<1x16384xf32, #tpu.memory_space<vmem_shared>>
        %dma_start3A_973 = tpu.memref_squeeze %dma_start3A_972 : memref<1x16384xf32, #tpu.memory_space<vmem_shared>> -> memref<16384xf32, #tpu.memory_space<vmem_shared>>
        %dma_start3A_974 = arith.constant 0 : i32
        %dma_start3A_975 = tpu.memref_slice %arg2[%run_scoped3A_968, %dma_start3A_974] : memref<26x16384xf32, #tpu.memory_space<hbm>> -> memref<1x16384xf32, #tpu.memory_space<hbm>>
        %dma_start3A_976 = tpu.memref_squeeze %dma_start3A_975 : memref<1x16384xf32, #tpu.memory_space<hbm>> -> memref<16384xf32, #tpu.memory_space<hbm>>
        tpu.enqueue_dma source(%dma_start3A_976 : memref<16384xf32, #tpu.memory_space<hbm>>) target(%dma_start3A_973 : memref<16384xf32, #tpu.memory_space<vmem_shared>>) target_semaphore(%run_scoped3A_970 : memref<!tpu.dma_semaphore, #tpu.memory_space<semaphore_mem>>)
        %dma_wait3A_977 = arith.constant 0 : i32
        %dma_wait3A_978 = tpu.memref_slice %arg7[%run_scoped3A_969, %dma_wait3A_977] : memref<2x16384xf32, #tpu.memory_space<vmem_shared>> -> memref<1x16384xf32, #tpu.memory_space<vmem_shared>>
        %dma_wait3A_979 = tpu.memref_squeeze %dma_wait3A_978 : memref<1x16384xf32, #tpu.memory_space<vmem_shared>> -> memref<16384xf32, #tpu.memory_space<vmem_shared>>
        %dma_wait3A_980 = arith.constant 0 : i32
        %dma_wait3A_981 = tpu.memref_slice %arg2[%run_scoped3A_968, %dma_wait3A_980] : memref<26x16384xf32, #tpu.memory_space<hbm>> -> memref<1x16384xf32, #tpu.memory_space<hbm>>
        %dma_wait3A_982 = tpu.memref_squeeze %dma_wait3A_981 : memref<1x16384xf32, #tpu.memory_space<hbm>> -> memref<16384xf32, #tpu.memory_space<hbm>>
        tpu.wait_dma2 semaphore(%run_scoped3A_970 : memref<!tpu.dma_semaphore, #tpu.memory_space<semaphore_mem>>) src(%dma_wait3A_982 : memref<16384xf32, #tpu.memory_space<hbm>>) dst(%dma_wait3A_979 : memref<16384xf32, #tpu.memory_space<vmem_shared>>)
        tpu.yield
      }) : () -> ()
    } else {
    }
    %dma_start3A_54 = arith.constant 2 : i32
    %dma_start3A_55 = arith.constant 0 : i32
    %dma_start3A_56 = tpu.memref_slice %arg3[%dma_start3A_54, %add3A, %dma_start3A_55] : memref<26x32x100000xf32, #tpu.memory_space<hbm>> -> memref<1x1x100000xf32, #tpu.memory_space<hbm>>
    %dma_start3A_57 = tpu.memref_squeeze %dma_start3A_56 : memref<1x1x100000xf32, #tpu.memory_space<hbm>> -> memref<100000xf32, #tpu.memory_space<hbm>>
    %dma_start3A_58 = arith.constant 0 : i32
    %dma_start3A_59 = tpu.memref_slice %arg3[%dma_start3A_54, %add3A, %dma_start3A_58] : memref<26x32x100000xf32, #tpu.memory_space<hbm>> -> memref<1x1x100000xf32, #tpu.memory_space<hbm>>
    %dma_start3A_60 = tpu.memref_squeeze %dma_start3A_59 : memref<1x1x100000xf32, #tpu.memory_space<hbm>> -> memref<100000xf32, #tpu.memory_space<hbm>>
    tpu.enqueue_dma source(%dma_start3A_60 : memref<100000xf32, #tpu.memory_space<hbm>>) target(%arg5 : memref<100000xf32, #tpu.memory_space<vmem>>) target_semaphore(%arg9 : memref<!tpu.dma_semaphore, #tpu.memory_space<semaphore_mem>>)
    %dma_wait3A_61 = arith.constant 1 : i32
    %dma_wait3A_62 = arith.constant 0 : i32
    %dma_wait3A_63 = tpu.memref_slice %arg4[%dma_wait3A_61, %add3A, %dma_wait3A_62] : memref<26x32x16384xf32, #tpu.memory_space<hbm>> -> memref<1x1x16384xf32, #tpu.memory_space<hbm>>
    %dma_wait3A_64 = tpu.memref_squeeze %dma_wait3A_63 : memref<1x1x16384xf32, #tpu.memory_space<hbm>> -> memref<16384xf32, #tpu.memory_space<hbm>>
    %dma_wait3A_65 = arith.constant 0 : i32
    %dma_wait3A_66 = tpu.memref_slice %arg4[%dma_wait3A_61, %add3A, %dma_wait3A_65] : memref<26x32x16384xf32, #tpu.memory_space<hbm>> -> memref<1x1x16384xf32, #tpu.memory_space<hbm>>
    %dma_wait3A_67 = tpu.memref_squeeze %dma_wait3A_66 : memref<1x1x16384xf32, #tpu.memory_space<hbm>> -> memref<16384xf32, #tpu.memory_space<hbm>>
    tpu.wait_dma2 semaphore(%arg8 : memref<!tpu.dma_semaphore, #tpu.memory_space<semaphore_mem>>) src(%arg6 : memref<16384xf32, #tpu.memory_space<vmem>>) dst(%dma_wait3A_67 : memref<16384xf32, #tpu.memory_space<hbm>>)
    %barrier3A_68 = arith.constant 0 : index
    tpu.barrier barrier_id(%barrier3A_68)
    %run_scoped3A_69 = arith.constant 0 : i32
    "tpu.region"() ({
      %run_scoped3A_968 = tpu.sem_alloc : memref<!tpu.dma_semaphore, #tpu.memory_space<semaphore_mem>>
      %dma_start3A_969 = arith.constant 0 : i32
      %dma_start3A_970 = tpu.memref_slice %arg7[%run_scoped3A_69, %dma_start3A_969] : memref<2x16384xf32, #tpu.memory_space<vmem_shared>> -> memref<1x16384xf32, #tpu.memory_space<vmem_shared>>
      %dma_start3A_971 = tpu.memref_squeeze %dma_start3A_970 : memref<1x16384xf32, #tpu.memory_space<vmem_shared>> -> memref<16384xf32, #tpu.memory_space<vmem_shared>>
      %dma_start3A_972 = arith.constant 0 : i32
      %dma_start3A_973 = tpu.memref_slice %arg7[%run_scoped3A_69, %dma_start3A_972] : memref<2x16384xf32, #tpu.memory_space<vmem_shared>> -> memref<1x16384xf32, #tpu.memory_space<vmem_shared>>
      %dma_start3A_974 = tpu.memref_squeeze %dma_start3A_973 : memref<1x16384xf32, #tpu.memory_space<vmem_shared>> -> memref<16384xf32, #tpu.memory_space<vmem_shared>>
      tpu.enqueue_dma source(%dma_start3A_974 : memref<16384xf32, #tpu.memory_space<vmem_shared>>) target(%arg6 : memref<16384xf32, #tpu.memory_space<vmem>>) target_semaphore(%run_scoped3A_968 : memref<!tpu.dma_semaphore, #tpu.memory_space<semaphore_mem>>)
      %dma_wait3A_975 = arith.constant 0 : i32
      %dma_wait3A_976 = tpu.memref_slice %arg7[%run_scoped3A_69, %dma_wait3A_975] : memref<2x16384xf32, #tpu.memory_space<vmem_shared>> -> memref<1x16384xf32, #tpu.memory_space<vmem_shared>>
      %dma_wait3A_977 = tpu.memref_squeeze %dma_wait3A_976 : memref<1x16384xf32, #tpu.memory_space<vmem_shared>> -> memref<16384xf32, #tpu.memory_space<vmem_shared>>
      %dma_wait3A_978 = arith.constant 0 : i32
      %dma_wait3A_979 = tpu.memref_slice %arg7[%run_scoped3A_69, %dma_wait3A_978] : memref<2x16384xf32, #tpu.memory_space<vmem_shared>> -> memref<1x16384xf32, #tpu.memory_space<vmem_shared>>
      %dma_wait3A_980 = tpu.memref_squeeze %dma_wait3A_979 : memref<1x16384xf32, #tpu.memory_space<vmem_shared>> -> memref<16384xf32, #tpu.memory_space<vmem_shared>>
      tpu.wait_dma2 semaphore(%run_scoped3A_968 : memref<!tpu.dma_semaphore, #tpu.memory_space<semaphore_mem>>) src(%dma_wait3A_980 : memref<16384xf32, #tpu.memory_space<vmem_shared>>) dst(%arg6 : memref<16384xf32, #tpu.memory_space<vmem>>)
      tpu.yield
    }) : () -> ()
    %dma_wait3A_70 = arith.constant 2 : i32
    %dma_wait3A_71 = arith.constant 0 : i32
    %dma_wait3A_72 = tpu.memref_slice %arg3[%dma_wait3A_70, %add3A, %dma_wait3A_71] : memref<26x32x100000xf32, #tpu.memory_space<hbm>> -> memref<1x1x100000xf32, #tpu.memory_space<hbm>>
    %dma_wait3A_73 = tpu.memref_squeeze %dma_wait3A_72 : memref<1x1x100000xf32, #tpu.memory_space<hbm>> -> memref<100000xf32, #tpu.memory_space<hbm>>
    %dma_wait3A_74 = arith.constant 0 : i32
    %dma_wait3A_75 = tpu.memref_slice %arg3[%dma_wait3A_70, %add3A, %dma_wait3A_74] : memref<26x32x100000xf32, #tpu.memory_space<hbm>> -> memref<1x1x100000xf32, #tpu.memory_space<hbm>>
    %dma_wait3A_76 = tpu.memref_squeeze %dma_wait3A_75 : memref<1x1x100000xf32, #tpu.memory_space<hbm>> -> memref<100000xf32, #tpu.memory_space<hbm>>
    tpu.wait_dma2 semaphore(%arg9 : memref<!tpu.dma_semaphore, #tpu.memory_space<semaphore_mem>>) src(%dma_wait3A_76 : memref<100000xf32, #tpu.memory_space<hbm>>) dst(%arg5 : memref<100000xf32, #tpu.memory_space<vmem>>)
    %parallel_loop3A_77 = arith.constant 0 : i32
    %parallel_loop3A_78 = arith.constant 1024 : i32
    %parallel_loop3A_79 = arith.constant 1 : i32
    scf.for %parallel_loop3A_968 = %parallel_loop3A_77 to %parallel_loop3A_78 step %parallel_loop3A_79  : i32 {
      %parallel_loop3A_969 = arith.constant 16 : i32
      %parallel_loop3A_970 = arith.muli %parallel_loop3A_968, %parallel_loop3A_969 : i32
      %parallel_loop3A_971 = arith.index_cast %parallel_loop3A_970 : i32 to index
      %parallel_loop3A_972 = tpu.vector_load %arg6[%parallel_loop3A_971] {strides = array<i32>} : memref<16384xf32, #tpu.memory_space<vmem>>, vector<16xf32>,
      %parallel_loop3A_973 = vector.bitcast %parallel_loop3A_972 : vector<16xf32> to vector<16xi32>
      %parallel_loop3A_974 = tpu.vector_load_idx %arg5[%parallel_loop3A_973] : memref<100000xf32, #tpu.memory_space<vmem>>[vector<16xi32>], vector<16xf32>,
      %parallel_loop3A_975 = arith.index_cast %parallel_loop3A_970 : i32 to index
      %parallel_loop3A_976 = tpu.vector_load %arg6[%parallel_loop3A_975] {strides = array<i32>} : memref<16384xf32, #tpu.memory_space<vmem>>, vector<16xf32>,
      tpu.vector_store %arg6[%parallel_loop3A_975], %parallel_loop3A_974 {strides = array<i32>} : memref<16384xf32, #tpu.memory_space<vmem>>, vector<16xf32>,
    } {sc.loop_unroll_factor = 16 : i64, sc.parallel_access}
    %dma_start3A_80 = arith.constant 2 : i32
    %dma_start3A_81 = arith.constant 0 : i32
    %dma_start3A_82 = tpu.memref_slice %arg4[%dma_start3A_80, %add3A, %dma_start3A_81] : memref<26x32x16384xf32, #tpu.memory_space<hbm>> -> memref<1x1x16384xf32, #tpu.memory_space<hbm>>
    %dma_start3A_83 = tpu.memref_squeeze %dma_start3A_82 : memref<1x1x16384xf32, #tpu.memory_space<hbm>> -> memref<16384xf32, #tpu.memory_space<hbm>>
    %dma_start3A_84 = arith.constant 0 : i32
    %dma_start3A_85 = tpu.memref_slice %arg4[%dma_start3A_80, %add3A, %dma_start3A_84] : memref<26x32x16384xf32, #tpu.memory_space<hbm>> -> memref<1x1x16384xf32, #tpu.memory_space<hbm>>
    %dma_start3A_86 = tpu.memref_squeeze %dma_start3A_85 : memref<1x1x16384xf32, #tpu.memory_space<hbm>> -> memref<16384xf32, #tpu.memory_space<hbm>>
    tpu.enqueue_dma source(%arg6 : memref<16384xf32, #tpu.memory_space<vmem>>) target(%dma_start3A_86 : memref<16384xf32, #tpu.memory_space<hbm>>) target_semaphore(%arg8 : memref<!tpu.dma_semaphore, #tpu.memory_space<semaphore_mem>>)
    %eq3A_87 = arith.constant 3 : i32
    %eq3A_88 = arith.cmpi eq, %arg1, %eq3A_87 : i32
    %convert_element_type3A_89 = arith.extui %eq3A_88 : i1 to i32
    %cond3A_90 = arith.constant 0 : i32
    %cond3A_91 = arith.cmpi ne, %convert_element_type3A_89, %cond3A_90 : i32
    scf.if %cond3A_91 {
      %run_scoped3A_968 = arith.constant 3 : i32
      %run_scoped3A_969 = arith.constant 1 : i32
      "tpu.region"() ({
        %run_scoped3A_970 = tpu.sem_alloc : memref<!tpu.dma_semaphore, #tpu.memory_space<semaphore_mem>>
        %dma_start3A_971 = arith.constant 0 : i32
        %dma_start3A_972 = tpu.memref_slice %arg7[%run_scoped3A_969, %dma_start3A_971] : memref<2x16384xf32, #tpu.memory_space<vmem_shared>> -> memref<1x16384xf32, #tpu.memory_space<vmem_shared>>
        %dma_start3A_973 = tpu.memref_squeeze %dma_start3A_972 : memref<1x16384xf32, #tpu.memory_space<vmem_shared>> -> memref<16384xf32, #tpu.memory_space<vmem_shared>>
        %dma_start3A_974 = arith.constant 0 : i32
        %dma_start3A_975 = tpu.memref_slice %arg2[%run_scoped3A_968, %dma_start3A_974] : memref<26x16384xf32, #tpu.memory_space<hbm>> -> memref<1x16384xf32, #tpu.memory_space<hbm>>
        %dma_start3A_976 = tpu.memref_squeeze %dma_start3A_975 : memref<1x16384xf32, #tpu.memory_space<hbm>> -> memref<16384xf32, #tpu.memory_space<hbm>>
        tpu.enqueue_dma source(%dma_start3A_976 : memref<16384xf32, #tpu.memory_space<hbm>>) target(%dma_start3A_973 : memref<16384xf32, #tpu.memory_space<vmem_shared>>) target_semaphore(%run_scoped3A_970 : memref<!tpu.dma_semaphore, #tpu.memory_space<semaphore_mem>>)
        %dma_wait3A_977 = arith.constant 0 : i32
        %dma_wait3A_978 = tpu.memref_slice %arg7[%run_scoped3A_969, %dma_wait3A_977] : memref<2x16384xf32, #tpu.memory_space<vmem_shared>> -> memref<1x16384xf32, #tpu.memory_space<vmem_shared>>
        %dma_wait3A_979 = tpu.memref_squeeze %dma_wait3A_978 : memref<1x16384xf32, #tpu.memory_space<vmem_shared>> -> memref<16384xf32, #tpu.memory_space<vmem_shared>>
        %dma_wait3A_980 = arith.constant 0 : i32
        %dma_wait3A_981 = tpu.memref_slice %arg2[%run_scoped3A_968, %dma_wait3A_980] : memref<26x16384xf32, #tpu.memory_space<hbm>> -> memref<1x16384xf32, #tpu.memory_space<hbm>>
        %dma_wait3A_982 = tpu.memref_squeeze %dma_wait3A_981 : memref<1x16384xf32, #tpu.memory_space<hbm>> -> memref<16384xf32, #tpu.memory_space<hbm>>
        tpu.wait_dma2 semaphore(%run_scoped3A_970 : memref<!tpu.dma_semaphore, #tpu.memory_space<semaphore_mem>>) src(%dma_wait3A_982 : memref<16384xf32, #tpu.memory_space<hbm>>) dst(%dma_wait3A_979 : memref<16384xf32, #tpu.memory_space<vmem_shared>>)
        tpu.yield
      }) : () -> ()
    } else {
    }
    %dma_start3A_92 = arith.constant 3 : i32
    %dma_start3A_93 = arith.constant 0 : i32
    %dma_start3A_94 = tpu.memref_slice %arg3[%dma_start3A_92, %add3A, %dma_start3A_93] : memref<26x32x100000xf32, #tpu.memory_space<hbm>> -> memref<1x1x100000xf32, #tpu.memory_space<hbm>>
    %dma_start3A_95 = tpu.memref_squeeze %dma_start3A_94 : memref<1x1x100000xf32, #tpu.memory_space<hbm>> -> memref<100000xf32, #tpu.memory_space<hbm>>
    %dma_start3A_96 = arith.constant 0 : i32
    %dma_start3A_97 = tpu.memref_slice %arg3[%dma_start3A_92, %add3A, %dma_start3A_96] : memref<26x32x100000xf32, #tpu.memory_space<hbm>> -> memref<1x1x100000xf32, #tpu.memory_space<hbm>>
    %dma_start3A_98 = tpu.memref_squeeze %dma_start3A_97 : memref<1x1x100000xf32, #tpu.memory_space<hbm>> -> memref<100000xf32, #tpu.memory_space<hbm>>
    tpu.enqueue_dma source(%dma_start3A_98 : memref<100000xf32, #tpu.memory_space<hbm>>) target(%arg5 : memref<100000xf32, #tpu.memory_space<vmem>>) target_semaphore(%arg9 : memref<!tpu.dma_semaphore, #tpu.memory_space<semaphore_mem>>)
    %dma_wait3A_99 = arith.constant 2 : i32
    %dma_wait3A_100 = arith.constant 0 : i32
    %dma_wait3A_101 = tpu.memref_slice %arg4[%dma_wait3A_99, %add3A, %dma_wait3A_100] : memref<26x32x16384xf32, #tpu.memory_space<hbm>> -> memref<1x1x16384xf32, #tpu.memory_space<hbm>>
    %dma_wait3A_102 = tpu.memref_squeeze %dma_wait3A_101 : memref<1x1x16384xf32, #tpu.memory_space<hbm>> -> memref<16384xf32, #tpu.memory_space<hbm>>
    %dma_wait3A_103 = arith.constant 0 : i32
    %dma_wait3A_104 = tpu.memref_slice %arg4[%dma_wait3A_99, %add3A, %dma_wait3A_103] : memref<26x32x16384xf32, #tpu.memory_space<hbm>> -> memref<1x1x16384xf32, #tpu.memory_space<hbm>>
    %dma_wait3A_105 = tpu.memref_squeeze %dma_wait3A_104 : memref<1x1x16384xf32, #tpu.memory_space<hbm>> -> memref<16384xf32, #tpu.memory_space<hbm>>
    tpu.wait_dma2 semaphore(%arg8 : memref<!tpu.dma_semaphore, #tpu.memory_space<semaphore_mem>>) src(%arg6 : memref<16384xf32, #tpu.memory_space<vmem>>) dst(%dma_wait3A_105 : memref<16384xf32, #tpu.memory_space<hbm>>)
    %barrier3A_106 = arith.constant 0 : index
    tpu.barrier barrier_id(%barrier3A_106)
    %run_scoped3A_107 = arith.constant 1 : i32
    "tpu.region"() ({
      %run_scoped3A_968 = tpu.sem_alloc : memref<!tpu.dma_semaphore, #tpu.memory_space<semaphore_mem>>
      %dma_start3A_969 = arith.constant 0 : i32
      %dma_start3A_970 = tpu.memref_slice %arg7[%run_scoped3A_107, %dma_start3A_969] : memref<2x16384xf32, #tpu.memory_space<vmem_shared>> -> memref<1x16384xf32, #tpu.memory_space<vmem_shared>>
      %dma_start3A_971 = tpu.memref_squeeze %dma_start3A_970 : memref<1x16384xf32, #tpu.memory_space<vmem_shared>> -> memref<16384xf32, #tpu.memory_space<vmem_shared>>
      %dma_start3A_972 = arith.constant 0 : i32
      %dma_start3A_973 = tpu.memref_slice %arg7[%run_scoped3A_107, %dma_start3A_972] : memref<2x16384xf32, #tpu.memory_space<vmem_shared>> -> memref<1x16384xf32, #tpu.memory_space<vmem_shared>>
      %dma_start3A_974 = tpu.memref_squeeze %dma_start3A_973 : memref<1x16384xf32, #tpu.memory_space<vmem_shared>> -> memref<16384xf32, #tpu.memory_space<vmem_shared>>
      tpu.enqueue_dma source(%dma_start3A_974 : memref<16384xf32, #tpu.memory_space<vmem_shared>>) target(%arg6 : memref<16384xf32, #tpu.memory_space<vmem>>) target_semaphore(%run_scoped3A_968 : memref<!tpu.dma_semaphore, #tpu.memory_space<semaphore_mem>>)
      %dma_wait3A_975 = arith.constant 0 : i32
      %dma_wait3A_976 = tpu.memref_slice %arg7[%run_scoped3A_107, %dma_wait3A_975] : memref<2x16384xf32, #tpu.memory_space<vmem_shared>> -> memref<1x16384xf32, #tpu.memory_space<vmem_shared>>
      %dma_wait3A_977 = tpu.memref_squeeze %dma_wait3A_976 : memref<1x16384xf32, #tpu.memory_space<vmem_shared>> -> memref<16384xf32, #tpu.memory_space<vmem_shared>>
      %dma_wait3A_978 = arith.constant 0 : i32
      %dma_wait3A_979 = tpu.memref_slice %arg7[%run_scoped3A_107, %dma_wait3A_978] : memref<2x16384xf32, #tpu.memory_space<vmem_shared>> -> memref<1x16384xf32, #tpu.memory_space<vmem_shared>>
      %dma_wait3A_980 = tpu.memref_squeeze %dma_wait3A_979 : memref<1x16384xf32, #tpu.memory_space<vmem_shared>> -> memref<16384xf32, #tpu.memory_space<vmem_shared>>
      tpu.wait_dma2 semaphore(%run_scoped3A_968 : memref<!tpu.dma_semaphore, #tpu.memory_space<semaphore_mem>>) src(%dma_wait3A_980 : memref<16384xf32, #tpu.memory_space<vmem_shared>>) dst(%arg6 : memref<16384xf32, #tpu.memory_space<vmem>>)
      tpu.yield
    }) : () -> ()
    %dma_wait3A_108 = arith.constant 3 : i32
    %dma_wait3A_109 = arith.constant 0 : i32
    %dma_wait3A_110 = tpu.memref_slice %arg3[%dma_wait3A_108, %add3A, %dma_wait3A_109] : memref<26x32x100000xf32, #tpu.memory_space<hbm>> -> memref<1x1x100000xf32, #tpu.memory_space<hbm>>
    %dma_wait3A_111 = tpu.memref_squeeze %dma_wait3A_110 : memref<1x1x100000xf32, #tpu.memory_space<hbm>> -> memref<100000xf32, #tpu.memory_space<hbm>>
    %dma_wait3A_112 = arith.constant 0 : i32
    %dma_wait3A_113 = tpu.memref_slice %arg3[%dma_wait3A_108, %add3A, %dma_wait3A_112] : memref<26x32x100000xf32, #tpu.memory_space<hbm>> -> memref<1x1x100000xf32, #tpu.memory_space<hbm>>
    %dma_wait3A_114 = tpu.memref_squeeze %dma_wait3A_113 : memref<1x1x100000xf32, #tpu.memory_space<hbm>> -> memref<100000xf32, #tpu.memory_space<hbm>>
    tpu.wait_dma2 semaphore(%arg9 : memref<!tpu.dma_semaphore, #tpu.memory_space<semaphore_mem>>) src(%dma_wait3A_114 : memref<100000xf32, #tpu.memory_space<hbm>>) dst(%arg5 : memref<100000xf32, #tpu.memory_space<vmem>>)
    %parallel_loop3A_115 = arith.constant 0 : i32
    %parallel_loop3A_116 = arith.constant 1024 : i32
    %parallel_loop3A_117 = arith.constant 1 : i32
    scf.for %parallel_loop3A_968 = %parallel_loop3A_115 to %parallel_loop3A_116 step %parallel_loop3A_117  : i32 {
      %parallel_loop3A_969 = arith.constant 16 : i32
      %parallel_loop3A_970 = arith.muli %parallel_loop3A_968, %parallel_loop3A_969 : i32
      %parallel_loop3A_971 = arith.index_cast %parallel_loop3A_970 : i32 to index
      %parallel_loop3A_972 = tpu.vector_load %arg6[%parallel_loop3A_971] {strides = array<i32>} : memref<16384xf32, #tpu.memory_space<vmem>>, vector<16xf32>,
      %parallel_loop3A_973 = vector.bitcast %parallel_loop3A_972 : vector<16xf32> to vector<16xi32>
      %parallel_loop3A_974 = tpu.vector_load_idx %arg5[%parallel_loop3A_973] : memref<100000xf32, #tpu.memory_space<vmem>>[vector<16xi32>], vector<16xf32>,
      %parallel_loop3A_975 = arith.index_cast %parallel_loop3A_970 : i32 to index
      %parallel_loop3A_976 = tpu.vector_load %arg6[%parallel_loop3A_975] {strides = array<i32>} : memref<16384xf32, #tpu.memory_space<vmem>>, vector<16xf32>,
      tpu.vector_store %arg6[%parallel_loop3A_975], %parallel_loop3A_974 {strides = array<i32>} : memref<16384xf32, #tpu.memory_space<vmem>>, vector<16xf32>,
    } {sc.loop_unroll_factor = 16 : i64, sc.parallel_access}
    %dma_start3A_118 = arith.constant 3 : i32
    %dma_start3A_119 = arith.constant 0 : i32
    %dma_start3A_120 = tpu.memref_slice %arg4[%dma_start3A_118, %add3A, %dma_start3A_119] : memref<26x32x16384xf32, #tpu.memory_space<hbm>> -> memref<1x1x16384xf32, #tpu.memory_space<hbm>>
    %dma_start3A_121 = tpu.memref_squeeze %dma_start3A_120 : memref<1x1x16384xf32, #tpu.memory_space<hbm>> -> memref<16384xf32, #tpu.memory_space<hbm>>
    %dma_start3A_122 = arith.constant 0 : i32
    %dma_start3A_123 = tpu.memref_slice %arg4[%dma_start3A_118, %add3A, %dma_start3A_122] : memref<26x32x16384xf32, #tpu.memory_space<hbm>> -> memref<1x1x16384xf32, #tpu.memory_space<hbm>>
    %dma_start3A_124 = tpu.memref_squeeze %dma_start3A_123 : memref<1x1x16384xf32, #tpu.memory_space<hbm>> -> memref<16384xf32, #tpu.memory_space<hbm>>
    tpu.enqueue_dma source(%arg6 : memref<16384xf32, #tpu.memory_space<vmem>>) target(%dma_start3A_124 : memref<16384xf32, #tpu.memory_space<hbm>>) target_semaphore(%arg8 : memref<!tpu.dma_semaphore, #tpu.memory_space<semaphore_mem>>)
    %eq3A_125 = arith.constant 4 : i32
    %eq3A_126 = arith.cmpi eq, %arg1, %eq3A_125 : i32
    %convert_element_type3A_127 = arith.extui %eq3A_126 : i1 to i32
    %cond3A_128 = arith.constant 0 : i32
    %cond3A_129 = arith.cmpi ne, %convert_element_type3A_127, %cond3A_128 : i32
    scf.if %cond3A_129 {
      %run_scoped3A_968 = arith.constant 4 : i32
      %run_scoped3A_969 = arith.constant 0 : i32
      "tpu.region"() ({
        %run_scoped3A_970 = tpu.sem_alloc : memref<!tpu.dma_semaphore, #tpu.memory_space<semaphore_mem>>
        %dma_start3A_971 = arith.constant 0 : i32
        %dma_start3A_972 = tpu.memref_slice %arg7[%run_scoped3A_969, %dma_start3A_971] : memref<2x16384xf32, #tpu.memory_space<vmem_shared>> -> memref<1x16384xf32, #tpu.memory_space<vmem_shared>>
        %dma_start3A_973 = tpu.memref_squeeze %dma_start3A_972 : memref<1x16384xf32, #tpu.memory_space<vmem_shared>> -> memref<16384xf32, #tpu.memory_space<vmem_shared>>
        %dma_start3A_974 = arith.constant 0 : i32
        %dma_start3A_975 = tpu.memref_slice %arg2[%run_scoped3A_968, %dma_start3A_974] : memref<26x16384xf32, #tpu.memory_space<hbm>> -> memref<1x16384xf32, #tpu.memory_space<hbm>>
        %dma_start3A_976 = tpu.memref_squeeze %dma_start3A_975 : memref<1x16384xf32, #tpu.memory_space<hbm>> -> memref<16384xf32, #tpu.memory_space<hbm>>
        tpu.enqueue_dma source(%dma_start3A_976 : memref<16384xf32, #tpu.memory_space<hbm>>) target(%dma_start3A_973 : memref<16384xf32, #tpu.memory_space<vmem_shared>>) target_semaphore(%run_scoped3A_970 : memref<!tpu.dma_semaphore, #tpu.memory_space<semaphore_mem>>)
        %dma_wait3A_977 = arith.constant 0 : i32
        %dma_wait3A_978 = tpu.memref_slice %arg7[%run_scoped3A_969, %dma_wait3A_977] : memref<2x16384xf32, #tpu.memory_space<vmem_shared>> -> memref<1x16384xf32, #tpu.memory_space<vmem_shared>>
        %dma_wait3A_979 = tpu.memref_squeeze %dma_wait3A_978 : memref<1x16384xf32, #tpu.memory_space<vmem_shared>> -> memref<16384xf32, #tpu.memory_space<vmem_shared>>
        %dma_wait3A_980 = arith.constant 0 : i32
        %dma_wait3A_981 = tpu.memref_slice %arg2[%run_scoped3A_968, %dma_wait3A_980] : memref<26x16384xf32, #tpu.memory_space<hbm>> -> memref<1x16384xf32, #tpu.memory_space<hbm>>
        %dma_wait3A_982 = tpu.memref_squeeze %dma_wait3A_981 : memref<1x16384xf32, #tpu.memory_space<hbm>> -> memref<16384xf32, #tpu.memory_space<hbm>>
        tpu.wait_dma2 semaphore(%run_scoped3A_970 : memref<!tpu.dma_semaphore, #tpu.memory_space<semaphore_mem>>) src(%dma_wait3A_982 : memref<16384xf32, #tpu.memory_space<hbm>>) dst(%dma_wait3A_979 : memref<16384xf32, #tpu.memory_space<vmem_shared>>)
        tpu.yield
      }) : () -> ()
    } else {
    }
    %dma_start3A_130 = arith.constant 4 : i32
    %dma_start3A_131 = arith.constant 0 : i32
    %dma_start3A_132 = tpu.memref_slice %arg3[%dma_start3A_130, %add3A, %dma_start3A_131] : memref<26x32x100000xf32, #tpu.memory_space<hbm>> -> memref<1x1x100000xf32, #tpu.memory_space<hbm>>
    %dma_start3A_133 = tpu.memref_squeeze %dma_start3A_132 : memref<1x1x100000xf32, #tpu.memory_space<hbm>> -> memref<100000xf32, #tpu.memory_space<hbm>>
    %dma_start3A_134 = arith.constant 0 : i32
    %dma_start3A_135 = tpu.memref_slice %arg3[%dma_start3A_130, %add3A, %dma_start3A_134] : memref<26x32x100000xf32, #tpu.memory_space<hbm>> -> memref<1x1x100000xf32, #tpu.memory_space<hbm>>
    %dma_start3A_136 = tpu.memref_squeeze %dma_start3A_135 : memref<1x1x100000xf32, #tpu.memory_space<hbm>> -> memref<100000xf32, #tpu.memory_space<hbm>>
    tpu.enqueue_dma source(%dma_start3A_136 : memref<100000xf32, #tpu.memory_space<hbm>>) target(%arg5 : memref<100000xf32, #tpu.memory_space<vmem>>) target_semaphore(%arg9 : memref<!tpu.dma_semaphore, #tpu.memory_space<semaphore_mem>>)
    %dma_wait3A_137 = arith.constant 3 : i32
    %dma_wait3A_138 = arith.constant 0 : i32
    %dma_wait3A_139 = tpu.memref_slice %arg4[%dma_wait3A_137, %add3A, %dma_wait3A_138] : memref<26x32x16384xf32, #tpu.memory_space<hbm>> -> memref<1x1x16384xf32, #tpu.memory_space<hbm>>
    %dma_wait3A_140 = tpu.memref_squeeze %dma_wait3A_139 : memref<1x1x16384xf32, #tpu.memory_space<hbm>> -> memref<16384xf32, #tpu.memory_space<hbm>>
    %dma_wait3A_141 = arith.constant 0 : i32
    %dma_wait3A_142 = tpu.memref_slice %arg4[%dma_wait3A_137, %add3A, %dma_wait3A_141] : memref<26x32x16384xf32, #tpu.memory_space<hbm>> -> memref<1x1x16384xf32, #tpu.memory_space<hbm>>
    %dma_wait3A_143 = tpu.memref_squeeze %dma_wait3A_142 : memref<1x1x16384xf32, #tpu.memory_space<hbm>> -> memref<16384xf32, #tpu.memory_space<hbm>>
    tpu.wait_dma2 semaphore(%arg8 : memref<!tpu.dma_semaphore, #tpu.memory_space<semaphore_mem>>) src(%arg6 : memref<16384xf32, #tpu.memory_space<vmem>>) dst(%dma_wait3A_143 : memref<16384xf32, #tpu.memory_space<hbm>>)
    %barrier3A_144 = arith.constant 0 : index
    tpu.barrier barrier_id(%barrier3A_144)
    %run_scoped3A_145 = arith.constant 0 : i32
    "tpu.region"() ({
      %run_scoped3A_968 = tpu.sem_alloc : memref<!tpu.dma_semaphore, #tpu.memory_space<semaphore_mem>>
      %dma_start3A_969 = arith.constant 0 : i32
      %dma_start3A_970 = tpu.memref_slice %arg7[%run_scoped3A_145, %dma_start3A_969] : memref<2x16384xf32, #tpu.memory_space<vmem_shared>> -> memref<1x16384xf32, #tpu.memory_space<vmem_shared>>
      %dma_start3A_971 = tpu.memref_squeeze %dma_start3A_970 : memref<1x16384xf32, #tpu.memory_space<vmem_shared>> -> memref<16384xf32, #tpu.memory_space<vmem_shared>>
      %dma_start3A_972 = arith.constant 0 : i32
      %dma_start3A_973 = tpu.memref_slice %arg7[%run_scoped3A_145, %dma_start3A_972] : memref<2x16384xf32, #tpu.memory_space<vmem_shared>> -> memref<1x16384xf32, #tpu.memory_space<vmem_shared>>
      %dma_start3A_974 = tpu.memref_squeeze %dma_start3A_973 : memref<1x16384xf32, #tpu.memory_space<vmem_shared>> -> memref<16384xf32, #tpu.memory_space<vmem_shared>>
      tpu.enqueue_dma source(%dma_start3A_974 : memref<16384xf32, #tpu.memory_space<vmem_shared>>) target(%arg6 : memref<16384xf32, #tpu.memory_space<vmem>>) target_semaphore(%run_scoped3A_968 : memref<!tpu.dma_semaphore, #tpu.memory_space<semaphore_mem>>)
      %dma_wait3A_975 = arith.constant 0 : i32
      %dma_wait3A_976 = tpu.memref_slice %arg7[%run_scoped3A_145, %dma_wait3A_975] : memref<2x16384xf32, #tpu.memory_space<vmem_shared>> -> memref<1x16384xf32, #tpu.memory_space<vmem_shared>>
      %dma_wait3A_977 = tpu.memref_squeeze %dma_wait3A_976 : memref<1x16384xf32, #tpu.memory_space<vmem_shared>> -> memref<16384xf32, #tpu.memory_space<vmem_shared>>
      %dma_wait3A_978 = arith.constant 0 : i32
      %dma_wait3A_979 = tpu.memref_slice %arg7[%run_scoped3A_145, %dma_wait3A_978] : memref<2x16384xf32, #tpu.memory_space<vmem_shared>> -> memref<1x16384xf32, #tpu.memory_space<vmem_shared>>
      %dma_wait3A_980 = tpu.memref_squeeze %dma_wait3A_979 : memref<1x16384xf32, #tpu.memory_space<vmem_shared>> -> memref<16384xf32, #tpu.memory_space<vmem_shared>>
      tpu.wait_dma2 semaphore(%run_scoped3A_968 : memref<!tpu.dma_semaphore, #tpu.memory_space<semaphore_mem>>) src(%dma_wait3A_980 : memref<16384xf32, #tpu.memory_space<vmem_shared>>) dst(%arg6 : memref<16384xf32, #tpu.memory_space<vmem>>)
      tpu.yield
    }) : () -> ()
    %dma_wait3A_146 = arith.constant 4 : i32
    %dma_wait3A_147 = arith.constant 0 : i32
    %dma_wait3A_148 = tpu.memref_slice %arg3[%dma_wait3A_146, %add3A, %dma_wait3A_147] : memref<26x32x100000xf32, #tpu.memory_space<hbm>> -> memref<1x1x100000xf32, #tpu.memory_space<hbm>>
    %dma_wait3A_149 = tpu.memref_squeeze %dma_wait3A_148 : memref<1x1x100000xf32, #tpu.memory_space<hbm>> -> memref<100000xf32, #tpu.memory_space<hbm>>
    %dma_wait3A_150 = arith.constant 0 : i32
    %dma_wait3A_151 = tpu.memref_slice %arg3[%dma_wait3A_146, %add3A, %dma_wait3A_150] : memref<26x32x100000xf32, #tpu.memory_space<hbm>> -> memref<1x1x100000xf32, #tpu.memory_space<hbm>>
    %dma_wait3A_152 = tpu.memref_squeeze %dma_wait3A_151 : memref<1x1x100000xf32, #tpu.memory_space<hbm>> -> memref<100000xf32, #tpu.memory_space<hbm>>
    tpu.wait_dma2 semaphore(%arg9 : memref<!tpu.dma_semaphore, #tpu.memory_space<semaphore_mem>>) src(%dma_wait3A_152 : memref<100000xf32, #tpu.memory_space<hbm>>) dst(%arg5 : memref<100000xf32, #tpu.memory_space<vmem>>)
    %parallel_loop3A_153 = arith.constant 0 : i32
    %parallel_loop3A_154 = arith.constant 1024 : i32
    %parallel_loop3A_155 = arith.constant 1 : i32
    scf.for %parallel_loop3A_968 = %parallel_loop3A_153 to %parallel_loop3A_154 step %parallel_loop3A_155  : i32 {
      %parallel_loop3A_969 = arith.constant 16 : i32
      %parallel_loop3A_970 = arith.muli %parallel_loop3A_968, %parallel_loop3A_969 : i32
      %parallel_loop3A_971 = arith.index_cast %parallel_loop3A_970 : i32 to index
      %parallel_loop3A_972 = tpu.vector_load %arg6[%parallel_loop3A_971] {strides = array<i32>} : memref<16384xf32, #tpu.memory_space<vmem>>, vector<16xf32>,
      %parallel_loop3A_973 = vector.bitcast %parallel_loop3A_972 : vector<16xf32> to vector<16xi32>
      %parallel_loop3A_974 = tpu.vector_load_idx %arg5[%parallel_loop3A_973] : memref<100000xf32, #tpu.memory_space<vmem>>[vector<16xi32>], vector<16xf32>,
      %parallel_loop3A_975 = arith.index_cast %parallel_loop3A_970 : i32 to index
      %parallel_loop3A_976 = tpu.vector_load %arg6[%parallel_loop3A_975] {strides = array<i32>} : memref<16384xf32, #tpu.memory_space<vmem>>, vector<16xf32>,
      tpu.vector_store %arg6[%parallel_loop3A_975], %parallel_loop3A_974 {strides = array<i32>} : memref<16384xf32, #tpu.memory_space<vmem>>, vector<16xf32>,
    } {sc.loop_unroll_factor = 16 : i64, sc.parallel_access}
    %dma_start3A_156 = arith.constant 4 : i32
    %dma_start3A_157 = arith.constant 0 : i32
    %dma_start3A_158 = tpu.memref_slice %arg4[%dma_start3A_156, %add3A, %dma_start3A_157] : memref<26x32x16384xf32, #tpu.memory_space<hbm>> -> memref<1x1x16384xf32, #tpu.memory_space<hbm>>
    %dma_start3A_159 = tpu.memref_squeeze %dma_start3A_158 : memref<1x1x16384xf32, #tpu.memory_space<hbm>> -> memref<16384xf32, #tpu.memory_space<hbm>>
    %dma_start3A_160 = arith.constant 0 : i32
    %dma_start3A_161 = tpu.memref_slice %arg4[%dma_start3A_156, %add3A, %dma_start3A_160] : memref<26x32x16384xf32, #tpu.memory_space<hbm>> -> memref<1x1x16384xf32, #tpu.memory_space<hbm>>
    %dma_start3A_162 = tpu.memref_squeeze %dma_start3A_161 : memref<1x1x16384xf32, #tpu.memory_space<hbm>> -> memref<16384xf32, #tpu.memory_space<hbm>>
    tpu.enqueue_dma source(%arg6 : memref<16384xf32, #tpu.memory_space<vmem>>) target(%dma_start3A_162 : memref<16384xf32, #tpu.memory_space<hbm>>) target_semaphore(%arg8 : memref<!tpu.dma_semaphore, #tpu.memory_space<semaphore_mem>>)
    %eq3A_163 = arith.constant 5 : i32
    %eq3A_164 = arith.cmpi eq, %arg1, %eq3A_163 : i32
    %convert_element_type3A_165 = arith.extui %eq3A_164 : i1 to i32
    %cond3A_166 = arith.constant 0 : i32
    %cond3A_167 = arith.cmpi ne, %convert_element_type3A_165, %cond3A_166 : i32
    scf.if %cond3A_167 {
      %run_scoped3A_968 = arith.constant 5 : i32
      %run_scoped3A_969 = arith.constant 1 : i32
      "tpu.region"() ({
        %run_scoped3A_970 = tpu.sem_alloc : memref<!tpu.dma_semaphore, #tpu.memory_space<semaphore_mem>>
        %dma_start3A_971 = arith.constant 0 : i32
        %dma_start3A_972 = tpu.memref_slice %arg7[%run_scoped3A_969, %dma_start3A_971] : memref<2x16384xf32, #tpu.memory_space<vmem_shared>> -> memref<1x16384xf32, #tpu.memory_space<vmem_shared>>
        %dma_start3A_973 = tpu.memref_squeeze %dma_start3A_972 : memref<1x16384xf32, #tpu.memory_space<vmem_shared>> -> memref<16384xf32, #tpu.memory_space<vmem_shared>>
        %dma_start3A_974 = arith.constant 0 : i32
        %dma_start3A_975 = tpu.memref_slice %arg2[%run_scoped3A_968, %dma_start3A_974] : memref<26x16384xf32, #tpu.memory_space<hbm>> -> memref<1x16384xf32, #tpu.memory_space<hbm>>
        %dma_start3A_976 = tpu.memref_squeeze %dma_start3A_975 : memref<1x16384xf32, #tpu.memory_space<hbm>> -> memref<16384xf32, #tpu.memory_space<hbm>>
        tpu.enqueue_dma source(%dma_start3A_976 : memref<16384xf32, #tpu.memory_space<hbm>>) target(%dma_start3A_973 : memref<16384xf32, #tpu.memory_space<vmem_shared>>) target_semaphore(%run_scoped3A_970 : memref<!tpu.dma_semaphore, #tpu.memory_space<semaphore_mem>>)
        %dma_wait3A_977 = arith.constant 0 : i32
        %dma_wait3A_978 = tpu.memref_slice %arg7[%run_scoped3A_969, %dma_wait3A_977] : memref<2x16384xf32, #tpu.memory_space<vmem_shared>> -> memref<1x16384xf32, #tpu.memory_space<vmem_shared>>
        %dma_wait3A_979 = tpu.memref_squeeze %dma_wait3A_978 : memref<1x16384xf32, #tpu.memory_space<vmem_shared>> -> memref<16384xf32, #tpu.memory_space<vmem_shared>>
        %dma_wait3A_980 = arith.constant 0 : i32
        %dma_wait3A_981 = tpu.memref_slice %arg2[%run_scoped3A_968, %dma_wait3A_980] : memref<26x16384xf32, #tpu.memory_space<hbm>> -> memref<1x16384xf32, #tpu.memory_space<hbm>>
        %dma_wait3A_982 = tpu.memref_squeeze %dma_wait3A_981 : memref<1x16384xf32, #tpu.memory_space<hbm>> -> memref<16384xf32, #tpu.memory_space<hbm>>
        tpu.wait_dma2 semaphore(%run_scoped3A_970 : memref<!tpu.dma_semaphore, #tpu.memory_space<semaphore_mem>>) src(%dma_wait3A_982 : memref<16384xf32, #tpu.memory_space<hbm>>) dst(%dma_wait3A_979 : memref<16384xf32, #tpu.memory_space<vmem_shared>>)
        tpu.yield
      }) : () -> ()
    } else {
    }
    %dma_start3A_168 = arith.constant 5 : i32
    %dma_start3A_169 = arith.constant 0 : i32
    %dma_start3A_170 = tpu.memref_slice %arg3[%dma_start3A_168, %add3A, %dma_start3A_169] : memref<26x32x100000xf32, #tpu.memory_space<hbm>> -> memref<1x1x100000xf32, #tpu.memory_space<hbm>>
    %dma_start3A_171 = tpu.memref_squeeze %dma_start3A_170 : memref<1x1x100000xf32, #tpu.memory_space<hbm>> -> memref<100000xf32, #tpu.memory_space<hbm>>
    %dma_start3A_172 = arith.constant 0 : i32
    %dma_start3A_173 = tpu.memref_slice %arg3[%dma_start3A_168, %add3A, %dma_start3A_172] : memref<26x32x100000xf32, #tpu.memory_space<hbm>> -> memref<1x1x100000xf32, #tpu.memory_space<hbm>>
    %dma_start3A_174 = tpu.memref_squeeze %dma_start3A_173 : memref<1x1x100000xf32, #tpu.memory_space<hbm>> -> memref<100000xf32, #tpu.memory_space<hbm>>
    tpu.enqueue_dma source(%dma_start3A_174 : memref<100000xf32, #tpu.memory_space<hbm>>) target(%arg5 : memref<100000xf32, #tpu.memory_space<vmem>>) target_semaphore(%arg9 : memref<!tpu.dma_semaphore, #tpu.memory_space<semaphore_mem>>)
    %dma_wait3A_175 = arith.constant 4 : i32
    %dma_wait3A_176 = arith.constant 0 : i32
    %dma_wait3A_177 = tpu.memref_slice %arg4[%dma_wait3A_175, %add3A, %dma_wait3A_176] : memref<26x32x16384xf32, #tpu.memory_space<hbm>> -> memref<1x1x16384xf32, #tpu.memory_space<hbm>>
    %dma_wait3A_178 = tpu.memref_squeeze %dma_wait3A_177 : memref<1x1x16384xf32, #tpu.memory_space<hbm>> -> memref<16384xf32, #tpu.memory_space<hbm>>
    %dma_wait3A_179 = arith.constant 0 : i32
    %dma_wait3A_180 = tpu.memref_slice %arg4[%dma_wait3A_175, %add3A, %dma_wait3A_179] : memref<26x32x16384xf32, #tpu.memory_space<hbm>> -> memref<1x1x16384xf32, #tpu.memory_space<hbm>>
    %dma_wait3A_181 = tpu.memref_squeeze %dma_wait3A_180 : memref<1x1x16384xf32, #tpu.memory_space<hbm>> -> memref<16384xf32, #tpu.memory_space<hbm>>
    tpu.wait_dma2 semaphore(%arg8 : memref<!tpu.dma_semaphore, #tpu.memory_space<semaphore_mem>>) src(%arg6 : memref<16384xf32, #tpu.memory_space<vmem>>) dst(%dma_wait3A_181 : memref<16384xf32, #tpu.memory_space<hbm>>)
    %barrier3A_182 = arith.constant 0 : index
    tpu.barrier barrier_id(%barrier3A_182)
    %run_scoped3A_183 = arith.constant 1 : i32
    "tpu.region"() ({
      %run_scoped3A_968 = tpu.sem_alloc : memref<!tpu.dma_semaphore, #tpu.memory_space<semaphore_mem>>
      %dma_start3A_969 = arith.constant 0 : i32
      %dma_start3A_970 = tpu.memref_slice %arg7[%run_scoped3A_183, %dma_start3A_969] : memref<2x16384xf32, #tpu.memory_space<vmem_shared>> -> memref<1x16384xf32, #tpu.memory_space<vmem_shared>>
      %dma_start3A_971 = tpu.memref_squeeze %dma_start3A_970 : memref<1x16384xf32, #tpu.memory_space<vmem_shared>> -> memref<16384xf32, #tpu.memory_space<vmem_shared>>
      %dma_start3A_972 = arith.constant 0 : i32
      %dma_start3A_973 = tpu.memref_slice %arg7[%run_scoped3A_183, %dma_start3A_972] : memref<2x16384xf32, #tpu.memory_space<vmem_shared>> -> memref<1x16384xf32, #tpu.memory_space<vmem_shared>>
      %dma_start3A_974 = tpu.memref_squeeze %dma_start3A_973 : memref<1x16384xf32, #tpu.memory_space<vmem_shared>> -> memref<16384xf32, #tpu.memory_space<vmem_shared>>
      tpu.enqueue_dma source(%dma_start3A_974 : memref<16384xf32, #tpu.memory_space<vmem_shared>>) target(%arg6 : memref<16384xf32, #tpu.memory_space<vmem>>) target_semaphore(%run_scoped3A_968 : memref<!tpu.dma_semaphore, #tpu.memory_space<semaphore_mem>>)
      %dma_wait3A_975 = arith.constant 0 : i32
      %dma_wait3A_976 = tpu.memref_slice %arg7[%run_scoped3A_183, %dma_wait3A_975] : memref<2x16384xf32, #tpu.memory_space<vmem_shared>> -> memref<1x16384xf32, #tpu.memory_space<vmem_shared>>
      %dma_wait3A_977 = tpu.memref_squeeze %dma_wait3A_976 : memref<1x16384xf32, #tpu.memory_space<vmem_shared>> -> memref<16384xf32, #tpu.memory_space<vmem_shared>>
      %dma_wait3A_978 = arith.constant 0 : i32
      %dma_wait3A_979 = tpu.memref_slice %arg7[%run_scoped3A_183, %dma_wait3A_978] : memref<2x16384xf32, #tpu.memory_space<vmem_shared>> -> memref<1x16384xf32, #tpu.memory_space<vmem_shared>>
      %dma_wait3A_980 = tpu.memref_squeeze %dma_wait3A_979 : memref<1x16384xf32, #tpu.memory_space<vmem_shared>> -> memref<16384xf32, #tpu.memory_space<vmem_shared>>
      tpu.wait_dma2 semaphore(%run_scoped3A_968 : memref<!tpu.dma_semaphore, #tpu.memory_space<semaphore_mem>>) src(%dma_wait3A_980 : memref<16384xf32, #tpu.memory_space<vmem_shared>>) dst(%arg6 : memref<16384xf32, #tpu.memory_space<vmem>>)
      tpu.yield
    }) : () -> ()
    %dma_wait3A_184 = arith.constant 5 : i32
    %dma_wait3A_185 = arith.constant 0 : i32
    %dma_wait3A_186 = tpu.memref_slice %arg3[%dma_wait3A_184, %add3A, %dma_wait3A_185] : memref<26x32x100000xf32, #tpu.memory_space<hbm>> -> memref<1x1x100000xf32, #tpu.memory_space<hbm>>
    %dma_wait3A_187 = tpu.memref_squeeze %dma_wait3A_186 : memref<1x1x100000xf32, #tpu.memory_space<hbm>> -> memref<100000xf32, #tpu.memory_space<hbm>>
    %dma_wait3A_188 = arith.constant 0 : i32
    %dma_wait3A_189 = tpu.memref_slice %arg3[%dma_wait3A_184, %add3A, %dma_wait3A_188] : memref<26x32x100000xf32, #tpu.memory_space<hbm>> -> memref<1x1x100000xf32, #tpu.memory_space<hbm>>
    %dma_wait3A_190 = tpu.memref_squeeze %dma_wait3A_189 : memref<1x1x100000xf32, #tpu.memory_space<hbm>> -> memref<100000xf32, #tpu.memory_space<hbm>>
    tpu.wait_dma2 semaphore(%arg9 : memref<!tpu.dma_semaphore, #tpu.memory_space<semaphore_mem>>) src(%dma_wait3A_190 : memref<100000xf32, #tpu.memory_space<hbm>>) dst(%arg5 : memref<100000xf32, #tpu.memory_space<vmem>>)
    %parallel_loop3A_191 = arith.constant 0 : i32
    %parallel_loop3A_192 = arith.constant 1024 : i32
    %parallel_loop3A_193 = arith.constant 1 : i32
    scf.for %parallel_loop3A_968 = %parallel_loop3A_191 to %parallel_loop3A_192 step %parallel_loop3A_193  : i32 {
      %parallel_loop3A_969 = arith.constant 16 : i32
      %parallel_loop3A_970 = arith.muli %parallel_loop3A_968, %parallel_loop3A_969 : i32
      %parallel_loop3A_971 = arith.index_cast %parallel_loop3A_970 : i32 to index
      %parallel_loop3A_972 = tpu.vector_load %arg6[%parallel_loop3A_971] {strides = array<i32>} : memref<16384xf32, #tpu.memory_space<vmem>>, vector<16xf32>,
      %parallel_loop3A_973 = vector.bitcast %parallel_loop3A_972 : vector<16xf32> to vector<16xi32>
      %parallel_loop3A_974 = tpu.vector_load_idx %arg5[%parallel_loop3A_973] : memref<100000xf32, #tpu.memory_space<vmem>>[vector<16xi32>], vector<16xf32>,
      %parallel_loop3A_975 = arith.index_cast %parallel_loop3A_970 : i32 to index
      %parallel_loop3A_976 = tpu.vector_load %arg6[%parallel_loop3A_975] {strides = array<i32>} : memref<16384xf32, #tpu.memory_space<vmem>>, vector<16xf32>,
      tpu.vector_store %arg6[%parallel_loop3A_975], %parallel_loop3A_974 {strides = array<i32>} : memref<16384xf32, #tpu.memory_space<vmem>>, vector<16xf32>,
    } {sc.loop_unroll_factor = 16 : i64, sc.parallel_access}
    %dma_start3A_194 = arith.constant 5 : i32
    %dma_start3A_195 = arith.constant 0 : i32
    %dma_start3A_196 = tpu.memref_slice %arg4[%dma_start3A_194, %add3A, %dma_start3A_195] : memref<26x32x16384xf32, #tpu.memory_space<hbm>> -> memref<1x1x16384xf32, #tpu.memory_space<hbm>>
    %dma_start3A_197 = tpu.memref_squeeze %dma_start3A_196 : memref<1x1x16384xf32, #tpu.memory_space<hbm>> -> memref<16384xf32, #tpu.memory_space<hbm>>
    %dma_start3A_198 = arith.constant 0 : i32
    %dma_start3A_199 = tpu.memref_slice %arg4[%dma_start3A_194, %add3A, %dma_start3A_198] : memref<26x32x16384xf32, #tpu.memory_space<hbm>> -> memref<1x1x16384xf32, #tpu.memory_space<hbm>>
    %dma_start3A_200 = tpu.memref_squeeze %dma_start3A_199 : memref<1x1x16384xf32, #tpu.memory_space<hbm>> -> memref<16384xf32, #tpu.memory_space<hbm>>
    tpu.enqueue_dma source(%arg6 : memref<16384xf32, #tpu.memory_space<vmem>>) target(%dma_start3A_200 : memref<16384xf32, #tpu.memory_space<hbm>>) target_semaphore(%arg8 : memref<!tpu.dma_semaphore, #tpu.memory_space<semaphore_mem>>)
    %eq3A_201 = arith.constant 6 : i32
    %eq3A_202 = arith.cmpi eq, %arg1, %eq3A_201 : i32
    %convert_element_type3A_203 = arith.extui %eq3A_202 : i1 to i32
    %cond3A_204 = arith.constant 0 : i32
    %cond3A_205 = arith.cmpi ne, %convert_element_type3A_203, %cond3A_204 : i32
    scf.if %cond3A_205 {
      %run_scoped3A_968 = arith.constant 6 : i32
      %run_scoped3A_969 = arith.constant 0 : i32
      "tpu.region"() ({
        %run_scoped3A_970 = tpu.sem_alloc : memref<!tpu.dma_semaphore, #tpu.memory_space<semaphore_mem>>
        %dma_start3A_971 = arith.constant 0 : i32
        %dma_start3A_972 = tpu.memref_slice %arg7[%run_scoped3A_969, %dma_start3A_971] : memref<2x16384xf32, #tpu.memory_space<vmem_shared>> -> memref<1x16384xf32, #tpu.memory_space<vmem_shared>>
        %dma_start3A_973 = tpu.memref_squeeze %dma_start3A_972 : memref<1x16384xf32, #tpu.memory_space<vmem_shared>> -> memref<16384xf32, #tpu.memory_space<vmem_shared>>
        %dma_start3A_974 = arith.constant 0 : i32
        %dma_start3A_975 = tpu.memref_slice %arg2[%run_scoped3A_968, %dma_start3A_974] : memref<26x16384xf32, #tpu.memory_space<hbm>> -> memref<1x16384xf32, #tpu.memory_space<hbm>>
        %dma_start3A_976 = tpu.memref_squeeze %dma_start3A_975 : memref<1x16384xf32, #tpu.memory_space<hbm>> -> memref<16384xf32, #tpu.memory_space<hbm>>
        tpu.enqueue_dma source(%dma_start3A_976 : memref<16384xf32, #tpu.memory_space<hbm>>) target(%dma_start3A_973 : memref<16384xf32, #tpu.memory_space<vmem_shared>>) target_semaphore(%run_scoped3A_970 : memref<!tpu.dma_semaphore, #tpu.memory_space<semaphore_mem>>)
        %dma_wait3A_977 = arith.constant 0 : i32
        %dma_wait3A_978 = tpu.memref_slice %arg7[%run_scoped3A_969, %dma_wait3A_977] : memref<2x16384xf32, #tpu.memory_space<vmem_shared>> -> memref<1x16384xf32, #tpu.memory_space<vmem_shared>>
        %dma_wait3A_979 = tpu.memref_squeeze %dma_wait3A_978 : memref<1x16384xf32, #tpu.memory_space<vmem_shared>> -> memref<16384xf32, #tpu.memory_space<vmem_shared>>
        %dma_wait3A_980 = arith.constant 0 : i32
        %dma_wait3A_981 = tpu.memref_slice %arg2[%run_scoped3A_968, %dma_wait3A_980] : memref<26x16384xf32, #tpu.memory_space<hbm>> -> memref<1x16384xf32, #tpu.memory_space<hbm>>
        %dma_wait3A_982 = tpu.memref_squeeze %dma_wait3A_981 : memref<1x16384xf32, #tpu.memory_space<hbm>> -> memref<16384xf32, #tpu.memory_space<hbm>>
        tpu.wait_dma2 semaphore(%run_scoped3A_970 : memref<!tpu.dma_semaphore, #tpu.memory_space<semaphore_mem>>) src(%dma_wait3A_982 : memref<16384xf32, #tpu.memory_space<hbm>>) dst(%dma_wait3A_979 : memref<16384xf32, #tpu.memory_space<vmem_shared>>)
        tpu.yield
      }) : () -> ()
    } else {
    }
    %dma_start3A_206 = arith.constant 6 : i32
    %dma_start3A_207 = arith.constant 0 : i32
    %dma_start3A_208 = tpu.memref_slice %arg3[%dma_start3A_206, %add3A, %dma_start3A_207] : memref<26x32x100000xf32, #tpu.memory_space<hbm>> -> memref<1x1x100000xf32, #tpu.memory_space<hbm>>
    %dma_start3A_209 = tpu.memref_squeeze %dma_start3A_208 : memref<1x1x100000xf32, #tpu.memory_space<hbm>> -> memref<100000xf32, #tpu.memory_space<hbm>>
    %dma_start3A_210 = arith.constant 0 : i32
    %dma_start3A_211 = tpu.memref_slice %arg3[%dma_start3A_206, %add3A, %dma_start3A_210] : memref<26x32x100000xf32, #tpu.memory_space<hbm>> -> memref<1x1x100000xf32, #tpu.memory_space<hbm>>
    %dma_start3A_212 = tpu.memref_squeeze %dma_start3A_211 : memref<1x1x100000xf32, #tpu.memory_space<hbm>> -> memref<100000xf32, #tpu.memory_space<hbm>>
    tpu.enqueue_dma source(%dma_start3A_212 : memref<100000xf32, #tpu.memory_space<hbm>>) target(%arg5 : memref<100000xf32, #tpu.memory_space<vmem>>) target_semaphore(%arg9 : memref<!tpu.dma_semaphore, #tpu.memory_space<semaphore_mem>>)
    %dma_wait3A_213 = arith.constant 5 : i32
    %dma_wait3A_214 = arith.constant 0 : i32
    %dma_wait3A_215 = tpu.memref_slice %arg4[%dma_wait3A_213, %add3A, %dma_wait3A_214] : memref<26x32x16384xf32, #tpu.memory_space<hbm>> -> memref<1x1x16384xf32, #tpu.memory_space<hbm>>
    %dma_wait3A_216 = tpu.memref_squeeze %dma_wait3A_215 : memref<1x1x16384xf32, #tpu.memory_space<hbm>> -> memref<16384xf32, #tpu.memory_space<hbm>>
    %dma_wait3A_217 = arith.constant 0 : i32
    %dma_wait3A_218 = tpu.memref_slice %arg4[%dma_wait3A_213, %add3A, %dma_wait3A_217] : memref<26x32x16384xf32, #tpu.memory_space<hbm>> -> memref<1x1x16384xf32, #tpu.memory_space<hbm>>
    %dma_wait3A_219 = tpu.memref_squeeze %dma_wait3A_218 : memref<1x1x16384xf32, #tpu.memory_space<hbm>> -> memref<16384xf32, #tpu.memory_space<hbm>>
    tpu.wait_dma2 semaphore(%arg8 : memref<!tpu.dma_semaphore, #tpu.memory_space<semaphore_mem>>) src(%arg6 : memref<16384xf32, #tpu.memory_space<vmem>>) dst(%dma_wait3A_219 : memref<16384xf32, #tpu.memory_space<hbm>>)
    %barrier3A_220 = arith.constant 0 : index
    tpu.barrier barrier_id(%barrier3A_220)
    %run_scoped3A_221 = arith.constant 0 : i32
    "tpu.region"() ({
      %run_scoped3A_968 = tpu.sem_alloc : memref<!tpu.dma_semaphore, #tpu.memory_space<semaphore_mem>>
      %dma_start3A_969 = arith.constant 0 : i32
      %dma_start3A_970 = tpu.memref_slice %arg7[%run_scoped3A_221, %dma_start3A_969] : memref<2x16384xf32, #tpu.memory_space<vmem_shared>> -> memref<1x16384xf32, #tpu.memory_space<vmem_shared>>
      %dma_start3A_971 = tpu.memref_squeeze %dma_start3A_970 : memref<1x16384xf32, #tpu.memory_space<vmem_shared>> -> memref<16384xf32, #tpu.memory_space<vmem_shared>>
      %dma_start3A_972 = arith.constant 0 : i32
      %dma_start3A_973 = tpu.memref_slice %arg7[%run_scoped3A_221, %dma_start3A_972] : memref<2x16384xf32, #tpu.memory_space<vmem_shared>> -> memref<1x16384xf32, #tpu.memory_space<vmem_shared>>
      %dma_start3A_974 = tpu.memref_squeeze %dma_start3A_973 : memref<1x16384xf32, #tpu.memory_space<vmem_shared>> -> memref<16384xf32, #tpu.memory_space<vmem_shared>>
      tpu.enqueue_dma source(%dma_start3A_974 : memref<16384xf32, #tpu.memory_space<vmem_shared>>) target(%arg6 : memref<16384xf32, #tpu.memory_space<vmem>>) target_semaphore(%run_scoped3A_968 : memref<!tpu.dma_semaphore, #tpu.memory_space<semaphore_mem>>)
      %dma_wait3A_975 = arith.constant 0 : i32
      %dma_wait3A_976 = tpu.memref_slice %arg7[%run_scoped3A_221, %dma_wait3A_975] : memref<2x16384xf32, #tpu.memory_space<vmem_shared>> -> memref<1x16384xf32, #tpu.memory_space<vmem_shared>>
      %dma_wait3A_977 = tpu.memref_squeeze %dma_wait3A_976 : memref<1x16384xf32, #tpu.memory_space<vmem_shared>> -> memref<16384xf32, #tpu.memory_space<vmem_shared>>
      %dma_wait3A_978 = arith.constant 0 : i32
      %dma_wait3A_979 = tpu.memref_slice %arg7[%run_scoped3A_221, %dma_wait3A_978] : memref<2x16384xf32, #tpu.memory_space<vmem_shared>> -> memref<1x16384xf32, #tpu.memory_space<vmem_shared>>
      %dma_wait3A_980 = tpu.memref_squeeze %dma_wait3A_979 : memref<1x16384xf32, #tpu.memory_space<vmem_shared>> -> memref<16384xf32, #tpu.memory_space<vmem_shared>>
      tpu.wait_dma2 semaphore(%run_scoped3A_968 : memref<!tpu.dma_semaphore, #tpu.memory_space<semaphore_mem>>) src(%dma_wait3A_980 : memref<16384xf32, #tpu.memory_space<vmem_shared>>) dst(%arg6 : memref<16384xf32, #tpu.memory_space<vmem>>)
      tpu.yield
    }) : () -> ()
    %dma_wait3A_222 = arith.constant 6 : i32
    %dma_wait3A_223 = arith.constant 0 : i32
    %dma_wait3A_224 = tpu.memref_slice %arg3[%dma_wait3A_222, %add3A, %dma_wait3A_223] : memref<26x32x100000xf32, #tpu.memory_space<hbm>> -> memref<1x1x100000xf32, #tpu.memory_space<hbm>>
    %dma_wait3A_225 = tpu.memref_squeeze %dma_wait3A_224 : memref<1x1x100000xf32, #tpu.memory_space<hbm>> -> memref<100000xf32, #tpu.memory_space<hbm>>
    %dma_wait3A_226 = arith.constant 0 : i32
    %dma_wait3A_227 = tpu.memref_slice %arg3[%dma_wait3A_222, %add3A, %dma_wait3A_226] : memref<26x32x100000xf32, #tpu.memory_space<hbm>> -> memref<1x1x100000xf32, #tpu.memory_space<hbm>>
    %dma_wait3A_228 = tpu.memref_squeeze %dma_wait3A_227 : memref<1x1x100000xf32, #tpu.memory_space<hbm>> -> memref<100000xf32, #tpu.memory_space<hbm>>
    tpu.wait_dma2 semaphore(%arg9 : memref<!tpu.dma_semaphore, #tpu.memory_space<semaphore_mem>>) src(%dma_wait3A_228 : memref<100000xf32, #tpu.memory_space<hbm>>) dst(%arg5 : memref<100000xf32, #tpu.memory_space<vmem>>)
    %parallel_loop3A_229 = arith.constant 0 : i32
    %parallel_loop3A_230 = arith.constant 1024 : i32
    %parallel_loop3A_231 = arith.constant 1 : i32
    scf.for %parallel_loop3A_968 = %parallel_loop3A_229 to %parallel_loop3A_230 step %parallel_loop3A_231  : i32 {
      %parallel_loop3A_969 = arith.constant 16 : i32
      %parallel_loop3A_970 = arith.muli %parallel_loop3A_968, %parallel_loop3A_969 : i32
      %parallel_loop3A_971 = arith.index_cast %parallel_loop3A_970 : i32 to index
      %parallel_loop3A_972 = tpu.vector_load %arg6[%parallel_loop3A_971] {strides = array<i32>} : memref<16384xf32, #tpu.memory_space<vmem>>, vector<16xf32>,
      %parallel_loop3A_973 = vector.bitcast %parallel_loop3A_972 : vector<16xf32> to vector<16xi32>
      %parallel_loop3A_974 = tpu.vector_load_idx %arg5[%parallel_loop3A_973] : memref<100000xf32, #tpu.memory_space<vmem>>[vector<16xi32>], vector<16xf32>,
      %parallel_loop3A_975 = arith.index_cast %parallel_loop3A_970 : i32 to index
      %parallel_loop3A_976 = tpu.vector_load %arg6[%parallel_loop3A_975] {strides = array<i32>} : memref<16384xf32, #tpu.memory_space<vmem>>, vector<16xf32>,
      tpu.vector_store %arg6[%parallel_loop3A_975], %parallel_loop3A_974 {strides = array<i32>} : memref<16384xf32, #tpu.memory_space<vmem>>, vector<16xf32>,
    } {sc.loop_unroll_factor = 16 : i64, sc.parallel_access}
    %dma_start3A_232 = arith.constant 6 : i32
    %dma_start3A_233 = arith.constant 0 : i32
    %dma_start3A_234 = tpu.memref_slice %arg4[%dma_start3A_232, %add3A, %dma_start3A_233] : memref<26x32x16384xf32, #tpu.memory_space<hbm>> -> memref<1x1x16384xf32, #tpu.memory_space<hbm>>
    %dma_start3A_235 = tpu.memref_squeeze %dma_start3A_234 : memref<1x1x16384xf32, #tpu.memory_space<hbm>> -> memref<16384xf32, #tpu.memory_space<hbm>>
    %dma_start3A_236 = arith.constant 0 : i32
    %dma_start3A_237 = tpu.memref_slice %arg4[%dma_start3A_232, %add3A, %dma_start3A_236] : memref<26x32x16384xf32, #tpu.memory_space<hbm>> -> memref<1x1x16384xf32, #tpu.memory_space<hbm>>
    %dma_start3A_238 = tpu.memref_squeeze %dma_start3A_237 : memref<1x1x16384xf32, #tpu.memory_space<hbm>> -> memref<16384xf32, #tpu.memory_space<hbm>>
    tpu.enqueue_dma source(%arg6 : memref<16384xf32, #tpu.memory_space<vmem>>) target(%dma_start3A_238 : memref<16384xf32, #tpu.memory_space<hbm>>) target_semaphore(%arg8 : memref<!tpu.dma_semaphore, #tpu.memory_space<semaphore_mem>>)
    %eq3A_239 = arith.constant 7 : i32
    %eq3A_240 = arith.cmpi eq, %arg1, %eq3A_239 : i32
    %convert_element_type3A_241 = arith.extui %eq3A_240 : i1 to i32
    %cond3A_242 = arith.constant 0 : i32
    %cond3A_243 = arith.cmpi ne, %convert_element_type3A_241, %cond3A_242 : i32
    scf.if %cond3A_243 {
      %run_scoped3A_968 = arith.constant 7 : i32
      %run_scoped3A_969 = arith.constant 1 : i32
      "tpu.region"() ({
        %run_scoped3A_970 = tpu.sem_alloc : memref<!tpu.dma_semaphore, #tpu.memory_space<semaphore_mem>>
        %dma_start3A_971 = arith.constant 0 : i32
        %dma_start3A_972 = tpu.memref_slice %arg7[%run_scoped3A_969, %dma_start3A_971] : memref<2x16384xf32, #tpu.memory_space<vmem_shared>> -> memref<1x16384xf32, #tpu.memory_space<vmem_shared>>
        %dma_start3A_973 = tpu.memref_squeeze %dma_start3A_972 : memref<1x16384xf32, #tpu.memory_space<vmem_shared>> -> memref<16384xf32, #tpu.memory_space<vmem_shared>>
        %dma_start3A_974 = arith.constant 0 : i32
        %dma_start3A_975 = tpu.memref_slice %arg2[%run_scoped3A_968, %dma_start3A_974] : memref<26x16384xf32, #tpu.memory_space<hbm>> -> memref<1x16384xf32, #tpu.memory_space<hbm>>
        %dma_start3A_976 = tpu.memref_squeeze %dma_start3A_975 : memref<1x16384xf32, #tpu.memory_space<hbm>> -> memref<16384xf32, #tpu.memory_space<hbm>>
        tpu.enqueue_dma source(%dma_start3A_976 : memref<16384xf32, #tpu.memory_space<hbm>>) target(%dma_start3A_973 : memref<16384xf32, #tpu.memory_space<vmem_shared>>) target_semaphore(%run_scoped3A_970 : memref<!tpu.dma_semaphore, #tpu.memory_space<semaphore_mem>>)
        %dma_wait3A_977 = arith.constant 0 : i32
        %dma_wait3A_978 = tpu.memref_slice %arg7[%run_scoped3A_969, %dma_wait3A_977] : memref<2x16384xf32, #tpu.memory_space<vmem_shared>> -> memref<1x16384xf32, #tpu.memory_space<vmem_shared>>
        %dma_wait3A_979 = tpu.memref_squeeze %dma_wait3A_978 : memref<1x16384xf32, #tpu.memory_space<vmem_shared>> -> memref<16384xf32, #tpu.memory_space<vmem_shared>>
        %dma_wait3A_980 = arith.constant 0 : i32
        %dma_wait3A_981 = tpu.memref_slice %arg2[%run_scoped3A_968, %dma_wait3A_980] : memref<26x16384xf32, #tpu.memory_space<hbm>> -> memref<1x16384xf32, #tpu.memory_space<hbm>>
        %dma_wait3A_982 = tpu.memref_squeeze %dma_wait3A_981 : memref<1x16384xf32, #tpu.memory_space<hbm>> -> memref<16384xf32, #tpu.memory_space<hbm>>
        tpu.wait_dma2 semaphore(%run_scoped3A_970 : memref<!tpu.dma_semaphore, #tpu.memory_space<semaphore_mem>>) src(%dma_wait3A_982 : memref<16384xf32, #tpu.memory_space<hbm>>) dst(%dma_wait3A_979 : memref<16384xf32, #tpu.memory_space<vmem_shared>>)
        tpu.yield
      }) : () -> ()
    } else {
    }
    %dma_start3A_244 = arith.constant 7 : i32
    %dma_start3A_245 = arith.constant 0 : i32
    %dma_start3A_246 = tpu.memref_slice %arg3[%dma_start3A_244, %add3A, %dma_start3A_245] : memref<26x32x100000xf32, #tpu.memory_space<hbm>> -> memref<1x1x100000xf32, #tpu.memory_space<hbm>>
    %dma_start3A_247 = tpu.memref_squeeze %dma_start3A_246 : memref<1x1x100000xf32, #tpu.memory_space<hbm>> -> memref<100000xf32, #tpu.memory_space<hbm>>
    %dma_start3A_248 = arith.constant 0 : i32
    %dma_start3A_249 = tpu.memref_slice %arg3[%dma_start3A_244, %add3A, %dma_start3A_248] : memref<26x32x100000xf32, #tpu.memory_space<hbm>> -> memref<1x1x100000xf32, #tpu.memory_space<hbm>>
    %dma_start3A_250 = tpu.memref_squeeze %dma_start3A_249 : memref<1x1x100000xf32, #tpu.memory_space<hbm>> -> memref<100000xf32, #tpu.memory_space<hbm>>
    tpu.enqueue_dma source(%dma_start3A_250 : memref<100000xf32, #tpu.memory_space<hbm>>) target(%arg5 : memref<100000xf32, #tpu.memory_space<vmem>>) target_semaphore(%arg9 : memref<!tpu.dma_semaphore, #tpu.memory_space<semaphore_mem>>)
    %dma_wait3A_251 = arith.constant 6 : i32
    %dma_wait3A_252 = arith.constant 0 : i32
    %dma_wait3A_253 = tpu.memref_slice %arg4[%dma_wait3A_251, %add3A, %dma_wait3A_252] : memref<26x32x16384xf32, #tpu.memory_space<hbm>> -> memref<1x1x16384xf32, #tpu.memory_space<hbm>>
    %dma_wait3A_254 = tpu.memref_squeeze %dma_wait3A_253 : memref<1x1x16384xf32, #tpu.memory_space<hbm>> -> memref<16384xf32, #tpu.memory_space<hbm>>
    %dma_wait3A_255 = arith.constant 0 : i32
    %dma_wait3A_256 = tpu.memref_slice %arg4[%dma_wait3A_251, %add3A, %dma_wait3A_255] : memref<26x32x16384xf32, #tpu.memory_space<hbm>> -> memref<1x1x16384xf32, #tpu.memory_space<hbm>>
    %dma_wait3A_257 = tpu.memref_squeeze %dma_wait3A_256 : memref<1x1x16384xf32, #tpu.memory_space<hbm>> -> memref<16384xf32, #tpu.memory_space<hbm>>
    tpu.wait_dma2 semaphore(%arg8 : memref<!tpu.dma_semaphore, #tpu.memory_space<semaphore_mem>>) src(%arg6 : memref<16384xf32, #tpu.memory_space<vmem>>) dst(%dma_wait3A_257 : memref<16384xf32, #tpu.memory_space<hbm>>)
    %barrier3A_258 = arith.constant 0 : index
    tpu.barrier barrier_id(%barrier3A_258)
    %run_scoped3A_259 = arith.constant 1 : i32
    "tpu.region"() ({
      %run_scoped3A_968 = tpu.sem_alloc : memref<!tpu.dma_semaphore, #tpu.memory_space<semaphore_mem>>
      %dma_start3A_969 = arith.constant 0 : i32
      %dma_start3A_970 = tpu.memref_slice %arg7[%run_scoped3A_259, %dma_start3A_969] : memref<2x16384xf32, #tpu.memory_space<vmem_shared>> -> memref<1x16384xf32, #tpu.memory_space<vmem_shared>>
      %dma_start3A_971 = tpu.memref_squeeze %dma_start3A_970 : memref<1x16384xf32, #tpu.memory_space<vmem_shared>> -> memref<16384xf32, #tpu.memory_space<vmem_shared>>
      %dma_start3A_972 = arith.constant 0 : i32
      %dma_start3A_973 = tpu.memref_slice %arg7[%run_scoped3A_259, %dma_start3A_972] : memref<2x16384xf32, #tpu.memory_space<vmem_shared>> -> memref<1x16384xf32, #tpu.memory_space<vmem_shared>>
      %dma_start3A_974 = tpu.memref_squeeze %dma_start3A_973 : memref<1x16384xf32, #tpu.memory_space<vmem_shared>> -> memref<16384xf32, #tpu.memory_space<vmem_shared>>
      tpu.enqueue_dma source(%dma_start3A_974 : memref<16384xf32, #tpu.memory_space<vmem_shared>>) target(%arg6 : memref<16384xf32, #tpu.memory_space<vmem>>) target_semaphore(%run_scoped3A_968 : memref<!tpu.dma_semaphore, #tpu.memory_space<semaphore_mem>>)
      %dma_wait3A_975 = arith.constant 0 : i32
      %dma_wait3A_976 = tpu.memref_slice %arg7[%run_scoped3A_259, %dma_wait3A_975] : memref<2x16384xf32, #tpu.memory_space<vmem_shared>> -> memref<1x16384xf32, #tpu.memory_space<vmem_shared>>
      %dma_wait3A_977 = tpu.memref_squeeze %dma_wait3A_976 : memref<1x16384xf32, #tpu.memory_space<vmem_shared>> -> memref<16384xf32, #tpu.memory_space<vmem_shared>>
      %dma_wait3A_978 = arith.constant 0 : i32
      %dma_wait3A_979 = tpu.memref_slice %arg7[%run_scoped3A_259, %dma_wait3A_978] : memref<2x16384xf32, #tpu.memory_space<vmem_shared>> -> memref<1x16384xf32, #tpu.memory_space<vmem_shared>>
      %dma_wait3A_980 = tpu.memref_squeeze %dma_wait3A_979 : memref<1x16384xf32, #tpu.memory_space<vmem_shared>> -> memref<16384xf32, #tpu.memory_space<vmem_shared>>
      tpu.wait_dma2 semaphore(%run_scoped3A_968 : memref<!tpu.dma_semaphore, #tpu.memory_space<semaphore_mem>>) src(%dma_wait3A_980 : memref<16384xf32, #tpu.memory_space<vmem_shared>>) dst(%arg6 : memref<16384xf32, #tpu.memory_space<vmem>>)
      tpu.yield
    }) : () -> ()
    %dma_wait3A_260 = arith.constant 7 : i32
    %dma_wait3A_261 = arith.constant 0 : i32
    %dma_wait3A_262 = tpu.memref_slice %arg3[%dma_wait3A_260, %add3A, %dma_wait3A_261] : memref<26x32x100000xf32, #tpu.memory_space<hbm>> -> memref<1x1x100000xf32, #tpu.memory_space<hbm>>
    %dma_wait3A_263 = tpu.memref_squeeze %dma_wait3A_262 : memref<1x1x100000xf32, #tpu.memory_space<hbm>> -> memref<100000xf32, #tpu.memory_space<hbm>>
    %dma_wait3A_264 = arith.constant 0 : i32
    %dma_wait3A_265 = tpu.memref_slice %arg3[%dma_wait3A_260, %add3A, %dma_wait3A_264] : memref<26x32x100000xf32, #tpu.memory_space<hbm>> -> memref<1x1x100000xf32, #tpu.memory_space<hbm>>
    %dma_wait3A_266 = tpu.memref_squeeze %dma_wait3A_265 : memref<1x1x100000xf32, #tpu.memory_space<hbm>> -> memref<100000xf32, #tpu.memory_space<hbm>>
    tpu.wait_dma2 semaphore(%arg9 : memref<!tpu.dma_semaphore, #tpu.memory_space<semaphore_mem>>) src(%dma_wait3A_266 : memref<100000xf32, #tpu.memory_space<hbm>>) dst(%arg5 : memref<100000xf32, #tpu.memory_space<vmem>>)
    %parallel_loop3A_267 = arith.constant 0 : i32
    %parallel_loop3A_268 = arith.constant 1024 : i32
    %parallel_loop3A_269 = arith.constant 1 : i32
    scf.for %parallel_loop3A_968 = %parallel_loop3A_267 to %parallel_loop3A_268 step %parallel_loop3A_269  : i32 {
      %parallel_loop3A_969 = arith.constant 16 : i32
      %parallel_loop3A_970 = arith.muli %parallel_loop3A_968, %parallel_loop3A_969 : i32
      %parallel_loop3A_971 = arith.index_cast %parallel_loop3A_970 : i32 to index
      %parallel_loop3A_972 = tpu.vector_load %arg6[%parallel_loop3A_971] {strides = array<i32>} : memref<16384xf32, #tpu.memory_space<vmem>>, vector<16xf32>,
      %parallel_loop3A_973 = vector.bitcast %parallel_loop3A_972 : vector<16xf32> to vector<16xi32>
      %parallel_loop3A_974 = tpu.vector_load_idx %arg5[%parallel_loop3A_973] : memref<100000xf32, #tpu.memory_space<vmem>>[vector<16xi32>], vector<16xf32>,
      %parallel_loop3A_975 = arith.index_cast %parallel_loop3A_970 : i32 to index
      %parallel_loop3A_976 = tpu.vector_load %arg6[%parallel_loop3A_975] {strides = array<i32>} : memref<16384xf32, #tpu.memory_space<vmem>>, vector<16xf32>,
      tpu.vector_store %arg6[%parallel_loop3A_975], %parallel_loop3A_974 {strides = array<i32>} : memref<16384xf32, #tpu.memory_space<vmem>>, vector<16xf32>,
    } {sc.loop_unroll_factor = 16 : i64, sc.parallel_access}
    %dma_start3A_270 = arith.constant 7 : i32
    %dma_start3A_271 = arith.constant 0 : i32
    %dma_start3A_272 = tpu.memref_slice %arg4[%dma_start3A_270, %add3A, %dma_start3A_271] : memref<26x32x16384xf32, #tpu.memory_space<hbm>> -> memref<1x1x16384xf32, #tpu.memory_space<hbm>>
    %dma_start3A_273 = tpu.memref_squeeze %dma_start3A_272 : memref<1x1x16384xf32, #tpu.memory_space<hbm>> -> memref<16384xf32, #tpu.memory_space<hbm>>
    %dma_start3A_274 = arith.constant 0 : i32
    %dma_start3A_275 = tpu.memref_slice %arg4[%dma_start3A_270, %add3A, %dma_start3A_274] : memref<26x32x16384xf32, #tpu.memory_space<hbm>> -> memref<1x1x16384xf32, #tpu.memory_space<hbm>>
    %dma_start3A_276 = tpu.memref_squeeze %dma_start3A_275 : memref<1x1x16384xf32, #tpu.memory_space<hbm>> -> memref<16384xf32, #tpu.memory_space<hbm>>
    tpu.enqueue_dma source(%arg6 : memref<16384xf32, #tpu.memory_space<vmem>>) target(%dma_start3A_276 : memref<16384xf32, #tpu.memory_space<hbm>>) target_semaphore(%arg8 : memref<!tpu.dma_semaphore, #tpu.memory_space<semaphore_mem>>)
    %eq3A_277 = arith.constant 8 : i32
    %eq3A_278 = arith.cmpi eq, %arg1, %eq3A_277 : i32
    %convert_element_type3A_279 = arith.extui %eq3A_278 : i1 to i32
    %cond3A_280 = arith.constant 0 : i32
    %cond3A_281 = arith.cmpi ne, %convert_element_type3A_279, %cond3A_280 : i32
    scf.if %cond3A_281 {
      %run_scoped3A_968 = arith.constant 8 : i32
      %run_scoped3A_969 = arith.constant 0 : i32
      "tpu.region"() ({
        %run_scoped3A_970 = tpu.sem_alloc : memref<!tpu.dma_semaphore, #tpu.memory_space<semaphore_mem>>
        %dma_start3A_971 = arith.constant 0 : i32
        %dma_start3A_972 = tpu.memref_slice %arg7[%run_scoped3A_969, %dma_start3A_971] : memref<2x16384xf32, #tpu.memory_space<vmem_shared>> -> memref<1x16384xf32, #tpu.memory_space<vmem_shared>>
        %dma_start3A_973 = tpu.memref_squeeze %dma_start3A_972 : memref<1x16384xf32, #tpu.memory_space<vmem_shared>> -> memref<16384xf32, #tpu.memory_space<vmem_shared>>
        %dma_start3A_974 = arith.constant 0 : i32
        %dma_start3A_975 = tpu.memref_slice %arg2[%run_scoped3A_968, %dma_start3A_974] : memref<26x16384xf32, #tpu.memory_space<hbm>> -> memref<1x16384xf32, #tpu.memory_space<hbm>>
        %dma_start3A_976 = tpu.memref_squeeze %dma_start3A_975 : memref<1x16384xf32, #tpu.memory_space<hbm>> -> memref<16384xf32, #tpu.memory_space<hbm>>
        tpu.enqueue_dma source(%dma_start3A_976 : memref<16384xf32, #tpu.memory_space<hbm>>) target(%dma_start3A_973 : memref<16384xf32, #tpu.memory_space<vmem_shared>>) target_semaphore(%run_scoped3A_970 : memref<!tpu.dma_semaphore, #tpu.memory_space<semaphore_mem>>)
        %dma_wait3A_977 = arith.constant 0 : i32
        %dma_wait3A_978 = tpu.memref_slice %arg7[%run_scoped3A_969, %dma_wait3A_977] : memref<2x16384xf32, #tpu.memory_space<vmem_shared>> -> memref<1x16384xf32, #tpu.memory_space<vmem_shared>>
        %dma_wait3A_979 = tpu.memref_squeeze %dma_wait3A_978 : memref<1x16384xf32, #tpu.memory_space<vmem_shared>> -> memref<16384xf32, #tpu.memory_space<vmem_shared>>
        %dma_wait3A_980 = arith.constant 0 : i32
        %dma_wait3A_981 = tpu.memref_slice %arg2[%run_scoped3A_968, %dma_wait3A_980] : memref<26x16384xf32, #tpu.memory_space<hbm>> -> memref<1x16384xf32, #tpu.memory_space<hbm>>
        %dma_wait3A_982 = tpu.memref_squeeze %dma_wait3A_981 : memref<1x16384xf32, #tpu.memory_space<hbm>> -> memref<16384xf32, #tpu.memory_space<hbm>>
        tpu.wait_dma2 semaphore(%run_scoped3A_970 : memref<!tpu.dma_semaphore, #tpu.memory_space<semaphore_mem>>) src(%dma_wait3A_982 : memref<16384xf32, #tpu.memory_space<hbm>>) dst(%dma_wait3A_979 : memref<16384xf32, #tpu.memory_space<vmem_shared>>)
        tpu.yield
      }) : () -> ()
    } else {
    }
    %dma_start3A_282 = arith.constant 8 : i32
    %dma_start3A_283 = arith.constant 0 : i32
    %dma_start3A_284 = tpu.memref_slice %arg3[%dma_start3A_282, %add3A, %dma_start3A_283] : memref<26x32x100000xf32, #tpu.memory_space<hbm>> -> memref<1x1x100000xf32, #tpu.memory_space<hbm>>
    %dma_start3A_285 = tpu.memref_squeeze %dma_start3A_284 : memref<1x1x100000xf32, #tpu.memory_space<hbm>> -> memref<100000xf32, #tpu.memory_space<hbm>>
    %dma_start3A_286 = arith.constant 0 : i32
    %dma_start3A_287 = tpu.memref_slice %arg3[%dma_start3A_282, %add3A, %dma_start3A_286] : memref<26x32x100000xf32, #tpu.memory_space<hbm>> -> memref<1x1x100000xf32, #tpu.memory_space<hbm>>
    %dma_start3A_288 = tpu.memref_squeeze %dma_start3A_287 : memref<1x1x100000xf32, #tpu.memory_space<hbm>> -> memref<100000xf32, #tpu.memory_space<hbm>>
    tpu.enqueue_dma source(%dma_start3A_288 : memref<100000xf32, #tpu.memory_space<hbm>>) target(%arg5 : memref<100000xf32, #tpu.memory_space<vmem>>) target_semaphore(%arg9 : memref<!tpu.dma_semaphore, #tpu.memory_space<semaphore_mem>>)
    %dma_wait3A_289 = arith.constant 7 : i32
    %dma_wait3A_290 = arith.constant 0 : i32
    %dma_wait3A_291 = tpu.memref_slice %arg4[%dma_wait3A_289, %add3A, %dma_wait3A_290] : memref<26x32x16384xf32, #tpu.memory_space<hbm>> -> memref<1x1x16384xf32, #tpu.memory_space<hbm>>
    %dma_wait3A_292 = tpu.memref_squeeze %dma_wait3A_291 : memref<1x1x16384xf32, #tpu.memory_space<hbm>> -> memref<16384xf32, #tpu.memory_space<hbm>>
    %dma_wait3A_293 = arith.constant 0 : i32
    %dma_wait3A_294 = tpu.memref_slice %arg4[%dma_wait3A_289, %add3A, %dma_wait3A_293] : memref<26x32x16384xf32, #tpu.memory_space<hbm>> -> memref<1x1x16384xf32, #tpu.memory_space<hbm>>
    %dma_wait3A_295 = tpu.memref_squeeze %dma_wait3A_294 : memref<1x1x16384xf32, #tpu.memory_space<hbm>> -> memref<16384xf32, #tpu.memory_space<hbm>>
    tpu.wait_dma2 semaphore(%arg8 : memref<!tpu.dma_semaphore, #tpu.memory_space<semaphore_mem>>) src(%arg6 : memref<16384xf32, #tpu.memory_space<vmem>>) dst(%dma_wait3A_295 : memref<16384xf32, #tpu.memory_space<hbm>>)
    %barrier3A_296 = arith.constant 0 : index
    tpu.barrier barrier_id(%barrier3A_296)
    %run_scoped3A_297 = arith.constant 0 : i32
    "tpu.region"() ({
      %run_scoped3A_968 = tpu.sem_alloc : memref<!tpu.dma_semaphore, #tpu.memory_space<semaphore_mem>>
      %dma_start3A_969 = arith.constant 0 : i32
      %dma_start3A_970 = tpu.memref_slice %arg7[%run_scoped3A_297, %dma_start3A_969] : memref<2x16384xf32, #tpu.memory_space<vmem_shared>> -> memref<1x16384xf32, #tpu.memory_space<vmem_shared>>
      %dma_start3A_971 = tpu.memref_squeeze %dma_start3A_970 : memref<1x16384xf32, #tpu.memory_space<vmem_shared>> -> memref<16384xf32, #tpu.memory_space<vmem_shared>>
      %dma_start3A_972 = arith.constant 0 : i32
      %dma_start3A_973 = tpu.memref_slice %arg7[%run_scoped3A_297, %dma_start3A_972] : memref<2x16384xf32, #tpu.memory_space<vmem_shared>> -> memref<1x16384xf32, #tpu.memory_space<vmem_shared>>
      %dma_start3A_974 = tpu.memref_squeeze %dma_start3A_973 : memref<1x16384xf32, #tpu.memory_space<vmem_shared>> -> memref<16384xf32, #tpu.memory_space<vmem_shared>>
      tpu.enqueue_dma source(%dma_start3A_974 : memref<16384xf32, #tpu.memory_space<vmem_shared>>) target(%arg6 : memref<16384xf32, #tpu.memory_space<vmem>>) target_semaphore(%run_scoped3A_968 : memref<!tpu.dma_semaphore, #tpu.memory_space<semaphore_mem>>)
      %dma_wait3A_975 = arith.constant 0 : i32
      %dma_wait3A_976 = tpu.memref_slice %arg7[%run_scoped3A_297, %dma_wait3A_975] : memref<2x16384xf32, #tpu.memory_space<vmem_shared>> -> memref<1x16384xf32, #tpu.memory_space<vmem_shared>>
      %dma_wait3A_977 = tpu.memref_squeeze %dma_wait3A_976 : memref<1x16384xf32, #tpu.memory_space<vmem_shared>> -> memref<16384xf32, #tpu.memory_space<vmem_shared>>
      %dma_wait3A_978 = arith.constant 0 : i32
      %dma_wait3A_979 = tpu.memref_slice %arg7[%run_scoped3A_297, %dma_wait3A_978] : memref<2x16384xf32, #tpu.memory_space<vmem_shared>> -> memref<1x16384xf32, #tpu.memory_space<vmem_shared>>
      %dma_wait3A_980 = tpu.memref_squeeze %dma_wait3A_979 : memref<1x16384xf32, #tpu.memory_space<vmem_shared>> -> memref<16384xf32, #tpu.memory_space<vmem_shared>>
      tpu.wait_dma2 semaphore(%run_scoped3A_968 : memref<!tpu.dma_semaphore, #tpu.memory_space<semaphore_mem>>) src(%dma_wait3A_980 : memref<16384xf32, #tpu.memory_space<vmem_shared>>) dst(%arg6 : memref<16384xf32, #tpu.memory_space<vmem>>)
      tpu.yield
    }) : () -> ()
    %dma_wait3A_298 = arith.constant 8 : i32
    %dma_wait3A_299 = arith.constant 0 : i32
    %dma_wait3A_300 = tpu.memref_slice %arg3[%dma_wait3A_298, %add3A, %dma_wait3A_299] : memref<26x32x100000xf32, #tpu.memory_space<hbm>> -> memref<1x1x100000xf32, #tpu.memory_space<hbm>>
    %dma_wait3A_301 = tpu.memref_squeeze %dma_wait3A_300 : memref<1x1x100000xf32, #tpu.memory_space<hbm>> -> memref<100000xf32, #tpu.memory_space<hbm>>
    %dma_wait3A_302 = arith.constant 0 : i32
    %dma_wait3A_303 = tpu.memref_slice %arg3[%dma_wait3A_298, %add3A, %dma_wait3A_302] : memref<26x32x100000xf32, #tpu.memory_space<hbm>> -> memref<1x1x100000xf32, #tpu.memory_space<hbm>>
    %dma_wait3A_304 = tpu.memref_squeeze %dma_wait3A_303 : memref<1x1x100000xf32, #tpu.memory_space<hbm>> -> memref<100000xf32, #tpu.memory_space<hbm>>
    tpu.wait_dma2 semaphore(%arg9 : memref<!tpu.dma_semaphore, #tpu.memory_space<semaphore_mem>>) src(%dma_wait3A_304 : memref<100000xf32, #tpu.memory_space<hbm>>) dst(%arg5 : memref<100000xf32, #tpu.memory_space<vmem>>)
    %parallel_loop3A_305 = arith.constant 0 : i32
    %parallel_loop3A_306 = arith.constant 1024 : i32
    %parallel_loop3A_307 = arith.constant 1 : i32
    scf.for %parallel_loop3A_968 = %parallel_loop3A_305 to %parallel_loop3A_306 step %parallel_loop3A_307  : i32 {
      %parallel_loop3A_969 = arith.constant 16 : i32
      %parallel_loop3A_970 = arith.muli %parallel_loop3A_968, %parallel_loop3A_969 : i32
      %parallel_loop3A_971 = arith.index_cast %parallel_loop3A_970 : i32 to index
      %parallel_loop3A_972 = tpu.vector_load %arg6[%parallel_loop3A_971] {strides = array<i32>} : memref<16384xf32, #tpu.memory_space<vmem>>, vector<16xf32>,
      %parallel_loop3A_973 = vector.bitcast %parallel_loop3A_972 : vector<16xf32> to vector<16xi32>
      %parallel_loop3A_974 = tpu.vector_load_idx %arg5[%parallel_loop3A_973] : memref<100000xf32, #tpu.memory_space<vmem>>[vector<16xi32>], vector<16xf32>,
      %parallel_loop3A_975 = arith.index_cast %parallel_loop3A_970 : i32 to index
      %parallel_loop3A_976 = tpu.vector_load %arg6[%parallel_loop3A_975] {strides = array<i32>} : memref<16384xf32, #tpu.memory_space<vmem>>, vector<16xf32>,
      tpu.vector_store %arg6[%parallel_loop3A_975], %parallel_loop3A_974 {strides = array<i32>} : memref<16384xf32, #tpu.memory_space<vmem>>, vector<16xf32>,
    } {sc.loop_unroll_factor = 16 : i64, sc.parallel_access}
    %dma_start3A_308 = arith.constant 8 : i32
    %dma_start3A_309 = arith.constant 0 : i32
    %dma_start3A_310 = tpu.memref_slice %arg4[%dma_start3A_308, %add3A, %dma_start3A_309] : memref<26x32x16384xf32, #tpu.memory_space<hbm>> -> memref<1x1x16384xf32, #tpu.memory_space<hbm>>
    %dma_start3A_311 = tpu.memref_squeeze %dma_start3A_310 : memref<1x1x16384xf32, #tpu.memory_space<hbm>> -> memref<16384xf32, #tpu.memory_space<hbm>>
    %dma_start3A_312 = arith.constant 0 : i32
    %dma_start3A_313 = tpu.memref_slice %arg4[%dma_start3A_308, %add3A, %dma_start3A_312] : memref<26x32x16384xf32, #tpu.memory_space<hbm>> -> memref<1x1x16384xf32, #tpu.memory_space<hbm>>
    %dma_start3A_314 = tpu.memref_squeeze %dma_start3A_313 : memref<1x1x16384xf32, #tpu.memory_space<hbm>> -> memref<16384xf32, #tpu.memory_space<hbm>>
    tpu.enqueue_dma source(%arg6 : memref<16384xf32, #tpu.memory_space<vmem>>) target(%dma_start3A_314 : memref<16384xf32, #tpu.memory_space<hbm>>) target_semaphore(%arg8 : memref<!tpu.dma_semaphore, #tpu.memory_space<semaphore_mem>>)
    %eq3A_315 = arith.constant 9 : i32
    %eq3A_316 = arith.cmpi eq, %arg1, %eq3A_315 : i32
    %convert_element_type3A_317 = arith.extui %eq3A_316 : i1 to i32
    %cond3A_318 = arith.constant 0 : i32
    %cond3A_319 = arith.cmpi ne, %convert_element_type3A_317, %cond3A_318 : i32
    scf.if %cond3A_319 {
      %run_scoped3A_968 = arith.constant 9 : i32
      %run_scoped3A_969 = arith.constant 1 : i32
      "tpu.region"() ({
        %run_scoped3A_970 = tpu.sem_alloc : memref<!tpu.dma_semaphore, #tpu.memory_space<semaphore_mem>>
        %dma_start3A_971 = arith.constant 0 : i32
        %dma_start3A_972 = tpu.memref_slice %arg7[%run_scoped3A_969, %dma_start3A_971] : memref<2x16384xf32, #tpu.memory_space<vmem_shared>> -> memref<1x16384xf32, #tpu.memory_space<vmem_shared>>
        %dma_start3A_973 = tpu.memref_squeeze %dma_start3A_972 : memref<1x16384xf32, #tpu.memory_space<vmem_shared>> -> memref<16384xf32, #tpu.memory_space<vmem_shared>>
        %dma_start3A_974 = arith.constant 0 : i32
        %dma_start3A_975 = tpu.memref_slice %arg2[%run_scoped3A_968, %dma_start3A_974] : memref<26x16384xf32, #tpu.memory_space<hbm>> -> memref<1x16384xf32, #tpu.memory_space<hbm>>
        %dma_start3A_976 = tpu.memref_squeeze %dma_start3A_975 : memref<1x16384xf32, #tpu.memory_space<hbm>> -> memref<16384xf32, #tpu.memory_space<hbm>>
        tpu.enqueue_dma source(%dma_start3A_976 : memref<16384xf32, #tpu.memory_space<hbm>>) target(%dma_start3A_973 : memref<16384xf32, #tpu.memory_space<vmem_shared>>) target_semaphore(%run_scoped3A_970 : memref<!tpu.dma_semaphore, #tpu.memory_space<semaphore_mem>>)
        %dma_wait3A_977 = arith.constant 0 : i32
        %dma_wait3A_978 = tpu.memref_slice %arg7[%run_scoped3A_969, %dma_wait3A_977] : memref<2x16384xf32, #tpu.memory_space<vmem_shared>> -> memref<1x16384xf32, #tpu.memory_space<vmem_shared>>
        %dma_wait3A_979 = tpu.memref_squeeze %dma_wait3A_978 : memref<1x16384xf32, #tpu.memory_space<vmem_shared>> -> memref<16384xf32, #tpu.memory_space<vmem_shared>>
        %dma_wait3A_980 = arith.constant 0 : i32
        %dma_wait3A_981 = tpu.memref_slice %arg2[%run_scoped3A_968, %dma_wait3A_980] : memref<26x16384xf32, #tpu.memory_space<hbm>> -> memref<1x16384xf32, #tpu.memory_space<hbm>>
        %dma_wait3A_982 = tpu.memref_squeeze %dma_wait3A_981 : memref<1x16384xf32, #tpu.memory_space<hbm>> -> memref<16384xf32, #tpu.memory_space<hbm>>
        tpu.wait_dma2 semaphore(%run_scoped3A_970 : memref<!tpu.dma_semaphore, #tpu.memory_space<semaphore_mem>>) src(%dma_wait3A_982 : memref<16384xf32, #tpu.memory_space<hbm>>) dst(%dma_wait3A_979 : memref<16384xf32, #tpu.memory_space<vmem_shared>>)
        tpu.yield
      }) : () -> ()
    } else {
    }
    %dma_start3A_320 = arith.constant 9 : i32
    %dma_start3A_321 = arith.constant 0 : i32
    %dma_start3A_322 = tpu.memref_slice %arg3[%dma_start3A_320, %add3A, %dma_start3A_321] : memref<26x32x100000xf32, #tpu.memory_space<hbm>> -> memref<1x1x100000xf32, #tpu.memory_space<hbm>>
    %dma_start3A_323 = tpu.memref_squeeze %dma_start3A_322 : memref<1x1x100000xf32, #tpu.memory_space<hbm>> -> memref<100000xf32, #tpu.memory_space<hbm>>
    %dma_start3A_324 = arith.constant 0 : i32
    %dma_start3A_325 = tpu.memref_slice %arg3[%dma_start3A_320, %add3A, %dma_start3A_324] : memref<26x32x100000xf32, #tpu.memory_space<hbm>> -> memref<1x1x100000xf32, #tpu.memory_space<hbm>>
    %dma_start3A_326 = tpu.memref_squeeze %dma_start3A_325 : memref<1x1x100000xf32, #tpu.memory_space<hbm>> -> memref<100000xf32, #tpu.memory_space<hbm>>
    tpu.enqueue_dma source(%dma_start3A_326 : memref<100000xf32, #tpu.memory_space<hbm>>) target(%arg5 : memref<100000xf32, #tpu.memory_space<vmem>>) target_semaphore(%arg9 : memref<!tpu.dma_semaphore, #tpu.memory_space<semaphore_mem>>)
    %dma_wait3A_327 = arith.constant 8 : i32
    %dma_wait3A_328 = arith.constant 0 : i32
    %dma_wait3A_329 = tpu.memref_slice %arg4[%dma_wait3A_327, %add3A, %dma_wait3A_328] : memref<26x32x16384xf32, #tpu.memory_space<hbm>> -> memref<1x1x16384xf32, #tpu.memory_space<hbm>>
    %dma_wait3A_330 = tpu.memref_squeeze %dma_wait3A_329 : memref<1x1x16384xf32, #tpu.memory_space<hbm>> -> memref<16384xf32, #tpu.memory_space<hbm>>
    %dma_wait3A_331 = arith.constant 0 : i32
    %dma_wait3A_332 = tpu.memref_slice %arg4[%dma_wait3A_327, %add3A, %dma_wait3A_331] : memref<26x32x16384xf32, #tpu.memory_space<hbm>> -> memref<1x1x16384xf32, #tpu.memory_space<hbm>>
    %dma_wait3A_333 = tpu.memref_squeeze %dma_wait3A_332 : memref<1x1x16384xf32, #tpu.memory_space<hbm>> -> memref<16384xf32, #tpu.memory_space<hbm>>
    tpu.wait_dma2 semaphore(%arg8 : memref<!tpu.dma_semaphore, #tpu.memory_space<semaphore_mem>>) src(%arg6 : memref<16384xf32, #tpu.memory_space<vmem>>) dst(%dma_wait3A_333 : memref<16384xf32, #tpu.memory_space<hbm>>)
    %barrier3A_334 = arith.constant 0 : index
    tpu.barrier barrier_id(%barrier3A_334)
    %run_scoped3A_335 = arith.constant 1 : i32
    "tpu.region"() ({
      %run_scoped3A_968 = tpu.sem_alloc : memref<!tpu.dma_semaphore, #tpu.memory_space<semaphore_mem>>
      %dma_start3A_969 = arith.constant 0 : i32
      %dma_start3A_970 = tpu.memref_slice %arg7[%run_scoped3A_335, %dma_start3A_969] : memref<2x16384xf32, #tpu.memory_space<vmem_shared>> -> memref<1x16384xf32, #tpu.memory_space<vmem_shared>>
      %dma_start3A_971 = tpu.memref_squeeze %dma_start3A_970 : memref<1x16384xf32, #tpu.memory_space<vmem_shared>> -> memref<16384xf32, #tpu.memory_space<vmem_shared>>
      %dma_start3A_972 = arith.constant 0 : i32
      %dma_start3A_973 = tpu.memref_slice %arg7[%run_scoped3A_335, %dma_start3A_972] : memref<2x16384xf32, #tpu.memory_space<vmem_shared>> -> memref<1x16384xf32, #tpu.memory_space<vmem_shared>>
      %dma_start3A_974 = tpu.memref_squeeze %dma_start3A_973 : memref<1x16384xf32, #tpu.memory_space<vmem_shared>> -> memref<16384xf32, #tpu.memory_space<vmem_shared>>
      tpu.enqueue_dma source(%dma_start3A_974 : memref<16384xf32, #tpu.memory_space<vmem_shared>>) target(%arg6 : memref<16384xf32, #tpu.memory_space<vmem>>) target_semaphore(%run_scoped3A_968 : memref<!tpu.dma_semaphore, #tpu.memory_space<semaphore_mem>>)
      %dma_wait3A_975 = arith.constant 0 : i32
      %dma_wait3A_976 = tpu.memref_slice %arg7[%run_scoped3A_335, %dma_wait3A_975] : memref<2x16384xf32, #tpu.memory_space<vmem_shared>> -> memref<1x16384xf32, #tpu.memory_space<vmem_shared>>
      %dma_wait3A_977 = tpu.memref_squeeze %dma_wait3A_976 : memref<1x16384xf32, #tpu.memory_space<vmem_shared>> -> memref<16384xf32, #tpu.memory_space<vmem_shared>>
      %dma_wait3A_978 = arith.constant 0 : i32
      %dma_wait3A_979 = tpu.memref_slice %arg7[%run_scoped3A_335, %dma_wait3A_978] : memref<2x16384xf32, #tpu.memory_space<vmem_shared>> -> memref<1x16384xf32, #tpu.memory_space<vmem_shared>>
      %dma_wait3A_980 = tpu.memref_squeeze %dma_wait3A_979 : memref<1x16384xf32, #tpu.memory_space<vmem_shared>> -> memref<16384xf32, #tpu.memory_space<vmem_shared>>
      tpu.wait_dma2 semaphore(%run_scoped3A_968 : memref<!tpu.dma_semaphore, #tpu.memory_space<semaphore_mem>>) src(%dma_wait3A_980 : memref<16384xf32, #tpu.memory_space<vmem_shared>>) dst(%arg6 : memref<16384xf32, #tpu.memory_space<vmem>>)
      tpu.yield
    }) : () -> ()
    %dma_wait3A_336 = arith.constant 9 : i32
    %dma_wait3A_337 = arith.constant 0 : i32
    %dma_wait3A_338 = tpu.memref_slice %arg3[%dma_wait3A_336, %add3A, %dma_wait3A_337] : memref<26x32x100000xf32, #tpu.memory_space<hbm>> -> memref<1x1x100000xf32, #tpu.memory_space<hbm>>
    %dma_wait3A_339 = tpu.memref_squeeze %dma_wait3A_338 : memref<1x1x100000xf32, #tpu.memory_space<hbm>> -> memref<100000xf32, #tpu.memory_space<hbm>>
    %dma_wait3A_340 = arith.constant 0 : i32
    %dma_wait3A_341 = tpu.memref_slice %arg3[%dma_wait3A_336, %add3A, %dma_wait3A_340] : memref<26x32x100000xf32, #tpu.memory_space<hbm>> -> memref<1x1x100000xf32, #tpu.memory_space<hbm>>
    %dma_wait3A_342 = tpu.memref_squeeze %dma_wait3A_341 : memref<1x1x100000xf32, #tpu.memory_space<hbm>> -> memref<100000xf32, #tpu.memory_space<hbm>>
    tpu.wait_dma2 semaphore(%arg9 : memref<!tpu.dma_semaphore, #tpu.memory_space<semaphore_mem>>) src(%dma_wait3A_342 : memref<100000xf32, #tpu.memory_space<hbm>>) dst(%arg5 : memref<100000xf32, #tpu.memory_space<vmem>>)
    %parallel_loop3A_343 = arith.constant 0 : i32
    %parallel_loop3A_344 = arith.constant 1024 : i32
    %parallel_loop3A_345 = arith.constant 1 : i32
    scf.for %parallel_loop3A_968 = %parallel_loop3A_343 to %parallel_loop3A_344 step %parallel_loop3A_345  : i32 {
      %parallel_loop3A_969 = arith.constant 16 : i32
      %parallel_loop3A_970 = arith.muli %parallel_loop3A_968, %parallel_loop3A_969 : i32
      %parallel_loop3A_971 = arith.index_cast %parallel_loop3A_970 : i32 to index
      %parallel_loop3A_972 = tpu.vector_load %arg6[%parallel_loop3A_971] {strides = array<i32>} : memref<16384xf32, #tpu.memory_space<vmem>>, vector<16xf32>,
      %parallel_loop3A_973 = vector.bitcast %parallel_loop3A_972 : vector<16xf32> to vector<16xi32>
      %parallel_loop3A_974 = tpu.vector_load_idx %arg5[%parallel_loop3A_973] : memref<100000xf32, #tpu.memory_space<vmem>>[vector<16xi32>], vector<16xf32>,
      %parallel_loop3A_975 = arith.index_cast %parallel_loop3A_970 : i32 to index
      %parallel_loop3A_976 = tpu.vector_load %arg6[%parallel_loop3A_975] {strides = array<i32>} : memref<16384xf32, #tpu.memory_space<vmem>>, vector<16xf32>,
      tpu.vector_store %arg6[%parallel_loop3A_975], %parallel_loop3A_974 {strides = array<i32>} : memref<16384xf32, #tpu.memory_space<vmem>>, vector<16xf32>,
    } {sc.loop_unroll_factor = 16 : i64, sc.parallel_access}
    %dma_start3A_346 = arith.constant 9 : i32
    %dma_start3A_347 = arith.constant 0 : i32
    %dma_start3A_348 = tpu.memref_slice %arg4[%dma_start3A_346, %add3A, %dma_start3A_347] : memref<26x32x16384xf32, #tpu.memory_space<hbm>> -> memref<1x1x16384xf32, #tpu.memory_space<hbm>>
    %dma_start3A_349 = tpu.memref_squeeze %dma_start3A_348 : memref<1x1x16384xf32, #tpu.memory_space<hbm>> -> memref<16384xf32, #tpu.memory_space<hbm>>
    %dma_start3A_350 = arith.constant 0 : i32
    %dma_start3A_351 = tpu.memref_slice %arg4[%dma_start3A_346, %add3A, %dma_start3A_350] : memref<26x32x16384xf32, #tpu.memory_space<hbm>> -> memref<1x1x16384xf32, #tpu.memory_space<hbm>>
    %dma_start3A_352 = tpu.memref_squeeze %dma_start3A_351 : memref<1x1x16384xf32, #tpu.memory_space<hbm>> -> memref<16384xf32, #tpu.memory_space<hbm>>
    tpu.enqueue_dma source(%arg6 : memref<16384xf32, #tpu.memory_space<vmem>>) target(%dma_start3A_352 : memref<16384xf32, #tpu.memory_space<hbm>>) target_semaphore(%arg8 : memref<!tpu.dma_semaphore, #tpu.memory_space<semaphore_mem>>)
    %eq3A_353 = arith.constant 10 : i32
    %eq3A_354 = arith.cmpi eq, %arg1, %eq3A_353 : i32
    %convert_element_type3A_355 = arith.extui %eq3A_354 : i1 to i32
    %cond3A_356 = arith.constant 0 : i32
    %cond3A_357 = arith.cmpi ne, %convert_element_type3A_355, %cond3A_356 : i32
    scf.if %cond3A_357 {
      %run_scoped3A_968 = arith.constant 10 : i32
      %run_scoped3A_969 = arith.constant 0 : i32
      "tpu.region"() ({
        %run_scoped3A_970 = tpu.sem_alloc : memref<!tpu.dma_semaphore, #tpu.memory_space<semaphore_mem>>
        %dma_start3A_971 = arith.constant 0 : i32
        %dma_start3A_972 = tpu.memref_slice %arg7[%run_scoped3A_969, %dma_start3A_971] : memref<2x16384xf32, #tpu.memory_space<vmem_shared>> -> memref<1x16384xf32, #tpu.memory_space<vmem_shared>>
        %dma_start3A_973 = tpu.memref_squeeze %dma_start3A_972 : memref<1x16384xf32, #tpu.memory_space<vmem_shared>> -> memref<16384xf32, #tpu.memory_space<vmem_shared>>
        %dma_start3A_974 = arith.constant 0 : i32
        %dma_start3A_975 = tpu.memref_slice %arg2[%run_scoped3A_968, %dma_start3A_974] : memref<26x16384xf32, #tpu.memory_space<hbm>> -> memref<1x16384xf32, #tpu.memory_space<hbm>>
        %dma_start3A_976 = tpu.memref_squeeze %dma_start3A_975 : memref<1x16384xf32, #tpu.memory_space<hbm>> -> memref<16384xf32, #tpu.memory_space<hbm>>
        tpu.enqueue_dma source(%dma_start3A_976 : memref<16384xf32, #tpu.memory_space<hbm>>) target(%dma_start3A_973 : memref<16384xf32, #tpu.memory_space<vmem_shared>>) target_semaphore(%run_scoped3A_970 : memref<!tpu.dma_semaphore, #tpu.memory_space<semaphore_mem>>)
        %dma_wait3A_977 = arith.constant 0 : i32
        %dma_wait3A_978 = tpu.memref_slice %arg7[%run_scoped3A_969, %dma_wait3A_977] : memref<2x16384xf32, #tpu.memory_space<vmem_shared>> -> memref<1x16384xf32, #tpu.memory_space<vmem_shared>>
        %dma_wait3A_979 = tpu.memref_squeeze %dma_wait3A_978 : memref<1x16384xf32, #tpu.memory_space<vmem_shared>> -> memref<16384xf32, #tpu.memory_space<vmem_shared>>
        %dma_wait3A_980 = arith.constant 0 : i32
        %dma_wait3A_981 = tpu.memref_slice %arg2[%run_scoped3A_968, %dma_wait3A_980] : memref<26x16384xf32, #tpu.memory_space<hbm>> -> memref<1x16384xf32, #tpu.memory_space<hbm>>
        %dma_wait3A_982 = tpu.memref_squeeze %dma_wait3A_981 : memref<1x16384xf32, #tpu.memory_space<hbm>> -> memref<16384xf32, #tpu.memory_space<hbm>>
        tpu.wait_dma2 semaphore(%run_scoped3A_970 : memref<!tpu.dma_semaphore, #tpu.memory_space<semaphore_mem>>) src(%dma_wait3A_982 : memref<16384xf32, #tpu.memory_space<hbm>>) dst(%dma_wait3A_979 : memref<16384xf32, #tpu.memory_space<vmem_shared>>)
        tpu.yield
      }) : () -> ()
    } else {
    }
    %dma_start3A_358 = arith.constant 10 : i32
    %dma_start3A_359 = arith.constant 0 : i32
    %dma_start3A_360 = tpu.memref_slice %arg3[%dma_start3A_358, %add3A, %dma_start3A_359] : memref<26x32x100000xf32, #tpu.memory_space<hbm>> -> memref<1x1x100000xf32, #tpu.memory_space<hbm>>
    %dma_start3A_361 = tpu.memref_squeeze %dma_start3A_360 : memref<1x1x100000xf32, #tpu.memory_space<hbm>> -> memref<100000xf32, #tpu.memory_space<hbm>>
    %dma_start3A_362 = arith.constant 0 : i32
    %dma_start3A_363 = tpu.memref_slice %arg3[%dma_start3A_358, %add3A, %dma_start3A_362] : memref<26x32x100000xf32, #tpu.memory_space<hbm>> -> memref<1x1x100000xf32, #tpu.memory_space<hbm>>
    %dma_start3A_364 = tpu.memref_squeeze %dma_start3A_363 : memref<1x1x100000xf32, #tpu.memory_space<hbm>> -> memref<100000xf32, #tpu.memory_space<hbm>>
    tpu.enqueue_dma source(%dma_start3A_364 : memref<100000xf32, #tpu.memory_space<hbm>>) target(%arg5 : memref<100000xf32, #tpu.memory_space<vmem>>) target_semaphore(%arg9 : memref<!tpu.dma_semaphore, #tpu.memory_space<semaphore_mem>>)
    %dma_wait3A_365 = arith.constant 9 : i32
    %dma_wait3A_366 = arith.constant 0 : i32
    %dma_wait3A_367 = tpu.memref_slice %arg4[%dma_wait3A_365, %add3A, %dma_wait3A_366] : memref<26x32x16384xf32, #tpu.memory_space<hbm>> -> memref<1x1x16384xf32, #tpu.memory_space<hbm>>
    %dma_wait3A_368 = tpu.memref_squeeze %dma_wait3A_367 : memref<1x1x16384xf32, #tpu.memory_space<hbm>> -> memref<16384xf32, #tpu.memory_space<hbm>>
    %dma_wait3A_369 = arith.constant 0 : i32
    %dma_wait3A_370 = tpu.memref_slice %arg4[%dma_wait3A_365, %add3A, %dma_wait3A_369] : memref<26x32x16384xf32, #tpu.memory_space<hbm>> -> memref<1x1x16384xf32, #tpu.memory_space<hbm>>
    %dma_wait3A_371 = tpu.memref_squeeze %dma_wait3A_370 : memref<1x1x16384xf32, #tpu.memory_space<hbm>> -> memref<16384xf32, #tpu.memory_space<hbm>>
    tpu.wait_dma2 semaphore(%arg8 : memref<!tpu.dma_semaphore, #tpu.memory_space<semaphore_mem>>) src(%arg6 : memref<16384xf32, #tpu.memory_space<vmem>>) dst(%dma_wait3A_371 : memref<16384xf32, #tpu.memory_space<hbm>>)
    %barrier3A_372 = arith.constant 0 : index
    tpu.barrier barrier_id(%barrier3A_372)
    %run_scoped3A_373 = arith.constant 0 : i32
    "tpu.region"() ({
      %run_scoped3A_968 = tpu.sem_alloc : memref<!tpu.dma_semaphore, #tpu.memory_space<semaphore_mem>>
      %dma_start3A_969 = arith.constant 0 : i32
      %dma_start3A_970 = tpu.memref_slice %arg7[%run_scoped3A_373, %dma_start3A_969] : memref<2x16384xf32, #tpu.memory_space<vmem_shared>> -> memref<1x16384xf32, #tpu.memory_space<vmem_shared>>
      %dma_start3A_971 = tpu.memref_squeeze %dma_start3A_970 : memref<1x16384xf32, #tpu.memory_space<vmem_shared>> -> memref<16384xf32, #tpu.memory_space<vmem_shared>>
      %dma_start3A_972 = arith.constant 0 : i32
      %dma_start3A_973 = tpu.memref_slice %arg7[%run_scoped3A_373, %dma_start3A_972] : memref<2x16384xf32, #tpu.memory_space<vmem_shared>> -> memref<1x16384xf32, #tpu.memory_space<vmem_shared>>
      %dma_start3A_974 = tpu.memref_squeeze %dma_start3A_973 : memref<1x16384xf32, #tpu.memory_space<vmem_shared>> -> memref<16384xf32, #tpu.memory_space<vmem_shared>>
      tpu.enqueue_dma source(%dma_start3A_974 : memref<16384xf32, #tpu.memory_space<vmem_shared>>) target(%arg6 : memref<16384xf32, #tpu.memory_space<vmem>>) target_semaphore(%run_scoped3A_968 : memref<!tpu.dma_semaphore, #tpu.memory_space<semaphore_mem>>)
      %dma_wait3A_975 = arith.constant 0 : i32
      %dma_wait3A_976 = tpu.memref_slice %arg7[%run_scoped3A_373, %dma_wait3A_975] : memref<2x16384xf32, #tpu.memory_space<vmem_shared>> -> memref<1x16384xf32, #tpu.memory_space<vmem_shared>>
      %dma_wait3A_977 = tpu.memref_squeeze %dma_wait3A_976 : memref<1x16384xf32, #tpu.memory_space<vmem_shared>> -> memref<16384xf32, #tpu.memory_space<vmem_shared>>
      %dma_wait3A_978 = arith.constant 0 : i32
      %dma_wait3A_979 = tpu.memref_slice %arg7[%run_scoped3A_373, %dma_wait3A_978] : memref<2x16384xf32, #tpu.memory_space<vmem_shared>> -> memref<1x16384xf32, #tpu.memory_space<vmem_shared>>
      %dma_wait3A_980 = tpu.memref_squeeze %dma_wait3A_979 : memref<1x16384xf32, #tpu.memory_space<vmem_shared>> -> memref<16384xf32, #tpu.memory_space<vmem_shared>>
      tpu.wait_dma2 semaphore(%run_scoped3A_968 : memref<!tpu.dma_semaphore, #tpu.memory_space<semaphore_mem>>) src(%dma_wait3A_980 : memref<16384xf32, #tpu.memory_space<vmem_shared>>) dst(%arg6 : memref<16384xf32, #tpu.memory_space<vmem>>)
      tpu.yield
    }) : () -> ()
    %dma_wait3A_374 = arith.constant 10 : i32
    %dma_wait3A_375 = arith.constant 0 : i32
    %dma_wait3A_376 = tpu.memref_slice %arg3[%dma_wait3A_374, %add3A, %dma_wait3A_375] : memref<26x32x100000xf32, #tpu.memory_space<hbm>> -> memref<1x1x100000xf32, #tpu.memory_space<hbm>>
    %dma_wait3A_377 = tpu.memref_squeeze %dma_wait3A_376 : memref<1x1x100000xf32, #tpu.memory_space<hbm>> -> memref<100000xf32, #tpu.memory_space<hbm>>
    %dma_wait3A_378 = arith.constant 0 : i32
    %dma_wait3A_379 = tpu.memref_slice %arg3[%dma_wait3A_374, %add3A, %dma_wait3A_378] : memref<26x32x100000xf32, #tpu.memory_space<hbm>> -> memref<1x1x100000xf32, #tpu.memory_space<hbm>>
    %dma_wait3A_380 = tpu.memref_squeeze %dma_wait3A_379 : memref<1x1x100000xf32, #tpu.memory_space<hbm>> -> memref<100000xf32, #tpu.memory_space<hbm>>
    tpu.wait_dma2 semaphore(%arg9 : memref<!tpu.dma_semaphore, #tpu.memory_space<semaphore_mem>>) src(%dma_wait3A_380 : memref<100000xf32, #tpu.memory_space<hbm>>) dst(%arg5 : memref<100000xf32, #tpu.memory_space<vmem>>)
    %parallel_loop3A_381 = arith.constant 0 : i32
    %parallel_loop3A_382 = arith.constant 1024 : i32
    %parallel_loop3A_383 = arith.constant 1 : i32
    scf.for %parallel_loop3A_968 = %parallel_loop3A_381 to %parallel_loop3A_382 step %parallel_loop3A_383  : i32 {
      %parallel_loop3A_969 = arith.constant 16 : i32
      %parallel_loop3A_970 = arith.muli %parallel_loop3A_968, %parallel_loop3A_969 : i32
      %parallel_loop3A_971 = arith.index_cast %parallel_loop3A_970 : i32 to index
      %parallel_loop3A_972 = tpu.vector_load %arg6[%parallel_loop3A_971] {strides = array<i32>} : memref<16384xf32, #tpu.memory_space<vmem>>, vector<16xf32>,
      %parallel_loop3A_973 = vector.bitcast %parallel_loop3A_972 : vector<16xf32> to vector<16xi32>
      %parallel_loop3A_974 = tpu.vector_load_idx %arg5[%parallel_loop3A_973] : memref<100000xf32, #tpu.memory_space<vmem>>[vector<16xi32>], vector<16xf32>,
      %parallel_loop3A_975 = arith.index_cast %parallel_loop3A_970 : i32 to index
      %parallel_loop3A_976 = tpu.vector_load %arg6[%parallel_loop3A_975] {strides = array<i32>} : memref<16384xf32, #tpu.memory_space<vmem>>, vector<16xf32>,
      tpu.vector_store %arg6[%parallel_loop3A_975], %parallel_loop3A_974 {strides = array<i32>} : memref<16384xf32, #tpu.memory_space<vmem>>, vector<16xf32>,
    } {sc.loop_unroll_factor = 16 : i64, sc.parallel_access}
    %dma_start3A_384 = arith.constant 10 : i32
    %dma_start3A_385 = arith.constant 0 : i32
    %dma_start3A_386 = tpu.memref_slice %arg4[%dma_start3A_384, %add3A, %dma_start3A_385] : memref<26x32x16384xf32, #tpu.memory_space<hbm>> -> memref<1x1x16384xf32, #tpu.memory_space<hbm>>
    %dma_start3A_387 = tpu.memref_squeeze %dma_start3A_386 : memref<1x1x16384xf32, #tpu.memory_space<hbm>> -> memref<16384xf32, #tpu.memory_space<hbm>>
    %dma_start3A_388 = arith.constant 0 : i32
    %dma_start3A_389 = tpu.memref_slice %arg4[%dma_start3A_384, %add3A, %dma_start3A_388] : memref<26x32x16384xf32, #tpu.memory_space<hbm>> -> memref<1x1x16384xf32, #tpu.memory_space<hbm>>
    %dma_start3A_390 = tpu.memref_squeeze %dma_start3A_389 : memref<1x1x16384xf32, #tpu.memory_space<hbm>> -> memref<16384xf32, #tpu.memory_space<hbm>>
    tpu.enqueue_dma source(%arg6 : memref<16384xf32, #tpu.memory_space<vmem>>) target(%dma_start3A_390 : memref<16384xf32, #tpu.memory_space<hbm>>) target_semaphore(%arg8 : memref<!tpu.dma_semaphore, #tpu.memory_space<semaphore_mem>>)
    %eq3A_391 = arith.constant 11 : i32
    %eq3A_392 = arith.cmpi eq, %arg1, %eq3A_391 : i32
    %convert_element_type3A_393 = arith.extui %eq3A_392 : i1 to i32
    %cond3A_394 = arith.constant 0 : i32
    %cond3A_395 = arith.cmpi ne, %convert_element_type3A_393, %cond3A_394 : i32
    scf.if %cond3A_395 {
      %run_scoped3A_968 = arith.constant 11 : i32
      %run_scoped3A_969 = arith.constant 1 : i32
      "tpu.region"() ({
        %run_scoped3A_970 = tpu.sem_alloc : memref<!tpu.dma_semaphore, #tpu.memory_space<semaphore_mem>>
        %dma_start3A_971 = arith.constant 0 : i32
        %dma_start3A_972 = tpu.memref_slice %arg7[%run_scoped3A_969, %dma_start3A_971] : memref<2x16384xf32, #tpu.memory_space<vmem_shared>> -> memref<1x16384xf32, #tpu.memory_space<vmem_shared>>
        %dma_start3A_973 = tpu.memref_squeeze %dma_start3A_972 : memref<1x16384xf32, #tpu.memory_space<vmem_shared>> -> memref<16384xf32, #tpu.memory_space<vmem_shared>>
        %dma_start3A_974 = arith.constant 0 : i32
        %dma_start3A_975 = tpu.memref_slice %arg2[%run_scoped3A_968, %dma_start3A_974] : memref<26x16384xf32, #tpu.memory_space<hbm>> -> memref<1x16384xf32, #tpu.memory_space<hbm>>
        %dma_start3A_976 = tpu.memref_squeeze %dma_start3A_975 : memref<1x16384xf32, #tpu.memory_space<hbm>> -> memref<16384xf32, #tpu.memory_space<hbm>>
        tpu.enqueue_dma source(%dma_start3A_976 : memref<16384xf32, #tpu.memory_space<hbm>>) target(%dma_start3A_973 : memref<16384xf32, #tpu.memory_space<vmem_shared>>) target_semaphore(%run_scoped3A_970 : memref<!tpu.dma_semaphore, #tpu.memory_space<semaphore_mem>>)
        %dma_wait3A_977 = arith.constant 0 : i32
        %dma_wait3A_978 = tpu.memref_slice %arg7[%run_scoped3A_969, %dma_wait3A_977] : memref<2x16384xf32, #tpu.memory_space<vmem_shared>> -> memref<1x16384xf32, #tpu.memory_space<vmem_shared>>
        %dma_wait3A_979 = tpu.memref_squeeze %dma_wait3A_978 : memref<1x16384xf32, #tpu.memory_space<vmem_shared>> -> memref<16384xf32, #tpu.memory_space<vmem_shared>>
        %dma_wait3A_980 = arith.constant 0 : i32
        %dma_wait3A_981 = tpu.memref_slice %arg2[%run_scoped3A_968, %dma_wait3A_980] : memref<26x16384xf32, #tpu.memory_space<hbm>> -> memref<1x16384xf32, #tpu.memory_space<hbm>>
        %dma_wait3A_982 = tpu.memref_squeeze %dma_wait3A_981 : memref<1x16384xf32, #tpu.memory_space<hbm>> -> memref<16384xf32, #tpu.memory_space<hbm>>
        tpu.wait_dma2 semaphore(%run_scoped3A_970 : memref<!tpu.dma_semaphore, #tpu.memory_space<semaphore_mem>>) src(%dma_wait3A_982 : memref<16384xf32, #tpu.memory_space<hbm>>) dst(%dma_wait3A_979 : memref<16384xf32, #tpu.memory_space<vmem_shared>>)
        tpu.yield
      }) : () -> ()
    } else {
    }
    %dma_start3A_396 = arith.constant 11 : i32
    %dma_start3A_397 = arith.constant 0 : i32
    %dma_start3A_398 = tpu.memref_slice %arg3[%dma_start3A_396, %add3A, %dma_start3A_397] : memref<26x32x100000xf32, #tpu.memory_space<hbm>> -> memref<1x1x100000xf32, #tpu.memory_space<hbm>>
    %dma_start3A_399 = tpu.memref_squeeze %dma_start3A_398 : memref<1x1x100000xf32, #tpu.memory_space<hbm>> -> memref<100000xf32, #tpu.memory_space<hbm>>
    %dma_start3A_400 = arith.constant 0 : i32
    %dma_start3A_401 = tpu.memref_slice %arg3[%dma_start3A_396, %add3A, %dma_start3A_400] : memref<26x32x100000xf32, #tpu.memory_space<hbm>> -> memref<1x1x100000xf32, #tpu.memory_space<hbm>>
    %dma_start3A_402 = tpu.memref_squeeze %dma_start3A_401 : memref<1x1x100000xf32, #tpu.memory_space<hbm>> -> memref<100000xf32, #tpu.memory_space<hbm>>
    tpu.enqueue_dma source(%dma_start3A_402 : memref<100000xf32, #tpu.memory_space<hbm>>) target(%arg5 : memref<100000xf32, #tpu.memory_space<vmem>>) target_semaphore(%arg9 : memref<!tpu.dma_semaphore, #tpu.memory_space<semaphore_mem>>)
    %dma_wait3A_403 = arith.constant 10 : i32
    %dma_wait3A_404 = arith.constant 0 : i32
    %dma_wait3A_405 = tpu.memref_slice %arg4[%dma_wait3A_403, %add3A, %dma_wait3A_404] : memref<26x32x16384xf32, #tpu.memory_space<hbm>> -> memref<1x1x16384xf32, #tpu.memory_space<hbm>>
    %dma_wait3A_406 = tpu.memref_squeeze %dma_wait3A_405 : memref<1x1x16384xf32, #tpu.memory_space<hbm>> -> memref<16384xf32, #tpu.memory_space<hbm>>
    %dma_wait3A_407 = arith.constant 0 : i32
    %dma_wait3A_408 = tpu.memref_slice %arg4[%dma_wait3A_403, %add3A, %dma_wait3A_407] : memref<26x32x16384xf32, #tpu.memory_space<hbm>> -> memref<1x1x16384xf32, #tpu.memory_space<hbm>>
    %dma_wait3A_409 = tpu.memref_squeeze %dma_wait3A_408 : memref<1x1x16384xf32, #tpu.memory_space<hbm>> -> memref<16384xf32, #tpu.memory_space<hbm>>
    tpu.wait_dma2 semaphore(%arg8 : memref<!tpu.dma_semaphore, #tpu.memory_space<semaphore_mem>>) src(%arg6 : memref<16384xf32, #tpu.memory_space<vmem>>) dst(%dma_wait3A_409 : memref<16384xf32, #tpu.memory_space<hbm>>)
    %barrier3A_410 = arith.constant 0 : index
    tpu.barrier barrier_id(%barrier3A_410)
    %run_scoped3A_411 = arith.constant 1 : i32
    "tpu.region"() ({
      %run_scoped3A_968 = tpu.sem_alloc : memref<!tpu.dma_semaphore, #tpu.memory_space<semaphore_mem>>
      %dma_start3A_969 = arith.constant 0 : i32
      %dma_start3A_970 = tpu.memref_slice %arg7[%run_scoped3A_411, %dma_start3A_969] : memref<2x16384xf32, #tpu.memory_space<vmem_shared>> -> memref<1x16384xf32, #tpu.memory_space<vmem_shared>>
      %dma_start3A_971 = tpu.memref_squeeze %dma_start3A_970 : memref<1x16384xf32, #tpu.memory_space<vmem_shared>> -> memref<16384xf32, #tpu.memory_space<vmem_shared>>
      %dma_start3A_972 = arith.constant 0 : i32
      %dma_start3A_973 = tpu.memref_slice %arg7[%run_scoped3A_411, %dma_start3A_972] : memref<2x16384xf32, #tpu.memory_space<vmem_shared>> -> memref<1x16384xf32, #tpu.memory_space<vmem_shared>>
      %dma_start3A_974 = tpu.memref_squeeze %dma_start3A_973 : memref<1x16384xf32, #tpu.memory_space<vmem_shared>> -> memref<16384xf32, #tpu.memory_space<vmem_shared>>
      tpu.enqueue_dma source(%dma_start3A_974 : memref<16384xf32, #tpu.memory_space<vmem_shared>>) target(%arg6 : memref<16384xf32, #tpu.memory_space<vmem>>) target_semaphore(%run_scoped3A_968 : memref<!tpu.dma_semaphore, #tpu.memory_space<semaphore_mem>>)
      %dma_wait3A_975 = arith.constant 0 : i32
      %dma_wait3A_976 = tpu.memref_slice %arg7[%run_scoped3A_411, %dma_wait3A_975] : memref<2x16384xf32, #tpu.memory_space<vmem_shared>> -> memref<1x16384xf32, #tpu.memory_space<vmem_shared>>
      %dma_wait3A_977 = tpu.memref_squeeze %dma_wait3A_976 : memref<1x16384xf32, #tpu.memory_space<vmem_shared>> -> memref<16384xf32, #tpu.memory_space<vmem_shared>>
      %dma_wait3A_978 = arith.constant 0 : i32
      %dma_wait3A_979 = tpu.memref_slice %arg7[%run_scoped3A_411, %dma_wait3A_978] : memref<2x16384xf32, #tpu.memory_space<vmem_shared>> -> memref<1x16384xf32, #tpu.memory_space<vmem_shared>>
      %dma_wait3A_980 = tpu.memref_squeeze %dma_wait3A_979 : memref<1x16384xf32, #tpu.memory_space<vmem_shared>> -> memref<16384xf32, #tpu.memory_space<vmem_shared>>
      tpu.wait_dma2 semaphore(%run_scoped3A_968 : memref<!tpu.dma_semaphore, #tpu.memory_space<semaphore_mem>>) src(%dma_wait3A_980 : memref<16384xf32, #tpu.memory_space<vmem_shared>>) dst(%arg6 : memref<16384xf32, #tpu.memory_space<vmem>>)
      tpu.yield
    }) : () -> ()
    %dma_wait3A_412 = arith.constant 11 : i32
    %dma_wait3A_413 = arith.constant 0 : i32
    %dma_wait3A_414 = tpu.memref_slice %arg3[%dma_wait3A_412, %add3A, %dma_wait3A_413] : memref<26x32x100000xf32, #tpu.memory_space<hbm>> -> memref<1x1x100000xf32, #tpu.memory_space<hbm>>
    %dma_wait3A_415 = tpu.memref_squeeze %dma_wait3A_414 : memref<1x1x100000xf32, #tpu.memory_space<hbm>> -> memref<100000xf32, #tpu.memory_space<hbm>>
    %dma_wait3A_416 = arith.constant 0 : i32
    %dma_wait3A_417 = tpu.memref_slice %arg3[%dma_wait3A_412, %add3A, %dma_wait3A_416] : memref<26x32x100000xf32, #tpu.memory_space<hbm>> -> memref<1x1x100000xf32, #tpu.memory_space<hbm>>
    %dma_wait3A_418 = tpu.memref_squeeze %dma_wait3A_417 : memref<1x1x100000xf32, #tpu.memory_space<hbm>> -> memref<100000xf32, #tpu.memory_space<hbm>>
    tpu.wait_dma2 semaphore(%arg9 : memref<!tpu.dma_semaphore, #tpu.memory_space<semaphore_mem>>) src(%dma_wait3A_418 : memref<100000xf32, #tpu.memory_space<hbm>>) dst(%arg5 : memref<100000xf32, #tpu.memory_space<vmem>>)
    %parallel_loop3A_419 = arith.constant 0 : i32
    %parallel_loop3A_420 = arith.constant 1024 : i32
    %parallel_loop3A_421 = arith.constant 1 : i32
    scf.for %parallel_loop3A_968 = %parallel_loop3A_419 to %parallel_loop3A_420 step %parallel_loop3A_421  : i32 {
      %parallel_loop3A_969 = arith.constant 16 : i32
      %parallel_loop3A_970 = arith.muli %parallel_loop3A_968, %parallel_loop3A_969 : i32
      %parallel_loop3A_971 = arith.index_cast %parallel_loop3A_970 : i32 to index
      %parallel_loop3A_972 = tpu.vector_load %arg6[%parallel_loop3A_971] {strides = array<i32>} : memref<16384xf32, #tpu.memory_space<vmem>>, vector<16xf32>,
      %parallel_loop3A_973 = vector.bitcast %parallel_loop3A_972 : vector<16xf32> to vector<16xi32>
      %parallel_loop3A_974 = tpu.vector_load_idx %arg5[%parallel_loop3A_973] : memref<100000xf32, #tpu.memory_space<vmem>>[vector<16xi32>], vector<16xf32>,
      %parallel_loop3A_975 = arith.index_cast %parallel_loop3A_970 : i32 to index
      %parallel_loop3A_976 = tpu.vector_load %arg6[%parallel_loop3A_975] {strides = array<i32>} : memref<16384xf32, #tpu.memory_space<vmem>>, vector<16xf32>,
      tpu.vector_store %arg6[%parallel_loop3A_975], %parallel_loop3A_974 {strides = array<i32>} : memref<16384xf32, #tpu.memory_space<vmem>>, vector<16xf32>,
    } {sc.loop_unroll_factor = 16 : i64, sc.parallel_access}
    %dma_start3A_422 = arith.constant 11 : i32
    %dma_start3A_423 = arith.constant 0 : i32
    %dma_start3A_424 = tpu.memref_slice %arg4[%dma_start3A_422, %add3A, %dma_start3A_423] : memref<26x32x16384xf32, #tpu.memory_space<hbm>> -> memref<1x1x16384xf32, #tpu.memory_space<hbm>>
    %dma_start3A_425 = tpu.memref_squeeze %dma_start3A_424 : memref<1x1x16384xf32, #tpu.memory_space<hbm>> -> memref<16384xf32, #tpu.memory_space<hbm>>
    %dma_start3A_426 = arith.constant 0 : i32
    %dma_start3A_427 = tpu.memref_slice %arg4[%dma_start3A_422, %add3A, %dma_start3A_426] : memref<26x32x16384xf32, #tpu.memory_space<hbm>> -> memref<1x1x16384xf32, #tpu.memory_space<hbm>>
    %dma_start3A_428 = tpu.memref_squeeze %dma_start3A_427 : memref<1x1x16384xf32, #tpu.memory_space<hbm>> -> memref<16384xf32, #tpu.memory_space<hbm>>
    tpu.enqueue_dma source(%arg6 : memref<16384xf32, #tpu.memory_space<vmem>>) target(%dma_start3A_428 : memref<16384xf32, #tpu.memory_space<hbm>>) target_semaphore(%arg8 : memref<!tpu.dma_semaphore, #tpu.memory_space<semaphore_mem>>)
    %eq3A_429 = arith.constant 12 : i32
    %eq3A_430 = arith.cmpi eq, %arg1, %eq3A_429 : i32
    %convert_element_type3A_431 = arith.extui %eq3A_430 : i1 to i32
    %cond3A_432 = arith.constant 0 : i32
    %cond3A_433 = arith.cmpi ne, %convert_element_type3A_431, %cond3A_432 : i32
    scf.if %cond3A_433 {
      %run_scoped3A_968 = arith.constant 12 : i32
      %run_scoped3A_969 = arith.constant 0 : i32
      "tpu.region"() ({
        %run_scoped3A_970 = tpu.sem_alloc : memref<!tpu.dma_semaphore, #tpu.memory_space<semaphore_mem>>
        %dma_start3A_971 = arith.constant 0 : i32
        %dma_start3A_972 = tpu.memref_slice %arg7[%run_scoped3A_969, %dma_start3A_971] : memref<2x16384xf32, #tpu.memory_space<vmem_shared>> -> memref<1x16384xf32, #tpu.memory_space<vmem_shared>>
        %dma_start3A_973 = tpu.memref_squeeze %dma_start3A_972 : memref<1x16384xf32, #tpu.memory_space<vmem_shared>> -> memref<16384xf32, #tpu.memory_space<vmem_shared>>
        %dma_start3A_974 = arith.constant 0 : i32
        %dma_start3A_975 = tpu.memref_slice %arg2[%run_scoped3A_968, %dma_start3A_974] : memref<26x16384xf32, #tpu.memory_space<hbm>> -> memref<1x16384xf32, #tpu.memory_space<hbm>>
        %dma_start3A_976 = tpu.memref_squeeze %dma_start3A_975 : memref<1x16384xf32, #tpu.memory_space<hbm>> -> memref<16384xf32, #tpu.memory_space<hbm>>
        tpu.enqueue_dma source(%dma_start3A_976 : memref<16384xf32, #tpu.memory_space<hbm>>) target(%dma_start3A_973 : memref<16384xf32, #tpu.memory_space<vmem_shared>>) target_semaphore(%run_scoped3A_970 : memref<!tpu.dma_semaphore, #tpu.memory_space<semaphore_mem>>)
        %dma_wait3A_977 = arith.constant 0 : i32
        %dma_wait3A_978 = tpu.memref_slice %arg7[%run_scoped3A_969, %dma_wait3A_977] : memref<2x16384xf32, #tpu.memory_space<vmem_shared>> -> memref<1x16384xf32, #tpu.memory_space<vmem_shared>>
        %dma_wait3A_979 = tpu.memref_squeeze %dma_wait3A_978 : memref<1x16384xf32, #tpu.memory_space<vmem_shared>> -> memref<16384xf32, #tpu.memory_space<vmem_shared>>
        %dma_wait3A_980 = arith.constant 0 : i32
        %dma_wait3A_981 = tpu.memref_slice %arg2[%run_scoped3A_968, %dma_wait3A_980] : memref<26x16384xf32, #tpu.memory_space<hbm>> -> memref<1x16384xf32, #tpu.memory_space<hbm>>
        %dma_wait3A_982 = tpu.memref_squeeze %dma_wait3A_981 : memref<1x16384xf32, #tpu.memory_space<hbm>> -> memref<16384xf32, #tpu.memory_space<hbm>>
        tpu.wait_dma2 semaphore(%run_scoped3A_970 : memref<!tpu.dma_semaphore, #tpu.memory_space<semaphore_mem>>) src(%dma_wait3A_982 : memref<16384xf32, #tpu.memory_space<hbm>>) dst(%dma_wait3A_979 : memref<16384xf32, #tpu.memory_space<vmem_shared>>)
        tpu.yield
      }) : () -> ()
    } else {
    }
    %dma_start3A_434 = arith.constant 12 : i32
    %dma_start3A_435 = arith.constant 0 : i32
    %dma_start3A_436 = tpu.memref_slice %arg3[%dma_start3A_434, %add3A, %dma_start3A_435] : memref<26x32x100000xf32, #tpu.memory_space<hbm>> -> memref<1x1x100000xf32, #tpu.memory_space<hbm>>
    %dma_start3A_437 = tpu.memref_squeeze %dma_start3A_436 : memref<1x1x100000xf32, #tpu.memory_space<hbm>> -> memref<100000xf32, #tpu.memory_space<hbm>>
    %dma_start3A_438 = arith.constant 0 : i32
    %dma_start3A_439 = tpu.memref_slice %arg3[%dma_start3A_434, %add3A, %dma_start3A_438] : memref<26x32x100000xf32, #tpu.memory_space<hbm>> -> memref<1x1x100000xf32, #tpu.memory_space<hbm>>
    %dma_start3A_440 = tpu.memref_squeeze %dma_start3A_439 : memref<1x1x100000xf32, #tpu.memory_space<hbm>> -> memref<100000xf32, #tpu.memory_space<hbm>>
    tpu.enqueue_dma source(%dma_start3A_440 : memref<100000xf32, #tpu.memory_space<hbm>>) target(%arg5 : memref<100000xf32, #tpu.memory_space<vmem>>) target_semaphore(%arg9 : memref<!tpu.dma_semaphore, #tpu.memory_space<semaphore_mem>>)
    %dma_wait3A_441 = arith.constant 11 : i32
    %dma_wait3A_442 = arith.constant 0 : i32
    %dma_wait3A_443 = tpu.memref_slice %arg4[%dma_wait3A_441, %add3A, %dma_wait3A_442] : memref<26x32x16384xf32, #tpu.memory_space<hbm>> -> memref<1x1x16384xf32, #tpu.memory_space<hbm>>
    %dma_wait3A_444 = tpu.memref_squeeze %dma_wait3A_443 : memref<1x1x16384xf32, #tpu.memory_space<hbm>> -> memref<16384xf32, #tpu.memory_space<hbm>>
    %dma_wait3A_445 = arith.constant 0 : i32
    %dma_wait3A_446 = tpu.memref_slice %arg4[%dma_wait3A_441, %add3A, %dma_wait3A_445] : memref<26x32x16384xf32, #tpu.memory_space<hbm>> -> memref<1x1x16384xf32, #tpu.memory_space<hbm>>
    %dma_wait3A_447 = tpu.memref_squeeze %dma_wait3A_446 : memref<1x1x16384xf32, #tpu.memory_space<hbm>> -> memref<16384xf32, #tpu.memory_space<hbm>>
    tpu.wait_dma2 semaphore(%arg8 : memref<!tpu.dma_semaphore, #tpu.memory_space<semaphore_mem>>) src(%arg6 : memref<16384xf32, #tpu.memory_space<vmem>>) dst(%dma_wait3A_447 : memref<16384xf32, #tpu.memory_space<hbm>>)
    %barrier3A_448 = arith.constant 0 : index
    tpu.barrier barrier_id(%barrier3A_448)
    %run_scoped3A_449 = arith.constant 0 : i32
    "tpu.region"() ({
      %run_scoped3A_968 = tpu.sem_alloc : memref<!tpu.dma_semaphore, #tpu.memory_space<semaphore_mem>>
      %dma_start3A_969 = arith.constant 0 : i32
      %dma_start3A_970 = tpu.memref_slice %arg7[%run_scoped3A_449, %dma_start3A_969] : memref<2x16384xf32, #tpu.memory_space<vmem_shared>> -> memref<1x16384xf32, #tpu.memory_space<vmem_shared>>
      %dma_start3A_971 = tpu.memref_squeeze %dma_start3A_970 : memref<1x16384xf32, #tpu.memory_space<vmem_shared>> -> memref<16384xf32, #tpu.memory_space<vmem_shared>>
      %dma_start3A_972 = arith.constant 0 : i32
      %dma_start3A_973 = tpu.memref_slice %arg7[%run_scoped3A_449, %dma_start3A_972] : memref<2x16384xf32, #tpu.memory_space<vmem_shared>> -> memref<1x16384xf32, #tpu.memory_space<vmem_shared>>
      %dma_start3A_974 = tpu.memref_squeeze %dma_start3A_973 : memref<1x16384xf32, #tpu.memory_space<vmem_shared>> -> memref<16384xf32, #tpu.memory_space<vmem_shared>>
      tpu.enqueue_dma source(%dma_start3A_974 : memref<16384xf32, #tpu.memory_space<vmem_shared>>) target(%arg6 : memref<16384xf32, #tpu.memory_space<vmem>>) target_semaphore(%run_scoped3A_968 : memref<!tpu.dma_semaphore, #tpu.memory_space<semaphore_mem>>)
      %dma_wait3A_975 = arith.constant 0 : i32
      %dma_wait3A_976 = tpu.memref_slice %arg7[%run_scoped3A_449, %dma_wait3A_975] : memref<2x16384xf32, #tpu.memory_space<vmem_shared>> -> memref<1x16384xf32, #tpu.memory_space<vmem_shared>>
      %dma_wait3A_977 = tpu.memref_squeeze %dma_wait3A_976 : memref<1x16384xf32, #tpu.memory_space<vmem_shared>> -> memref<16384xf32, #tpu.memory_space<vmem_shared>>
      %dma_wait3A_978 = arith.constant 0 : i32
      %dma_wait3A_979 = tpu.memref_slice %arg7[%run_scoped3A_449, %dma_wait3A_978] : memref<2x16384xf32, #tpu.memory_space<vmem_shared>> -> memref<1x16384xf32, #tpu.memory_space<vmem_shared>>
      %dma_wait3A_980 = tpu.memref_squeeze %dma_wait3A_979 : memref<1x16384xf32, #tpu.memory_space<vmem_shared>> -> memref<16384xf32, #tpu.memory_space<vmem_shared>>
      tpu.wait_dma2 semaphore(%run_scoped3A_968 : memref<!tpu.dma_semaphore, #tpu.memory_space<semaphore_mem>>) src(%dma_wait3A_980 : memref<16384xf32, #tpu.memory_space<vmem_shared>>) dst(%arg6 : memref<16384xf32, #tpu.memory_space<vmem>>)
      tpu.yield
    }) : () -> ()
    %dma_wait3A_450 = arith.constant 12 : i32
    %dma_wait3A_451 = arith.constant 0 : i32
    %dma_wait3A_452 = tpu.memref_slice %arg3[%dma_wait3A_450, %add3A, %dma_wait3A_451] : memref<26x32x100000xf32, #tpu.memory_space<hbm>> -> memref<1x1x100000xf32, #tpu.memory_space<hbm>>
    %dma_wait3A_453 = tpu.memref_squeeze %dma_wait3A_452 : memref<1x1x100000xf32, #tpu.memory_space<hbm>> -> memref<100000xf32, #tpu.memory_space<hbm>>
    %dma_wait3A_454 = arith.constant 0 : i32
    %dma_wait3A_455 = tpu.memref_slice %arg3[%dma_wait3A_450, %add3A, %dma_wait3A_454] : memref<26x32x100000xf32, #tpu.memory_space<hbm>> -> memref<1x1x100000xf32, #tpu.memory_space<hbm>>
    %dma_wait3A_456 = tpu.memref_squeeze %dma_wait3A_455 : memref<1x1x100000xf32, #tpu.memory_space<hbm>> -> memref<100000xf32, #tpu.memory_space<hbm>>
    tpu.wait_dma2 semaphore(%arg9 : memref<!tpu.dma_semaphore, #tpu.memory_space<semaphore_mem>>) src(%dma_wait3A_456 : memref<100000xf32, #tpu.memory_space<hbm>>) dst(%arg5 : memref<100000xf32, #tpu.memory_space<vmem>>)
    %parallel_loop3A_457 = arith.constant 0 : i32
    %parallel_loop3A_458 = arith.constant 1024 : i32
    %parallel_loop3A_459 = arith.constant 1 : i32
    scf.for %parallel_loop3A_968 = %parallel_loop3A_457 to %parallel_loop3A_458 step %parallel_loop3A_459  : i32 {
      %parallel_loop3A_969 = arith.constant 16 : i32
      %parallel_loop3A_970 = arith.muli %parallel_loop3A_968, %parallel_loop3A_969 : i32
      %parallel_loop3A_971 = arith.index_cast %parallel_loop3A_970 : i32 to index
      %parallel_loop3A_972 = tpu.vector_load %arg6[%parallel_loop3A_971] {strides = array<i32>} : memref<16384xf32, #tpu.memory_space<vmem>>, vector<16xf32>,
      %parallel_loop3A_973 = vector.bitcast %parallel_loop3A_972 : vector<16xf32> to vector<16xi32>
      %parallel_loop3A_974 = tpu.vector_load_idx %arg5[%parallel_loop3A_973] : memref<100000xf32, #tpu.memory_space<vmem>>[vector<16xi32>], vector<16xf32>,
      %parallel_loop3A_975 = arith.index_cast %parallel_loop3A_970 : i32 to index
      %parallel_loop3A_976 = tpu.vector_load %arg6[%parallel_loop3A_975] {strides = array<i32>} : memref<16384xf32, #tpu.memory_space<vmem>>, vector<16xf32>,
      tpu.vector_store %arg6[%parallel_loop3A_975], %parallel_loop3A_974 {strides = array<i32>} : memref<16384xf32, #tpu.memory_space<vmem>>, vector<16xf32>,
    } {sc.loop_unroll_factor = 16 : i64, sc.parallel_access}
    %dma_start3A_460 = arith.constant 12 : i32
    %dma_start3A_461 = arith.constant 0 : i32
    %dma_start3A_462 = tpu.memref_slice %arg4[%dma_start3A_460, %add3A, %dma_start3A_461] : memref<26x32x16384xf32, #tpu.memory_space<hbm>> -> memref<1x1x16384xf32, #tpu.memory_space<hbm>>
    %dma_start3A_463 = tpu.memref_squeeze %dma_start3A_462 : memref<1x1x16384xf32, #tpu.memory_space<hbm>> -> memref<16384xf32, #tpu.memory_space<hbm>>
    %dma_start3A_464 = arith.constant 0 : i32
    %dma_start3A_465 = tpu.memref_slice %arg4[%dma_start3A_460, %add3A, %dma_start3A_464] : memref<26x32x16384xf32, #tpu.memory_space<hbm>> -> memref<1x1x16384xf32, #tpu.memory_space<hbm>>
    %dma_start3A_466 = tpu.memref_squeeze %dma_start3A_465 : memref<1x1x16384xf32, #tpu.memory_space<hbm>> -> memref<16384xf32, #tpu.memory_space<hbm>>
    tpu.enqueue_dma source(%arg6 : memref<16384xf32, #tpu.memory_space<vmem>>) target(%dma_start3A_466 : memref<16384xf32, #tpu.memory_space<hbm>>) target_semaphore(%arg8 : memref<!tpu.dma_semaphore, #tpu.memory_space<semaphore_mem>>)
    %eq3A_467 = arith.constant 13 : i32
    %eq3A_468 = arith.cmpi eq, %arg1, %eq3A_467 : i32
    %convert_element_type3A_469 = arith.extui %eq3A_468 : i1 to i32
    %cond3A_470 = arith.constant 0 : i32
    %cond3A_471 = arith.cmpi ne, %convert_element_type3A_469, %cond3A_470 : i32
    scf.if %cond3A_471 {
      %run_scoped3A_968 = arith.constant 13 : i32
      %run_scoped3A_969 = arith.constant 1 : i32
      "tpu.region"() ({
        %run_scoped3A_970 = tpu.sem_alloc : memref<!tpu.dma_semaphore, #tpu.memory_space<semaphore_mem>>
        %dma_start3A_971 = arith.constant 0 : i32
        %dma_start3A_972 = tpu.memref_slice %arg7[%run_scoped3A_969, %dma_start3A_971] : memref<2x16384xf32, #tpu.memory_space<vmem_shared>> -> memref<1x16384xf32, #tpu.memory_space<vmem_shared>>
        %dma_start3A_973 = tpu.memref_squeeze %dma_start3A_972 : memref<1x16384xf32, #tpu.memory_space<vmem_shared>> -> memref<16384xf32, #tpu.memory_space<vmem_shared>>
        %dma_start3A_974 = arith.constant 0 : i32
        %dma_start3A_975 = tpu.memref_slice %arg2[%run_scoped3A_968, %dma_start3A_974] : memref<26x16384xf32, #tpu.memory_space<hbm>> -> memref<1x16384xf32, #tpu.memory_space<hbm>>
        %dma_start3A_976 = tpu.memref_squeeze %dma_start3A_975 : memref<1x16384xf32, #tpu.memory_space<hbm>> -> memref<16384xf32, #tpu.memory_space<hbm>>
        tpu.enqueue_dma source(%dma_start3A_976 : memref<16384xf32, #tpu.memory_space<hbm>>) target(%dma_start3A_973 : memref<16384xf32, #tpu.memory_space<vmem_shared>>) target_semaphore(%run_scoped3A_970 : memref<!tpu.dma_semaphore, #tpu.memory_space<semaphore_mem>>)
        %dma_wait3A_977 = arith.constant 0 : i32
        %dma_wait3A_978 = tpu.memref_slice %arg7[%run_scoped3A_969, %dma_wait3A_977] : memref<2x16384xf32, #tpu.memory_space<vmem_shared>> -> memref<1x16384xf32, #tpu.memory_space<vmem_shared>>
        %dma_wait3A_979 = tpu.memref_squeeze %dma_wait3A_978 : memref<1x16384xf32, #tpu.memory_space<vmem_shared>> -> memref<16384xf32, #tpu.memory_space<vmem_shared>>
        %dma_wait3A_980 = arith.constant 0 : i32
        %dma_wait3A_981 = tpu.memref_slice %arg2[%run_scoped3A_968, %dma_wait3A_980] : memref<26x16384xf32, #tpu.memory_space<hbm>> -> memref<1x16384xf32, #tpu.memory_space<hbm>>
        %dma_wait3A_982 = tpu.memref_squeeze %dma_wait3A_981 : memref<1x16384xf32, #tpu.memory_space<hbm>> -> memref<16384xf32, #tpu.memory_space<hbm>>
        tpu.wait_dma2 semaphore(%run_scoped3A_970 : memref<!tpu.dma_semaphore, #tpu.memory_space<semaphore_mem>>) src(%dma_wait3A_982 : memref<16384xf32, #tpu.memory_space<hbm>>) dst(%dma_wait3A_979 : memref<16384xf32, #tpu.memory_space<vmem_shared>>)
        tpu.yield
      }) : () -> ()
    } else {
    }
    %dma_start3A_472 = arith.constant 13 : i32
    %dma_start3A_473 = arith.constant 0 : i32
    %dma_start3A_474 = tpu.memref_slice %arg3[%dma_start3A_472, %add3A, %dma_start3A_473] : memref<26x32x100000xf32, #tpu.memory_space<hbm>> -> memref<1x1x100000xf32, #tpu.memory_space<hbm>>
    %dma_start3A_475 = tpu.memref_squeeze %dma_start3A_474 : memref<1x1x100000xf32, #tpu.memory_space<hbm>> -> memref<100000xf32, #tpu.memory_space<hbm>>
    %dma_start3A_476 = arith.constant 0 : i32
    %dma_start3A_477 = tpu.memref_slice %arg3[%dma_start3A_472, %add3A, %dma_start3A_476] : memref<26x32x100000xf32, #tpu.memory_space<hbm>> -> memref<1x1x100000xf32, #tpu.memory_space<hbm>>
    %dma_start3A_478 = tpu.memref_squeeze %dma_start3A_477 : memref<1x1x100000xf32, #tpu.memory_space<hbm>> -> memref<100000xf32, #tpu.memory_space<hbm>>
    tpu.enqueue_dma source(%dma_start3A_478 : memref<100000xf32, #tpu.memory_space<hbm>>) target(%arg5 : memref<100000xf32, #tpu.memory_space<vmem>>) target_semaphore(%arg9 : memref<!tpu.dma_semaphore, #tpu.memory_space<semaphore_mem>>)
    %dma_wait3A_479 = arith.constant 12 : i32
    %dma_wait3A_480 = arith.constant 0 : i32
    %dma_wait3A_481 = tpu.memref_slice %arg4[%dma_wait3A_479, %add3A, %dma_wait3A_480] : memref<26x32x16384xf32, #tpu.memory_space<hbm>> -> memref<1x1x16384xf32, #tpu.memory_space<hbm>>
    %dma_wait3A_482 = tpu.memref_squeeze %dma_wait3A_481 : memref<1x1x16384xf32, #tpu.memory_space<hbm>> -> memref<16384xf32, #tpu.memory_space<hbm>>
    %dma_wait3A_483 = arith.constant 0 : i32
    %dma_wait3A_484 = tpu.memref_slice %arg4[%dma_wait3A_479, %add3A, %dma_wait3A_483] : memref<26x32x16384xf32, #tpu.memory_space<hbm>> -> memref<1x1x16384xf32, #tpu.memory_space<hbm>>
    %dma_wait3A_485 = tpu.memref_squeeze %dma_wait3A_484 : memref<1x1x16384xf32, #tpu.memory_space<hbm>> -> memref<16384xf32, #tpu.memory_space<hbm>>
    tpu.wait_dma2 semaphore(%arg8 : memref<!tpu.dma_semaphore, #tpu.memory_space<semaphore_mem>>) src(%arg6 : memref<16384xf32, #tpu.memory_space<vmem>>) dst(%dma_wait3A_485 : memref<16384xf32, #tpu.memory_space<hbm>>)
    %barrier3A_486 = arith.constant 0 : index
    tpu.barrier barrier_id(%barrier3A_486)
    %run_scoped3A_487 = arith.constant 1 : i32
    "tpu.region"() ({
      %run_scoped3A_968 = tpu.sem_alloc : memref<!tpu.dma_semaphore, #tpu.memory_space<semaphore_mem>>
      %dma_start3A_969 = arith.constant 0 : i32
      %dma_start3A_970 = tpu.memref_slice %arg7[%run_scoped3A_487, %dma_start3A_969] : memref<2x16384xf32, #tpu.memory_space<vmem_shared>> -> memref<1x16384xf32, #tpu.memory_space<vmem_shared>>
      %dma_start3A_971 = tpu.memref_squeeze %dma_start3A_970 : memref<1x16384xf32, #tpu.memory_space<vmem_shared>> -> memref<16384xf32, #tpu.memory_space<vmem_shared>>
      %dma_start3A_972 = arith.constant 0 : i32
      %dma_start3A_973 = tpu.memref_slice %arg7[%run_scoped3A_487, %dma_start3A_972] : memref<2x16384xf32, #tpu.memory_space<vmem_shared>> -> memref<1x16384xf32, #tpu.memory_space<vmem_shared>>
      %dma_start3A_974 = tpu.memref_squeeze %dma_start3A_973 : memref<1x16384xf32, #tpu.memory_space<vmem_shared>> -> memref<16384xf32, #tpu.memory_space<vmem_shared>>
      tpu.enqueue_dma source(%dma_start3A_974 : memref<16384xf32, #tpu.memory_space<vmem_shared>>) target(%arg6 : memref<16384xf32, #tpu.memory_space<vmem>>) target_semaphore(%run_scoped3A_968 : memref<!tpu.dma_semaphore, #tpu.memory_space<semaphore_mem>>)
      %dma_wait3A_975 = arith.constant 0 : i32
      %dma_wait3A_976 = tpu.memref_slice %arg7[%run_scoped3A_487, %dma_wait3A_975] : memref<2x16384xf32, #tpu.memory_space<vmem_shared>> -> memref<1x16384xf32, #tpu.memory_space<vmem_shared>>
      %dma_wait3A_977 = tpu.memref_squeeze %dma_wait3A_976 : memref<1x16384xf32, #tpu.memory_space<vmem_shared>> -> memref<16384xf32, #tpu.memory_space<vmem_shared>>
      %dma_wait3A_978 = arith.constant 0 : i32
      %dma_wait3A_979 = tpu.memref_slice %arg7[%run_scoped3A_487, %dma_wait3A_978] : memref<2x16384xf32, #tpu.memory_space<vmem_shared>> -> memref<1x16384xf32, #tpu.memory_space<vmem_shared>>
      %dma_wait3A_980 = tpu.memref_squeeze %dma_wait3A_979 : memref<1x16384xf32, #tpu.memory_space<vmem_shared>> -> memref<16384xf32, #tpu.memory_space<vmem_shared>>
      tpu.wait_dma2 semaphore(%run_scoped3A_968 : memref<!tpu.dma_semaphore, #tpu.memory_space<semaphore_mem>>) src(%dma_wait3A_980 : memref<16384xf32, #tpu.memory_space<vmem_shared>>) dst(%arg6 : memref<16384xf32, #tpu.memory_space<vmem>>)
      tpu.yield
    }) : () -> ()
    %dma_wait3A_488 = arith.constant 13 : i32
    %dma_wait3A_489 = arith.constant 0 : i32
    %dma_wait3A_490 = tpu.memref_slice %arg3[%dma_wait3A_488, %add3A, %dma_wait3A_489] : memref<26x32x100000xf32, #tpu.memory_space<hbm>> -> memref<1x1x100000xf32, #tpu.memory_space<hbm>>
    %dma_wait3A_491 = tpu.memref_squeeze %dma_wait3A_490 : memref<1x1x100000xf32, #tpu.memory_space<hbm>> -> memref<100000xf32, #tpu.memory_space<hbm>>
    %dma_wait3A_492 = arith.constant 0 : i32
    %dma_wait3A_493 = tpu.memref_slice %arg3[%dma_wait3A_488, %add3A, %dma_wait3A_492] : memref<26x32x100000xf32, #tpu.memory_space<hbm>> -> memref<1x1x100000xf32, #tpu.memory_space<hbm>>
    %dma_wait3A_494 = tpu.memref_squeeze %dma_wait3A_493 : memref<1x1x100000xf32, #tpu.memory_space<hbm>> -> memref<100000xf32, #tpu.memory_space<hbm>>
    tpu.wait_dma2 semaphore(%arg9 : memref<!tpu.dma_semaphore, #tpu.memory_space<semaphore_mem>>) src(%dma_wait3A_494 : memref<100000xf32, #tpu.memory_space<hbm>>) dst(%arg5 : memref<100000xf32, #tpu.memory_space<vmem>>)
    %parallel_loop3A_495 = arith.constant 0 : i32
    %parallel_loop3A_496 = arith.constant 1024 : i32
    %parallel_loop3A_497 = arith.constant 1 : i32
    scf.for %parallel_loop3A_968 = %parallel_loop3A_495 to %parallel_loop3A_496 step %parallel_loop3A_497  : i32 {
      %parallel_loop3A_969 = arith.constant 16 : i32
      %parallel_loop3A_970 = arith.muli %parallel_loop3A_968, %parallel_loop3A_969 : i32
      %parallel_loop3A_971 = arith.index_cast %parallel_loop3A_970 : i32 to index
      %parallel_loop3A_972 = tpu.vector_load %arg6[%parallel_loop3A_971] {strides = array<i32>} : memref<16384xf32, #tpu.memory_space<vmem>>, vector<16xf32>,
      %parallel_loop3A_973 = vector.bitcast %parallel_loop3A_972 : vector<16xf32> to vector<16xi32>
      %parallel_loop3A_974 = tpu.vector_load_idx %arg5[%parallel_loop3A_973] : memref<100000xf32, #tpu.memory_space<vmem>>[vector<16xi32>], vector<16xf32>,
      %parallel_loop3A_975 = arith.index_cast %parallel_loop3A_970 : i32 to index
      %parallel_loop3A_976 = tpu.vector_load %arg6[%parallel_loop3A_975] {strides = array<i32>} : memref<16384xf32, #tpu.memory_space<vmem>>, vector<16xf32>,
      tpu.vector_store %arg6[%parallel_loop3A_975], %parallel_loop3A_974 {strides = array<i32>} : memref<16384xf32, #tpu.memory_space<vmem>>, vector<16xf32>,
    } {sc.loop_unroll_factor = 16 : i64, sc.parallel_access}
    %dma_start3A_498 = arith.constant 13 : i32
    %dma_start3A_499 = arith.constant 0 : i32
    %dma_start3A_500 = tpu.memref_slice %arg4[%dma_start3A_498, %add3A, %dma_start3A_499] : memref<26x32x16384xf32, #tpu.memory_space<hbm>> -> memref<1x1x16384xf32, #tpu.memory_space<hbm>>
    %dma_start3A_501 = tpu.memref_squeeze %dma_start3A_500 : memref<1x1x16384xf32, #tpu.memory_space<hbm>> -> memref<16384xf32, #tpu.memory_space<hbm>>
    %dma_start3A_502 = arith.constant 0 : i32
    %dma_start3A_503 = tpu.memref_slice %arg4[%dma_start3A_498, %add3A, %dma_start3A_502] : memref<26x32x16384xf32, #tpu.memory_space<hbm>> -> memref<1x1x16384xf32, #tpu.memory_space<hbm>>
    %dma_start3A_504 = tpu.memref_squeeze %dma_start3A_503 : memref<1x1x16384xf32, #tpu.memory_space<hbm>> -> memref<16384xf32, #tpu.memory_space<hbm>>
    tpu.enqueue_dma source(%arg6 : memref<16384xf32, #tpu.memory_space<vmem>>) target(%dma_start3A_504 : memref<16384xf32, #tpu.memory_space<hbm>>) target_semaphore(%arg8 : memref<!tpu.dma_semaphore, #tpu.memory_space<semaphore_mem>>)
    %eq3A_505 = arith.constant 14 : i32
    %eq3A_506 = arith.cmpi eq, %arg1, %eq3A_505 : i32
    %convert_element_type3A_507 = arith.extui %eq3A_506 : i1 to i32
    %cond3A_508 = arith.constant 0 : i32
    %cond3A_509 = arith.cmpi ne, %convert_element_type3A_507, %cond3A_508 : i32
    scf.if %cond3A_509 {
      %run_scoped3A_968 = arith.constant 14 : i32
      %run_scoped3A_969 = arith.constant 0 : i32
      "tpu.region"() ({
        %run_scoped3A_970 = tpu.sem_alloc : memref<!tpu.dma_semaphore, #tpu.memory_space<semaphore_mem>>
        %dma_start3A_971 = arith.constant 0 : i32
        %dma_start3A_972 = tpu.memref_slice %arg7[%run_scoped3A_969, %dma_start3A_971] : memref<2x16384xf32, #tpu.memory_space<vmem_shared>> -> memref<1x16384xf32, #tpu.memory_space<vmem_shared>>
        %dma_start3A_973 = tpu.memref_squeeze %dma_start3A_972 : memref<1x16384xf32, #tpu.memory_space<vmem_shared>> -> memref<16384xf32, #tpu.memory_space<vmem_shared>>
        %dma_start3A_974 = arith.constant 0 : i32
        %dma_start3A_975 = tpu.memref_slice %arg2[%run_scoped3A_968, %dma_start3A_974] : memref<26x16384xf32, #tpu.memory_space<hbm>> -> memref<1x16384xf32, #tpu.memory_space<hbm>>
        %dma_start3A_976 = tpu.memref_squeeze %dma_start3A_975 : memref<1x16384xf32, #tpu.memory_space<hbm>> -> memref<16384xf32, #tpu.memory_space<hbm>>
        tpu.enqueue_dma source(%dma_start3A_976 : memref<16384xf32, #tpu.memory_space<hbm>>) target(%dma_start3A_973 : memref<16384xf32, #tpu.memory_space<vmem_shared>>) target_semaphore(%run_scoped3A_970 : memref<!tpu.dma_semaphore, #tpu.memory_space<semaphore_mem>>)
        %dma_wait3A_977 = arith.constant 0 : i32
        %dma_wait3A_978 = tpu.memref_slice %arg7[%run_scoped3A_969, %dma_wait3A_977] : memref<2x16384xf32, #tpu.memory_space<vmem_shared>> -> memref<1x16384xf32, #tpu.memory_space<vmem_shared>>
        %dma_wait3A_979 = tpu.memref_squeeze %dma_wait3A_978 : memref<1x16384xf32, #tpu.memory_space<vmem_shared>> -> memref<16384xf32, #tpu.memory_space<vmem_shared>>
        %dma_wait3A_980 = arith.constant 0 : i32
        %dma_wait3A_981 = tpu.memref_slice %arg2[%run_scoped3A_968, %dma_wait3A_980] : memref<26x16384xf32, #tpu.memory_space<hbm>> -> memref<1x16384xf32, #tpu.memory_space<hbm>>
        %dma_wait3A_982 = tpu.memref_squeeze %dma_wait3A_981 : memref<1x16384xf32, #tpu.memory_space<hbm>> -> memref<16384xf32, #tpu.memory_space<hbm>>
        tpu.wait_dma2 semaphore(%run_scoped3A_970 : memref<!tpu.dma_semaphore, #tpu.memory_space<semaphore_mem>>) src(%dma_wait3A_982 : memref<16384xf32, #tpu.memory_space<hbm>>) dst(%dma_wait3A_979 : memref<16384xf32, #tpu.memory_space<vmem_shared>>)
        tpu.yield
      }) : () -> ()
    } else {
    }
    %dma_start3A_510 = arith.constant 14 : i32
    %dma_start3A_511 = arith.constant 0 : i32
    %dma_start3A_512 = tpu.memref_slice %arg3[%dma_start3A_510, %add3A, %dma_start3A_511] : memref<26x32x100000xf32, #tpu.memory_space<hbm>> -> memref<1x1x100000xf32, #tpu.memory_space<hbm>>
    %dma_start3A_513 = tpu.memref_squeeze %dma_start3A_512 : memref<1x1x100000xf32, #tpu.memory_space<hbm>> -> memref<100000xf32, #tpu.memory_space<hbm>>
    %dma_start3A_514 = arith.constant 0 : i32
    %dma_start3A_515 = tpu.memref_slice %arg3[%dma_start3A_510, %add3A, %dma_start3A_514] : memref<26x32x100000xf32, #tpu.memory_space<hbm>> -> memref<1x1x100000xf32, #tpu.memory_space<hbm>>
    %dma_start3A_516 = tpu.memref_squeeze %dma_start3A_515 : memref<1x1x100000xf32, #tpu.memory_space<hbm>> -> memref<100000xf32, #tpu.memory_space<hbm>>
    tpu.enqueue_dma source(%dma_start3A_516 : memref<100000xf32, #tpu.memory_space<hbm>>) target(%arg5 : memref<100000xf32, #tpu.memory_space<vmem>>) target_semaphore(%arg9 : memref<!tpu.dma_semaphore, #tpu.memory_space<semaphore_mem>>)
    %dma_wait3A_517 = arith.constant 13 : i32
    %dma_wait3A_518 = arith.constant 0 : i32
    %dma_wait3A_519 = tpu.memref_slice %arg4[%dma_wait3A_517, %add3A, %dma_wait3A_518] : memref<26x32x16384xf32, #tpu.memory_space<hbm>> -> memref<1x1x16384xf32, #tpu.memory_space<hbm>>
    %dma_wait3A_520 = tpu.memref_squeeze %dma_wait3A_519 : memref<1x1x16384xf32, #tpu.memory_space<hbm>> -> memref<16384xf32, #tpu.memory_space<hbm>>
    %dma_wait3A_521 = arith.constant 0 : i32
    %dma_wait3A_522 = tpu.memref_slice %arg4[%dma_wait3A_517, %add3A, %dma_wait3A_521] : memref<26x32x16384xf32, #tpu.memory_space<hbm>> -> memref<1x1x16384xf32, #tpu.memory_space<hbm>>
    %dma_wait3A_523 = tpu.memref_squeeze %dma_wait3A_522 : memref<1x1x16384xf32, #tpu.memory_space<hbm>> -> memref<16384xf32, #tpu.memory_space<hbm>>
    tpu.wait_dma2 semaphore(%arg8 : memref<!tpu.dma_semaphore, #tpu.memory_space<semaphore_mem>>) src(%arg6 : memref<16384xf32, #tpu.memory_space<vmem>>) dst(%dma_wait3A_523 : memref<16384xf32, #tpu.memory_space<hbm>>)
    %barrier3A_524 = arith.constant 0 : index
    tpu.barrier barrier_id(%barrier3A_524)
    %run_scoped3A_525 = arith.constant 0 : i32
    "tpu.region"() ({
      %run_scoped3A_968 = tpu.sem_alloc : memref<!tpu.dma_semaphore, #tpu.memory_space<semaphore_mem>>
      %dma_start3A_969 = arith.constant 0 : i32
      %dma_start3A_970 = tpu.memref_slice %arg7[%run_scoped3A_525, %dma_start3A_969] : memref<2x16384xf32, #tpu.memory_space<vmem_shared>> -> memref<1x16384xf32, #tpu.memory_space<vmem_shared>>
      %dma_start3A_971 = tpu.memref_squeeze %dma_start3A_970 : memref<1x16384xf32, #tpu.memory_space<vmem_shared>> -> memref<16384xf32, #tpu.memory_space<vmem_shared>>
      %dma_start3A_972 = arith.constant 0 : i32
      %dma_start3A_973 = tpu.memref_slice %arg7[%run_scoped3A_525, %dma_start3A_972] : memref<2x16384xf32, #tpu.memory_space<vmem_shared>> -> memref<1x16384xf32, #tpu.memory_space<vmem_shared>>
      %dma_start3A_974 = tpu.memref_squeeze %dma_start3A_973 : memref<1x16384xf32, #tpu.memory_space<vmem_shared>> -> memref<16384xf32, #tpu.memory_space<vmem_shared>>
      tpu.enqueue_dma source(%dma_start3A_974 : memref<16384xf32, #tpu.memory_space<vmem_shared>>) target(%arg6 : memref<16384xf32, #tpu.memory_space<vmem>>) target_semaphore(%run_scoped3A_968 : memref<!tpu.dma_semaphore, #tpu.memory_space<semaphore_mem>>)
      %dma_wait3A_975 = arith.constant 0 : i32
      %dma_wait3A_976 = tpu.memref_slice %arg7[%run_scoped3A_525, %dma_wait3A_975] : memref<2x16384xf32, #tpu.memory_space<vmem_shared>> -> memref<1x16384xf32, #tpu.memory_space<vmem_shared>>
      %dma_wait3A_977 = tpu.memref_squeeze %dma_wait3A_976 : memref<1x16384xf32, #tpu.memory_space<vmem_shared>> -> memref<16384xf32, #tpu.memory_space<vmem_shared>>
      %dma_wait3A_978 = arith.constant 0 : i32
      %dma_wait3A_979 = tpu.memref_slice %arg7[%run_scoped3A_525, %dma_wait3A_978] : memref<2x16384xf32, #tpu.memory_space<vmem_shared>> -> memref<1x16384xf32, #tpu.memory_space<vmem_shared>>
      %dma_wait3A_980 = tpu.memref_squeeze %dma_wait3A_979 : memref<1x16384xf32, #tpu.memory_space<vmem_shared>> -> memref<16384xf32, #tpu.memory_space<vmem_shared>>
      tpu.wait_dma2 semaphore(%run_scoped3A_968 : memref<!tpu.dma_semaphore, #tpu.memory_space<semaphore_mem>>) src(%dma_wait3A_980 : memref<16384xf32, #tpu.memory_space<vmem_shared>>) dst(%arg6 : memref<16384xf32, #tpu.memory_space<vmem>>)
      tpu.yield
    }) : () -> ()
    %dma_wait3A_526 = arith.constant 14 : i32
    %dma_wait3A_527 = arith.constant 0 : i32
    %dma_wait3A_528 = tpu.memref_slice %arg3[%dma_wait3A_526, %add3A, %dma_wait3A_527] : memref<26x32x100000xf32, #tpu.memory_space<hbm>> -> memref<1x1x100000xf32, #tpu.memory_space<hbm>>
    %dma_wait3A_529 = tpu.memref_squeeze %dma_wait3A_528 : memref<1x1x100000xf32, #tpu.memory_space<hbm>> -> memref<100000xf32, #tpu.memory_space<hbm>>
    %dma_wait3A_530 = arith.constant 0 : i32
    %dma_wait3A_531 = tpu.memref_slice %arg3[%dma_wait3A_526, %add3A, %dma_wait3A_530] : memref<26x32x100000xf32, #tpu.memory_space<hbm>> -> memref<1x1x100000xf32, #tpu.memory_space<hbm>>
    %dma_wait3A_532 = tpu.memref_squeeze %dma_wait3A_531 : memref<1x1x100000xf32, #tpu.memory_space<hbm>> -> memref<100000xf32, #tpu.memory_space<hbm>>
    tpu.wait_dma2 semaphore(%arg9 : memref<!tpu.dma_semaphore, #tpu.memory_space<semaphore_mem>>) src(%dma_wait3A_532 : memref<100000xf32, #tpu.memory_space<hbm>>) dst(%arg5 : memref<100000xf32, #tpu.memory_space<vmem>>)
    %parallel_loop3A_533 = arith.constant 0 : i32
    %parallel_loop3A_534 = arith.constant 1024 : i32
    %parallel_loop3A_535 = arith.constant 1 : i32
    scf.for %parallel_loop3A_968 = %parallel_loop3A_533 to %parallel_loop3A_534 step %parallel_loop3A_535  : i32 {
      %parallel_loop3A_969 = arith.constant 16 : i32
      %parallel_loop3A_970 = arith.muli %parallel_loop3A_968, %parallel_loop3A_969 : i32
      %parallel_loop3A_971 = arith.index_cast %parallel_loop3A_970 : i32 to index
      %parallel_loop3A_972 = tpu.vector_load %arg6[%parallel_loop3A_971] {strides = array<i32>} : memref<16384xf32, #tpu.memory_space<vmem>>, vector<16xf32>,
      %parallel_loop3A_973 = vector.bitcast %parallel_loop3A_972 : vector<16xf32> to vector<16xi32>
      %parallel_loop3A_974 = tpu.vector_load_idx %arg5[%parallel_loop3A_973] : memref<100000xf32, #tpu.memory_space<vmem>>[vector<16xi32>], vector<16xf32>,
      %parallel_loop3A_975 = arith.index_cast %parallel_loop3A_970 : i32 to index
      %parallel_loop3A_976 = tpu.vector_load %arg6[%parallel_loop3A_975] {strides = array<i32>} : memref<16384xf32, #tpu.memory_space<vmem>>, vector<16xf32>,
      tpu.vector_store %arg6[%parallel_loop3A_975], %parallel_loop3A_974 {strides = array<i32>} : memref<16384xf32, #tpu.memory_space<vmem>>, vector<16xf32>,
    } {sc.loop_unroll_factor = 16 : i64, sc.parallel_access}
    %dma_start3A_536 = arith.constant 14 : i32
    %dma_start3A_537 = arith.constant 0 : i32
    %dma_start3A_538 = tpu.memref_slice %arg4[%dma_start3A_536, %add3A, %dma_start3A_537] : memref<26x32x16384xf32, #tpu.memory_space<hbm>> -> memref<1x1x16384xf32, #tpu.memory_space<hbm>>
    %dma_start3A_539 = tpu.memref_squeeze %dma_start3A_538 : memref<1x1x16384xf32, #tpu.memory_space<hbm>> -> memref<16384xf32, #tpu.memory_space<hbm>>
    %dma_start3A_540 = arith.constant 0 : i32
    %dma_start3A_541 = tpu.memref_slice %arg4[%dma_start3A_536, %add3A, %dma_start3A_540] : memref<26x32x16384xf32, #tpu.memory_space<hbm>> -> memref<1x1x16384xf32, #tpu.memory_space<hbm>>
    %dma_start3A_542 = tpu.memref_squeeze %dma_start3A_541 : memref<1x1x16384xf32, #tpu.memory_space<hbm>> -> memref<16384xf32, #tpu.memory_space<hbm>>
    tpu.enqueue_dma source(%arg6 : memref<16384xf32, #tpu.memory_space<vmem>>) target(%dma_start3A_542 : memref<16384xf32, #tpu.memory_space<hbm>>) target_semaphore(%arg8 : memref<!tpu.dma_semaphore, #tpu.memory_space<semaphore_mem>>)
    %eq3A_543 = arith.constant 15 : i32
    %eq3A_544 = arith.cmpi eq, %arg1, %eq3A_543 : i32
    %convert_element_type3A_545 = arith.extui %eq3A_544 : i1 to i32
    %cond3A_546 = arith.constant 0 : i32
    %cond3A_547 = arith.cmpi ne, %convert_element_type3A_545, %cond3A_546 : i32
    scf.if %cond3A_547 {
      %run_scoped3A_968 = arith.constant 15 : i32
      %run_scoped3A_969 = arith.constant 1 : i32
      "tpu.region"() ({
        %run_scoped3A_970 = tpu.sem_alloc : memref<!tpu.dma_semaphore, #tpu.memory_space<semaphore_mem>>
        %dma_start3A_971 = arith.constant 0 : i32
        %dma_start3A_972 = tpu.memref_slice %arg7[%run_scoped3A_969, %dma_start3A_971] : memref<2x16384xf32, #tpu.memory_space<vmem_shared>> -> memref<1x16384xf32, #tpu.memory_space<vmem_shared>>
        %dma_start3A_973 = tpu.memref_squeeze %dma_start3A_972 : memref<1x16384xf32, #tpu.memory_space<vmem_shared>> -> memref<16384xf32, #tpu.memory_space<vmem_shared>>
        %dma_start3A_974 = arith.constant 0 : i32
        %dma_start3A_975 = tpu.memref_slice %arg2[%run_scoped3A_968, %dma_start3A_974] : memref<26x16384xf32, #tpu.memory_space<hbm>> -> memref<1x16384xf32, #tpu.memory_space<hbm>>
        %dma_start3A_976 = tpu.memref_squeeze %dma_start3A_975 : memref<1x16384xf32, #tpu.memory_space<hbm>> -> memref<16384xf32, #tpu.memory_space<hbm>>
        tpu.enqueue_dma source(%dma_start3A_976 : memref<16384xf32, #tpu.memory_space<hbm>>) target(%dma_start3A_973 : memref<16384xf32, #tpu.memory_space<vmem_shared>>) target_semaphore(%run_scoped3A_970 : memref<!tpu.dma_semaphore, #tpu.memory_space<semaphore_mem>>)
        %dma_wait3A_977 = arith.constant 0 : i32
        %dma_wait3A_978 = tpu.memref_slice %arg7[%run_scoped3A_969, %dma_wait3A_977] : memref<2x16384xf32, #tpu.memory_space<vmem_shared>> -> memref<1x16384xf32, #tpu.memory_space<vmem_shared>>
        %dma_wait3A_979 = tpu.memref_squeeze %dma_wait3A_978 : memref<1x16384xf32, #tpu.memory_space<vmem_shared>> -> memref<16384xf32, #tpu.memory_space<vmem_shared>>
        %dma_wait3A_980 = arith.constant 0 : i32
        %dma_wait3A_981 = tpu.memref_slice %arg2[%run_scoped3A_968, %dma_wait3A_980] : memref<26x16384xf32, #tpu.memory_space<hbm>> -> memref<1x16384xf32, #tpu.memory_space<hbm>>
        %dma_wait3A_982 = tpu.memref_squeeze %dma_wait3A_981 : memref<1x16384xf32, #tpu.memory_space<hbm>> -> memref<16384xf32, #tpu.memory_space<hbm>>
        tpu.wait_dma2 semaphore(%run_scoped3A_970 : memref<!tpu.dma_semaphore, #tpu.memory_space<semaphore_mem>>) src(%dma_wait3A_982 : memref<16384xf32, #tpu.memory_space<hbm>>) dst(%dma_wait3A_979 : memref<16384xf32, #tpu.memory_space<vmem_shared>>)
        tpu.yield
      }) : () -> ()
    } else {
    }
    %dma_start3A_548 = arith.constant 15 : i32
    %dma_start3A_549 = arith.constant 0 : i32
    %dma_start3A_550 = tpu.memref_slice %arg3[%dma_start3A_548, %add3A, %dma_start3A_549] : memref<26x32x100000xf32, #tpu.memory_space<hbm>> -> memref<1x1x100000xf32, #tpu.memory_space<hbm>>
    %dma_start3A_551 = tpu.memref_squeeze %dma_start3A_550 : memref<1x1x100000xf32, #tpu.memory_space<hbm>> -> memref<100000xf32, #tpu.memory_space<hbm>>
    %dma_start3A_552 = arith.constant 0 : i32
    %dma_start3A_553 = tpu.memref_slice %arg3[%dma_start3A_548, %add3A, %dma_start3A_552] : memref<26x32x100000xf32, #tpu.memory_space<hbm>> -> memref<1x1x100000xf32, #tpu.memory_space<hbm>>
    %dma_start3A_554 = tpu.memref_squeeze %dma_start3A_553 : memref<1x1x100000xf32, #tpu.memory_space<hbm>> -> memref<100000xf32, #tpu.memory_space<hbm>>
    tpu.enqueue_dma source(%dma_start3A_554 : memref<100000xf32, #tpu.memory_space<hbm>>) target(%arg5 : memref<100000xf32, #tpu.memory_space<vmem>>) target_semaphore(%arg9 : memref<!tpu.dma_semaphore, #tpu.memory_space<semaphore_mem>>)
    %dma_wait3A_555 = arith.constant 14 : i32
    %dma_wait3A_556 = arith.constant 0 : i32
    %dma_wait3A_557 = tpu.memref_slice %arg4[%dma_wait3A_555, %add3A, %dma_wait3A_556] : memref<26x32x16384xf32, #tpu.memory_space<hbm>> -> memref<1x1x16384xf32, #tpu.memory_space<hbm>>
    %dma_wait3A_558 = tpu.memref_squeeze %dma_wait3A_557 : memref<1x1x16384xf32, #tpu.memory_space<hbm>> -> memref<16384xf32, #tpu.memory_space<hbm>>
    %dma_wait3A_559 = arith.constant 0 : i32
    %dma_wait3A_560 = tpu.memref_slice %arg4[%dma_wait3A_555, %add3A, %dma_wait3A_559] : memref<26x32x16384xf32, #tpu.memory_space<hbm>> -> memref<1x1x16384xf32, #tpu.memory_space<hbm>>
    %dma_wait3A_561 = tpu.memref_squeeze %dma_wait3A_560 : memref<1x1x16384xf32, #tpu.memory_space<hbm>> -> memref<16384xf32, #tpu.memory_space<hbm>>
    tpu.wait_dma2 semaphore(%arg8 : memref<!tpu.dma_semaphore, #tpu.memory_space<semaphore_mem>>) src(%arg6 : memref<16384xf32, #tpu.memory_space<vmem>>) dst(%dma_wait3A_561 : memref<16384xf32, #tpu.memory_space<hbm>>)
    %barrier3A_562 = arith.constant 0 : index
    tpu.barrier barrier_id(%barrier3A_562)
    %run_scoped3A_563 = arith.constant 1 : i32
    "tpu.region"() ({
      %run_scoped3A_968 = tpu.sem_alloc : memref<!tpu.dma_semaphore, #tpu.memory_space<semaphore_mem>>
      %dma_start3A_969 = arith.constant 0 : i32
      %dma_start3A_970 = tpu.memref_slice %arg7[%run_scoped3A_563, %dma_start3A_969] : memref<2x16384xf32, #tpu.memory_space<vmem_shared>> -> memref<1x16384xf32, #tpu.memory_space<vmem_shared>>
      %dma_start3A_971 = tpu.memref_squeeze %dma_start3A_970 : memref<1x16384xf32, #tpu.memory_space<vmem_shared>> -> memref<16384xf32, #tpu.memory_space<vmem_shared>>
      %dma_start3A_972 = arith.constant 0 : i32
      %dma_start3A_973 = tpu.memref_slice %arg7[%run_scoped3A_563, %dma_start3A_972] : memref<2x16384xf32, #tpu.memory_space<vmem_shared>> -> memref<1x16384xf32, #tpu.memory_space<vmem_shared>>
      %dma_start3A_974 = tpu.memref_squeeze %dma_start3A_973 : memref<1x16384xf32, #tpu.memory_space<vmem_shared>> -> memref<16384xf32, #tpu.memory_space<vmem_shared>>
      tpu.enqueue_dma source(%dma_start3A_974 : memref<16384xf32, #tpu.memory_space<vmem_shared>>) target(%arg6 : memref<16384xf32, #tpu.memory_space<vmem>>) target_semaphore(%run_scoped3A_968 : memref<!tpu.dma_semaphore, #tpu.memory_space<semaphore_mem>>)
      %dma_wait3A_975 = arith.constant 0 : i32
      %dma_wait3A_976 = tpu.memref_slice %arg7[%run_scoped3A_563, %dma_wait3A_975] : memref<2x16384xf32, #tpu.memory_space<vmem_shared>> -> memref<1x16384xf32, #tpu.memory_space<vmem_shared>>
      %dma_wait3A_977 = tpu.memref_squeeze %dma_wait3A_976 : memref<1x16384xf32, #tpu.memory_space<vmem_shared>> -> memref<16384xf32, #tpu.memory_space<vmem_shared>>
      %dma_wait3A_978 = arith.constant 0 : i32
      %dma_wait3A_979 = tpu.memref_slice %arg7[%run_scoped3A_563, %dma_wait3A_978] : memref<2x16384xf32, #tpu.memory_space<vmem_shared>> -> memref<1x16384xf32, #tpu.memory_space<vmem_shared>>
      %dma_wait3A_980 = tpu.memref_squeeze %dma_wait3A_979 : memref<1x16384xf32, #tpu.memory_space<vmem_shared>> -> memref<16384xf32, #tpu.memory_space<vmem_shared>>
      tpu.wait_dma2 semaphore(%run_scoped3A_968 : memref<!tpu.dma_semaphore, #tpu.memory_space<semaphore_mem>>) src(%dma_wait3A_980 : memref<16384xf32, #tpu.memory_space<vmem_shared>>) dst(%arg6 : memref<16384xf32, #tpu.memory_space<vmem>>)
      tpu.yield
    }) : () -> ()
    %dma_wait3A_564 = arith.constant 15 : i32
    %dma_wait3A_565 = arith.constant 0 : i32
    %dma_wait3A_566 = tpu.memref_slice %arg3[%dma_wait3A_564, %add3A, %dma_wait3A_565] : memref<26x32x100000xf32, #tpu.memory_space<hbm>> -> memref<1x1x100000xf32, #tpu.memory_space<hbm>>
    %dma_wait3A_567 = tpu.memref_squeeze %dma_wait3A_566 : memref<1x1x100000xf32, #tpu.memory_space<hbm>> -> memref<100000xf32, #tpu.memory_space<hbm>>
    %dma_wait3A_568 = arith.constant 0 : i32
    %dma_wait3A_569 = tpu.memref_slice %arg3[%dma_wait3A_564, %add3A, %dma_wait3A_568] : memref<26x32x100000xf32, #tpu.memory_space<hbm>> -> memref<1x1x100000xf32, #tpu.memory_space<hbm>>
    %dma_wait3A_570 = tpu.memref_squeeze %dma_wait3A_569 : memref<1x1x100000xf32, #tpu.memory_space<hbm>> -> memref<100000xf32, #tpu.memory_space<hbm>>
    tpu.wait_dma2 semaphore(%arg9 : memref<!tpu.dma_semaphore, #tpu.memory_space<semaphore_mem>>) src(%dma_wait3A_570 : memref<100000xf32, #tpu.memory_space<hbm>>) dst(%arg5 : memref<100000xf32, #tpu.memory_space<vmem>>)
    %parallel_loop3A_571 = arith.constant 0 : i32
    %parallel_loop3A_572 = arith.constant 1024 : i32
    %parallel_loop3A_573 = arith.constant 1 : i32
    scf.for %parallel_loop3A_968 = %parallel_loop3A_571 to %parallel_loop3A_572 step %parallel_loop3A_573  : i32 {
      %parallel_loop3A_969 = arith.constant 16 : i32
      %parallel_loop3A_970 = arith.muli %parallel_loop3A_968, %parallel_loop3A_969 : i32
      %parallel_loop3A_971 = arith.index_cast %parallel_loop3A_970 : i32 to index
      %parallel_loop3A_972 = tpu.vector_load %arg6[%parallel_loop3A_971] {strides = array<i32>} : memref<16384xf32, #tpu.memory_space<vmem>>, vector<16xf32>,
      %parallel_loop3A_973 = vector.bitcast %parallel_loop3A_972 : vector<16xf32> to vector<16xi32>
      %parallel_loop3A_974 = tpu.vector_load_idx %arg5[%parallel_loop3A_973] : memref<100000xf32, #tpu.memory_space<vmem>>[vector<16xi32>], vector<16xf32>,
      %parallel_loop3A_975 = arith.index_cast %parallel_loop3A_970 : i32 to index
      %parallel_loop3A_976 = tpu.vector_load %arg6[%parallel_loop3A_975] {strides = array<i32>} : memref<16384xf32, #tpu.memory_space<vmem>>, vector<16xf32>,
      tpu.vector_store %arg6[%parallel_loop3A_975], %parallel_loop3A_974 {strides = array<i32>} : memref<16384xf32, #tpu.memory_space<vmem>>, vector<16xf32>,
    } {sc.loop_unroll_factor = 16 : i64, sc.parallel_access}
    %dma_start3A_574 = arith.constant 15 : i32
    %dma_start3A_575 = arith.constant 0 : i32
    %dma_start3A_576 = tpu.memref_slice %arg4[%dma_start3A_574, %add3A, %dma_start3A_575] : memref<26x32x16384xf32, #tpu.memory_space<hbm>> -> memref<1x1x16384xf32, #tpu.memory_space<hbm>>
    %dma_start3A_577 = tpu.memref_squeeze %dma_start3A_576 : memref<1x1x16384xf32, #tpu.memory_space<hbm>> -> memref<16384xf32, #tpu.memory_space<hbm>>
    %dma_start3A_578 = arith.constant 0 : i32
    %dma_start3A_579 = tpu.memref_slice %arg4[%dma_start3A_574, %add3A, %dma_start3A_578] : memref<26x32x16384xf32, #tpu.memory_space<hbm>> -> memref<1x1x16384xf32, #tpu.memory_space<hbm>>
    %dma_start3A_580 = tpu.memref_squeeze %dma_start3A_579 : memref<1x1x16384xf32, #tpu.memory_space<hbm>> -> memref<16384xf32, #tpu.memory_space<hbm>>
    tpu.enqueue_dma source(%arg6 : memref<16384xf32, #tpu.memory_space<vmem>>) target(%dma_start3A_580 : memref<16384xf32, #tpu.memory_space<hbm>>) target_semaphore(%arg8 : memref<!tpu.dma_semaphore, #tpu.memory_space<semaphore_mem>>)
    %eq3A_581 = arith.constant 0 : i32
    %eq3A_582 = arith.cmpi eq, %arg1, %eq3A_581 : i32
    %convert_element_type3A_583 = arith.extui %eq3A_582 : i1 to i32
    %cond3A_584 = arith.constant 0 : i32
    %cond3A_585 = arith.cmpi ne, %convert_element_type3A_583, %cond3A_584 : i32
    scf.if %cond3A_585 {
      %run_scoped3A_968 = arith.constant 16 : i32
      %run_scoped3A_969 = arith.constant 0 : i32
      "tpu.region"() ({
        %run_scoped3A_970 = tpu.sem_alloc : memref<!tpu.dma_semaphore, #tpu.memory_space<semaphore_mem>>
        %dma_start3A_971 = arith.constant 0 : i32
        %dma_start3A_972 = tpu.memref_slice %arg7[%run_scoped3A_969, %dma_start3A_971] : memref<2x16384xf32, #tpu.memory_space<vmem_shared>> -> memref<1x16384xf32, #tpu.memory_space<vmem_shared>>
        %dma_start3A_973 = tpu.memref_squeeze %dma_start3A_972 : memref<1x16384xf32, #tpu.memory_space<vmem_shared>> -> memref<16384xf32, #tpu.memory_space<vmem_shared>>
        %dma_start3A_974 = arith.constant 0 : i32
        %dma_start3A_975 = tpu.memref_slice %arg2[%run_scoped3A_968, %dma_start3A_974] : memref<26x16384xf32, #tpu.memory_space<hbm>> -> memref<1x16384xf32, #tpu.memory_space<hbm>>
        %dma_start3A_976 = tpu.memref_squeeze %dma_start3A_975 : memref<1x16384xf32, #tpu.memory_space<hbm>> -> memref<16384xf32, #tpu.memory_space<hbm>>
        tpu.enqueue_dma source(%dma_start3A_976 : memref<16384xf32, #tpu.memory_space<hbm>>) target(%dma_start3A_973 : memref<16384xf32, #tpu.memory_space<vmem_shared>>) target_semaphore(%run_scoped3A_970 : memref<!tpu.dma_semaphore, #tpu.memory_space<semaphore_mem>>)
        %dma_wait3A_977 = arith.constant 0 : i32
        %dma_wait3A_978 = tpu.memref_slice %arg7[%run_scoped3A_969, %dma_wait3A_977] : memref<2x16384xf32, #tpu.memory_space<vmem_shared>> -> memref<1x16384xf32, #tpu.memory_space<vmem_shared>>
        %dma_wait3A_979 = tpu.memref_squeeze %dma_wait3A_978 : memref<1x16384xf32, #tpu.memory_space<vmem_shared>> -> memref<16384xf32, #tpu.memory_space<vmem_shared>>
        %dma_wait3A_980 = arith.constant 0 : i32
        %dma_wait3A_981 = tpu.memref_slice %arg2[%run_scoped3A_968, %dma_wait3A_980] : memref<26x16384xf32, #tpu.memory_space<hbm>> -> memref<1x16384xf32, #tpu.memory_space<hbm>>
        %dma_wait3A_982 = tpu.memref_squeeze %dma_wait3A_981 : memref<1x16384xf32, #tpu.memory_space<hbm>> -> memref<16384xf32, #tpu.memory_space<hbm>>
        tpu.wait_dma2 semaphore(%run_scoped3A_970 : memref<!tpu.dma_semaphore, #tpu.memory_space<semaphore_mem>>) src(%dma_wait3A_982 : memref<16384xf32, #tpu.memory_space<hbm>>) dst(%dma_wait3A_979 : memref<16384xf32, #tpu.memory_space<vmem_shared>>)
        tpu.yield
      }) : () -> ()
    } else {
    }
    %dma_start3A_586 = arith.constant 16 : i32
    %dma_start3A_587 = arith.constant 0 : i32
    %dma_start3A_588 = tpu.memref_slice %arg3[%dma_start3A_586, %add3A, %dma_start3A_587] : memref<26x32x100000xf32, #tpu.memory_space<hbm>> -> memref<1x1x100000xf32, #tpu.memory_space<hbm>>
    %dma_start3A_589 = tpu.memref_squeeze %dma_start3A_588 : memref<1x1x100000xf32, #tpu.memory_space<hbm>> -> memref<100000xf32, #tpu.memory_space<hbm>>
    %dma_start3A_590 = arith.constant 0 : i32
    %dma_start3A_591 = tpu.memref_slice %arg3[%dma_start3A_586, %add3A, %dma_start3A_590] : memref<26x32x100000xf32, #tpu.memory_space<hbm>> -> memref<1x1x100000xf32, #tpu.memory_space<hbm>>
    %dma_start3A_592 = tpu.memref_squeeze %dma_start3A_591 : memref<1x1x100000xf32, #tpu.memory_space<hbm>> -> memref<100000xf32, #tpu.memory_space<hbm>>
    tpu.enqueue_dma source(%dma_start3A_592 : memref<100000xf32, #tpu.memory_space<hbm>>) target(%arg5 : memref<100000xf32, #tpu.memory_space<vmem>>) target_semaphore(%arg9 : memref<!tpu.dma_semaphore, #tpu.memory_space<semaphore_mem>>)
    %dma_wait3A_593 = arith.constant 15 : i32
    %dma_wait3A_594 = arith.constant 0 : i32
    %dma_wait3A_595 = tpu.memref_slice %arg4[%dma_wait3A_593, %add3A, %dma_wait3A_594] : memref<26x32x16384xf32, #tpu.memory_space<hbm>> -> memref<1x1x16384xf32, #tpu.memory_space<hbm>>
    %dma_wait3A_596 = tpu.memref_squeeze %dma_wait3A_595 : memref<1x1x16384xf32, #tpu.memory_space<hbm>> -> memref<16384xf32, #tpu.memory_space<hbm>>
    %dma_wait3A_597 = arith.constant 0 : i32
    %dma_wait3A_598 = tpu.memref_slice %arg4[%dma_wait3A_593, %add3A, %dma_wait3A_597] : memref<26x32x16384xf32, #tpu.memory_space<hbm>> -> memref<1x1x16384xf32, #tpu.memory_space<hbm>>
    %dma_wait3A_599 = tpu.memref_squeeze %dma_wait3A_598 : memref<1x1x16384xf32, #tpu.memory_space<hbm>> -> memref<16384xf32, #tpu.memory_space<hbm>>
    tpu.wait_dma2 semaphore(%arg8 : memref<!tpu.dma_semaphore, #tpu.memory_space<semaphore_mem>>) src(%arg6 : memref<16384xf32, #tpu.memory_space<vmem>>) dst(%dma_wait3A_599 : memref<16384xf32, #tpu.memory_space<hbm>>)
    %barrier3A_600 = arith.constant 0 : index
    tpu.barrier barrier_id(%barrier3A_600)
    %run_scoped3A_601 = arith.constant 0 : i32
    "tpu.region"() ({
      %run_scoped3A_968 = tpu.sem_alloc : memref<!tpu.dma_semaphore, #tpu.memory_space<semaphore_mem>>
      %dma_start3A_969 = arith.constant 0 : i32
      %dma_start3A_970 = tpu.memref_slice %arg7[%run_scoped3A_601, %dma_start3A_969] : memref<2x16384xf32, #tpu.memory_space<vmem_shared>> -> memref<1x16384xf32, #tpu.memory_space<vmem_shared>>
      %dma_start3A_971 = tpu.memref_squeeze %dma_start3A_970 : memref<1x16384xf32, #tpu.memory_space<vmem_shared>> -> memref<16384xf32, #tpu.memory_space<vmem_shared>>
      %dma_start3A_972 = arith.constant 0 : i32
      %dma_start3A_973 = tpu.memref_slice %arg7[%run_scoped3A_601, %dma_start3A_972] : memref<2x16384xf32, #tpu.memory_space<vmem_shared>> -> memref<1x16384xf32, #tpu.memory_space<vmem_shared>>
      %dma_start3A_974 = tpu.memref_squeeze %dma_start3A_973 : memref<1x16384xf32, #tpu.memory_space<vmem_shared>> -> memref<16384xf32, #tpu.memory_space<vmem_shared>>
      tpu.enqueue_dma source(%dma_start3A_974 : memref<16384xf32, #tpu.memory_space<vmem_shared>>) target(%arg6 : memref<16384xf32, #tpu.memory_space<vmem>>) target_semaphore(%run_scoped3A_968 : memref<!tpu.dma_semaphore, #tpu.memory_space<semaphore_mem>>)
      %dma_wait3A_975 = arith.constant 0 : i32
      %dma_wait3A_976 = tpu.memref_slice %arg7[%run_scoped3A_601, %dma_wait3A_975] : memref<2x16384xf32, #tpu.memory_space<vmem_shared>> -> memref<1x16384xf32, #tpu.memory_space<vmem_shared>>
      %dma_wait3A_977 = tpu.memref_squeeze %dma_wait3A_976 : memref<1x16384xf32, #tpu.memory_space<vmem_shared>> -> memref<16384xf32, #tpu.memory_space<vmem_shared>>
      %dma_wait3A_978 = arith.constant 0 : i32
      %dma_wait3A_979 = tpu.memref_slice %arg7[%run_scoped3A_601, %dma_wait3A_978] : memref<2x16384xf32, #tpu.memory_space<vmem_shared>> -> memref<1x16384xf32, #tpu.memory_space<vmem_shared>>
      %dma_wait3A_980 = tpu.memref_squeeze %dma_wait3A_979 : memref<1x16384xf32, #tpu.memory_space<vmem_shared>> -> memref<16384xf32, #tpu.memory_space<vmem_shared>>
      tpu.wait_dma2 semaphore(%run_scoped3A_968 : memref<!tpu.dma_semaphore, #tpu.memory_space<semaphore_mem>>) src(%dma_wait3A_980 : memref<16384xf32, #tpu.memory_space<vmem_shared>>) dst(%arg6 : memref<16384xf32, #tpu.memory_space<vmem>>)
      tpu.yield
    }) : () -> ()
    %dma_wait3A_602 = arith.constant 16 : i32
    %dma_wait3A_603 = arith.constant 0 : i32
    %dma_wait3A_604 = tpu.memref_slice %arg3[%dma_wait3A_602, %add3A, %dma_wait3A_603] : memref<26x32x100000xf32, #tpu.memory_space<hbm>> -> memref<1x1x100000xf32, #tpu.memory_space<hbm>>
    %dma_wait3A_605 = tpu.memref_squeeze %dma_wait3A_604 : memref<1x1x100000xf32, #tpu.memory_space<hbm>> -> memref<100000xf32, #tpu.memory_space<hbm>>
    %dma_wait3A_606 = arith.constant 0 : i32
    %dma_wait3A_607 = tpu.memref_slice %arg3[%dma_wait3A_602, %add3A, %dma_wait3A_606] : memref<26x32x100000xf32, #tpu.memory_space<hbm>> -> memref<1x1x100000xf32, #tpu.memory_space<hbm>>
    %dma_wait3A_608 = tpu.memref_squeeze %dma_wait3A_607 : memref<1x1x100000xf32, #tpu.memory_space<hbm>> -> memref<100000xf32, #tpu.memory_space<hbm>>
    tpu.wait_dma2 semaphore(%arg9 : memref<!tpu.dma_semaphore, #tpu.memory_space<semaphore_mem>>) src(%dma_wait3A_608 : memref<100000xf32, #tpu.memory_space<hbm>>) dst(%arg5 : memref<100000xf32, #tpu.memory_space<vmem>>)
    %parallel_loop3A_609 = arith.constant 0 : i32
    %parallel_loop3A_610 = arith.constant 1024 : i32
    %parallel_loop3A_611 = arith.constant 1 : i32
    scf.for %parallel_loop3A_968 = %parallel_loop3A_609 to %parallel_loop3A_610 step %parallel_loop3A_611  : i32 {
      %parallel_loop3A_969 = arith.constant 16 : i32
      %parallel_loop3A_970 = arith.muli %parallel_loop3A_968, %parallel_loop3A_969 : i32
      %parallel_loop3A_971 = arith.index_cast %parallel_loop3A_970 : i32 to index
      %parallel_loop3A_972 = tpu.vector_load %arg6[%parallel_loop3A_971] {strides = array<i32>} : memref<16384xf32, #tpu.memory_space<vmem>>, vector<16xf32>,
      %parallel_loop3A_973 = vector.bitcast %parallel_loop3A_972 : vector<16xf32> to vector<16xi32>
      %parallel_loop3A_974 = tpu.vector_load_idx %arg5[%parallel_loop3A_973] : memref<100000xf32, #tpu.memory_space<vmem>>[vector<16xi32>], vector<16xf32>,
      %parallel_loop3A_975 = arith.index_cast %parallel_loop3A_970 : i32 to index
      %parallel_loop3A_976 = tpu.vector_load %arg6[%parallel_loop3A_975] {strides = array<i32>} : memref<16384xf32, #tpu.memory_space<vmem>>, vector<16xf32>,
      tpu.vector_store %arg6[%parallel_loop3A_975], %parallel_loop3A_974 {strides = array<i32>} : memref<16384xf32, #tpu.memory_space<vmem>>, vector<16xf32>,
    } {sc.loop_unroll_factor = 16 : i64, sc.parallel_access}
    %dma_start3A_612 = arith.constant 16 : i32
    %dma_start3A_613 = arith.constant 0 : i32
    %dma_start3A_614 = tpu.memref_slice %arg4[%dma_start3A_612, %add3A, %dma_start3A_613] : memref<26x32x16384xf32, #tpu.memory_space<hbm>> -> memref<1x1x16384xf32, #tpu.memory_space<hbm>>
    %dma_start3A_615 = tpu.memref_squeeze %dma_start3A_614 : memref<1x1x16384xf32, #tpu.memory_space<hbm>> -> memref<16384xf32, #tpu.memory_space<hbm>>
    %dma_start3A_616 = arith.constant 0 : i32
    %dma_start3A_617 = tpu.memref_slice %arg4[%dma_start3A_612, %add3A, %dma_start3A_616] : memref<26x32x16384xf32, #tpu.memory_space<hbm>> -> memref<1x1x16384xf32, #tpu.memory_space<hbm>>
    %dma_start3A_618 = tpu.memref_squeeze %dma_start3A_617 : memref<1x1x16384xf32, #tpu.memory_space<hbm>> -> memref<16384xf32, #tpu.memory_space<hbm>>
    tpu.enqueue_dma source(%arg6 : memref<16384xf32, #tpu.memory_space<vmem>>) target(%dma_start3A_618 : memref<16384xf32, #tpu.memory_space<hbm>>) target_semaphore(%arg8 : memref<!tpu.dma_semaphore, #tpu.memory_space<semaphore_mem>>)
    %eq3A_619 = arith.constant 1 : i32
    %eq3A_620 = arith.cmpi eq, %arg1, %eq3A_619 : i32
    %convert_element_type3A_621 = arith.extui %eq3A_620 : i1 to i32
    %cond3A_622 = arith.constant 0 : i32
    %cond3A_623 = arith.cmpi ne, %convert_element_type3A_621, %cond3A_622 : i32
    scf.if %cond3A_623 {
      %run_scoped3A_968 = arith.constant 17 : i32
      %run_scoped3A_969 = arith.constant 1 : i32
      "tpu.region"() ({
        %run_scoped3A_970 = tpu.sem_alloc : memref<!tpu.dma_semaphore, #tpu.memory_space<semaphore_mem>>
        %dma_start3A_971 = arith.constant 0 : i32
        %dma_start3A_972 = tpu.memref_slice %arg7[%run_scoped3A_969, %dma_start3A_971] : memref<2x16384xf32, #tpu.memory_space<vmem_shared>> -> memref<1x16384xf32, #tpu.memory_space<vmem_shared>>
        %dma_start3A_973 = tpu.memref_squeeze %dma_start3A_972 : memref<1x16384xf32, #tpu.memory_space<vmem_shared>> -> memref<16384xf32, #tpu.memory_space<vmem_shared>>
        %dma_start3A_974 = arith.constant 0 : i32
        %dma_start3A_975 = tpu.memref_slice %arg2[%run_scoped3A_968, %dma_start3A_974] : memref<26x16384xf32, #tpu.memory_space<hbm>> -> memref<1x16384xf32, #tpu.memory_space<hbm>>
        %dma_start3A_976 = tpu.memref_squeeze %dma_start3A_975 : memref<1x16384xf32, #tpu.memory_space<hbm>> -> memref<16384xf32, #tpu.memory_space<hbm>>
        tpu.enqueue_dma source(%dma_start3A_976 : memref<16384xf32, #tpu.memory_space<hbm>>) target(%dma_start3A_973 : memref<16384xf32, #tpu.memory_space<vmem_shared>>) target_semaphore(%run_scoped3A_970 : memref<!tpu.dma_semaphore, #tpu.memory_space<semaphore_mem>>)
        %dma_wait3A_977 = arith.constant 0 : i32
        %dma_wait3A_978 = tpu.memref_slice %arg7[%run_scoped3A_969, %dma_wait3A_977] : memref<2x16384xf32, #tpu.memory_space<vmem_shared>> -> memref<1x16384xf32, #tpu.memory_space<vmem_shared>>
        %dma_wait3A_979 = tpu.memref_squeeze %dma_wait3A_978 : memref<1x16384xf32, #tpu.memory_space<vmem_shared>> -> memref<16384xf32, #tpu.memory_space<vmem_shared>>
        %dma_wait3A_980 = arith.constant 0 : i32
        %dma_wait3A_981 = tpu.memref_slice %arg2[%run_scoped3A_968, %dma_wait3A_980] : memref<26x16384xf32, #tpu.memory_space<hbm>> -> memref<1x16384xf32, #tpu.memory_space<hbm>>
        %dma_wait3A_982 = tpu.memref_squeeze %dma_wait3A_981 : memref<1x16384xf32, #tpu.memory_space<hbm>> -> memref<16384xf32, #tpu.memory_space<hbm>>
        tpu.wait_dma2 semaphore(%run_scoped3A_970 : memref<!tpu.dma_semaphore, #tpu.memory_space<semaphore_mem>>) src(%dma_wait3A_982 : memref<16384xf32, #tpu.memory_space<hbm>>) dst(%dma_wait3A_979 : memref<16384xf32, #tpu.memory_space<vmem_shared>>)
        tpu.yield
      }) : () -> ()
    } else {
    }
    %dma_start3A_624 = arith.constant 17 : i32
    %dma_start3A_625 = arith.constant 0 : i32
    %dma_start3A_626 = tpu.memref_slice %arg3[%dma_start3A_624, %add3A, %dma_start3A_625] : memref<26x32x100000xf32, #tpu.memory_space<hbm>> -> memref<1x1x100000xf32, #tpu.memory_space<hbm>>
    %dma_start3A_627 = tpu.memref_squeeze %dma_start3A_626 : memref<1x1x100000xf32, #tpu.memory_space<hbm>> -> memref<100000xf32, #tpu.memory_space<hbm>>
    %dma_start3A_628 = arith.constant 0 : i32
    %dma_start3A_629 = tpu.memref_slice %arg3[%dma_start3A_624, %add3A, %dma_start3A_628] : memref<26x32x100000xf32, #tpu.memory_space<hbm>> -> memref<1x1x100000xf32, #tpu.memory_space<hbm>>
    %dma_start3A_630 = tpu.memref_squeeze %dma_start3A_629 : memref<1x1x100000xf32, #tpu.memory_space<hbm>> -> memref<100000xf32, #tpu.memory_space<hbm>>
    tpu.enqueue_dma source(%dma_start3A_630 : memref<100000xf32, #tpu.memory_space<hbm>>) target(%arg5 : memref<100000xf32, #tpu.memory_space<vmem>>) target_semaphore(%arg9 : memref<!tpu.dma_semaphore, #tpu.memory_space<semaphore_mem>>)
    %dma_wait3A_631 = arith.constant 16 : i32
    %dma_wait3A_632 = arith.constant 0 : i32
    %dma_wait3A_633 = tpu.memref_slice %arg4[%dma_wait3A_631, %add3A, %dma_wait3A_632] : memref<26x32x16384xf32, #tpu.memory_space<hbm>> -> memref<1x1x16384xf32, #tpu.memory_space<hbm>>
    %dma_wait3A_634 = tpu.memref_squeeze %dma_wait3A_633 : memref<1x1x16384xf32, #tpu.memory_space<hbm>> -> memref<16384xf32, #tpu.memory_space<hbm>>
    %dma_wait3A_635 = arith.constant 0 : i32
    %dma_wait3A_636 = tpu.memref_slice %arg4[%dma_wait3A_631, %add3A, %dma_wait3A_635] : memref<26x32x16384xf32, #tpu.memory_space<hbm>> -> memref<1x1x16384xf32, #tpu.memory_space<hbm>>
    %dma_wait3A_637 = tpu.memref_squeeze %dma_wait3A_636 : memref<1x1x16384xf32, #tpu.memory_space<hbm>> -> memref<16384xf32, #tpu.memory_space<hbm>>
    tpu.wait_dma2 semaphore(%arg8 : memref<!tpu.dma_semaphore, #tpu.memory_space<semaphore_mem>>) src(%arg6 : memref<16384xf32, #tpu.memory_space<vmem>>) dst(%dma_wait3A_637 : memref<16384xf32, #tpu.memory_space<hbm>>)
    %barrier3A_638 = arith.constant 0 : index
    tpu.barrier barrier_id(%barrier3A_638)
    %run_scoped3A_639 = arith.constant 1 : i32
    "tpu.region"() ({
      %run_scoped3A_968 = tpu.sem_alloc : memref<!tpu.dma_semaphore, #tpu.memory_space<semaphore_mem>>
      %dma_start3A_969 = arith.constant 0 : i32
      %dma_start3A_970 = tpu.memref_slice %arg7[%run_scoped3A_639, %dma_start3A_969] : memref<2x16384xf32, #tpu.memory_space<vmem_shared>> -> memref<1x16384xf32, #tpu.memory_space<vmem_shared>>
      %dma_start3A_971 = tpu.memref_squeeze %dma_start3A_970 : memref<1x16384xf32, #tpu.memory_space<vmem_shared>> -> memref<16384xf32, #tpu.memory_space<vmem_shared>>
      %dma_start3A_972 = arith.constant 0 : i32
      %dma_start3A_973 = tpu.memref_slice %arg7[%run_scoped3A_639, %dma_start3A_972] : memref<2x16384xf32, #tpu.memory_space<vmem_shared>> -> memref<1x16384xf32, #tpu.memory_space<vmem_shared>>
      %dma_start3A_974 = tpu.memref_squeeze %dma_start3A_973 : memref<1x16384xf32, #tpu.memory_space<vmem_shared>> -> memref<16384xf32, #tpu.memory_space<vmem_shared>>
      tpu.enqueue_dma source(%dma_start3A_974 : memref<16384xf32, #tpu.memory_space<vmem_shared>>) target(%arg6 : memref<16384xf32, #tpu.memory_space<vmem>>) target_semaphore(%run_scoped3A_968 : memref<!tpu.dma_semaphore, #tpu.memory_space<semaphore_mem>>)
      %dma_wait3A_975 = arith.constant 0 : i32
      %dma_wait3A_976 = tpu.memref_slice %arg7[%run_scoped3A_639, %dma_wait3A_975] : memref<2x16384xf32, #tpu.memory_space<vmem_shared>> -> memref<1x16384xf32, #tpu.memory_space<vmem_shared>>
      %dma_wait3A_977 = tpu.memref_squeeze %dma_wait3A_976 : memref<1x16384xf32, #tpu.memory_space<vmem_shared>> -> memref<16384xf32, #tpu.memory_space<vmem_shared>>
      %dma_wait3A_978 = arith.constant 0 : i32
      %dma_wait3A_979 = tpu.memref_slice %arg7[%run_scoped3A_639, %dma_wait3A_978] : memref<2x16384xf32, #tpu.memory_space<vmem_shared>> -> memref<1x16384xf32, #tpu.memory_space<vmem_shared>>
      %dma_wait3A_980 = tpu.memref_squeeze %dma_wait3A_979 : memref<1x16384xf32, #tpu.memory_space<vmem_shared>> -> memref<16384xf32, #tpu.memory_space<vmem_shared>>
      tpu.wait_dma2 semaphore(%run_scoped3A_968 : memref<!tpu.dma_semaphore, #tpu.memory_space<semaphore_mem>>) src(%dma_wait3A_980 : memref<16384xf32, #tpu.memory_space<vmem_shared>>) dst(%arg6 : memref<16384xf32, #tpu.memory_space<vmem>>)
      tpu.yield
    }) : () -> ()
    %dma_wait3A_640 = arith.constant 17 : i32
    %dma_wait3A_641 = arith.constant 0 : i32
    %dma_wait3A_642 = tpu.memref_slice %arg3[%dma_wait3A_640, %add3A, %dma_wait3A_641] : memref<26x32x100000xf32, #tpu.memory_space<hbm>> -> memref<1x1x100000xf32, #tpu.memory_space<hbm>>
    %dma_wait3A_643 = tpu.memref_squeeze %dma_wait3A_642 : memref<1x1x100000xf32, #tpu.memory_space<hbm>> -> memref<100000xf32, #tpu.memory_space<hbm>>
    %dma_wait3A_644 = arith.constant 0 : i32
    %dma_wait3A_645 = tpu.memref_slice %arg3[%dma_wait3A_640, %add3A, %dma_wait3A_644] : memref<26x32x100000xf32, #tpu.memory_space<hbm>> -> memref<1x1x100000xf32, #tpu.memory_space<hbm>>
    %dma_wait3A_646 = tpu.memref_squeeze %dma_wait3A_645 : memref<1x1x100000xf32, #tpu.memory_space<hbm>> -> memref<100000xf32, #tpu.memory_space<hbm>>
    tpu.wait_dma2 semaphore(%arg9 : memref<!tpu.dma_semaphore, #tpu.memory_space<semaphore_mem>>) src(%dma_wait3A_646 : memref<100000xf32, #tpu.memory_space<hbm>>) dst(%arg5 : memref<100000xf32, #tpu.memory_space<vmem>>)
    %parallel_loop3A_647 = arith.constant 0 : i32
    %parallel_loop3A_648 = arith.constant 1024 : i32
    %parallel_loop3A_649 = arith.constant 1 : i32
    scf.for %parallel_loop3A_968 = %parallel_loop3A_647 to %parallel_loop3A_648 step %parallel_loop3A_649  : i32 {
      %parallel_loop3A_969 = arith.constant 16 : i32
      %parallel_loop3A_970 = arith.muli %parallel_loop3A_968, %parallel_loop3A_969 : i32
      %parallel_loop3A_971 = arith.index_cast %parallel_loop3A_970 : i32 to index
      %parallel_loop3A_972 = tpu.vector_load %arg6[%parallel_loop3A_971] {strides = array<i32>} : memref<16384xf32, #tpu.memory_space<vmem>>, vector<16xf32>,
      %parallel_loop3A_973 = vector.bitcast %parallel_loop3A_972 : vector<16xf32> to vector<16xi32>
      %parallel_loop3A_974 = tpu.vector_load_idx %arg5[%parallel_loop3A_973] : memref<100000xf32, #tpu.memory_space<vmem>>[vector<16xi32>], vector<16xf32>,
      %parallel_loop3A_975 = arith.index_cast %parallel_loop3A_970 : i32 to index
      %parallel_loop3A_976 = tpu.vector_load %arg6[%parallel_loop3A_975] {strides = array<i32>} : memref<16384xf32, #tpu.memory_space<vmem>>, vector<16xf32>,
      tpu.vector_store %arg6[%parallel_loop3A_975], %parallel_loop3A_974 {strides = array<i32>} : memref<16384xf32, #tpu.memory_space<vmem>>, vector<16xf32>,
    } {sc.loop_unroll_factor = 16 : i64, sc.parallel_access}
    %dma_start3A_650 = arith.constant 17 : i32
    %dma_start3A_651 = arith.constant 0 : i32
    %dma_start3A_652 = tpu.memref_slice %arg4[%dma_start3A_650, %add3A, %dma_start3A_651] : memref<26x32x16384xf32, #tpu.memory_space<hbm>> -> memref<1x1x16384xf32, #tpu.memory_space<hbm>>
    %dma_start3A_653 = tpu.memref_squeeze %dma_start3A_652 : memref<1x1x16384xf32, #tpu.memory_space<hbm>> -> memref<16384xf32, #tpu.memory_space<hbm>>
    %dma_start3A_654 = arith.constant 0 : i32
    %dma_start3A_655 = tpu.memref_slice %arg4[%dma_start3A_650, %add3A, %dma_start3A_654] : memref<26x32x16384xf32, #tpu.memory_space<hbm>> -> memref<1x1x16384xf32, #tpu.memory_space<hbm>>
    %dma_start3A_656 = tpu.memref_squeeze %dma_start3A_655 : memref<1x1x16384xf32, #tpu.memory_space<hbm>> -> memref<16384xf32, #tpu.memory_space<hbm>>
    tpu.enqueue_dma source(%arg6 : memref<16384xf32, #tpu.memory_space<vmem>>) target(%dma_start3A_656 : memref<16384xf32, #tpu.memory_space<hbm>>) target_semaphore(%arg8 : memref<!tpu.dma_semaphore, #tpu.memory_space<semaphore_mem>>)
    %eq3A_657 = arith.constant 2 : i32
    %eq3A_658 = arith.cmpi eq, %arg1, %eq3A_657 : i32
    %convert_element_type3A_659 = arith.extui %eq3A_658 : i1 to i32
    %cond3A_660 = arith.constant 0 : i32
    %cond3A_661 = arith.cmpi ne, %convert_element_type3A_659, %cond3A_660 : i32
    scf.if %cond3A_661 {
      %run_scoped3A_968 = arith.constant 18 : i32
      %run_scoped3A_969 = arith.constant 0 : i32
      "tpu.region"() ({
        %run_scoped3A_970 = tpu.sem_alloc : memref<!tpu.dma_semaphore, #tpu.memory_space<semaphore_mem>>
        %dma_start3A_971 = arith.constant 0 : i32
        %dma_start3A_972 = tpu.memref_slice %arg7[%run_scoped3A_969, %dma_start3A_971] : memref<2x16384xf32, #tpu.memory_space<vmem_shared>> -> memref<1x16384xf32, #tpu.memory_space<vmem_shared>>
        %dma_start3A_973 = tpu.memref_squeeze %dma_start3A_972 : memref<1x16384xf32, #tpu.memory_space<vmem_shared>> -> memref<16384xf32, #tpu.memory_space<vmem_shared>>
        %dma_start3A_974 = arith.constant 0 : i32
        %dma_start3A_975 = tpu.memref_slice %arg2[%run_scoped3A_968, %dma_start3A_974] : memref<26x16384xf32, #tpu.memory_space<hbm>> -> memref<1x16384xf32, #tpu.memory_space<hbm>>
        %dma_start3A_976 = tpu.memref_squeeze %dma_start3A_975 : memref<1x16384xf32, #tpu.memory_space<hbm>> -> memref<16384xf32, #tpu.memory_space<hbm>>
        tpu.enqueue_dma source(%dma_start3A_976 : memref<16384xf32, #tpu.memory_space<hbm>>) target(%dma_start3A_973 : memref<16384xf32, #tpu.memory_space<vmem_shared>>) target_semaphore(%run_scoped3A_970 : memref<!tpu.dma_semaphore, #tpu.memory_space<semaphore_mem>>)
        %dma_wait3A_977 = arith.constant 0 : i32
        %dma_wait3A_978 = tpu.memref_slice %arg7[%run_scoped3A_969, %dma_wait3A_977] : memref<2x16384xf32, #tpu.memory_space<vmem_shared>> -> memref<1x16384xf32, #tpu.memory_space<vmem_shared>>
        %dma_wait3A_979 = tpu.memref_squeeze %dma_wait3A_978 : memref<1x16384xf32, #tpu.memory_space<vmem_shared>> -> memref<16384xf32, #tpu.memory_space<vmem_shared>>
        %dma_wait3A_980 = arith.constant 0 : i32
        %dma_wait3A_981 = tpu.memref_slice %arg2[%run_scoped3A_968, %dma_wait3A_980] : memref<26x16384xf32, #tpu.memory_space<hbm>> -> memref<1x16384xf32, #tpu.memory_space<hbm>>
        %dma_wait3A_982 = tpu.memref_squeeze %dma_wait3A_981 : memref<1x16384xf32, #tpu.memory_space<hbm>> -> memref<16384xf32, #tpu.memory_space<hbm>>
        tpu.wait_dma2 semaphore(%run_scoped3A_970 : memref<!tpu.dma_semaphore, #tpu.memory_space<semaphore_mem>>) src(%dma_wait3A_982 : memref<16384xf32, #tpu.memory_space<hbm>>) dst(%dma_wait3A_979 : memref<16384xf32, #tpu.memory_space<vmem_shared>>)
        tpu.yield
      }) : () -> ()
    } else {
    }
    %dma_start3A_662 = arith.constant 18 : i32
    %dma_start3A_663 = arith.constant 0 : i32
    %dma_start3A_664 = tpu.memref_slice %arg3[%dma_start3A_662, %add3A, %dma_start3A_663] : memref<26x32x100000xf32, #tpu.memory_space<hbm>> -> memref<1x1x100000xf32, #tpu.memory_space<hbm>>
    %dma_start3A_665 = tpu.memref_squeeze %dma_start3A_664 : memref<1x1x100000xf32, #tpu.memory_space<hbm>> -> memref<100000xf32, #tpu.memory_space<hbm>>
    %dma_start3A_666 = arith.constant 0 : i32
    %dma_start3A_667 = tpu.memref_slice %arg3[%dma_start3A_662, %add3A, %dma_start3A_666] : memref<26x32x100000xf32, #tpu.memory_space<hbm>> -> memref<1x1x100000xf32, #tpu.memory_space<hbm>>
    %dma_start3A_668 = tpu.memref_squeeze %dma_start3A_667 : memref<1x1x100000xf32, #tpu.memory_space<hbm>> -> memref<100000xf32, #tpu.memory_space<hbm>>
    tpu.enqueue_dma source(%dma_start3A_668 : memref<100000xf32, #tpu.memory_space<hbm>>) target(%arg5 : memref<100000xf32, #tpu.memory_space<vmem>>) target_semaphore(%arg9 : memref<!tpu.dma_semaphore, #tpu.memory_space<semaphore_mem>>)
    %dma_wait3A_669 = arith.constant 17 : i32
    %dma_wait3A_670 = arith.constant 0 : i32
    %dma_wait3A_671 = tpu.memref_slice %arg4[%dma_wait3A_669, %add3A, %dma_wait3A_670] : memref<26x32x16384xf32, #tpu.memory_space<hbm>> -> memref<1x1x16384xf32, #tpu.memory_space<hbm>>
    %dma_wait3A_672 = tpu.memref_squeeze %dma_wait3A_671 : memref<1x1x16384xf32, #tpu.memory_space<hbm>> -> memref<16384xf32, #tpu.memory_space<hbm>>
    %dma_wait3A_673 = arith.constant 0 : i32
    %dma_wait3A_674 = tpu.memref_slice %arg4[%dma_wait3A_669, %add3A, %dma_wait3A_673] : memref<26x32x16384xf32, #tpu.memory_space<hbm>> -> memref<1x1x16384xf32, #tpu.memory_space<hbm>>
    %dma_wait3A_675 = tpu.memref_squeeze %dma_wait3A_674 : memref<1x1x16384xf32, #tpu.memory_space<hbm>> -> memref<16384xf32, #tpu.memory_space<hbm>>
    tpu.wait_dma2 semaphore(%arg8 : memref<!tpu.dma_semaphore, #tpu.memory_space<semaphore_mem>>) src(%arg6 : memref<16384xf32, #tpu.memory_space<vmem>>) dst(%dma_wait3A_675 : memref<16384xf32, #tpu.memory_space<hbm>>)
    %barrier3A_676 = arith.constant 0 : index
    tpu.barrier barrier_id(%barrier3A_676)
    %run_scoped3A_677 = arith.constant 0 : i32
    "tpu.region"() ({
      %run_scoped3A_968 = tpu.sem_alloc : memref<!tpu.dma_semaphore, #tpu.memory_space<semaphore_mem>>
      %dma_start3A_969 = arith.constant 0 : i32
      %dma_start3A_970 = tpu.memref_slice %arg7[%run_scoped3A_677, %dma_start3A_969] : memref<2x16384xf32, #tpu.memory_space<vmem_shared>> -> memref<1x16384xf32, #tpu.memory_space<vmem_shared>>
      %dma_start3A_971 = tpu.memref_squeeze %dma_start3A_970 : memref<1x16384xf32, #tpu.memory_space<vmem_shared>> -> memref<16384xf32, #tpu.memory_space<vmem_shared>>
      %dma_start3A_972 = arith.constant 0 : i32
      %dma_start3A_973 = tpu.memref_slice %arg7[%run_scoped3A_677, %dma_start3A_972] : memref<2x16384xf32, #tpu.memory_space<vmem_shared>> -> memref<1x16384xf32, #tpu.memory_space<vmem_shared>>
      %dma_start3A_974 = tpu.memref_squeeze %dma_start3A_973 : memref<1x16384xf32, #tpu.memory_space<vmem_shared>> -> memref<16384xf32, #tpu.memory_space<vmem_shared>>
      tpu.enqueue_dma source(%dma_start3A_974 : memref<16384xf32, #tpu.memory_space<vmem_shared>>) target(%arg6 : memref<16384xf32, #tpu.memory_space<vmem>>) target_semaphore(%run_scoped3A_968 : memref<!tpu.dma_semaphore, #tpu.memory_space<semaphore_mem>>)
      %dma_wait3A_975 = arith.constant 0 : i32
      %dma_wait3A_976 = tpu.memref_slice %arg7[%run_scoped3A_677, %dma_wait3A_975] : memref<2x16384xf32, #tpu.memory_space<vmem_shared>> -> memref<1x16384xf32, #tpu.memory_space<vmem_shared>>
      %dma_wait3A_977 = tpu.memref_squeeze %dma_wait3A_976 : memref<1x16384xf32, #tpu.memory_space<vmem_shared>> -> memref<16384xf32, #tpu.memory_space<vmem_shared>>
      %dma_wait3A_978 = arith.constant 0 : i32
      %dma_wait3A_979 = tpu.memref_slice %arg7[%run_scoped3A_677, %dma_wait3A_978] : memref<2x16384xf32, #tpu.memory_space<vmem_shared>> -> memref<1x16384xf32, #tpu.memory_space<vmem_shared>>
      %dma_wait3A_980 = tpu.memref_squeeze %dma_wait3A_979 : memref<1x16384xf32, #tpu.memory_space<vmem_shared>> -> memref<16384xf32, #tpu.memory_space<vmem_shared>>
      tpu.wait_dma2 semaphore(%run_scoped3A_968 : memref<!tpu.dma_semaphore, #tpu.memory_space<semaphore_mem>>) src(%dma_wait3A_980 : memref<16384xf32, #tpu.memory_space<vmem_shared>>) dst(%arg6 : memref<16384xf32, #tpu.memory_space<vmem>>)
      tpu.yield
    }) : () -> ()
    %dma_wait3A_678 = arith.constant 18 : i32
    %dma_wait3A_679 = arith.constant 0 : i32
    %dma_wait3A_680 = tpu.memref_slice %arg3[%dma_wait3A_678, %add3A, %dma_wait3A_679] : memref<26x32x100000xf32, #tpu.memory_space<hbm>> -> memref<1x1x100000xf32, #tpu.memory_space<hbm>>
    %dma_wait3A_681 = tpu.memref_squeeze %dma_wait3A_680 : memref<1x1x100000xf32, #tpu.memory_space<hbm>> -> memref<100000xf32, #tpu.memory_space<hbm>>
    %dma_wait3A_682 = arith.constant 0 : i32
    %dma_wait3A_683 = tpu.memref_slice %arg3[%dma_wait3A_678, %add3A, %dma_wait3A_682] : memref<26x32x100000xf32, #tpu.memory_space<hbm>> -> memref<1x1x100000xf32, #tpu.memory_space<hbm>>
    %dma_wait3A_684 = tpu.memref_squeeze %dma_wait3A_683 : memref<1x1x100000xf32, #tpu.memory_space<hbm>> -> memref<100000xf32, #tpu.memory_space<hbm>>
    tpu.wait_dma2 semaphore(%arg9 : memref<!tpu.dma_semaphore, #tpu.memory_space<semaphore_mem>>) src(%dma_wait3A_684 : memref<100000xf32, #tpu.memory_space<hbm>>) dst(%arg5 : memref<100000xf32, #tpu.memory_space<vmem>>)
    %parallel_loop3A_685 = arith.constant 0 : i32
    %parallel_loop3A_686 = arith.constant 1024 : i32
    %parallel_loop3A_687 = arith.constant 1 : i32
    scf.for %parallel_loop3A_968 = %parallel_loop3A_685 to %parallel_loop3A_686 step %parallel_loop3A_687  : i32 {
      %parallel_loop3A_969 = arith.constant 16 : i32
      %parallel_loop3A_970 = arith.muli %parallel_loop3A_968, %parallel_loop3A_969 : i32
      %parallel_loop3A_971 = arith.index_cast %parallel_loop3A_970 : i32 to index
      %parallel_loop3A_972 = tpu.vector_load %arg6[%parallel_loop3A_971] {strides = array<i32>} : memref<16384xf32, #tpu.memory_space<vmem>>, vector<16xf32>,
      %parallel_loop3A_973 = vector.bitcast %parallel_loop3A_972 : vector<16xf32> to vector<16xi32>
      %parallel_loop3A_974 = tpu.vector_load_idx %arg5[%parallel_loop3A_973] : memref<100000xf32, #tpu.memory_space<vmem>>[vector<16xi32>], vector<16xf32>,
      %parallel_loop3A_975 = arith.index_cast %parallel_loop3A_970 : i32 to index
      %parallel_loop3A_976 = tpu.vector_load %arg6[%parallel_loop3A_975] {strides = array<i32>} : memref<16384xf32, #tpu.memory_space<vmem>>, vector<16xf32>,
      tpu.vector_store %arg6[%parallel_loop3A_975], %parallel_loop3A_974 {strides = array<i32>} : memref<16384xf32, #tpu.memory_space<vmem>>, vector<16xf32>,
    } {sc.loop_unroll_factor = 16 : i64, sc.parallel_access}
    %dma_start3A_688 = arith.constant 18 : i32
    %dma_start3A_689 = arith.constant 0 : i32
    %dma_start3A_690 = tpu.memref_slice %arg4[%dma_start3A_688, %add3A, %dma_start3A_689] : memref<26x32x16384xf32, #tpu.memory_space<hbm>> -> memref<1x1x16384xf32, #tpu.memory_space<hbm>>
    %dma_start3A_691 = tpu.memref_squeeze %dma_start3A_690 : memref<1x1x16384xf32, #tpu.memory_space<hbm>> -> memref<16384xf32, #tpu.memory_space<hbm>>
    %dma_start3A_692 = arith.constant 0 : i32
    %dma_start3A_693 = tpu.memref_slice %arg4[%dma_start3A_688, %add3A, %dma_start3A_692] : memref<26x32x16384xf32, #tpu.memory_space<hbm>> -> memref<1x1x16384xf32, #tpu.memory_space<hbm>>
    %dma_start3A_694 = tpu.memref_squeeze %dma_start3A_693 : memref<1x1x16384xf32, #tpu.memory_space<hbm>> -> memref<16384xf32, #tpu.memory_space<hbm>>
    tpu.enqueue_dma source(%arg6 : memref<16384xf32, #tpu.memory_space<vmem>>) target(%dma_start3A_694 : memref<16384xf32, #tpu.memory_space<hbm>>) target_semaphore(%arg8 : memref<!tpu.dma_semaphore, #tpu.memory_space<semaphore_mem>>)
    %eq3A_695 = arith.constant 3 : i32
    %eq3A_696 = arith.cmpi eq, %arg1, %eq3A_695 : i32
    %convert_element_type3A_697 = arith.extui %eq3A_696 : i1 to i32
    %cond3A_698 = arith.constant 0 : i32
    %cond3A_699 = arith.cmpi ne, %convert_element_type3A_697, %cond3A_698 : i32
    scf.if %cond3A_699 {
      %run_scoped3A_968 = arith.constant 19 : i32
      %run_scoped3A_969 = arith.constant 1 : i32
      "tpu.region"() ({
        %run_scoped3A_970 = tpu.sem_alloc : memref<!tpu.dma_semaphore, #tpu.memory_space<semaphore_mem>>
        %dma_start3A_971 = arith.constant 0 : i32
        %dma_start3A_972 = tpu.memref_slice %arg7[%run_scoped3A_969, %dma_start3A_971] : memref<2x16384xf32, #tpu.memory_space<vmem_shared>> -> memref<1x16384xf32, #tpu.memory_space<vmem_shared>>
        %dma_start3A_973 = tpu.memref_squeeze %dma_start3A_972 : memref<1x16384xf32, #tpu.memory_space<vmem_shared>> -> memref<16384xf32, #tpu.memory_space<vmem_shared>>
        %dma_start3A_974 = arith.constant 0 : i32
        %dma_start3A_975 = tpu.memref_slice %arg2[%run_scoped3A_968, %dma_start3A_974] : memref<26x16384xf32, #tpu.memory_space<hbm>> -> memref<1x16384xf32, #tpu.memory_space<hbm>>
        %dma_start3A_976 = tpu.memref_squeeze %dma_start3A_975 : memref<1x16384xf32, #tpu.memory_space<hbm>> -> memref<16384xf32, #tpu.memory_space<hbm>>
        tpu.enqueue_dma source(%dma_start3A_976 : memref<16384xf32, #tpu.memory_space<hbm>>) target(%dma_start3A_973 : memref<16384xf32, #tpu.memory_space<vmem_shared>>) target_semaphore(%run_scoped3A_970 : memref<!tpu.dma_semaphore, #tpu.memory_space<semaphore_mem>>)
        %dma_wait3A_977 = arith.constant 0 : i32
        %dma_wait3A_978 = tpu.memref_slice %arg7[%run_scoped3A_969, %dma_wait3A_977] : memref<2x16384xf32, #tpu.memory_space<vmem_shared>> -> memref<1x16384xf32, #tpu.memory_space<vmem_shared>>
        %dma_wait3A_979 = tpu.memref_squeeze %dma_wait3A_978 : memref<1x16384xf32, #tpu.memory_space<vmem_shared>> -> memref<16384xf32, #tpu.memory_space<vmem_shared>>
        %dma_wait3A_980 = arith.constant 0 : i32
        %dma_wait3A_981 = tpu.memref_slice %arg2[%run_scoped3A_968, %dma_wait3A_980] : memref<26x16384xf32, #tpu.memory_space<hbm>> -> memref<1x16384xf32, #tpu.memory_space<hbm>>
        %dma_wait3A_982 = tpu.memref_squeeze %dma_wait3A_981 : memref<1x16384xf32, #tpu.memory_space<hbm>> -> memref<16384xf32, #tpu.memory_space<hbm>>
        tpu.wait_dma2 semaphore(%run_scoped3A_970 : memref<!tpu.dma_semaphore, #tpu.memory_space<semaphore_mem>>) src(%dma_wait3A_982 : memref<16384xf32, #tpu.memory_space<hbm>>) dst(%dma_wait3A_979 : memref<16384xf32, #tpu.memory_space<vmem_shared>>)
        tpu.yield
      }) : () -> ()
    } else {
    }
    %dma_start3A_700 = arith.constant 19 : i32
    %dma_start3A_701 = arith.constant 0 : i32
    %dma_start3A_702 = tpu.memref_slice %arg3[%dma_start3A_700, %add3A, %dma_start3A_701] : memref<26x32x100000xf32, #tpu.memory_space<hbm>> -> memref<1x1x100000xf32, #tpu.memory_space<hbm>>
    %dma_start3A_703 = tpu.memref_squeeze %dma_start3A_702 : memref<1x1x100000xf32, #tpu.memory_space<hbm>> -> memref<100000xf32, #tpu.memory_space<hbm>>
    %dma_start3A_704 = arith.constant 0 : i32
    %dma_start3A_705 = tpu.memref_slice %arg3[%dma_start3A_700, %add3A, %dma_start3A_704] : memref<26x32x100000xf32, #tpu.memory_space<hbm>> -> memref<1x1x100000xf32, #tpu.memory_space<hbm>>
    %dma_start3A_706 = tpu.memref_squeeze %dma_start3A_705 : memref<1x1x100000xf32, #tpu.memory_space<hbm>> -> memref<100000xf32, #tpu.memory_space<hbm>>
    tpu.enqueue_dma source(%dma_start3A_706 : memref<100000xf32, #tpu.memory_space<hbm>>) target(%arg5 : memref<100000xf32, #tpu.memory_space<vmem>>) target_semaphore(%arg9 : memref<!tpu.dma_semaphore, #tpu.memory_space<semaphore_mem>>)
    %dma_wait3A_707 = arith.constant 18 : i32
    %dma_wait3A_708 = arith.constant 0 : i32
    %dma_wait3A_709 = tpu.memref_slice %arg4[%dma_wait3A_707, %add3A, %dma_wait3A_708] : memref<26x32x16384xf32, #tpu.memory_space<hbm>> -> memref<1x1x16384xf32, #tpu.memory_space<hbm>>
    %dma_wait3A_710 = tpu.memref_squeeze %dma_wait3A_709 : memref<1x1x16384xf32, #tpu.memory_space<hbm>> -> memref<16384xf32, #tpu.memory_space<hbm>>
    %dma_wait3A_711 = arith.constant 0 : i32
    %dma_wait3A_712 = tpu.memref_slice %arg4[%dma_wait3A_707, %add3A, %dma_wait3A_711] : memref<26x32x16384xf32, #tpu.memory_space<hbm>> -> memref<1x1x16384xf32, #tpu.memory_space<hbm>>
    %dma_wait3A_713 = tpu.memref_squeeze %dma_wait3A_712 : memref<1x1x16384xf32, #tpu.memory_space<hbm>> -> memref<16384xf32, #tpu.memory_space<hbm>>
    tpu.wait_dma2 semaphore(%arg8 : memref<!tpu.dma_semaphore, #tpu.memory_space<semaphore_mem>>) src(%arg6 : memref<16384xf32, #tpu.memory_space<vmem>>) dst(%dma_wait3A_713 : memref<16384xf32, #tpu.memory_space<hbm>>)
    %barrier3A_714 = arith.constant 0 : index
    tpu.barrier barrier_id(%barrier3A_714)
    %run_scoped3A_715 = arith.constant 1 : i32
    "tpu.region"() ({
      %run_scoped3A_968 = tpu.sem_alloc : memref<!tpu.dma_semaphore, #tpu.memory_space<semaphore_mem>>
      %dma_start3A_969 = arith.constant 0 : i32
      %dma_start3A_970 = tpu.memref_slice %arg7[%run_scoped3A_715, %dma_start3A_969] : memref<2x16384xf32, #tpu.memory_space<vmem_shared>> -> memref<1x16384xf32, #tpu.memory_space<vmem_shared>>
      %dma_start3A_971 = tpu.memref_squeeze %dma_start3A_970 : memref<1x16384xf32, #tpu.memory_space<vmem_shared>> -> memref<16384xf32, #tpu.memory_space<vmem_shared>>
      %dma_start3A_972 = arith.constant 0 : i32
      %dma_start3A_973 = tpu.memref_slice %arg7[%run_scoped3A_715, %dma_start3A_972] : memref<2x16384xf32, #tpu.memory_space<vmem_shared>> -> memref<1x16384xf32, #tpu.memory_space<vmem_shared>>
      %dma_start3A_974 = tpu.memref_squeeze %dma_start3A_973 : memref<1x16384xf32, #tpu.memory_space<vmem_shared>> -> memref<16384xf32, #tpu.memory_space<vmem_shared>>
      tpu.enqueue_dma source(%dma_start3A_974 : memref<16384xf32, #tpu.memory_space<vmem_shared>>) target(%arg6 : memref<16384xf32, #tpu.memory_space<vmem>>) target_semaphore(%run_scoped3A_968 : memref<!tpu.dma_semaphore, #tpu.memory_space<semaphore_mem>>)
      %dma_wait3A_975 = arith.constant 0 : i32
      %dma_wait3A_976 = tpu.memref_slice %arg7[%run_scoped3A_715, %dma_wait3A_975] : memref<2x16384xf32, #tpu.memory_space<vmem_shared>> -> memref<1x16384xf32, #tpu.memory_space<vmem_shared>>
      %dma_wait3A_977 = tpu.memref_squeeze %dma_wait3A_976 : memref<1x16384xf32, #tpu.memory_space<vmem_shared>> -> memref<16384xf32, #tpu.memory_space<vmem_shared>>
      %dma_wait3A_978 = arith.constant 0 : i32
      %dma_wait3A_979 = tpu.memref_slice %arg7[%run_scoped3A_715, %dma_wait3A_978] : memref<2x16384xf32, #tpu.memory_space<vmem_shared>> -> memref<1x16384xf32, #tpu.memory_space<vmem_shared>>
      %dma_wait3A_980 = tpu.memref_squeeze %dma_wait3A_979 : memref<1x16384xf32, #tpu.memory_space<vmem_shared>> -> memref<16384xf32, #tpu.memory_space<vmem_shared>>
      tpu.wait_dma2 semaphore(%run_scoped3A_968 : memref<!tpu.dma_semaphore, #tpu.memory_space<semaphore_mem>>) src(%dma_wait3A_980 : memref<16384xf32, #tpu.memory_space<vmem_shared>>) dst(%arg6 : memref<16384xf32, #tpu.memory_space<vmem>>)
      tpu.yield
    }) : () -> ()
    %dma_wait3A_716 = arith.constant 19 : i32
    %dma_wait3A_717 = arith.constant 0 : i32
    %dma_wait3A_718 = tpu.memref_slice %arg3[%dma_wait3A_716, %add3A, %dma_wait3A_717] : memref<26x32x100000xf32, #tpu.memory_space<hbm>> -> memref<1x1x100000xf32, #tpu.memory_space<hbm>>
    %dma_wait3A_719 = tpu.memref_squeeze %dma_wait3A_718 : memref<1x1x100000xf32, #tpu.memory_space<hbm>> -> memref<100000xf32, #tpu.memory_space<hbm>>
    %dma_wait3A_720 = arith.constant 0 : i32
    %dma_wait3A_721 = tpu.memref_slice %arg3[%dma_wait3A_716, %add3A, %dma_wait3A_720] : memref<26x32x100000xf32, #tpu.memory_space<hbm>> -> memref<1x1x100000xf32, #tpu.memory_space<hbm>>
    %dma_wait3A_722 = tpu.memref_squeeze %dma_wait3A_721 : memref<1x1x100000xf32, #tpu.memory_space<hbm>> -> memref<100000xf32, #tpu.memory_space<hbm>>
    tpu.wait_dma2 semaphore(%arg9 : memref<!tpu.dma_semaphore, #tpu.memory_space<semaphore_mem>>) src(%dma_wait3A_722 : memref<100000xf32, #tpu.memory_space<hbm>>) dst(%arg5 : memref<100000xf32, #tpu.memory_space<vmem>>)
    %parallel_loop3A_723 = arith.constant 0 : i32
    %parallel_loop3A_724 = arith.constant 1024 : i32
    %parallel_loop3A_725 = arith.constant 1 : i32
    scf.for %parallel_loop3A_968 = %parallel_loop3A_723 to %parallel_loop3A_724 step %parallel_loop3A_725  : i32 {
      %parallel_loop3A_969 = arith.constant 16 : i32
      %parallel_loop3A_970 = arith.muli %parallel_loop3A_968, %parallel_loop3A_969 : i32
      %parallel_loop3A_971 = arith.index_cast %parallel_loop3A_970 : i32 to index
      %parallel_loop3A_972 = tpu.vector_load %arg6[%parallel_loop3A_971] {strides = array<i32>} : memref<16384xf32, #tpu.memory_space<vmem>>, vector<16xf32>,
      %parallel_loop3A_973 = vector.bitcast %parallel_loop3A_972 : vector<16xf32> to vector<16xi32>
      %parallel_loop3A_974 = tpu.vector_load_idx %arg5[%parallel_loop3A_973] : memref<100000xf32, #tpu.memory_space<vmem>>[vector<16xi32>], vector<16xf32>,
      %parallel_loop3A_975 = arith.index_cast %parallel_loop3A_970 : i32 to index
      %parallel_loop3A_976 = tpu.vector_load %arg6[%parallel_loop3A_975] {strides = array<i32>} : memref<16384xf32, #tpu.memory_space<vmem>>, vector<16xf32>,
      tpu.vector_store %arg6[%parallel_loop3A_975], %parallel_loop3A_974 {strides = array<i32>} : memref<16384xf32, #tpu.memory_space<vmem>>, vector<16xf32>,
    } {sc.loop_unroll_factor = 16 : i64, sc.parallel_access}
    %dma_start3A_726 = arith.constant 19 : i32
    %dma_start3A_727 = arith.constant 0 : i32
    %dma_start3A_728 = tpu.memref_slice %arg4[%dma_start3A_726, %add3A, %dma_start3A_727] : memref<26x32x16384xf32, #tpu.memory_space<hbm>> -> memref<1x1x16384xf32, #tpu.memory_space<hbm>>
    %dma_start3A_729 = tpu.memref_squeeze %dma_start3A_728 : memref<1x1x16384xf32, #tpu.memory_space<hbm>> -> memref<16384xf32, #tpu.memory_space<hbm>>
    %dma_start3A_730 = arith.constant 0 : i32
    %dma_start3A_731 = tpu.memref_slice %arg4[%dma_start3A_726, %add3A, %dma_start3A_730] : memref<26x32x16384xf32, #tpu.memory_space<hbm>> -> memref<1x1x16384xf32, #tpu.memory_space<hbm>>
    %dma_start3A_732 = tpu.memref_squeeze %dma_start3A_731 : memref<1x1x16384xf32, #tpu.memory_space<hbm>> -> memref<16384xf32, #tpu.memory_space<hbm>>
    tpu.enqueue_dma source(%arg6 : memref<16384xf32, #tpu.memory_space<vmem>>) target(%dma_start3A_732 : memref<16384xf32, #tpu.memory_space<hbm>>) target_semaphore(%arg8 : memref<!tpu.dma_semaphore, #tpu.memory_space<semaphore_mem>>)
    %eq3A_733 = arith.constant 4 : i32
    %eq3A_734 = arith.cmpi eq, %arg1, %eq3A_733 : i32
    %convert_element_type3A_735 = arith.extui %eq3A_734 : i1 to i32
    %cond3A_736 = arith.constant 0 : i32
    %cond3A_737 = arith.cmpi ne, %convert_element_type3A_735, %cond3A_736 : i32
    scf.if %cond3A_737 {
      %run_scoped3A_968 = arith.constant 20 : i32
      %run_scoped3A_969 = arith.constant 0 : i32
      "tpu.region"() ({
        %run_scoped3A_970 = tpu.sem_alloc : memref<!tpu.dma_semaphore, #tpu.memory_space<semaphore_mem>>
        %dma_start3A_971 = arith.constant 0 : i32
        %dma_start3A_972 = tpu.memref_slice %arg7[%run_scoped3A_969, %dma_start3A_971] : memref<2x16384xf32, #tpu.memory_space<vmem_shared>> -> memref<1x16384xf32, #tpu.memory_space<vmem_shared>>
        %dma_start3A_973 = tpu.memref_squeeze %dma_start3A_972 : memref<1x16384xf32, #tpu.memory_space<vmem_shared>> -> memref<16384xf32, #tpu.memory_space<vmem_shared>>
        %dma_start3A_974 = arith.constant 0 : i32
        %dma_start3A_975 = tpu.memref_slice %arg2[%run_scoped3A_968, %dma_start3A_974] : memref<26x16384xf32, #tpu.memory_space<hbm>> -> memref<1x16384xf32, #tpu.memory_space<hbm>>
        %dma_start3A_976 = tpu.memref_squeeze %dma_start3A_975 : memref<1x16384xf32, #tpu.memory_space<hbm>> -> memref<16384xf32, #tpu.memory_space<hbm>>
        tpu.enqueue_dma source(%dma_start3A_976 : memref<16384xf32, #tpu.memory_space<hbm>>) target(%dma_start3A_973 : memref<16384xf32, #tpu.memory_space<vmem_shared>>) target_semaphore(%run_scoped3A_970 : memref<!tpu.dma_semaphore, #tpu.memory_space<semaphore_mem>>)
        %dma_wait3A_977 = arith.constant 0 : i32
        %dma_wait3A_978 = tpu.memref_slice %arg7[%run_scoped3A_969, %dma_wait3A_977] : memref<2x16384xf32, #tpu.memory_space<vmem_shared>> -> memref<1x16384xf32, #tpu.memory_space<vmem_shared>>
        %dma_wait3A_979 = tpu.memref_squeeze %dma_wait3A_978 : memref<1x16384xf32, #tpu.memory_space<vmem_shared>> -> memref<16384xf32, #tpu.memory_space<vmem_shared>>
        %dma_wait3A_980 = arith.constant 0 : i32
        %dma_wait3A_981 = tpu.memref_slice %arg2[%run_scoped3A_968, %dma_wait3A_980] : memref<26x16384xf32, #tpu.memory_space<hbm>> -> memref<1x16384xf32, #tpu.memory_space<hbm>>
        %dma_wait3A_982 = tpu.memref_squeeze %dma_wait3A_981 : memref<1x16384xf32, #tpu.memory_space<hbm>> -> memref<16384xf32, #tpu.memory_space<hbm>>
        tpu.wait_dma2 semaphore(%run_scoped3A_970 : memref<!tpu.dma_semaphore, #tpu.memory_space<semaphore_mem>>) src(%dma_wait3A_982 : memref<16384xf32, #tpu.memory_space<hbm>>) dst(%dma_wait3A_979 : memref<16384xf32, #tpu.memory_space<vmem_shared>>)
        tpu.yield
      }) : () -> ()
    } else {
    }
    %dma_start3A_738 = arith.constant 20 : i32
    %dma_start3A_739 = arith.constant 0 : i32
    %dma_start3A_740 = tpu.memref_slice %arg3[%dma_start3A_738, %add3A, %dma_start3A_739] : memref<26x32x100000xf32, #tpu.memory_space<hbm>> -> memref<1x1x100000xf32, #tpu.memory_space<hbm>>
    %dma_start3A_741 = tpu.memref_squeeze %dma_start3A_740 : memref<1x1x100000xf32, #tpu.memory_space<hbm>> -> memref<100000xf32, #tpu.memory_space<hbm>>
    %dma_start3A_742 = arith.constant 0 : i32
    %dma_start3A_743 = tpu.memref_slice %arg3[%dma_start3A_738, %add3A, %dma_start3A_742] : memref<26x32x100000xf32, #tpu.memory_space<hbm>> -> memref<1x1x100000xf32, #tpu.memory_space<hbm>>
    %dma_start3A_744 = tpu.memref_squeeze %dma_start3A_743 : memref<1x1x100000xf32, #tpu.memory_space<hbm>> -> memref<100000xf32, #tpu.memory_space<hbm>>
    tpu.enqueue_dma source(%dma_start3A_744 : memref<100000xf32, #tpu.memory_space<hbm>>) target(%arg5 : memref<100000xf32, #tpu.memory_space<vmem>>) target_semaphore(%arg9 : memref<!tpu.dma_semaphore, #tpu.memory_space<semaphore_mem>>)
    %dma_wait3A_745 = arith.constant 19 : i32
    %dma_wait3A_746 = arith.constant 0 : i32
    %dma_wait3A_747 = tpu.memref_slice %arg4[%dma_wait3A_745, %add3A, %dma_wait3A_746] : memref<26x32x16384xf32, #tpu.memory_space<hbm>> -> memref<1x1x16384xf32, #tpu.memory_space<hbm>>
    %dma_wait3A_748 = tpu.memref_squeeze %dma_wait3A_747 : memref<1x1x16384xf32, #tpu.memory_space<hbm>> -> memref<16384xf32, #tpu.memory_space<hbm>>
    %dma_wait3A_749 = arith.constant 0 : i32
    %dma_wait3A_750 = tpu.memref_slice %arg4[%dma_wait3A_745, %add3A, %dma_wait3A_749] : memref<26x32x16384xf32, #tpu.memory_space<hbm>> -> memref<1x1x16384xf32, #tpu.memory_space<hbm>>
    %dma_wait3A_751 = tpu.memref_squeeze %dma_wait3A_750 : memref<1x1x16384xf32, #tpu.memory_space<hbm>> -> memref<16384xf32, #tpu.memory_space<hbm>>
    tpu.wait_dma2 semaphore(%arg8 : memref<!tpu.dma_semaphore, #tpu.memory_space<semaphore_mem>>) src(%arg6 : memref<16384xf32, #tpu.memory_space<vmem>>) dst(%dma_wait3A_751 : memref<16384xf32, #tpu.memory_space<hbm>>)
    %barrier3A_752 = arith.constant 0 : index
    tpu.barrier barrier_id(%barrier3A_752)
    %run_scoped3A_753 = arith.constant 0 : i32
    "tpu.region"() ({
      %run_scoped3A_968 = tpu.sem_alloc : memref<!tpu.dma_semaphore, #tpu.memory_space<semaphore_mem>>
      %dma_start3A_969 = arith.constant 0 : i32
      %dma_start3A_970 = tpu.memref_slice %arg7[%run_scoped3A_753, %dma_start3A_969] : memref<2x16384xf32, #tpu.memory_space<vmem_shared>> -> memref<1x16384xf32, #tpu.memory_space<vmem_shared>>
      %dma_start3A_971 = tpu.memref_squeeze %dma_start3A_970 : memref<1x16384xf32, #tpu.memory_space<vmem_shared>> -> memref<16384xf32, #tpu.memory_space<vmem_shared>>
      %dma_start3A_972 = arith.constant 0 : i32
      %dma_start3A_973 = tpu.memref_slice %arg7[%run_scoped3A_753, %dma_start3A_972] : memref<2x16384xf32, #tpu.memory_space<vmem_shared>> -> memref<1x16384xf32, #tpu.memory_space<vmem_shared>>
      %dma_start3A_974 = tpu.memref_squeeze %dma_start3A_973 : memref<1x16384xf32, #tpu.memory_space<vmem_shared>> -> memref<16384xf32, #tpu.memory_space<vmem_shared>>
      tpu.enqueue_dma source(%dma_start3A_974 : memref<16384xf32, #tpu.memory_space<vmem_shared>>) target(%arg6 : memref<16384xf32, #tpu.memory_space<vmem>>) target_semaphore(%run_scoped3A_968 : memref<!tpu.dma_semaphore, #tpu.memory_space<semaphore_mem>>)
      %dma_wait3A_975 = arith.constant 0 : i32
      %dma_wait3A_976 = tpu.memref_slice %arg7[%run_scoped3A_753, %dma_wait3A_975] : memref<2x16384xf32, #tpu.memory_space<vmem_shared>> -> memref<1x16384xf32, #tpu.memory_space<vmem_shared>>
      %dma_wait3A_977 = tpu.memref_squeeze %dma_wait3A_976 : memref<1x16384xf32, #tpu.memory_space<vmem_shared>> -> memref<16384xf32, #tpu.memory_space<vmem_shared>>
      %dma_wait3A_978 = arith.constant 0 : i32
      %dma_wait3A_979 = tpu.memref_slice %arg7[%run_scoped3A_753, %dma_wait3A_978] : memref<2x16384xf32, #tpu.memory_space<vmem_shared>> -> memref<1x16384xf32, #tpu.memory_space<vmem_shared>>
      %dma_wait3A_980 = tpu.memref_squeeze %dma_wait3A_979 : memref<1x16384xf32, #tpu.memory_space<vmem_shared>> -> memref<16384xf32, #tpu.memory_space<vmem_shared>>
      tpu.wait_dma2 semaphore(%run_scoped3A_968 : memref<!tpu.dma_semaphore, #tpu.memory_space<semaphore_mem>>) src(%dma_wait3A_980 : memref<16384xf32, #tpu.memory_space<vmem_shared>>) dst(%arg6 : memref<16384xf32, #tpu.memory_space<vmem>>)
      tpu.yield
    }) : () -> ()
    %dma_wait3A_754 = arith.constant 20 : i32
    %dma_wait3A_755 = arith.constant 0 : i32
    %dma_wait3A_756 = tpu.memref_slice %arg3[%dma_wait3A_754, %add3A, %dma_wait3A_755] : memref<26x32x100000xf32, #tpu.memory_space<hbm>> -> memref<1x1x100000xf32, #tpu.memory_space<hbm>>
    %dma_wait3A_757 = tpu.memref_squeeze %dma_wait3A_756 : memref<1x1x100000xf32, #tpu.memory_space<hbm>> -> memref<100000xf32, #tpu.memory_space<hbm>>
    %dma_wait3A_758 = arith.constant 0 : i32
    %dma_wait3A_759 = tpu.memref_slice %arg3[%dma_wait3A_754, %add3A, %dma_wait3A_758] : memref<26x32x100000xf32, #tpu.memory_space<hbm>> -> memref<1x1x100000xf32, #tpu.memory_space<hbm>>
    %dma_wait3A_760 = tpu.memref_squeeze %dma_wait3A_759 : memref<1x1x100000xf32, #tpu.memory_space<hbm>> -> memref<100000xf32, #tpu.memory_space<hbm>>
    tpu.wait_dma2 semaphore(%arg9 : memref<!tpu.dma_semaphore, #tpu.memory_space<semaphore_mem>>) src(%dma_wait3A_760 : memref<100000xf32, #tpu.memory_space<hbm>>) dst(%arg5 : memref<100000xf32, #tpu.memory_space<vmem>>)
    %parallel_loop3A_761 = arith.constant 0 : i32
    %parallel_loop3A_762 = arith.constant 1024 : i32
    %parallel_loop3A_763 = arith.constant 1 : i32
    scf.for %parallel_loop3A_968 = %parallel_loop3A_761 to %parallel_loop3A_762 step %parallel_loop3A_763  : i32 {
      %parallel_loop3A_969 = arith.constant 16 : i32
      %parallel_loop3A_970 = arith.muli %parallel_loop3A_968, %parallel_loop3A_969 : i32
      %parallel_loop3A_971 = arith.index_cast %parallel_loop3A_970 : i32 to index
      %parallel_loop3A_972 = tpu.vector_load %arg6[%parallel_loop3A_971] {strides = array<i32>} : memref<16384xf32, #tpu.memory_space<vmem>>, vector<16xf32>,
      %parallel_loop3A_973 = vector.bitcast %parallel_loop3A_972 : vector<16xf32> to vector<16xi32>
      %parallel_loop3A_974 = tpu.vector_load_idx %arg5[%parallel_loop3A_973] : memref<100000xf32, #tpu.memory_space<vmem>>[vector<16xi32>], vector<16xf32>,
      %parallel_loop3A_975 = arith.index_cast %parallel_loop3A_970 : i32 to index
      %parallel_loop3A_976 = tpu.vector_load %arg6[%parallel_loop3A_975] {strides = array<i32>} : memref<16384xf32, #tpu.memory_space<vmem>>, vector<16xf32>,
      tpu.vector_store %arg6[%parallel_loop3A_975], %parallel_loop3A_974 {strides = array<i32>} : memref<16384xf32, #tpu.memory_space<vmem>>, vector<16xf32>,
    } {sc.loop_unroll_factor = 16 : i64, sc.parallel_access}
    %dma_start3A_764 = arith.constant 20 : i32
    %dma_start3A_765 = arith.constant 0 : i32
    %dma_start3A_766 = tpu.memref_slice %arg4[%dma_start3A_764, %add3A, %dma_start3A_765] : memref<26x32x16384xf32, #tpu.memory_space<hbm>> -> memref<1x1x16384xf32, #tpu.memory_space<hbm>>
    %dma_start3A_767 = tpu.memref_squeeze %dma_start3A_766 : memref<1x1x16384xf32, #tpu.memory_space<hbm>> -> memref<16384xf32, #tpu.memory_space<hbm>>
    %dma_start3A_768 = arith.constant 0 : i32
    %dma_start3A_769 = tpu.memref_slice %arg4[%dma_start3A_764, %add3A, %dma_start3A_768] : memref<26x32x16384xf32, #tpu.memory_space<hbm>> -> memref<1x1x16384xf32, #tpu.memory_space<hbm>>
    %dma_start3A_770 = tpu.memref_squeeze %dma_start3A_769 : memref<1x1x16384xf32, #tpu.memory_space<hbm>> -> memref<16384xf32, #tpu.memory_space<hbm>>
    tpu.enqueue_dma source(%arg6 : memref<16384xf32, #tpu.memory_space<vmem>>) target(%dma_start3A_770 : memref<16384xf32, #tpu.memory_space<hbm>>) target_semaphore(%arg8 : memref<!tpu.dma_semaphore, #tpu.memory_space<semaphore_mem>>)
    %eq3A_771 = arith.constant 5 : i32
    %eq3A_772 = arith.cmpi eq, %arg1, %eq3A_771 : i32
    %convert_element_type3A_773 = arith.extui %eq3A_772 : i1 to i32
    %cond3A_774 = arith.constant 0 : i32
    %cond3A_775 = arith.cmpi ne, %convert_element_type3A_773, %cond3A_774 : i32
    scf.if %cond3A_775 {
      %run_scoped3A_968 = arith.constant 21 : i32
      %run_scoped3A_969 = arith.constant 1 : i32
      "tpu.region"() ({
        %run_scoped3A_970 = tpu.sem_alloc : memref<!tpu.dma_semaphore, #tpu.memory_space<semaphore_mem>>
        %dma_start3A_971 = arith.constant 0 : i32
        %dma_start3A_972 = tpu.memref_slice %arg7[%run_scoped3A_969, %dma_start3A_971] : memref<2x16384xf32, #tpu.memory_space<vmem_shared>> -> memref<1x16384xf32, #tpu.memory_space<vmem_shared>>
        %dma_start3A_973 = tpu.memref_squeeze %dma_start3A_972 : memref<1x16384xf32, #tpu.memory_space<vmem_shared>> -> memref<16384xf32, #tpu.memory_space<vmem_shared>>
        %dma_start3A_974 = arith.constant 0 : i32
        %dma_start3A_975 = tpu.memref_slice %arg2[%run_scoped3A_968, %dma_start3A_974] : memref<26x16384xf32, #tpu.memory_space<hbm>> -> memref<1x16384xf32, #tpu.memory_space<hbm>>
        %dma_start3A_976 = tpu.memref_squeeze %dma_start3A_975 : memref<1x16384xf32, #tpu.memory_space<hbm>> -> memref<16384xf32, #tpu.memory_space<hbm>>
        tpu.enqueue_dma source(%dma_start3A_976 : memref<16384xf32, #tpu.memory_space<hbm>>) target(%dma_start3A_973 : memref<16384xf32, #tpu.memory_space<vmem_shared>>) target_semaphore(%run_scoped3A_970 : memref<!tpu.dma_semaphore, #tpu.memory_space<semaphore_mem>>)
        %dma_wait3A_977 = arith.constant 0 : i32
        %dma_wait3A_978 = tpu.memref_slice %arg7[%run_scoped3A_969, %dma_wait3A_977] : memref<2x16384xf32, #tpu.memory_space<vmem_shared>> -> memref<1x16384xf32, #tpu.memory_space<vmem_shared>>
        %dma_wait3A_979 = tpu.memref_squeeze %dma_wait3A_978 : memref<1x16384xf32, #tpu.memory_space<vmem_shared>> -> memref<16384xf32, #tpu.memory_space<vmem_shared>>
        %dma_wait3A_980 = arith.constant 0 : i32
        %dma_wait3A_981 = tpu.memref_slice %arg2[%run_scoped3A_968, %dma_wait3A_980] : memref<26x16384xf32, #tpu.memory_space<hbm>> -> memref<1x16384xf32, #tpu.memory_space<hbm>>
        %dma_wait3A_982 = tpu.memref_squeeze %dma_wait3A_981 : memref<1x16384xf32, #tpu.memory_space<hbm>> -> memref<16384xf32, #tpu.memory_space<hbm>>
        tpu.wait_dma2 semaphore(%run_scoped3A_970 : memref<!tpu.dma_semaphore, #tpu.memory_space<semaphore_mem>>) src(%dma_wait3A_982 : memref<16384xf32, #tpu.memory_space<hbm>>) dst(%dma_wait3A_979 : memref<16384xf32, #tpu.memory_space<vmem_shared>>)
        tpu.yield
      }) : () -> ()
    } else {
    }
    %dma_start3A_776 = arith.constant 21 : i32
    %dma_start3A_777 = arith.constant 0 : i32
    %dma_start3A_778 = tpu.memref_slice %arg3[%dma_start3A_776, %add3A, %dma_start3A_777] : memref<26x32x100000xf32, #tpu.memory_space<hbm>> -> memref<1x1x100000xf32, #tpu.memory_space<hbm>>
    %dma_start3A_779 = tpu.memref_squeeze %dma_start3A_778 : memref<1x1x100000xf32, #tpu.memory_space<hbm>> -> memref<100000xf32, #tpu.memory_space<hbm>>
    %dma_start3A_780 = arith.constant 0 : i32
    %dma_start3A_781 = tpu.memref_slice %arg3[%dma_start3A_776, %add3A, %dma_start3A_780] : memref<26x32x100000xf32, #tpu.memory_space<hbm>> -> memref<1x1x100000xf32, #tpu.memory_space<hbm>>
    %dma_start3A_782 = tpu.memref_squeeze %dma_start3A_781 : memref<1x1x100000xf32, #tpu.memory_space<hbm>> -> memref<100000xf32, #tpu.memory_space<hbm>>
    tpu.enqueue_dma source(%dma_start3A_782 : memref<100000xf32, #tpu.memory_space<hbm>>) target(%arg5 : memref<100000xf32, #tpu.memory_space<vmem>>) target_semaphore(%arg9 : memref<!tpu.dma_semaphore, #tpu.memory_space<semaphore_mem>>)
    %dma_wait3A_783 = arith.constant 20 : i32
    %dma_wait3A_784 = arith.constant 0 : i32
    %dma_wait3A_785 = tpu.memref_slice %arg4[%dma_wait3A_783, %add3A, %dma_wait3A_784] : memref<26x32x16384xf32, #tpu.memory_space<hbm>> -> memref<1x1x16384xf32, #tpu.memory_space<hbm>>
    %dma_wait3A_786 = tpu.memref_squeeze %dma_wait3A_785 : memref<1x1x16384xf32, #tpu.memory_space<hbm>> -> memref<16384xf32, #tpu.memory_space<hbm>>
    %dma_wait3A_787 = arith.constant 0 : i32
    %dma_wait3A_788 = tpu.memref_slice %arg4[%dma_wait3A_783, %add3A, %dma_wait3A_787] : memref<26x32x16384xf32, #tpu.memory_space<hbm>> -> memref<1x1x16384xf32, #tpu.memory_space<hbm>>
    %dma_wait3A_789 = tpu.memref_squeeze %dma_wait3A_788 : memref<1x1x16384xf32, #tpu.memory_space<hbm>> -> memref<16384xf32, #tpu.memory_space<hbm>>
    tpu.wait_dma2 semaphore(%arg8 : memref<!tpu.dma_semaphore, #tpu.memory_space<semaphore_mem>>) src(%arg6 : memref<16384xf32, #tpu.memory_space<vmem>>) dst(%dma_wait3A_789 : memref<16384xf32, #tpu.memory_space<hbm>>)
    %barrier3A_790 = arith.constant 0 : index
    tpu.barrier barrier_id(%barrier3A_790)
    %run_scoped3A_791 = arith.constant 1 : i32
    "tpu.region"() ({
      %run_scoped3A_968 = tpu.sem_alloc : memref<!tpu.dma_semaphore, #tpu.memory_space<semaphore_mem>>
      %dma_start3A_969 = arith.constant 0 : i32
      %dma_start3A_970 = tpu.memref_slice %arg7[%run_scoped3A_791, %dma_start3A_969] : memref<2x16384xf32, #tpu.memory_space<vmem_shared>> -> memref<1x16384xf32, #tpu.memory_space<vmem_shared>>
      %dma_start3A_971 = tpu.memref_squeeze %dma_start3A_970 : memref<1x16384xf32, #tpu.memory_space<vmem_shared>> -> memref<16384xf32, #tpu.memory_space<vmem_shared>>
      %dma_start3A_972 = arith.constant 0 : i32
      %dma_start3A_973 = tpu.memref_slice %arg7[%run_scoped3A_791, %dma_start3A_972] : memref<2x16384xf32, #tpu.memory_space<vmem_shared>> -> memref<1x16384xf32, #tpu.memory_space<vmem_shared>>
      %dma_start3A_974 = tpu.memref_squeeze %dma_start3A_973 : memref<1x16384xf32, #tpu.memory_space<vmem_shared>> -> memref<16384xf32, #tpu.memory_space<vmem_shared>>
      tpu.enqueue_dma source(%dma_start3A_974 : memref<16384xf32, #tpu.memory_space<vmem_shared>>) target(%arg6 : memref<16384xf32, #tpu.memory_space<vmem>>) target_semaphore(%run_scoped3A_968 : memref<!tpu.dma_semaphore, #tpu.memory_space<semaphore_mem>>)
      %dma_wait3A_975 = arith.constant 0 : i32
      %dma_wait3A_976 = tpu.memref_slice %arg7[%run_scoped3A_791, %dma_wait3A_975] : memref<2x16384xf32, #tpu.memory_space<vmem_shared>> -> memref<1x16384xf32, #tpu.memory_space<vmem_shared>>
      %dma_wait3A_977 = tpu.memref_squeeze %dma_wait3A_976 : memref<1x16384xf32, #tpu.memory_space<vmem_shared>> -> memref<16384xf32, #tpu.memory_space<vmem_shared>>
      %dma_wait3A_978 = arith.constant 0 : i32
      %dma_wait3A_979 = tpu.memref_slice %arg7[%run_scoped3A_791, %dma_wait3A_978] : memref<2x16384xf32, #tpu.memory_space<vmem_shared>> -> memref<1x16384xf32, #tpu.memory_space<vmem_shared>>
      %dma_wait3A_980 = tpu.memref_squeeze %dma_wait3A_979 : memref<1x16384xf32, #tpu.memory_space<vmem_shared>> -> memref<16384xf32, #tpu.memory_space<vmem_shared>>
      tpu.wait_dma2 semaphore(%run_scoped3A_968 : memref<!tpu.dma_semaphore, #tpu.memory_space<semaphore_mem>>) src(%dma_wait3A_980 : memref<16384xf32, #tpu.memory_space<vmem_shared>>) dst(%arg6 : memref<16384xf32, #tpu.memory_space<vmem>>)
      tpu.yield
    }) : () -> ()
    %dma_wait3A_792 = arith.constant 21 : i32
    %dma_wait3A_793 = arith.constant 0 : i32
    %dma_wait3A_794 = tpu.memref_slice %arg3[%dma_wait3A_792, %add3A, %dma_wait3A_793] : memref<26x32x100000xf32, #tpu.memory_space<hbm>> -> memref<1x1x100000xf32, #tpu.memory_space<hbm>>
    %dma_wait3A_795 = tpu.memref_squeeze %dma_wait3A_794 : memref<1x1x100000xf32, #tpu.memory_space<hbm>> -> memref<100000xf32, #tpu.memory_space<hbm>>
    %dma_wait3A_796 = arith.constant 0 : i32
    %dma_wait3A_797 = tpu.memref_slice %arg3[%dma_wait3A_792, %add3A, %dma_wait3A_796] : memref<26x32x100000xf32, #tpu.memory_space<hbm>> -> memref<1x1x100000xf32, #tpu.memory_space<hbm>>
    %dma_wait3A_798 = tpu.memref_squeeze %dma_wait3A_797 : memref<1x1x100000xf32, #tpu.memory_space<hbm>> -> memref<100000xf32, #tpu.memory_space<hbm>>
    tpu.wait_dma2 semaphore(%arg9 : memref<!tpu.dma_semaphore, #tpu.memory_space<semaphore_mem>>) src(%dma_wait3A_798 : memref<100000xf32, #tpu.memory_space<hbm>>) dst(%arg5 : memref<100000xf32, #tpu.memory_space<vmem>>)
    %parallel_loop3A_799 = arith.constant 0 : i32
    %parallel_loop3A_800 = arith.constant 1024 : i32
    %parallel_loop3A_801 = arith.constant 1 : i32
    scf.for %parallel_loop3A_968 = %parallel_loop3A_799 to %parallel_loop3A_800 step %parallel_loop3A_801  : i32 {
      %parallel_loop3A_969 = arith.constant 16 : i32
      %parallel_loop3A_970 = arith.muli %parallel_loop3A_968, %parallel_loop3A_969 : i32
      %parallel_loop3A_971 = arith.index_cast %parallel_loop3A_970 : i32 to index
      %parallel_loop3A_972 = tpu.vector_load %arg6[%parallel_loop3A_971] {strides = array<i32>} : memref<16384xf32, #tpu.memory_space<vmem>>, vector<16xf32>,
      %parallel_loop3A_973 = vector.bitcast %parallel_loop3A_972 : vector<16xf32> to vector<16xi32>
      %parallel_loop3A_974 = tpu.vector_load_idx %arg5[%parallel_loop3A_973] : memref<100000xf32, #tpu.memory_space<vmem>>[vector<16xi32>], vector<16xf32>,
      %parallel_loop3A_975 = arith.index_cast %parallel_loop3A_970 : i32 to index
      %parallel_loop3A_976 = tpu.vector_load %arg6[%parallel_loop3A_975] {strides = array<i32>} : memref<16384xf32, #tpu.memory_space<vmem>>, vector<16xf32>,
      tpu.vector_store %arg6[%parallel_loop3A_975], %parallel_loop3A_974 {strides = array<i32>} : memref<16384xf32, #tpu.memory_space<vmem>>, vector<16xf32>,
    } {sc.loop_unroll_factor = 16 : i64, sc.parallel_access}
    %dma_start3A_802 = arith.constant 21 : i32
    %dma_start3A_803 = arith.constant 0 : i32
    %dma_start3A_804 = tpu.memref_slice %arg4[%dma_start3A_802, %add3A, %dma_start3A_803] : memref<26x32x16384xf32, #tpu.memory_space<hbm>> -> memref<1x1x16384xf32, #tpu.memory_space<hbm>>
    %dma_start3A_805 = tpu.memref_squeeze %dma_start3A_804 : memref<1x1x16384xf32, #tpu.memory_space<hbm>> -> memref<16384xf32, #tpu.memory_space<hbm>>
    %dma_start3A_806 = arith.constant 0 : i32
    %dma_start3A_807 = tpu.memref_slice %arg4[%dma_start3A_802, %add3A, %dma_start3A_806] : memref<26x32x16384xf32, #tpu.memory_space<hbm>> -> memref<1x1x16384xf32, #tpu.memory_space<hbm>>
    %dma_start3A_808 = tpu.memref_squeeze %dma_start3A_807 : memref<1x1x16384xf32, #tpu.memory_space<hbm>> -> memref<16384xf32, #tpu.memory_space<hbm>>
    tpu.enqueue_dma source(%arg6 : memref<16384xf32, #tpu.memory_space<vmem>>) target(%dma_start3A_808 : memref<16384xf32, #tpu.memory_space<hbm>>) target_semaphore(%arg8 : memref<!tpu.dma_semaphore, #tpu.memory_space<semaphore_mem>>)
    %eq3A_809 = arith.constant 6 : i32
    %eq3A_810 = arith.cmpi eq, %arg1, %eq3A_809 : i32
    %convert_element_type3A_811 = arith.extui %eq3A_810 : i1 to i32
    %cond3A_812 = arith.constant 0 : i32
    %cond3A_813 = arith.cmpi ne, %convert_element_type3A_811, %cond3A_812 : i32
    scf.if %cond3A_813 {
      %run_scoped3A_968 = arith.constant 22 : i32
      %run_scoped3A_969 = arith.constant 0 : i32
      "tpu.region"() ({
        %run_scoped3A_970 = tpu.sem_alloc : memref<!tpu.dma_semaphore, #tpu.memory_space<semaphore_mem>>
        %dma_start3A_971 = arith.constant 0 : i32
        %dma_start3A_972 = tpu.memref_slice %arg7[%run_scoped3A_969, %dma_start3A_971] : memref<2x16384xf32, #tpu.memory_space<vmem_shared>> -> memref<1x16384xf32, #tpu.memory_space<vmem_shared>>
        %dma_start3A_973 = tpu.memref_squeeze %dma_start3A_972 : memref<1x16384xf32, #tpu.memory_space<vmem_shared>> -> memref<16384xf32, #tpu.memory_space<vmem_shared>>
        %dma_start3A_974 = arith.constant 0 : i32
        %dma_start3A_975 = tpu.memref_slice %arg2[%run_scoped3A_968, %dma_start3A_974] : memref<26x16384xf32, #tpu.memory_space<hbm>> -> memref<1x16384xf32, #tpu.memory_space<hbm>>
        %dma_start3A_976 = tpu.memref_squeeze %dma_start3A_975 : memref<1x16384xf32, #tpu.memory_space<hbm>> -> memref<16384xf32, #tpu.memory_space<hbm>>
        tpu.enqueue_dma source(%dma_start3A_976 : memref<16384xf32, #tpu.memory_space<hbm>>) target(%dma_start3A_973 : memref<16384xf32, #tpu.memory_space<vmem_shared>>) target_semaphore(%run_scoped3A_970 : memref<!tpu.dma_semaphore, #tpu.memory_space<semaphore_mem>>)
        %dma_wait3A_977 = arith.constant 0 : i32
        %dma_wait3A_978 = tpu.memref_slice %arg7[%run_scoped3A_969, %dma_wait3A_977] : memref<2x16384xf32, #tpu.memory_space<vmem_shared>> -> memref<1x16384xf32, #tpu.memory_space<vmem_shared>>
        %dma_wait3A_979 = tpu.memref_squeeze %dma_wait3A_978 : memref<1x16384xf32, #tpu.memory_space<vmem_shared>> -> memref<16384xf32, #tpu.memory_space<vmem_shared>>
        %dma_wait3A_980 = arith.constant 0 : i32
        %dma_wait3A_981 = tpu.memref_slice %arg2[%run_scoped3A_968, %dma_wait3A_980] : memref<26x16384xf32, #tpu.memory_space<hbm>> -> memref<1x16384xf32, #tpu.memory_space<hbm>>
        %dma_wait3A_982 = tpu.memref_squeeze %dma_wait3A_981 : memref<1x16384xf32, #tpu.memory_space<hbm>> -> memref<16384xf32, #tpu.memory_space<hbm>>
        tpu.wait_dma2 semaphore(%run_scoped3A_970 : memref<!tpu.dma_semaphore, #tpu.memory_space<semaphore_mem>>) src(%dma_wait3A_982 : memref<16384xf32, #tpu.memory_space<hbm>>) dst(%dma_wait3A_979 : memref<16384xf32, #tpu.memory_space<vmem_shared>>)
        tpu.yield
      }) : () -> ()
    } else {
    }
    %dma_start3A_814 = arith.constant 22 : i32
    %dma_start3A_815 = arith.constant 0 : i32
    %dma_start3A_816 = tpu.memref_slice %arg3[%dma_start3A_814, %add3A, %dma_start3A_815] : memref<26x32x100000xf32, #tpu.memory_space<hbm>> -> memref<1x1x100000xf32, #tpu.memory_space<hbm>>
    %dma_start3A_817 = tpu.memref_squeeze %dma_start3A_816 : memref<1x1x100000xf32, #tpu.memory_space<hbm>> -> memref<100000xf32, #tpu.memory_space<hbm>>
    %dma_start3A_818 = arith.constant 0 : i32
    %dma_start3A_819 = tpu.memref_slice %arg3[%dma_start3A_814, %add3A, %dma_start3A_818] : memref<26x32x100000xf32, #tpu.memory_space<hbm>> -> memref<1x1x100000xf32, #tpu.memory_space<hbm>>
    %dma_start3A_820 = tpu.memref_squeeze %dma_start3A_819 : memref<1x1x100000xf32, #tpu.memory_space<hbm>> -> memref<100000xf32, #tpu.memory_space<hbm>>
    tpu.enqueue_dma source(%dma_start3A_820 : memref<100000xf32, #tpu.memory_space<hbm>>) target(%arg5 : memref<100000xf32, #tpu.memory_space<vmem>>) target_semaphore(%arg9 : memref<!tpu.dma_semaphore, #tpu.memory_space<semaphore_mem>>)
    %dma_wait3A_821 = arith.constant 21 : i32
    %dma_wait3A_822 = arith.constant 0 : i32
    %dma_wait3A_823 = tpu.memref_slice %arg4[%dma_wait3A_821, %add3A, %dma_wait3A_822] : memref<26x32x16384xf32, #tpu.memory_space<hbm>> -> memref<1x1x16384xf32, #tpu.memory_space<hbm>>
    %dma_wait3A_824 = tpu.memref_squeeze %dma_wait3A_823 : memref<1x1x16384xf32, #tpu.memory_space<hbm>> -> memref<16384xf32, #tpu.memory_space<hbm>>
    %dma_wait3A_825 = arith.constant 0 : i32
    %dma_wait3A_826 = tpu.memref_slice %arg4[%dma_wait3A_821, %add3A, %dma_wait3A_825] : memref<26x32x16384xf32, #tpu.memory_space<hbm>> -> memref<1x1x16384xf32, #tpu.memory_space<hbm>>
    %dma_wait3A_827 = tpu.memref_squeeze %dma_wait3A_826 : memref<1x1x16384xf32, #tpu.memory_space<hbm>> -> memref<16384xf32, #tpu.memory_space<hbm>>
    tpu.wait_dma2 semaphore(%arg8 : memref<!tpu.dma_semaphore, #tpu.memory_space<semaphore_mem>>) src(%arg6 : memref<16384xf32, #tpu.memory_space<vmem>>) dst(%dma_wait3A_827 : memref<16384xf32, #tpu.memory_space<hbm>>)
    %barrier3A_828 = arith.constant 0 : index
    tpu.barrier barrier_id(%barrier3A_828)
    %run_scoped3A_829 = arith.constant 0 : i32
    "tpu.region"() ({
      %run_scoped3A_968 = tpu.sem_alloc : memref<!tpu.dma_semaphore, #tpu.memory_space<semaphore_mem>>
      %dma_start3A_969 = arith.constant 0 : i32
      %dma_start3A_970 = tpu.memref_slice %arg7[%run_scoped3A_829, %dma_start3A_969] : memref<2x16384xf32, #tpu.memory_space<vmem_shared>> -> memref<1x16384xf32, #tpu.memory_space<vmem_shared>>
      %dma_start3A_971 = tpu.memref_squeeze %dma_start3A_970 : memref<1x16384xf32, #tpu.memory_space<vmem_shared>> -> memref<16384xf32, #tpu.memory_space<vmem_shared>>
      %dma_start3A_972 = arith.constant 0 : i32
      %dma_start3A_973 = tpu.memref_slice %arg7[%run_scoped3A_829, %dma_start3A_972] : memref<2x16384xf32, #tpu.memory_space<vmem_shared>> -> memref<1x16384xf32, #tpu.memory_space<vmem_shared>>
      %dma_start3A_974 = tpu.memref_squeeze %dma_start3A_973 : memref<1x16384xf32, #tpu.memory_space<vmem_shared>> -> memref<16384xf32, #tpu.memory_space<vmem_shared>>
      tpu.enqueue_dma source(%dma_start3A_974 : memref<16384xf32, #tpu.memory_space<vmem_shared>>) target(%arg6 : memref<16384xf32, #tpu.memory_space<vmem>>) target_semaphore(%run_scoped3A_968 : memref<!tpu.dma_semaphore, #tpu.memory_space<semaphore_mem>>)
      %dma_wait3A_975 = arith.constant 0 : i32
      %dma_wait3A_976 = tpu.memref_slice %arg7[%run_scoped3A_829, %dma_wait3A_975] : memref<2x16384xf32, #tpu.memory_space<vmem_shared>> -> memref<1x16384xf32, #tpu.memory_space<vmem_shared>>
      %dma_wait3A_977 = tpu.memref_squeeze %dma_wait3A_976 : memref<1x16384xf32, #tpu.memory_space<vmem_shared>> -> memref<16384xf32, #tpu.memory_space<vmem_shared>>
      %dma_wait3A_978 = arith.constant 0 : i32
      %dma_wait3A_979 = tpu.memref_slice %arg7[%run_scoped3A_829, %dma_wait3A_978] : memref<2x16384xf32, #tpu.memory_space<vmem_shared>> -> memref<1x16384xf32, #tpu.memory_space<vmem_shared>>
      %dma_wait3A_980 = tpu.memref_squeeze %dma_wait3A_979 : memref<1x16384xf32, #tpu.memory_space<vmem_shared>> -> memref<16384xf32, #tpu.memory_space<vmem_shared>>
      tpu.wait_dma2 semaphore(%run_scoped3A_968 : memref<!tpu.dma_semaphore, #tpu.memory_space<semaphore_mem>>) src(%dma_wait3A_980 : memref<16384xf32, #tpu.memory_space<vmem_shared>>) dst(%arg6 : memref<16384xf32, #tpu.memory_space<vmem>>)
      tpu.yield
    }) : () -> ()
    %dma_wait3A_830 = arith.constant 22 : i32
    %dma_wait3A_831 = arith.constant 0 : i32
    %dma_wait3A_832 = tpu.memref_slice %arg3[%dma_wait3A_830, %add3A, %dma_wait3A_831] : memref<26x32x100000xf32, #tpu.memory_space<hbm>> -> memref<1x1x100000xf32, #tpu.memory_space<hbm>>
    %dma_wait3A_833 = tpu.memref_squeeze %dma_wait3A_832 : memref<1x1x100000xf32, #tpu.memory_space<hbm>> -> memref<100000xf32, #tpu.memory_space<hbm>>
    %dma_wait3A_834 = arith.constant 0 : i32
    %dma_wait3A_835 = tpu.memref_slice %arg3[%dma_wait3A_830, %add3A, %dma_wait3A_834] : memref<26x32x100000xf32, #tpu.memory_space<hbm>> -> memref<1x1x100000xf32, #tpu.memory_space<hbm>>
    %dma_wait3A_836 = tpu.memref_squeeze %dma_wait3A_835 : memref<1x1x100000xf32, #tpu.memory_space<hbm>> -> memref<100000xf32, #tpu.memory_space<hbm>>
    tpu.wait_dma2 semaphore(%arg9 : memref<!tpu.dma_semaphore, #tpu.memory_space<semaphore_mem>>) src(%dma_wait3A_836 : memref<100000xf32, #tpu.memory_space<hbm>>) dst(%arg5 : memref<100000xf32, #tpu.memory_space<vmem>>)
    %parallel_loop3A_837 = arith.constant 0 : i32
    %parallel_loop3A_838 = arith.constant 1024 : i32
    %parallel_loop3A_839 = arith.constant 1 : i32
    scf.for %parallel_loop3A_968 = %parallel_loop3A_837 to %parallel_loop3A_838 step %parallel_loop3A_839  : i32 {
      %parallel_loop3A_969 = arith.constant 16 : i32
      %parallel_loop3A_970 = arith.muli %parallel_loop3A_968, %parallel_loop3A_969 : i32
      %parallel_loop3A_971 = arith.index_cast %parallel_loop3A_970 : i32 to index
      %parallel_loop3A_972 = tpu.vector_load %arg6[%parallel_loop3A_971] {strides = array<i32>} : memref<16384xf32, #tpu.memory_space<vmem>>, vector<16xf32>,
      %parallel_loop3A_973 = vector.bitcast %parallel_loop3A_972 : vector<16xf32> to vector<16xi32>
      %parallel_loop3A_974 = tpu.vector_load_idx %arg5[%parallel_loop3A_973] : memref<100000xf32, #tpu.memory_space<vmem>>[vector<16xi32>], vector<16xf32>,
      %parallel_loop3A_975 = arith.index_cast %parallel_loop3A_970 : i32 to index
      %parallel_loop3A_976 = tpu.vector_load %arg6[%parallel_loop3A_975] {strides = array<i32>} : memref<16384xf32, #tpu.memory_space<vmem>>, vector<16xf32>,
      tpu.vector_store %arg6[%parallel_loop3A_975], %parallel_loop3A_974 {strides = array<i32>} : memref<16384xf32, #tpu.memory_space<vmem>>, vector<16xf32>,
    } {sc.loop_unroll_factor = 16 : i64, sc.parallel_access}
    %dma_start3A_840 = arith.constant 22 : i32
    %dma_start3A_841 = arith.constant 0 : i32
    %dma_start3A_842 = tpu.memref_slice %arg4[%dma_start3A_840, %add3A, %dma_start3A_841] : memref<26x32x16384xf32, #tpu.memory_space<hbm>> -> memref<1x1x16384xf32, #tpu.memory_space<hbm>>
    %dma_start3A_843 = tpu.memref_squeeze %dma_start3A_842 : memref<1x1x16384xf32, #tpu.memory_space<hbm>> -> memref<16384xf32, #tpu.memory_space<hbm>>
    %dma_start3A_844 = arith.constant 0 : i32
    %dma_start3A_845 = tpu.memref_slice %arg4[%dma_start3A_840, %add3A, %dma_start3A_844] : memref<26x32x16384xf32, #tpu.memory_space<hbm>> -> memref<1x1x16384xf32, #tpu.memory_space<hbm>>
    %dma_start3A_846 = tpu.memref_squeeze %dma_start3A_845 : memref<1x1x16384xf32, #tpu.memory_space<hbm>> -> memref<16384xf32, #tpu.memory_space<hbm>>
    tpu.enqueue_dma source(%arg6 : memref<16384xf32, #tpu.memory_space<vmem>>) target(%dma_start3A_846 : memref<16384xf32, #tpu.memory_space<hbm>>) target_semaphore(%arg8 : memref<!tpu.dma_semaphore, #tpu.memory_space<semaphore_mem>>)
    %eq3A_847 = arith.constant 7 : i32
    %eq3A_848 = arith.cmpi eq, %arg1, %eq3A_847 : i32
    %convert_element_type3A_849 = arith.extui %eq3A_848 : i1 to i32
    %cond3A_850 = arith.constant 0 : i32
    %cond3A_851 = arith.cmpi ne, %convert_element_type3A_849, %cond3A_850 : i32
    scf.if %cond3A_851 {
      %run_scoped3A_968 = arith.constant 23 : i32
      %run_scoped3A_969 = arith.constant 1 : i32
      "tpu.region"() ({
        %run_scoped3A_970 = tpu.sem_alloc : memref<!tpu.dma_semaphore, #tpu.memory_space<semaphore_mem>>
        %dma_start3A_971 = arith.constant 0 : i32
        %dma_start3A_972 = tpu.memref_slice %arg7[%run_scoped3A_969, %dma_start3A_971] : memref<2x16384xf32, #tpu.memory_space<vmem_shared>> -> memref<1x16384xf32, #tpu.memory_space<vmem_shared>>
        %dma_start3A_973 = tpu.memref_squeeze %dma_start3A_972 : memref<1x16384xf32, #tpu.memory_space<vmem_shared>> -> memref<16384xf32, #tpu.memory_space<vmem_shared>>
        %dma_start3A_974 = arith.constant 0 : i32
        %dma_start3A_975 = tpu.memref_slice %arg2[%run_scoped3A_968, %dma_start3A_974] : memref<26x16384xf32, #tpu.memory_space<hbm>> -> memref<1x16384xf32, #tpu.memory_space<hbm>>
        %dma_start3A_976 = tpu.memref_squeeze %dma_start3A_975 : memref<1x16384xf32, #tpu.memory_space<hbm>> -> memref<16384xf32, #tpu.memory_space<hbm>>
        tpu.enqueue_dma source(%dma_start3A_976 : memref<16384xf32, #tpu.memory_space<hbm>>) target(%dma_start3A_973 : memref<16384xf32, #tpu.memory_space<vmem_shared>>) target_semaphore(%run_scoped3A_970 : memref<!tpu.dma_semaphore, #tpu.memory_space<semaphore_mem>>)
        %dma_wait3A_977 = arith.constant 0 : i32
        %dma_wait3A_978 = tpu.memref_slice %arg7[%run_scoped3A_969, %dma_wait3A_977] : memref<2x16384xf32, #tpu.memory_space<vmem_shared>> -> memref<1x16384xf32, #tpu.memory_space<vmem_shared>>
        %dma_wait3A_979 = tpu.memref_squeeze %dma_wait3A_978 : memref<1x16384xf32, #tpu.memory_space<vmem_shared>> -> memref<16384xf32, #tpu.memory_space<vmem_shared>>
        %dma_wait3A_980 = arith.constant 0 : i32
        %dma_wait3A_981 = tpu.memref_slice %arg2[%run_scoped3A_968, %dma_wait3A_980] : memref<26x16384xf32, #tpu.memory_space<hbm>> -> memref<1x16384xf32, #tpu.memory_space<hbm>>
        %dma_wait3A_982 = tpu.memref_squeeze %dma_wait3A_981 : memref<1x16384xf32, #tpu.memory_space<hbm>> -> memref<16384xf32, #tpu.memory_space<hbm>>
        tpu.wait_dma2 semaphore(%run_scoped3A_970 : memref<!tpu.dma_semaphore, #tpu.memory_space<semaphore_mem>>) src(%dma_wait3A_982 : memref<16384xf32, #tpu.memory_space<hbm>>) dst(%dma_wait3A_979 : memref<16384xf32, #tpu.memory_space<vmem_shared>>)
        tpu.yield
      }) : () -> ()
    } else {
    }
    %dma_start3A_852 = arith.constant 23 : i32
    %dma_start3A_853 = arith.constant 0 : i32
    %dma_start3A_854 = tpu.memref_slice %arg3[%dma_start3A_852, %add3A, %dma_start3A_853] : memref<26x32x100000xf32, #tpu.memory_space<hbm>> -> memref<1x1x100000xf32, #tpu.memory_space<hbm>>
    %dma_start3A_855 = tpu.memref_squeeze %dma_start3A_854 : memref<1x1x100000xf32, #tpu.memory_space<hbm>> -> memref<100000xf32, #tpu.memory_space<hbm>>
    %dma_start3A_856 = arith.constant 0 : i32
    %dma_start3A_857 = tpu.memref_slice %arg3[%dma_start3A_852, %add3A, %dma_start3A_856] : memref<26x32x100000xf32, #tpu.memory_space<hbm>> -> memref<1x1x100000xf32, #tpu.memory_space<hbm>>
    %dma_start3A_858 = tpu.memref_squeeze %dma_start3A_857 : memref<1x1x100000xf32, #tpu.memory_space<hbm>> -> memref<100000xf32, #tpu.memory_space<hbm>>
    tpu.enqueue_dma source(%dma_start3A_858 : memref<100000xf32, #tpu.memory_space<hbm>>) target(%arg5 : memref<100000xf32, #tpu.memory_space<vmem>>) target_semaphore(%arg9 : memref<!tpu.dma_semaphore, #tpu.memory_space<semaphore_mem>>)
    %dma_wait3A_859 = arith.constant 22 : i32
    %dma_wait3A_860 = arith.constant 0 : i32
    %dma_wait3A_861 = tpu.memref_slice %arg4[%dma_wait3A_859, %add3A, %dma_wait3A_860] : memref<26x32x16384xf32, #tpu.memory_space<hbm>> -> memref<1x1x16384xf32, #tpu.memory_space<hbm>>
    %dma_wait3A_862 = tpu.memref_squeeze %dma_wait3A_861 : memref<1x1x16384xf32, #tpu.memory_space<hbm>> -> memref<16384xf32, #tpu.memory_space<hbm>>
    %dma_wait3A_863 = arith.constant 0 : i32
    %dma_wait3A_864 = tpu.memref_slice %arg4[%dma_wait3A_859, %add3A, %dma_wait3A_863] : memref<26x32x16384xf32, #tpu.memory_space<hbm>> -> memref<1x1x16384xf32, #tpu.memory_space<hbm>>
    %dma_wait3A_865 = tpu.memref_squeeze %dma_wait3A_864 : memref<1x1x16384xf32, #tpu.memory_space<hbm>> -> memref<16384xf32, #tpu.memory_space<hbm>>
    tpu.wait_dma2 semaphore(%arg8 : memref<!tpu.dma_semaphore, #tpu.memory_space<semaphore_mem>>) src(%arg6 : memref<16384xf32, #tpu.memory_space<vmem>>) dst(%dma_wait3A_865 : memref<16384xf32, #tpu.memory_space<hbm>>)
    %barrier3A_866 = arith.constant 0 : index
    tpu.barrier barrier_id(%barrier3A_866)
    %run_scoped3A_867 = arith.constant 1 : i32
    "tpu.region"() ({
      %run_scoped3A_968 = tpu.sem_alloc : memref<!tpu.dma_semaphore, #tpu.memory_space<semaphore_mem>>
      %dma_start3A_969 = arith.constant 0 : i32
      %dma_start3A_970 = tpu.memref_slice %arg7[%run_scoped3A_867, %dma_start3A_969] : memref<2x16384xf32, #tpu.memory_space<vmem_shared>> -> memref<1x16384xf32, #tpu.memory_space<vmem_shared>>
      %dma_start3A_971 = tpu.memref_squeeze %dma_start3A_970 : memref<1x16384xf32, #tpu.memory_space<vmem_shared>> -> memref<16384xf32, #tpu.memory_space<vmem_shared>>
      %dma_start3A_972 = arith.constant 0 : i32
      %dma_start3A_973 = tpu.memref_slice %arg7[%run_scoped3A_867, %dma_start3A_972] : memref<2x16384xf32, #tpu.memory_space<vmem_shared>> -> memref<1x16384xf32, #tpu.memory_space<vmem_shared>>
      %dma_start3A_974 = tpu.memref_squeeze %dma_start3A_973 : memref<1x16384xf32, #tpu.memory_space<vmem_shared>> -> memref<16384xf32, #tpu.memory_space<vmem_shared>>
      tpu.enqueue_dma source(%dma_start3A_974 : memref<16384xf32, #tpu.memory_space<vmem_shared>>) target(%arg6 : memref<16384xf32, #tpu.memory_space<vmem>>) target_semaphore(%run_scoped3A_968 : memref<!tpu.dma_semaphore, #tpu.memory_space<semaphore_mem>>)
      %dma_wait3A_975 = arith.constant 0 : i32
      %dma_wait3A_976 = tpu.memref_slice %arg7[%run_scoped3A_867, %dma_wait3A_975] : memref<2x16384xf32, #tpu.memory_space<vmem_shared>> -> memref<1x16384xf32, #tpu.memory_space<vmem_shared>>
      %dma_wait3A_977 = tpu.memref_squeeze %dma_wait3A_976 : memref<1x16384xf32, #tpu.memory_space<vmem_shared>> -> memref<16384xf32, #tpu.memory_space<vmem_shared>>
      %dma_wait3A_978 = arith.constant 0 : i32
      %dma_wait3A_979 = tpu.memref_slice %arg7[%run_scoped3A_867, %dma_wait3A_978] : memref<2x16384xf32, #tpu.memory_space<vmem_shared>> -> memref<1x16384xf32, #tpu.memory_space<vmem_shared>>
      %dma_wait3A_980 = tpu.memref_squeeze %dma_wait3A_979 : memref<1x16384xf32, #tpu.memory_space<vmem_shared>> -> memref<16384xf32, #tpu.memory_space<vmem_shared>>
      tpu.wait_dma2 semaphore(%run_scoped3A_968 : memref<!tpu.dma_semaphore, #tpu.memory_space<semaphore_mem>>) src(%dma_wait3A_980 : memref<16384xf32, #tpu.memory_space<vmem_shared>>) dst(%arg6 : memref<16384xf32, #tpu.memory_space<vmem>>)
      tpu.yield
    }) : () -> ()
    %dma_wait3A_868 = arith.constant 23 : i32
    %dma_wait3A_869 = arith.constant 0 : i32
    %dma_wait3A_870 = tpu.memref_slice %arg3[%dma_wait3A_868, %add3A, %dma_wait3A_869] : memref<26x32x100000xf32, #tpu.memory_space<hbm>> -> memref<1x1x100000xf32, #tpu.memory_space<hbm>>
    %dma_wait3A_871 = tpu.memref_squeeze %dma_wait3A_870 : memref<1x1x100000xf32, #tpu.memory_space<hbm>> -> memref<100000xf32, #tpu.memory_space<hbm>>
    %dma_wait3A_872 = arith.constant 0 : i32
    %dma_wait3A_873 = tpu.memref_slice %arg3[%dma_wait3A_868, %add3A, %dma_wait3A_872] : memref<26x32x100000xf32, #tpu.memory_space<hbm>> -> memref<1x1x100000xf32, #tpu.memory_space<hbm>>
    %dma_wait3A_874 = tpu.memref_squeeze %dma_wait3A_873 : memref<1x1x100000xf32, #tpu.memory_space<hbm>> -> memref<100000xf32, #tpu.memory_space<hbm>>
    tpu.wait_dma2 semaphore(%arg9 : memref<!tpu.dma_semaphore, #tpu.memory_space<semaphore_mem>>) src(%dma_wait3A_874 : memref<100000xf32, #tpu.memory_space<hbm>>) dst(%arg5 : memref<100000xf32, #tpu.memory_space<vmem>>)
    %parallel_loop3A_875 = arith.constant 0 : i32
    %parallel_loop3A_876 = arith.constant 1024 : i32
    %parallel_loop3A_877 = arith.constant 1 : i32
    scf.for %parallel_loop3A_968 = %parallel_loop3A_875 to %parallel_loop3A_876 step %parallel_loop3A_877  : i32 {
      %parallel_loop3A_969 = arith.constant 16 : i32
      %parallel_loop3A_970 = arith.muli %parallel_loop3A_968, %parallel_loop3A_969 : i32
      %parallel_loop3A_971 = arith.index_cast %parallel_loop3A_970 : i32 to index
      %parallel_loop3A_972 = tpu.vector_load %arg6[%parallel_loop3A_971] {strides = array<i32>} : memref<16384xf32, #tpu.memory_space<vmem>>, vector<16xf32>,
      %parallel_loop3A_973 = vector.bitcast %parallel_loop3A_972 : vector<16xf32> to vector<16xi32>
      %parallel_loop3A_974 = tpu.vector_load_idx %arg5[%parallel_loop3A_973] : memref<100000xf32, #tpu.memory_space<vmem>>[vector<16xi32>], vector<16xf32>,
      %parallel_loop3A_975 = arith.index_cast %parallel_loop3A_970 : i32 to index
      %parallel_loop3A_976 = tpu.vector_load %arg6[%parallel_loop3A_975] {strides = array<i32>} : memref<16384xf32, #tpu.memory_space<vmem>>, vector<16xf32>,
      tpu.vector_store %arg6[%parallel_loop3A_975], %parallel_loop3A_974 {strides = array<i32>} : memref<16384xf32, #tpu.memory_space<vmem>>, vector<16xf32>,
    } {sc.loop_unroll_factor = 16 : i64, sc.parallel_access}
    %dma_start3A_878 = arith.constant 23 : i32
    %dma_start3A_879 = arith.constant 0 : i32
    %dma_start3A_880 = tpu.memref_slice %arg4[%dma_start3A_878, %add3A, %dma_start3A_879] : memref<26x32x16384xf32, #tpu.memory_space<hbm>> -> memref<1x1x16384xf32, #tpu.memory_space<hbm>>
    %dma_start3A_881 = tpu.memref_squeeze %dma_start3A_880 : memref<1x1x16384xf32, #tpu.memory_space<hbm>> -> memref<16384xf32, #tpu.memory_space<hbm>>
    %dma_start3A_882 = arith.constant 0 : i32
    %dma_start3A_883 = tpu.memref_slice %arg4[%dma_start3A_878, %add3A, %dma_start3A_882] : memref<26x32x16384xf32, #tpu.memory_space<hbm>> -> memref<1x1x16384xf32, #tpu.memory_space<hbm>>
    %dma_start3A_884 = tpu.memref_squeeze %dma_start3A_883 : memref<1x1x16384xf32, #tpu.memory_space<hbm>> -> memref<16384xf32, #tpu.memory_space<hbm>>
    tpu.enqueue_dma source(%arg6 : memref<16384xf32, #tpu.memory_space<vmem>>) target(%dma_start3A_884 : memref<16384xf32, #tpu.memory_space<hbm>>) target_semaphore(%arg8 : memref<!tpu.dma_semaphore, #tpu.memory_space<semaphore_mem>>)
    %eq3A_885 = arith.constant 8 : i32
    %eq3A_886 = arith.cmpi eq, %arg1, %eq3A_885 : i32
    %convert_element_type3A_887 = arith.extui %eq3A_886 : i1 to i32
    %cond3A_888 = arith.constant 0 : i32
    %cond3A_889 = arith.cmpi ne, %convert_element_type3A_887, %cond3A_888 : i32
    scf.if %cond3A_889 {
      %run_scoped3A_968 = arith.constant 24 : i32
      %run_scoped3A_969 = arith.constant 0 : i32
      "tpu.region"() ({
        %run_scoped3A_970 = tpu.sem_alloc : memref<!tpu.dma_semaphore, #tpu.memory_space<semaphore_mem>>
        %dma_start3A_971 = arith.constant 0 : i32
        %dma_start3A_972 = tpu.memref_slice %arg7[%run_scoped3A_969, %dma_start3A_971] : memref<2x16384xf32, #tpu.memory_space<vmem_shared>> -> memref<1x16384xf32, #tpu.memory_space<vmem_shared>>
        %dma_start3A_973 = tpu.memref_squeeze %dma_start3A_972 : memref<1x16384xf32, #tpu.memory_space<vmem_shared>> -> memref<16384xf32, #tpu.memory_space<vmem_shared>>
        %dma_start3A_974 = arith.constant 0 : i32
        %dma_start3A_975 = tpu.memref_slice %arg2[%run_scoped3A_968, %dma_start3A_974] : memref<26x16384xf32, #tpu.memory_space<hbm>> -> memref<1x16384xf32, #tpu.memory_space<hbm>>
        %dma_start3A_976 = tpu.memref_squeeze %dma_start3A_975 : memref<1x16384xf32, #tpu.memory_space<hbm>> -> memref<16384xf32, #tpu.memory_space<hbm>>
        tpu.enqueue_dma source(%dma_start3A_976 : memref<16384xf32, #tpu.memory_space<hbm>>) target(%dma_start3A_973 : memref<16384xf32, #tpu.memory_space<vmem_shared>>) target_semaphore(%run_scoped3A_970 : memref<!tpu.dma_semaphore, #tpu.memory_space<semaphore_mem>>)
        %dma_wait3A_977 = arith.constant 0 : i32
        %dma_wait3A_978 = tpu.memref_slice %arg7[%run_scoped3A_969, %dma_wait3A_977] : memref<2x16384xf32, #tpu.memory_space<vmem_shared>> -> memref<1x16384xf32, #tpu.memory_space<vmem_shared>>
        %dma_wait3A_979 = tpu.memref_squeeze %dma_wait3A_978 : memref<1x16384xf32, #tpu.memory_space<vmem_shared>> -> memref<16384xf32, #tpu.memory_space<vmem_shared>>
        %dma_wait3A_980 = arith.constant 0 : i32
        %dma_wait3A_981 = tpu.memref_slice %arg2[%run_scoped3A_968, %dma_wait3A_980] : memref<26x16384xf32, #tpu.memory_space<hbm>> -> memref<1x16384xf32, #tpu.memory_space<hbm>>
        %dma_wait3A_982 = tpu.memref_squeeze %dma_wait3A_981 : memref<1x16384xf32, #tpu.memory_space<hbm>> -> memref<16384xf32, #tpu.memory_space<hbm>>
        tpu.wait_dma2 semaphore(%run_scoped3A_970 : memref<!tpu.dma_semaphore, #tpu.memory_space<semaphore_mem>>) src(%dma_wait3A_982 : memref<16384xf32, #tpu.memory_space<hbm>>) dst(%dma_wait3A_979 : memref<16384xf32, #tpu.memory_space<vmem_shared>>)
        tpu.yield
      }) : () -> ()
    } else {
    }
    %dma_start3A_890 = arith.constant 24 : i32
    %dma_start3A_891 = arith.constant 0 : i32
    %dma_start3A_892 = tpu.memref_slice %arg3[%dma_start3A_890, %add3A, %dma_start3A_891] : memref<26x32x100000xf32, #tpu.memory_space<hbm>> -> memref<1x1x100000xf32, #tpu.memory_space<hbm>>
    %dma_start3A_893 = tpu.memref_squeeze %dma_start3A_892 : memref<1x1x100000xf32, #tpu.memory_space<hbm>> -> memref<100000xf32, #tpu.memory_space<hbm>>
    %dma_start3A_894 = arith.constant 0 : i32
    %dma_start3A_895 = tpu.memref_slice %arg3[%dma_start3A_890, %add3A, %dma_start3A_894] : memref<26x32x100000xf32, #tpu.memory_space<hbm>> -> memref<1x1x100000xf32, #tpu.memory_space<hbm>>
    %dma_start3A_896 = tpu.memref_squeeze %dma_start3A_895 : memref<1x1x100000xf32, #tpu.memory_space<hbm>> -> memref<100000xf32, #tpu.memory_space<hbm>>
    tpu.enqueue_dma source(%dma_start3A_896 : memref<100000xf32, #tpu.memory_space<hbm>>) target(%arg5 : memref<100000xf32, #tpu.memory_space<vmem>>) target_semaphore(%arg9 : memref<!tpu.dma_semaphore, #tpu.memory_space<semaphore_mem>>)
    %dma_wait3A_897 = arith.constant 23 : i32
    %dma_wait3A_898 = arith.constant 0 : i32
    %dma_wait3A_899 = tpu.memref_slice %arg4[%dma_wait3A_897, %add3A, %dma_wait3A_898] : memref<26x32x16384xf32, #tpu.memory_space<hbm>> -> memref<1x1x16384xf32, #tpu.memory_space<hbm>>
    %dma_wait3A_900 = tpu.memref_squeeze %dma_wait3A_899 : memref<1x1x16384xf32, #tpu.memory_space<hbm>> -> memref<16384xf32, #tpu.memory_space<hbm>>
    %dma_wait3A_901 = arith.constant 0 : i32
    %dma_wait3A_902 = tpu.memref_slice %arg4[%dma_wait3A_897, %add3A, %dma_wait3A_901] : memref<26x32x16384xf32, #tpu.memory_space<hbm>> -> memref<1x1x16384xf32, #tpu.memory_space<hbm>>
    %dma_wait3A_903 = tpu.memref_squeeze %dma_wait3A_902 : memref<1x1x16384xf32, #tpu.memory_space<hbm>> -> memref<16384xf32, #tpu.memory_space<hbm>>
    tpu.wait_dma2 semaphore(%arg8 : memref<!tpu.dma_semaphore, #tpu.memory_space<semaphore_mem>>) src(%arg6 : memref<16384xf32, #tpu.memory_space<vmem>>) dst(%dma_wait3A_903 : memref<16384xf32, #tpu.memory_space<hbm>>)
    %barrier3A_904 = arith.constant 0 : index
    tpu.barrier barrier_id(%barrier3A_904)
    %run_scoped3A_905 = arith.constant 0 : i32
    "tpu.region"() ({
      %run_scoped3A_968 = tpu.sem_alloc : memref<!tpu.dma_semaphore, #tpu.memory_space<semaphore_mem>>
      %dma_start3A_969 = arith.constant 0 : i32
      %dma_start3A_970 = tpu.memref_slice %arg7[%run_scoped3A_905, %dma_start3A_969] : memref<2x16384xf32, #tpu.memory_space<vmem_shared>> -> memref<1x16384xf32, #tpu.memory_space<vmem_shared>>
      %dma_start3A_971 = tpu.memref_squeeze %dma_start3A_970 : memref<1x16384xf32, #tpu.memory_space<vmem_shared>> -> memref<16384xf32, #tpu.memory_space<vmem_shared>>
      %dma_start3A_972 = arith.constant 0 : i32
      %dma_start3A_973 = tpu.memref_slice %arg7[%run_scoped3A_905, %dma_start3A_972] : memref<2x16384xf32, #tpu.memory_space<vmem_shared>> -> memref<1x16384xf32, #tpu.memory_space<vmem_shared>>
      %dma_start3A_974 = tpu.memref_squeeze %dma_start3A_973 : memref<1x16384xf32, #tpu.memory_space<vmem_shared>> -> memref<16384xf32, #tpu.memory_space<vmem_shared>>
      tpu.enqueue_dma source(%dma_start3A_974 : memref<16384xf32, #tpu.memory_space<vmem_shared>>) target(%arg6 : memref<16384xf32, #tpu.memory_space<vmem>>) target_semaphore(%run_scoped3A_968 : memref<!tpu.dma_semaphore, #tpu.memory_space<semaphore_mem>>)
      %dma_wait3A_975 = arith.constant 0 : i32
      %dma_wait3A_976 = tpu.memref_slice %arg7[%run_scoped3A_905, %dma_wait3A_975] : memref<2x16384xf32, #tpu.memory_space<vmem_shared>> -> memref<1x16384xf32, #tpu.memory_space<vmem_shared>>
      %dma_wait3A_977 = tpu.memref_squeeze %dma_wait3A_976 : memref<1x16384xf32, #tpu.memory_space<vmem_shared>> -> memref<16384xf32, #tpu.memory_space<vmem_shared>>
      %dma_wait3A_978 = arith.constant 0 : i32
      %dma_wait3A_979 = tpu.memref_slice %arg7[%run_scoped3A_905, %dma_wait3A_978] : memref<2x16384xf32, #tpu.memory_space<vmem_shared>> -> memref<1x16384xf32, #tpu.memory_space<vmem_shared>>
      %dma_wait3A_980 = tpu.memref_squeeze %dma_wait3A_979 : memref<1x16384xf32, #tpu.memory_space<vmem_shared>> -> memref<16384xf32, #tpu.memory_space<vmem_shared>>
      tpu.wait_dma2 semaphore(%run_scoped3A_968 : memref<!tpu.dma_semaphore, #tpu.memory_space<semaphore_mem>>) src(%dma_wait3A_980 : memref<16384xf32, #tpu.memory_space<vmem_shared>>) dst(%arg6 : memref<16384xf32, #tpu.memory_space<vmem>>)
      tpu.yield
    }) : () -> ()
    %dma_wait3A_906 = arith.constant 24 : i32
    %dma_wait3A_907 = arith.constant 0 : i32
    %dma_wait3A_908 = tpu.memref_slice %arg3[%dma_wait3A_906, %add3A, %dma_wait3A_907] : memref<26x32x100000xf32, #tpu.memory_space<hbm>> -> memref<1x1x100000xf32, #tpu.memory_space<hbm>>
    %dma_wait3A_909 = tpu.memref_squeeze %dma_wait3A_908 : memref<1x1x100000xf32, #tpu.memory_space<hbm>> -> memref<100000xf32, #tpu.memory_space<hbm>>
    %dma_wait3A_910 = arith.constant 0 : i32
    %dma_wait3A_911 = tpu.memref_slice %arg3[%dma_wait3A_906, %add3A, %dma_wait3A_910] : memref<26x32x100000xf32, #tpu.memory_space<hbm>> -> memref<1x1x100000xf32, #tpu.memory_space<hbm>>
    %dma_wait3A_912 = tpu.memref_squeeze %dma_wait3A_911 : memref<1x1x100000xf32, #tpu.memory_space<hbm>> -> memref<100000xf32, #tpu.memory_space<hbm>>
    tpu.wait_dma2 semaphore(%arg9 : memref<!tpu.dma_semaphore, #tpu.memory_space<semaphore_mem>>) src(%dma_wait3A_912 : memref<100000xf32, #tpu.memory_space<hbm>>) dst(%arg5 : memref<100000xf32, #tpu.memory_space<vmem>>)
    %parallel_loop3A_913 = arith.constant 0 : i32
    %parallel_loop3A_914 = arith.constant 1024 : i32
    %parallel_loop3A_915 = arith.constant 1 : i32
    scf.for %parallel_loop3A_968 = %parallel_loop3A_913 to %parallel_loop3A_914 step %parallel_loop3A_915  : i32 {
      %parallel_loop3A_969 = arith.constant 16 : i32
      %parallel_loop3A_970 = arith.muli %parallel_loop3A_968, %parallel_loop3A_969 : i32
      %parallel_loop3A_971 = arith.index_cast %parallel_loop3A_970 : i32 to index
      %parallel_loop3A_972 = tpu.vector_load %arg6[%parallel_loop3A_971] {strides = array<i32>} : memref<16384xf32, #tpu.memory_space<vmem>>, vector<16xf32>,
      %parallel_loop3A_973 = vector.bitcast %parallel_loop3A_972 : vector<16xf32> to vector<16xi32>
      %parallel_loop3A_974 = tpu.vector_load_idx %arg5[%parallel_loop3A_973] : memref<100000xf32, #tpu.memory_space<vmem>>[vector<16xi32>], vector<16xf32>,
      %parallel_loop3A_975 = arith.index_cast %parallel_loop3A_970 : i32 to index
      %parallel_loop3A_976 = tpu.vector_load %arg6[%parallel_loop3A_975] {strides = array<i32>} : memref<16384xf32, #tpu.memory_space<vmem>>, vector<16xf32>,
      tpu.vector_store %arg6[%parallel_loop3A_975], %parallel_loop3A_974 {strides = array<i32>} : memref<16384xf32, #tpu.memory_space<vmem>>, vector<16xf32>,
    } {sc.loop_unroll_factor = 16 : i64, sc.parallel_access}
    %dma_start3A_916 = arith.constant 24 : i32
    %dma_start3A_917 = arith.constant 0 : i32
    %dma_start3A_918 = tpu.memref_slice %arg4[%dma_start3A_916, %add3A, %dma_start3A_917] : memref<26x32x16384xf32, #tpu.memory_space<hbm>> -> memref<1x1x16384xf32, #tpu.memory_space<hbm>>
    %dma_start3A_919 = tpu.memref_squeeze %dma_start3A_918 : memref<1x1x16384xf32, #tpu.memory_space<hbm>> -> memref<16384xf32, #tpu.memory_space<hbm>>
    %dma_start3A_920 = arith.constant 0 : i32
    %dma_start3A_921 = tpu.memref_slice %arg4[%dma_start3A_916, %add3A, %dma_start3A_920] : memref<26x32x16384xf32, #tpu.memory_space<hbm>> -> memref<1x1x16384xf32, #tpu.memory_space<hbm>>
    %dma_start3A_922 = tpu.memref_squeeze %dma_start3A_921 : memref<1x1x16384xf32, #tpu.memory_space<hbm>> -> memref<16384xf32, #tpu.memory_space<hbm>>
    tpu.enqueue_dma source(%arg6 : memref<16384xf32, #tpu.memory_space<vmem>>) target(%dma_start3A_922 : memref<16384xf32, #tpu.memory_space<hbm>>) target_semaphore(%arg8 : memref<!tpu.dma_semaphore, #tpu.memory_space<semaphore_mem>>)
    %eq3A_923 = arith.constant 9 : i32
    %eq3A_924 = arith.cmpi eq, %arg1, %eq3A_923 : i32
    %convert_element_type3A_925 = arith.extui %eq3A_924 : i1 to i32
    %cond3A_926 = arith.constant 0 : i32
    %cond3A_927 = arith.cmpi ne, %convert_element_type3A_925, %cond3A_926 : i32
    scf.if %cond3A_927 {
      %run_scoped3A_968 = arith.constant 25 : i32
      %run_scoped3A_969 = arith.constant 1 : i32
      "tpu.region"() ({
        %run_scoped3A_970 = tpu.sem_alloc : memref<!tpu.dma_semaphore, #tpu.memory_space<semaphore_mem>>
        %dma_start3A_971 = arith.constant 0 : i32
        %dma_start3A_972 = tpu.memref_slice %arg7[%run_scoped3A_969, %dma_start3A_971] : memref<2x16384xf32, #tpu.memory_space<vmem_shared>> -> memref<1x16384xf32, #tpu.memory_space<vmem_shared>>
        %dma_start3A_973 = tpu.memref_squeeze %dma_start3A_972 : memref<1x16384xf32, #tpu.memory_space<vmem_shared>> -> memref<16384xf32, #tpu.memory_space<vmem_shared>>
        %dma_start3A_974 = arith.constant 0 : i32
        %dma_start3A_975 = tpu.memref_slice %arg2[%run_scoped3A_968, %dma_start3A_974] : memref<26x16384xf32, #tpu.memory_space<hbm>> -> memref<1x16384xf32, #tpu.memory_space<hbm>>
        %dma_start3A_976 = tpu.memref_squeeze %dma_start3A_975 : memref<1x16384xf32, #tpu.memory_space<hbm>> -> memref<16384xf32, #tpu.memory_space<hbm>>
        tpu.enqueue_dma source(%dma_start3A_976 : memref<16384xf32, #tpu.memory_space<hbm>>) target(%dma_start3A_973 : memref<16384xf32, #tpu.memory_space<vmem_shared>>) target_semaphore(%run_scoped3A_970 : memref<!tpu.dma_semaphore, #tpu.memory_space<semaphore_mem>>)
        %dma_wait3A_977 = arith.constant 0 : i32
        %dma_wait3A_978 = tpu.memref_slice %arg7[%run_scoped3A_969, %dma_wait3A_977] : memref<2x16384xf32, #tpu.memory_space<vmem_shared>> -> memref<1x16384xf32, #tpu.memory_space<vmem_shared>>
        %dma_wait3A_979 = tpu.memref_squeeze %dma_wait3A_978 : memref<1x16384xf32, #tpu.memory_space<vmem_shared>> -> memref<16384xf32, #tpu.memory_space<vmem_shared>>
        %dma_wait3A_980 = arith.constant 0 : i32
        %dma_wait3A_981 = tpu.memref_slice %arg2[%run_scoped3A_968, %dma_wait3A_980] : memref<26x16384xf32, #tpu.memory_space<hbm>> -> memref<1x16384xf32, #tpu.memory_space<hbm>>
        %dma_wait3A_982 = tpu.memref_squeeze %dma_wait3A_981 : memref<1x16384xf32, #tpu.memory_space<hbm>> -> memref<16384xf32, #tpu.memory_space<hbm>>
        tpu.wait_dma2 semaphore(%run_scoped3A_970 : memref<!tpu.dma_semaphore, #tpu.memory_space<semaphore_mem>>) src(%dma_wait3A_982 : memref<16384xf32, #tpu.memory_space<hbm>>) dst(%dma_wait3A_979 : memref<16384xf32, #tpu.memory_space<vmem_shared>>)
        tpu.yield
      }) : () -> ()
    } else {
    }
    %dma_start3A_928 = arith.constant 25 : i32
    %dma_start3A_929 = arith.constant 0 : i32
    %dma_start3A_930 = tpu.memref_slice %arg3[%dma_start3A_928, %add3A, %dma_start3A_929] : memref<26x32x100000xf32, #tpu.memory_space<hbm>> -> memref<1x1x100000xf32, #tpu.memory_space<hbm>>
    %dma_start3A_931 = tpu.memref_squeeze %dma_start3A_930 : memref<1x1x100000xf32, #tpu.memory_space<hbm>> -> memref<100000xf32, #tpu.memory_space<hbm>>
    %dma_start3A_932 = arith.constant 0 : i32
    %dma_start3A_933 = tpu.memref_slice %arg3[%dma_start3A_928, %add3A, %dma_start3A_932] : memref<26x32x100000xf32, #tpu.memory_space<hbm>> -> memref<1x1x100000xf32, #tpu.memory_space<hbm>>
    %dma_start3A_934 = tpu.memref_squeeze %dma_start3A_933 : memref<1x1x100000xf32, #tpu.memory_space<hbm>> -> memref<100000xf32, #tpu.memory_space<hbm>>
    tpu.enqueue_dma source(%dma_start3A_934 : memref<100000xf32, #tpu.memory_space<hbm>>) target(%arg5 : memref<100000xf32, #tpu.memory_space<vmem>>) target_semaphore(%arg9 : memref<!tpu.dma_semaphore, #tpu.memory_space<semaphore_mem>>)
    %dma_wait3A_935 = arith.constant 24 : i32
    %dma_wait3A_936 = arith.constant 0 : i32
    %dma_wait3A_937 = tpu.memref_slice %arg4[%dma_wait3A_935, %add3A, %dma_wait3A_936] : memref<26x32x16384xf32, #tpu.memory_space<hbm>> -> memref<1x1x16384xf32, #tpu.memory_space<hbm>>
    %dma_wait3A_938 = tpu.memref_squeeze %dma_wait3A_937 : memref<1x1x16384xf32, #tpu.memory_space<hbm>> -> memref<16384xf32, #tpu.memory_space<hbm>>
    %dma_wait3A_939 = arith.constant 0 : i32
    %dma_wait3A_940 = tpu.memref_slice %arg4[%dma_wait3A_935, %add3A, %dma_wait3A_939] : memref<26x32x16384xf32, #tpu.memory_space<hbm>> -> memref<1x1x16384xf32, #tpu.memory_space<hbm>>
    %dma_wait3A_941 = tpu.memref_squeeze %dma_wait3A_940 : memref<1x1x16384xf32, #tpu.memory_space<hbm>> -> memref<16384xf32, #tpu.memory_space<hbm>>
    tpu.wait_dma2 semaphore(%arg8 : memref<!tpu.dma_semaphore, #tpu.memory_space<semaphore_mem>>) src(%arg6 : memref<16384xf32, #tpu.memory_space<vmem>>) dst(%dma_wait3A_941 : memref<16384xf32, #tpu.memory_space<hbm>>)
    %barrier3A_942 = arith.constant 0 : index
    tpu.barrier barrier_id(%barrier3A_942)
    %run_scoped3A_943 = arith.constant 1 : i32
    "tpu.region"() ({
      %run_scoped3A_968 = tpu.sem_alloc : memref<!tpu.dma_semaphore, #tpu.memory_space<semaphore_mem>>
      %dma_start3A_969 = arith.constant 0 : i32
      %dma_start3A_970 = tpu.memref_slice %arg7[%run_scoped3A_943, %dma_start3A_969] : memref<2x16384xf32, #tpu.memory_space<vmem_shared>> -> memref<1x16384xf32, #tpu.memory_space<vmem_shared>>
      %dma_start3A_971 = tpu.memref_squeeze %dma_start3A_970 : memref<1x16384xf32, #tpu.memory_space<vmem_shared>> -> memref<16384xf32, #tpu.memory_space<vmem_shared>>
      %dma_start3A_972 = arith.constant 0 : i32
      %dma_start3A_973 = tpu.memref_slice %arg7[%run_scoped3A_943, %dma_start3A_972] : memref<2x16384xf32, #tpu.memory_space<vmem_shared>> -> memref<1x16384xf32, #tpu.memory_space<vmem_shared>>
      %dma_start3A_974 = tpu.memref_squeeze %dma_start3A_973 : memref<1x16384xf32, #tpu.memory_space<vmem_shared>> -> memref<16384xf32, #tpu.memory_space<vmem_shared>>
      tpu.enqueue_dma source(%dma_start3A_974 : memref<16384xf32, #tpu.memory_space<vmem_shared>>) target(%arg6 : memref<16384xf32, #tpu.memory_space<vmem>>) target_semaphore(%run_scoped3A_968 : memref<!tpu.dma_semaphore, #tpu.memory_space<semaphore_mem>>)
      %dma_wait3A_975 = arith.constant 0 : i32
      %dma_wait3A_976 = tpu.memref_slice %arg7[%run_scoped3A_943, %dma_wait3A_975] : memref<2x16384xf32, #tpu.memory_space<vmem_shared>> -> memref<1x16384xf32, #tpu.memory_space<vmem_shared>>
      %dma_wait3A_977 = tpu.memref_squeeze %dma_wait3A_976 : memref<1x16384xf32, #tpu.memory_space<vmem_shared>> -> memref<16384xf32, #tpu.memory_space<vmem_shared>>
      %dma_wait3A_978 = arith.constant 0 : i32
      %dma_wait3A_979 = tpu.memref_slice %arg7[%run_scoped3A_943, %dma_wait3A_978] : memref<2x16384xf32, #tpu.memory_space<vmem_shared>> -> memref<1x16384xf32, #tpu.memory_space<vmem_shared>>
      %dma_wait3A_980 = tpu.memref_squeeze %dma_wait3A_979 : memref<1x16384xf32, #tpu.memory_space<vmem_shared>> -> memref<16384xf32, #tpu.memory_space<vmem_shared>>
      tpu.wait_dma2 semaphore(%run_scoped3A_968 : memref<!tpu.dma_semaphore, #tpu.memory_space<semaphore_mem>>) src(%dma_wait3A_980 : memref<16384xf32, #tpu.memory_space<vmem_shared>>) dst(%arg6 : memref<16384xf32, #tpu.memory_space<vmem>>)
      tpu.yield
    }) : () -> ()
    %dma_wait3A_944 = arith.constant 25 : i32
    %dma_wait3A_945 = arith.constant 0 : i32
    %dma_wait3A_946 = tpu.memref_slice %arg3[%dma_wait3A_944, %add3A, %dma_wait3A_945] : memref<26x32x100000xf32, #tpu.memory_space<hbm>> -> memref<1x1x100000xf32, #tpu.memory_space<hbm>>
    %dma_wait3A_947 = tpu.memref_squeeze %dma_wait3A_946 : memref<1x1x100000xf32, #tpu.memory_space<hbm>> -> memref<100000xf32, #tpu.memory_space<hbm>>
    %dma_wait3A_948 = arith.constant 0 : i32
    %dma_wait3A_949 = tpu.memref_slice %arg3[%dma_wait3A_944, %add3A, %dma_wait3A_948] : memref<26x32x100000xf32, #tpu.memory_space<hbm>> -> memref<1x1x100000xf32, #tpu.memory_space<hbm>>
    %dma_wait3A_950 = tpu.memref_squeeze %dma_wait3A_949 : memref<1x1x100000xf32, #tpu.memory_space<hbm>> -> memref<100000xf32, #tpu.memory_space<hbm>>
    tpu.wait_dma2 semaphore(%arg9 : memref<!tpu.dma_semaphore, #tpu.memory_space<semaphore_mem>>) src(%dma_wait3A_950 : memref<100000xf32, #tpu.memory_space<hbm>>) dst(%arg5 : memref<100000xf32, #tpu.memory_space<vmem>>)
    %parallel_loop3A_951 = arith.constant 0 : i32
    %parallel_loop3A_952 = arith.constant 1024 : i32
    %parallel_loop3A_953 = arith.constant 1 : i32
    scf.for %parallel_loop3A_968 = %parallel_loop3A_951 to %parallel_loop3A_952 step %parallel_loop3A_953  : i32 {
      %parallel_loop3A_969 = arith.constant 16 : i32
      %parallel_loop3A_970 = arith.muli %parallel_loop3A_968, %parallel_loop3A_969 : i32
      %parallel_loop3A_971 = arith.index_cast %parallel_loop3A_970 : i32 to index
      %parallel_loop3A_972 = tpu.vector_load %arg6[%parallel_loop3A_971] {strides = array<i32>} : memref<16384xf32, #tpu.memory_space<vmem>>, vector<16xf32>,
      %parallel_loop3A_973 = vector.bitcast %parallel_loop3A_972 : vector<16xf32> to vector<16xi32>
      %parallel_loop3A_974 = tpu.vector_load_idx %arg5[%parallel_loop3A_973] : memref<100000xf32, #tpu.memory_space<vmem>>[vector<16xi32>], vector<16xf32>,
      %parallel_loop3A_975 = arith.index_cast %parallel_loop3A_970 : i32 to index
      %parallel_loop3A_976 = tpu.vector_load %arg6[%parallel_loop3A_975] {strides = array<i32>} : memref<16384xf32, #tpu.memory_space<vmem>>, vector<16xf32>,
      tpu.vector_store %arg6[%parallel_loop3A_975], %parallel_loop3A_974 {strides = array<i32>} : memref<16384xf32, #tpu.memory_space<vmem>>, vector<16xf32>,
    } {sc.loop_unroll_factor = 16 : i64, sc.parallel_access}
    %dma_start3A_954 = arith.constant 25 : i32
    %dma_start3A_955 = arith.constant 0 : i32
    %dma_start3A_956 = tpu.memref_slice %arg4[%dma_start3A_954, %add3A, %dma_start3A_955] : memref<26x32x16384xf32, #tpu.memory_space<hbm>> -> memref<1x1x16384xf32, #tpu.memory_space<hbm>>
    %dma_start3A_957 = tpu.memref_squeeze %dma_start3A_956 : memref<1x1x16384xf32, #tpu.memory_space<hbm>> -> memref<16384xf32, #tpu.memory_space<hbm>>
    %dma_start3A_958 = arith.constant 0 : i32
    %dma_start3A_959 = tpu.memref_slice %arg4[%dma_start3A_954, %add3A, %dma_start3A_958] : memref<26x32x16384xf32, #tpu.memory_space<hbm>> -> memref<1x1x16384xf32, #tpu.memory_space<hbm>>
    %dma_start3A_960 = tpu.memref_squeeze %dma_start3A_959 : memref<1x1x16384xf32, #tpu.memory_space<hbm>> -> memref<16384xf32, #tpu.memory_space<hbm>>
    tpu.enqueue_dma source(%arg6 : memref<16384xf32, #tpu.memory_space<vmem>>) target(%dma_start3A_960 : memref<16384xf32, #tpu.memory_space<hbm>>) target_semaphore(%arg8 : memref<!tpu.dma_semaphore, #tpu.memory_space<semaphore_mem>>)
    %dma_wait3A_961 = arith.constant 25 : i32
    %dma_wait3A_962 = arith.constant 0 : i32
    %dma_wait3A_963 = tpu.memref_slice %arg4[%dma_wait3A_961, %add3A, %dma_wait3A_962] : memref<26x32x16384xf32, #tpu.memory_space<hbm>> -> memref<1x1x16384xf32, #tpu.memory_space<hbm>>
    %dma_wait3A_964 = tpu.memref_squeeze %dma_wait3A_963 : memref<1x1x16384xf32, #tpu.memory_space<hbm>> -> memref<16384xf32, #tpu.memory_space<hbm>>
    %dma_wait3A_965 = arith.constant 0 : i32
    %dma_wait3A_966 = tpu.memref_slice %arg4[%dma_wait3A_961, %add3A, %dma_wait3A_965] : memref<26x32x16384xf32, #tpu.memory_space<hbm>> -> memref<1x1x16384xf32, #tpu.memory_space<hbm>>
    %dma_wait3A_967 = tpu.memref_squeeze %dma_wait3A_966 : memref<1x1x16384xf32, #tpu.memory_space<hbm>> -> memref<16384xf32, #tpu.memory_space<hbm>>
    tpu.wait_dma2 semaphore(%arg8 : memref<!tpu.dma_semaphore, #tpu.memory_space<semaphore_mem>>) src(%arg6 : memref<16384xf32, #tpu.memory_space<vmem>>) dst(%dma_wait3A_967 : memref<16384xf32, #tpu.memory_space<hbm>>)
    return
  }
}

</mosaic_0001>

<sc_bundles>
// kernel: kernel.3.cloned.1.call-start
scs
__scs_entry_jumppad:
0x0: {  	(pc) =	sbr.rel $0x88, $3  }
0x1: {  	(tag) =	ssettag $0x0;
	lr =	simm.s32 $0x1  }
0x2: {  	[smem:$0x3F9F] =	sst lr;
	_ =	strace $0xD0000000  }
0x3: {  	_ = 	snop  }
0x4: {  	_ = 	snop  }
0x5: {  	_ = 	snop  }
0x6: {  	_ = 	snop  }
0x7: {  	_ = 	snop  }
__scs_overlays_trampoline_lowered:
0x8: {  	[smem:$0x3FAE] =	sst s0  }
0x9: {  	[smem:$0x3FAF] =	sst s1  }
0xa: {  	[smem:$0x3FB0] =	sst s2  }
0xb: {  	[smem:$0x3FB1] =	sst s3  }
0xc: {  	[smem:$0x3FB2] =	sst s4  }
0xd: {  	[smem:$0x3FB3] =	sst s5  }
0xe: {  	[smem:$0x3FB4] =	sst s6  }
0xf: {  	[smem:$0x3FB5] =	sst s7  }
0x10: {  	[smem:$0x3FB6] =	sst s8  }
0x11: {  	[smem:$0x3FB7] =	sst s9;
	s0 =	simm.s32 @!p0 $0x0  }
0x12: {  	s1 =	sld [smem:$0x3F9D];
	s0 =	simm.s32 @p0 $0x1  }
0x13: {  	[smem:$0x3FB8] =	sst s0;
	s0 =	simm.s32 @!p1 $0x0  }
0x14: {  	s2 =	sld [smem:$0x3F9C];
	s0 =	simm.s32 @p1 $0x1  }
0x15: {  	[smem:$0x3FB9] =	sst s0;
	s0 =	simm.s32 @!p2 $0x0  }
0x16: {  	s3 =	sld [smem:$0x3FDB];
	s0 =	simm.s32 @p2 $0x1  }
0x17: {  	s4 =	simm.s32 $0x1BF5;
	[smem:$0x3FBB] =	sst s0  }
0x18: {  	s0 =	sld [smem:$0x3F9E];
	_ =	swait.ge [sflag:s4], $0x0  }
0x19: {  	s7 =	sld [smem:$0x3F9F]  }
0x1a: {  	s8 =	sadd.s32 $0xFFFFE003, lr  }
0x1b: {  	s9 =	sadd.s32 $0xFFFFFEF7, lr;
	s5 =	simm.s32 $0xFFFFFFFF;
	p2 =	slt.u32 s8, $0xFFFFF086  }
0x1c: {  	p1 =	slt.u32 s9, $0xF7A;
	s5 =	simm.s32 @!p2 $0x0  }
0x1d: {  	s5 =	simm.s32 @p1 $0x1;
	p0 =	seq.s32 s7, s2  }
0x1e: {  	s7 =	smul.u32 @!p0 $0xF7A, s2;
	p2 =	seq.s32 @!p0 s5, $0x0  }
0x1f: {  	s9 =	smul.u32 $0xF7A, s1;
	s8 =	simm.s32 @!p0 $0x1BF5;
	p2 =	por !p2, p0  }
0x20: {  	[sflag:s8] =	ssyncset.s32 @!p0 $0xFFFFF086;
	s6 =	sadd.s32 @!p0 s3, s7;
	s7 =	simm.s32 @!p0 $0x108  }
0x21: {  	s3 =	sadd.s32 s3, s9;
	s6 =	sadd.s32 @!p0 $0x88, s6;
	s7 =	simm.s32 @p2 $0x1082  }
0x22: {  	[simem:s7], [sflag:s8] =	dma.local @!p0 [hbm:s6], $0xF7A  }
0x23: {  	s9 =	sor.u32 $0xD0000000, s2;
	s6 =	simm.s32 $0x108;
	_ =	swait.ge @!p0 [sflag:s8], $0x0  }
0x24: {  	s3 =	sadd.s32 $0x88, s3;
	s6 =	simm.s32 @!p1 $0x1082;
	[sflag:s4] =	ssyncset.s32 $0xFFFFF086  }
0x25: {  	[simem:s6], [sflag:s4] =	dma.local [hbm:s3], $0xF7A  }
0x26: {  	[smem:$0x3F9F] =	sst s1;
	(tag) =	ssettag s2;
	_ =	strace s9  }
0x27: {  	s1 =	sld [smem:$0x3FAF]  }
0x28: {  	s2 =	sld [smem:$0x3FB0]  }
0x29: {  	s4 =	sld [smem:$0x3FB2]  }
0x2a: {  	p0 =	seq.s32 s5, $0x0;
	s5 =	sld [smem:$0x3FB3]  }
0x2b: {  	s6 =	sld [smem:$0x3FB4]  }
0x2c: {  	s7 =	sld [smem:$0x3FB5]  }
0x2d: {  	s3 =	simm.s32 $0x108;
	s8 =	sld [smem:$0x3FB6]  }
0x2e: {  	s3 =	simm.s32 @!p0 $0x1082;
	s9 =	sld [smem:$0x3FB7]  }
0x2f: {  	lr =	sadd.s32 s0, s3;
	s0 =	sld [smem:$0x3FAE]  }
0x30: {  	s3 =	sld [smem:$0x3FB1]  }
0x31: {  	[smem:$0x3FBA] =	sst s10  }
0x32: {  	s10 =	sld [smem:$0x3FB8];
	_ =	sdelay $0x3  }
0x33: {  	p0 =	seq.s32 s10, $0x1;
	s10 =	sld [smem:$0x3FBA];
	_ =	sdelay $0x3  }
0x34: {  	[smem:$0x3FBA] =	sst s10  }
0x35: {  	s10 =	sld [smem:$0x3FB9];
	_ =	sdelay $0x3  }
0x36: {  	p1 =	seq.s32 s10, $0x1;
	s10 =	sld [smem:$0x3FBA];
	_ =	sdelay $0x3  }
0x37: {  	[smem:$0x3FBA] =	sst s10  }
0x38: {  	s10 =	sld [smem:$0x3FBB]  }
0x39: {  	_ = 	snop;
	(pc) =	sbr.ind lr, $3  }
0x3a: {  	_ = 	snop  }
0x3b: {  	_ = 	snop  }
0x3c: {  	p2 =	seq.s32 s10, $0x1;
	s10 =	sld [smem:$0x3FBA]  }
0x3d: {  	_ =	shalt  }
0x3e: {  	_ =	shalt  }
0x3f: {  	_ =	shalt  }
0x40: {  	_ =	shalt  }
0x41: {  	_ =	shalt  }
0x42: {  	_ =	shalt  }
0x43: {  	_ =	shalt  }
0x44: {  	_ =	shalt  }
0x45: {  	_ =	shalt  }
0x46: {  	_ =	shalt  }
0x47: {  	_ =	shalt  }
0x48: {  	_ =	shalt  }
0x49: {  	_ =	shalt  }
0x4a: {  	_ =	shalt  }
0x4b: {  	_ =	shalt  }
0x4c: {  	_ =	shalt  }
0x4d: {  	_ =	shalt  }
0x4e: {  	_ =	shalt  }
0x4f: {  	_ =	shalt  }
0x50: {  	_ =	shalt  }
0x51: {  	_ =	shalt  }
0x52: {  	_ =	shalt  }
0x53: {  	_ =	shalt  }
0x54: {  	_ =	shalt  }
0x55: {  	_ =	shalt  }
0x56: {  	_ =	shalt  }
0x57: {  	_ =	shalt  }
0x58: {  	_ =	shalt  }
0x59: {  	_ =	shalt  }
0x5a: {  	_ =	shalt  }
0x5b: {  	_ =	shalt  }
0x5c: {  	_ =	shalt  }
0x5d: {  	_ =	shalt  }
0x5e: {  	_ =	shalt  }
0x5f: {  	_ =	shalt  }
0x60: {  	_ =	shalt  }
0x61: {  	_ =	shalt  }
0x62: {  	_ =	shalt  }
0x63: {  	_ =	shalt  }
0x64: {  	_ =	shalt  }
0x65: {  	_ =	shalt  }
0x66: {  	_ =	shalt  }
0x67: {  	_ =	shalt  }
0x68: {  	_ =	shalt  }
0x69: {  	_ =	shalt  }
0x6a: {  	_ =	shalt  }
0x6b: {  	_ =	shalt  }
0x6c: {  	_ =	shalt  }
0x6d: {  	_ =	shalt  }
0x6e: {  	_ =	shalt  }
0x6f: {  	_ =	shalt  }
0x70: {  	_ =	shalt  }
0x71: {  	_ =	shalt  }
0x72: {  	_ =	shalt  }
0x73: {  	_ =	shalt  }
0x74: {  	_ =	shalt  }
0x75: {  	_ =	shalt  }
0x76: {  	_ =	shalt  }
0x77: {  	_ =	shalt  }
0x78: {  	_ =	shalt  }
0x79: {  	_ =	shalt  }
0x7a: {  	_ =	shalt  }
0x7b: {  	_ =	shalt  }
0x7c: {  	_ =	shalt  }
0x7d: {  	_ =	shalt  }
0x7e: {  	_ =	shalt  }
0x7f: {  	_ =	shalt  }
0x80: {  	_ =	shalt  }
0x81: {  	_ =	shalt  }
0x82: {  	_ =	shalt  }
0x83: {  	_ =	shalt  }
0x84: {  	_ =	shalt  }
0x85: {  	_ =	shalt  }
0x86: {  	_ =	shalt  }
0x87: {  	_ =	shalt  }
.Lfunc_end0:
.L_simem_size_0:
called_computation_lowered:
.L_overlay_start_0:
0x88: {  	s2 =	sld [smem:$0x3FD9]  }
0x89: {  	s3 =	sld [smem:$0x3FFE];
	_ =	sdelay $0x1  }
0x8a: {  	s1 =	srdreg.scid  }
0x8b: {  	s0 =	sand.u32 $0x1, s1  }
0x8c: {  	s17 =	sshll.u32 s0, $0xA;
	s2 =	sadd.s32 s3, s2  }
0x8d: {  	s2 =	sadd.s32 s2, s17  }
0x8e: {  	[smem:$0x3FC6] =	sst s2  }
0x8f: {  	_ = 	snop  }
0x90: {  	s2 =	sld [smem:$0x3FC8]  }
0x91: {  	s18 =	sld [smem:$0x3FD0];
	(tm) =	ssettm $0x1  }
0x92: {  	s4 =	sld [smem:$0x3FFB];
	_ =	sdelay $0x3  }
0x93: {  	_ =	strace s4  }
0x94: {  	s4 =	sld [smem:$0x3FFC];
	_ =	sdelay $0x3  }
0x95: {  	_ =	strace s4  }
0x96: {  	s4 =	sld [smem:$0x3FFD];
	_ =	sdelay $0x3  }
0x97: {  	_ =	strace s4  }
0x98: {  	_ =	strace $0x8FFFFFFF  }
0x99: {  	s19 =	sld [smem:$0x3FDB];
	_ =	sdelay $0x1  }
0x9a: {  	s5 =	simm.s32 $_scs_section_size  }
0x9b: {  	s6 =	simm.s32 $_size__tile_overlayer_lowered;
	s7 =	simm.s32 $_tile_overlayer_lowered  }
0x9c: {  	s22 =	simm.s32 $0x1BFF;
	s21 =	sshll.u32 s7, $0x1;
	s4 =	sadd.s32 s5, s19  }
0x9d: {  	s8 =	simm.s32 $0x0;
	s20 =	sshll.u32 s6, $0x1;
	s6 =	sadd.s32 s21, s4  }
0x9e: {  	[timem:s8], [sflag:s22] =	dma.local [hbm:s6], s20  }
0x9f: {  	_ =	swait.ge [sflag:s22], s20  }
0xa0: {  	s5 =	ssub.s32 $0x0, s20;
	[sflag:s22] =	ssyncset.done $0x0  }
0xa1: {  	[sflag:s22] =	ssyncadd.s32 s5;
	_ =	sdelay $0x1  }
0xa2: {  	s23 =	simm.s32 $0x1B8B  }
0xa3: {  	_ =	swait.ge [sflag:s23], $0x1  }
0xa4: {  	[sflag:s23] =	ssyncset.done $0x0  }
0xa5: {  	s25 =	simm.s32 $0x1B8E;
	s24 =	sld [smem:$0x3FFE];
	[sflag:s23] =	ssyncadd.s32 $0xFFFFFFFF  }
0xa6: {  	s26 =	simm.s32 $execute0_lowered;
	[smem:$0x3FD2] =	sst s25  }
0xa7: {  	s6 =	sshll.u32 s26, $0x1;
	_ =	strace $0x80000046;
	[dreg:$0x1] =	wrdreg $0xFFFFFFFF  }
0xa8: {  	s28 =	simm.s32 $_size_execute0_lowered;
	s4 =	sadd.s32 s4, s6;
	[dreg:$0x0] =	wrdreg $0x0  }
0xa9: {  	s6 =	sshll.u32 s28, $0x1;
	[dreg:$0x2] =	wrdreg s4  }
0xaa: {  	[dreg:$0x3] =	wrdreg s6  }
0xab: {  	[dreg:$0x4] =	wrdreg $0xC0  }
0xac: {  	_ =	task [dreg:s8], $0x5FFFF  }
0xad: {  	[dreg:$0x1] =	wrdreg $0xFFFFFFFF  }
0xae: {  	[dreg:$0x0] =	wrdreg $0x60  }
0xaf: {  	[dreg:$0x2] =	wrdreg s24  }
0xb0: {  	[dreg:$0x3] =	wrdreg s2  }
0xb1: {  	[dreg:$0x4] =	wrdreg s18  }
0xb2: {  	[dreg:$0x5] =	wrdreg $0x1C7000  }
0xb3: {  	[dreg:$0x6] =	wrdreg $0x9  }
0xb4: {  	_ =	task.clear_ibuf [dreg:s8], $0x7FFFF;
	_ =	strace $0x90000046  }
0xb5: {  	s29 =	simm.s32 $0x9;
	_ =	strace $0x80000048  }
0xb6: {  	_ =	swait.ge [sflag:s29], $0x1  }
0xb7: {  	[sflag:s29] =	ssyncadd.s32 $0xFFFFFFFF  }
0xb8: {  	_ =	strace $0x90000048  }
0xb9: {  	_ =	sfence  }
0xba: {  	s30 =	sld [smem:$0x0];
	_ =	sdelay $0x2  }
0xbb: {  	s31 =	sshll.u32 s1, $0xD;
	s1 =	sshrl.u32 s1, $0x2  }
0xbc: {  	s3 =	sand.u32 $0x4000, s31;
	s1 =	sadd.s32 s1, s30  }
0xbd: {  	s0 =	sor.u32 s3, s0;
	s1 =	sshll.u32 s1, $0x11  }
0xbe: {  	s0 =	sor.u32 s1, s0  }
0xbf: {  	s0 =	sadd.s32 $0x8F2B, s0  }
0xc0: {  	[sflag:s0] =	ssyncadd.remote.s32 $0x1  }
0xc1: {  	_ =	sfence.sel $0xFFFF  }
0xc2: {  	[dreg:$0x0] =	wrdreg $0xFFFFFFFF;
	(pc) =	sbr.abs _section_cstart, $3  }
0xc3: {  	[dreg:$0x1] =	wrdreg $0xFFFFFFFF  }
0xc4: {  	_ =	task.clear_ibuf [dreg:s8], $0x2FFFF;
	_ =	strace $0x9FFFFFFF  }
0xc5: {  	(tm) =	ssettm $0x7FFFFFFF  }
tec
execute0_lowered:
.L_overlay_start_1:
0x0: {  	(tag) =	ssettag $0x1  }
0x1: {  	s0 =	srdreg.scid  }
0x2: {  	s2 =	stileid.u32;
	s23 =	rddreg [dreg:$0x2]  }
0x3: {  	s0 =	sand.u32 $0x1, s0;
	s1 =	sshrl.u32 s2, $0x2;
	s3 =	sshll.u32 s2, $0x8  }
0x4: {  	p1 =	sne.s32 s2, $0x1;
	s4 =	smul.u32 $0xC3800, s1;
	s5 =	sshll.u32 s0, $0x7  }
0x5: {  	s6 =	sand.u32 $0x300, s3;
	s3 =	rddreg [dreg:$0x1];
	s0 =	ssub.s32 $0x2, s0  }
0x6: {  	s1 =	sshll.u32 s1, $0x11;
	s5 =	sor.u32 s5, s6;
	s7 =	sshrl.u32 s0, $0x1  }
0x7: {  	s4 =	sor.u32 s4, s5;
	s0 =	ssub.s32 s0, s7;
	s1 =	sor.u32 s1, s5  }
0x8: {  	s24 =	sshrl.u32 s4, $0x3;
	s25 =	sadd.s32 $0x30E000, s4;
	s1 =	sshrl.u32 s1, $0x3  }
0x9: {  	s26 =	sadd.s32 $0x61C000, s4;
	s8 =	sadd.s32 $0x92A000, s4;
	s9 =	sadd.s32 $0xC38000, s4  }
0xa: {  	s10 =	sadd.s32 $0xF46000, s4;
	s13 =	sadd.s32 $0x1254000, s4;
	s14 =	sadd.s32 $0x1562000, s4  }
0xb: {  	s15 =	sadd.s32 $0x1870000, s4;
	s18 =	sadd.s32 $0x1B7E000, s4;
	s19 =	sadd.s32 $0x1E8C000, s4  }
0xc: {  	s20 =	sadd.s32 $0x219A000, s4;
	s7 =	sadd.s32 s3, s24;
	s5 =	sshrl.u32 s25, $0x3  }
0xd: {  	s1 =	sadd.s32 s23, s1;
	s6 =	sshrl.u32 s9, $0x3;
	s12 =	sshrl.u32 s10, $0x3  }
0xe: {  	s17 =	sshrl.u32 s15, $0x3;
	s22 =	sshrl.u32 s20, $0x3;
	s23 =	sadd.s32 $0x24A8000, s4  }
0xf: {  	s24 =	sadd.s32 $0x27B6000, s4;
	s25 =	sadd.s32 $0x2AC4000, s4;
	s9 =	sadd.s32 $0x33EE000, s4  }
0x10: {  	[dreg:$0x5] =	wrdreg s7;
	s5 =	sadd.s32 s3, s5;
	s7 =	sshrl.u32 s26, $0x3  }
0x11: {  	s11 =	sadd.s32 s3, s6;
	[dreg:$0x6] =	wrdreg s5;
	s5 =	sadd.s32 s3, s7  }
0x12: {  	s6 =	sshrl.u32 s14, $0x3;
	[dreg:$0x7] =	wrdreg s5;
	s5 =	sshrl.u32 s8, $0x3  }
0x13: {  	s14 =	sadd.s32 $0x3D18000, s4;
	[dreg:$0x9] =	wrdreg s11;
	s5 =	sadd.s32 s3, s5  }
0x14: {  	s16 =	sadd.s32 s3, s6;
	[dreg:$0x8] =	wrdreg s5;
	s5 =	sadd.s32 s3, s12  }
0x15: {  	s6 =	sshrl.u32 s19, $0x3;
	[dreg:$0xa] =	wrdreg s5;
	s5 =	sshrl.u32 s13, $0x3  }
0x16: {  	s7 =	sadd.s32 $0x2DD2000, s4;
	[dreg:$0xc] =	wrdreg s16;
	s5 =	sadd.s32 s3, s5  }
0x17: {  	s11 =	sshrl.u32 s9, $0x3;
	[dreg:$0xb] =	wrdreg s5;
	s5 =	sadd.s32 s3, s17  }
0x18: {  	s21 =	sadd.s32 s3, s6;
	[dreg:$0xd] =	wrdreg s5;
	s5 =	sshrl.u32 s18, $0x3  }
0x19: {  	s19 =	sadd.s32 $0x4642000, s4;
	[dreg:$0xf] =	wrdreg s21;
	s5 =	sadd.s32 s3, s5  }
0x1a: {  	s6 =	sshrl.u32 s24, $0x3;
	[dreg:$0xe] =	wrdreg s5;
	s5 =	sadd.s32 s3, s22  }
0x1b: {  	s8 =	sadd.s32 $0x30E0000, s4;
	[dreg:$0x10] =	wrdreg s5;
	s5 =	sshrl.u32 s23, $0x3  }
0x1c: {  	s26 =	sadd.s32 s3, s6;
	s6 =	sshrl.u32 s25, $0x3;
	s5 =	sadd.s32 s3, s5  }
0x1d: {  	s16 =	sshrl.u32 s14, $0x3;
	[dreg:$0x11] =	wrdreg s5;
	s5 =	sadd.s32 s3, s6  }
0x1e: {  	s21 =	sshrl.u32 s19, $0x3;
	[dreg:$0x13] =	wrdreg s5;
	s5 =	sshrl.u32 s7, $0x3  }
0x1f: {  	s12 =	sadd.s32 $0x36FC000, s4;
	s13 =	sadd.s32 $0x3A0A000, s4;
	s5 =	sadd.s32 s3, s5  }
0x20: {  	s17 =	sadd.s32 $0x4026000, s4;
	[dreg:$0x14] =	wrdreg s5;
	s5 =	sadd.s32 s3, s11  }
0x21: {  	s18 =	sadd.s32 $0x4334000, s4;
	[dreg:$0x16] =	wrdreg s5;
	s5 =	sshrl.u32 s12, $0x3  }
0x22: {  	s22 =	sadd.s32 $0x4950000, s4;
	s4 =	sadd.s32 $0x4C5E000, s4;
	s5 =	sadd.s32 s3, s5  }
0x23: {  	s4 =	sshrl.u32 s4, $0x3;
	[dreg:$0x17] =	wrdreg s5;
	s5 =	sadd.s32 s3, s16  }
0x24: {  	s6 =	sshrl.u32 s8, $0x3;
	[dreg:$0x19] =	wrdreg s5;
	s5 =	sshrl.u32 s17, $0x3  }
0x25: {  	s10 =	sadd.s32 s3, s6;
	s6 =	sshrl.u32 s13, $0x3;
	s5 =	sadd.s32 s3, s5  }
0x26: {  	s15 =	sadd.s32 s3, s6;
	[dreg:$0x1a] =	wrdreg s5;
	s5 =	sadd.s32 s3, s21  }
0x27: {  	s6 =	sshrl.u32 s18, $0x3;
	[dreg:$0x1c] =	wrdreg s5;
	s5 =	sshrl.u32 s22, $0x3  }
0x28: {  	s20 =	sadd.s32 s3, s6;
	s5 =	sadd.s32 s3, s5;
	s3 =	sadd.s32 s3, s4  }
0x29: {  	[dreg:$0x1e] =	wrdreg s3;
	s3 =	simm.s32 @!p1 $0x0  }
0x2a: {  	s3 =	simm.s32 @p1 $0x1;
	p1 =	sne.s32 s2, $0x2  }
0x2b: {  	[smem:$0x7C4] =	sst s3;
	s3 =	simm.s32 @!p1 $0x0  }
0x2c: {  	s3 =	simm.s32 @p1 $0x1;
	p1 =	sne.s32 s2, $0x3  }
0x2d: {  	[smem:$0x7C5] =	sst s3;
	s3 =	simm.s32 @!p1 $0x0  }
0x2e: {  	s30 =	rddreg [dreg:$0x3];
	s3 =	simm.s32 @p1 $0x1;
	p1 =	sne.s32 s2, $0x4  }
0x2f: {  	p0 =	sne.s32 s2, $0x0;
	[smem:$0x7C6] =	sst s3;
	s3 =	simm.s32 @!p1 $0x0  }
0x30: {  	p4 =	sne.s32 s2, $0xA;
	[dreg:$0x12] =	wrdreg s26;
	s3 =	simm.s32 @p1 $0x1  }
0x31: {  	s25 =	simm.s32 $0x0;
	[smem:$0x7C7] =	sst s3;
	s3 =	simm.s32 @!p4 $0x0  }
0x32: {  	[smem:$0x7FF] =	sst s25;
	s3 =	simm.s32 @p4 $0x1;
	p4 =	sne.s32 s2, $0xB  }
0x33: {  	p5 =	sne.s32 s2, $0x5;
	[dreg:$0x15] =	wrdreg s10;
	s4 =	simm.s32 @!p4 $0x0  }
0x34: {  	[dreg:$0x18] =	wrdreg s15;
	s4 =	simm.s32 @p4 $0x1;
	p4 =	sne.s32 s2, $0xC  }
0x35: {  	p6 =	sne.s32 s2, $0x6;
	[smem:$0x7C9] =	sst s4;
	s4 =	simm.s32 @!p4 $0x0  }
0x36: {  	[dreg:$0x1b] =	wrdreg s20;
	s4 =	simm.s32 @p4 $0x1;
	p4 =	sne.s32 s2, $0xD  }
0x37: {  	p2 =	sne.s32 s2, $0x8;
	[smem:$0x7CA] =	sst s4;
	s4 =	simm.s32 @!p4 $0x0  }
0x38: {  	[dreg:$0x1d] =	wrdreg s5;
	s4 =	simm.s32 @p4 $0x1;
	p4 =	sne.s32 s2, $0xE  }
0x39: {  	p3 =	sne.s32 s2, $0x9;
	[smem:$0x7CB] =	sst s4;
	s4 =	simm.s32 @!p4 $0x0  }
0x3a: {  	[smem:$0x7C8] =	sst s3;
	s4 =	simm.s32 @p4 $0x1;
	p4 =	sne.s32 s2, $0xF  }
0x3b: {  	p1 =	sne.s32 s2, $0x7;
	s3 =	rddreg [dreg:$0x0];
	s2 =	simm.s32 @!p4 $0x0  }
0x3c: {  	[smem:$0x7CC] =	sst s4;
	s2 =	simm.s32 @p4 $0x1  }
0x3d: {  	s23 =	sadd.s32 $0x400, s3;
	[smem:$0x7CD] =	sst s2  }
0x3e: {  	s24 =	sadd.s32 $0x410, s3;
	_ =	strace $0x80000047;
	[dreg:$0x1f] =	wrdreg s23  }
0x3f: {  	s26 =	sadd.s32 $0x420, s3;
	[smem:$0x7CE] =	sst s24  }
0x40: {  	s4 =	sadd.s32 $0x430, s3;
	[smem:$0x7CF] =	sst s26  }
0x41: {  	s5 =	sadd.s32 $0x440, s3;
	[smem:$0x7D0] =	sst s4  }
0x42: {  	s6 =	sadd.s32 $0x450, s3;
	[smem:$0x7D1] =	sst s5  }
0x43: {  	s7 =	sadd.s32 $0x460, s3;
	[smem:$0x7D2] =	sst s6  }
0x44: {  	s8 =	sadd.s32 $0x470, s3;
	[smem:$0x7D3] =	sst s7  }
0x45: {  	s9 =	sadd.s32 $0x4400, s3;
	[smem:$0x7D4] =	sst s8  }
0x46: {  	s10 =	sadd.s32 $0x4410, s3;
	[smem:$0x7D5] =	sst s9  }
0x47: {  	s11 =	sadd.s32 $0x4420, s3;
	[smem:$0x7D6] =	sst s10  }
0x48: {  	s12 =	sadd.s32 $0x4430, s3;
	[smem:$0x7D7] =	sst s11  }
0x49: {  	s13 =	sadd.s32 $0x4440, s3;
	[smem:$0x7D8] =	sst s12  }
0x4a: {  	s14 =	sadd.s32 $0x4450, s3;
	[smem:$0x7D9] =	sst s13  }
0x4b: {  	s15 =	sadd.s32 $0x4460, s3;
	[smem:$0x7DA] =	sst s14  }
0x4c: {  	s16 =	sadd.s32 $0x4470, s3;
	[smem:$0x7DB] =	sst s15  }
0x4d: {  	s17 =	sadd.s32 $0x8400, s3;
	[smem:$0x7DC] =	sst s16  }
0x4e: {  	s18 =	sadd.s32 $0x8410, s3;
	[smem:$0x7DD] =	sst s17  }
0x4f: {  	s19 =	sadd.s32 $0x8420, s3;
	[smem:$0x7DE] =	sst s18  }
0x50: {  	s20 =	sadd.s32 $0x8430, s3;
	[smem:$0x7DF] =	sst s19  }
0x51: {  	s21 =	sadd.s32 $0x8440, s3;
	[smem:$0x7E0] =	sst s20  }
0x52: {  	s22 =	sadd.s32 $0x8450, s3;
	[smem:$0x7E1] =	sst s21  }
0x53: {  	s0 =	smax.u32 s0, $0x1;
	[smem:$0x7E2] =	sst s22  }
0x54: {  	s23 =	sadd.s32 $0x8460, s3;
	[smem:$0x7E7] =	sst s0  }
0x55: {  	s24 =	sadd.s32 $0x8470, s3;
	[smem:$0x7E3] =	sst s23  }
0x56: {  	s26 =	sadd.s32 $0xC400, s3;
	[smem:$0x7E4] =	sst s24  }
0x57: {  	s3 =	sadd.s32 $0xC410, s3;
	[smem:$0x7E5] =	sst s26  }
0x58: {  	s4 =	sadd.s32 $0x10000, s1;
	[smem:$0x7E6] =	sst s3  }
0x59: {  	s5 =	sadd.s32 $0x20000, s1;
	[smem:$0x7E8] =	sst s4  }
0x5a: {  	s6 =	sadd.s32 $0x30000, s1;
	[smem:$0x7E9] =	sst s5  }
0x5b: {  	s7 =	sadd.s32 $0x40000, s1;
	[smem:$0x7EA] =	sst s6  }
0x5c: {  	s8 =	sadd.s32 $0x50000, s1;
	[smem:$0x7EB] =	sst s7  }
0x5d: {  	s9 =	sadd.s32 $0x60000, s1;
	[smem:$0x7EC] =	sst s8  }
0x5e: {  	s10 =	sadd.s32 $0x70000, s1;
	[smem:$0x7ED] =	sst s9  }
0x5f: {  	s11 =	sadd.s32 $0x80000, s1;
	[smem:$0x7EE] =	sst s10  }
0x60: {  	s12 =	sadd.s32 $0x90000, s1;
	[smem:$0x7EF] =	sst s11  }
0x61: {  	s13 =	sadd.s32 $0xA0000, s1;
	[smem:$0x7F0] =	sst s12  }
0x62: {  	s14 =	sadd.s32 $0xB0000, s1;
	[smem:$0x7F1] =	sst s13  }
0x63: {  	s15 =	sadd.s32 $0xC0000, s1;
	[smem:$0x7F2] =	sst s14  }
0x64: {  	s16 =	sadd.s32 $0xD0000, s1;
	[smem:$0x7F3] =	sst s15  }
0x65: {  	s17 =	sadd.s32 $0xE0000, s1;
	[smem:$0x7F4] =	sst s16  }
0x66: {  	s18 =	sadd.s32 $0xF0000, s1;
	[smem:$0x7F5] =	sst s17  }
0x67: {  	s31 =	simm.s32 $0x3;
	s19 =	sadd.s32 $0x100000, s1;
	[smem:$0x7F6] =	sst s18  }
0x68: {  	s29 =	simm.s32 $0x100;
	s20 =	sadd.s32 $0x110000, s1;
	[smem:$0x7F7] =	sst s19  }
0x69: {  	s28 =	sadd.s32 $0x80, s30;
	s21 =	sadd.s32 $0x120000, s1;
	[smem:$0x7F8] =	sst s20  }
0x6a: {  	s2 =	simm.s32 $0x1;
	s22 =	sadd.s32 $0x130000, s1;
	[smem:$0x7F9] =	sst s21  }
0x6b: {  	s0 =	simm.s32 $0x18700;
	[smem:$0x7FA] =	sst s22;
	s23 =	sadd.s32 $0x140000, s1  }
0x6c: {  	s24 =	sadd.s32 $0x150000, s1;
	s26 =	sadd.s32 $0x160000, s1;
	[smem:$0x7FB] =	sst s23  }
0x6d: {  	s21 =	sadd.s32 $0x170000, s1;
	s22 =	sadd.s32 $0x180000, s1;
	[smem:$0x7FC] =	sst s24  }
0x6e: {  	s3 =	simm.s32 $0x2;
	s4 =	simm.s32 $0x0;
	[smem:$0x7FD] =	sst s26  }
0x6f: {  	s23 =	sadd.s32 $0x190000, s1;
	s24 =	simm.s32 $0x80;
	s26 =	simm.s32 $0x400  }
.LBB2_1:
0x70: {  	s7 =	sshrl.u32 @!p0 s30, $0x3;
	s5 =	simm.s32 @!p0 $0x1;
	s6 =	simm.s32 @!p0 $0x20  }
0x71: {  	s8 =	simm.s32 @!p0 $0x80;
	s9 =	simm.s32 @!p0 $0x1C03;
	s10 =	rddreg [dreg:$0x1f]  }
0x72: {  	[spmem:s7@s6], [sflag:s9] =	dma.strided @!p0 [hbm:s10@s8], $0x800, s5, $0x10   }
0x73: {  	s5 =	simm.s32 @!p0 $0x3  }
0x74: {  	_ =	swait.ge @!p0 [sflag:s5], $0x800  }
0x75: {  	[sflag:s5] =	ssyncset.done @!p0 $0x0  }
0x76: {  	s20 =	rddreg [dreg:$0x5];
	[sflag:s5] =	ssyncadd.s32 @!p0 $0xFFFFF800  }
0x77: {  	[tilespmem:s25], [sflag:$0x3] =	stream.strided.gather [hbm4b:s20+s24], $0x18700, s26, s24, $0x38;
	[tilespmem:$0x1CF00] =	vst v63  }
0x78: {  	_ =	swait.ge [sflag:s31], $0x18700  }
0x79: {  	[sflag:s31] =	ssyncset.done $0x0  }
0x7a: {  	[sflag:s31] =	ssyncadd.s32 $0xFFFE7900  }
0x7b: {  	[bflag:$0x0] =	sbarrier.arrive $0xFFFF  }
0x7c: {  	[tilespmem:s0], [sflag:$0x3] =	stream.strided.gather [spmem:s30], $0x4000, s29, s24, $0x38;
	[tilespmem:$0x1CF00] =	vst v63  }
0x7d: {  	_ =	swait.ge [sflag:s31], $0x4000  }
0x7e: {  	[sflag:s31] =	ssyncset.done $0x0  }
0x7f: {  	s5 =	simm.s32 $0x18780;
	[sflag:s31] =	ssyncadd.s32 $0xFFFFC000  }
0x80: {  	v0 =	vld [tilespmem:s5+$0x70]  }
0x81: {  	v1 =	vld [tilespmem:s5+$0xFFFFFF90]  }
0x82: {  	v2 =	vld [tilespmem:s5+$0xFFFFFFA0]  }
0x83: {  	v3 =	vld [tilespmem:s5+$0xFFFFFFB0]  }
0x84: {  	v4 =	vld [tilespmem:s5+$0xFFFFFFC0]  }
0x85: {  	v5 =	vld [tilespmem:s5+$0xFFFFFFD0]  }
0x86: {  	v6 =	vld [tilespmem:s5+$0xFFFFFFE0]  }
0x87: {  	v7 =	vld [tilespmem:s5+$0xFFFFFFF0]  }
0x88: {  	v8 =	vld [tilespmem:s5+$0x0]  }
0x89: {  	v9 =	vld [tilespmem:s5+$0x10]  }
0x8a: {  	v10 =	vld [tilespmem:s5+$0x20]  }
0x8b: {  	v11 =	vld [tilespmem:s5+$0x30]  }
0x8c: {  	v12 =	vld [tilespmem:s5+$0x40]  }
0x8d: {  	v13 =	vld [tilespmem:s5+$0x50]  }
0x8e: {  	v14 =	vld [tilespmem:s5+$0x60]  }
0x8f: {  	v15 =	vld [tilespmem:s5+$0xFFFFFF80]  }
0x90: {  	v0 =	vld.idx.msk [tilespmem:v0+s25+$0x0], $0xffff  }
0x91: {  	v1 =	vld.idx.msk [tilespmem:v1+s25+$0x0], $0xffff  }
0x92: {  	v2 =	vld.idx.msk [tilespmem:v2+s25+$0x0], $0xffff  }
0x93: {  	v3 =	vld.idx.msk [tilespmem:v3+s25+$0x0], $0xffff  }
0x94: {  	v4 =	vld.idx.msk [tilespmem:v4+s25+$0x0], $0xffff  }
0x95: {  	v5 =	vld.idx.msk [tilespmem:v5+s25+$0x0], $0xffff  }
0x96: {  	v6 =	vld.idx.msk [tilespmem:v6+s25+$0x0], $0xffff;
	[tilespmem:s5+$0x70] =	vst v0  }
0x97: {  	v7 =	vld.idx.msk [tilespmem:v7+s25+$0x0], $0xffff;
	[tilespmem:s5+$0xFFFFFF90] =	vst v1  }
0x98: {  	v15 =	vld.idx.msk [tilespmem:v15+s25+$0x0], $0xffff;
	[tilespmem:s5+$0xFFFFFFA0] =	vst v2  }
0x99: {  	v8 =	vld.idx.msk [tilespmem:v8+s25+$0x0], $0xffff;
	[tilespmem:s5+$0xFFFFFFB0] =	vst v3  }
0x9a: {  	[tilespmem:s5+$0xFFFFFFC0] =	vst v4;
	v0 =	vld.idx.msk [tilespmem:v9+s25+$0x0], $0xffff  }
0x9b: {  	[tilespmem:s5+$0xFFFFFFD0] =	vst v5;
	v1 =	vld.idx.msk [tilespmem:v10+s25+$0x0], $0xffff  }
0x9c: {  	[tilespmem:s5+$0xFFFFFFE0] =	vst v6;
	v2 =	vld.idx.msk [tilespmem:v11+s25+$0x0], $0xffff  }
0x9d: {  	[tilespmem:s5+$0xFFFFFFF0] =	vst v7;
	v3 =	vld.idx.msk [tilespmem:v12+s25+$0x0], $0xffff  }
0x9e: {  	[tilespmem:s5+$0xFFFFFF80] =	vst v15;
	v4 =	vld.idx.msk [tilespmem:v13+s25+$0x0], $0xffff  }
0x9f: {  	s6 =	simm.s32 $0x0;
	s8 =	simm.s32 $0x18880;
	[tilespmem:s5+$0x0] =	vst v8;
	v5 =	vld.idx.msk [tilespmem:v14+s25+$0x0], $0xffff  }
.LBB2_2:
0xa0: {  	v6 =	vld [tilespmem:s8+$0x70];
	s6 =	sadd.s32 $0x10, s6;
	[tilespmem:s5+$0x10] =	vst v0  }
0xa1: {  	v0 =	vld [tilespmem:s8+$0xFFFFFF90];
	p4 =	slt.u32 s6, $0x3F0;
	[tilespmem:s5+$0x20] =	vst v1  }
0xa2: {  	v1 =	vld [tilespmem:s8+$0xFFFFFFA0];
	[tilespmem:s5+$0x30] =	vst v2  }
0xa3: {  	v2 =	vld [tilespmem:s8+$0xFFFFFFB0];
	[tilespmem:s5+$0x40] =	vst v3  }
0xa4: {  	v3 =	vld [tilespmem:s8+$0xFFFFFFC0];
	[tilespmem:s5+$0x50] =	vst v4  }
0xa5: {  	v4 =	vld [tilespmem:s8+$0xFFFFFFD0];
	[tilespmem:s5+$0x60] =	vst v5;
	s5 =	smov.u32 s8  }
0xa6: {  	v5 =	vld [tilespmem:s8+$0xFFFFFFE0]  }
0xa7: {  	v7 =	vld [tilespmem:s8+$0xFFFFFFF0]  }
0xa8: {  	v6 =	vld.idx.msk [tilespmem:v6+s25+$0x0], $0xffff  }
0xa9: {  	v8 =	vld [tilespmem:s8+$0x0]  }
0xaa: {  	v9 =	vld [tilespmem:s8+$0x10]  }
0xab: {  	v10 =	vld [tilespmem:s8+$0x20]  }
0xac: {  	v11 =	vld [tilespmem:s8+$0x30]  }
0xad: {  	v12 =	vld [tilespmem:s8+$0x40]  }
0xae: {  	v13 =	vld [tilespmem:s8+$0x50];
	[tilespmem:s8+$0x70] =	vst v6  }
0xaf: {  	v6 =	vld [tilespmem:s8+$0x60]  }
0xb0: {  	v14 =	vld [tilespmem:s8+$0xFFFFFF80]  }
0xb1: {  	v0 =	vld.idx.msk [tilespmem:v0+s25+$0x0], $0xffff  }
0xb2: {  	v1 =	vld.idx.msk [tilespmem:v1+s25+$0x0], $0xffff  }
0xb3: {  	v2 =	vld.idx.msk [tilespmem:v2+s25+$0x0], $0xffff  }
0xb4: {  	v3 =	vld.idx.msk [tilespmem:v3+s25+$0x0], $0xffff  }
0xb5: {  	v4 =	vld.idx.msk [tilespmem:v4+s25+$0x0], $0xffff  }
0xb6: {  	v5 =	vld.idx.msk [tilespmem:v5+s25+$0x0], $0xffff  }
0xb7: {  	[tilespmem:s8+$0xFFFFFF90] =	vst v0;
	v7 =	vld.idx.msk [tilespmem:v7+s25+$0x0], $0xffff  }
0xb8: {  	v14 =	vld.idx.msk [tilespmem:v14+s25+$0x0], $0xffff;
	[tilespmem:s8+$0xFFFFFFA0] =	vst v1  }
0xb9: {  	[tilespmem:s8+$0xFFFFFFB0] =	vst v2;
	v8 =	vld.idx.msk [tilespmem:v8+s25+$0x0], $0xffff  }
0xba: {  	[tilespmem:s8+$0xFFFFFFC0] =	vst v3;
	v0 =	vld.idx.msk [tilespmem:v9+s25+$0x0], $0xffff  }
.Ltmp0:
0xbb: {  	[tilespmem:s8+$0xFFFFFFD0] =	vst v4;
	v1 =	vld.idx.msk [tilespmem:v10+s25+$0x0], $0xffff;
	(pc) =	sbr.rel @p4 .LBB2_2-.Ltmp0, $4  }
0xbc: {  	[tilespmem:s8+$0xFFFFFFE0] =	vst v5;
	v2 =	vld.idx.msk [tilespmem:v11+s25+$0x0], $0xffff  }
0xbd: {  	[tilespmem:s8+$0xFFFFFFF0] =	vst v7;
	v3 =	vld.idx.msk [tilespmem:v12+s25+$0x0], $0xffff  }
0xbe: {  	[tilespmem:s8+$0xFFFFFF80] =	vst v14;
	v4 =	vld.idx.msk [tilespmem:v13+s25+$0x0], $0xffff  }
0xbf: {  	s8 =	sadd.s32 $0x100, s8;
	[tilespmem:s5+$0x0] =	vst v8;
	v5 =	vld.idx.msk [tilespmem:v6+s25+$0x0], $0xffff  }
0xc0: {  	[tilespmem:s5+$0x10] =	vst v0  }
0xc1: {  	[tilespmem:s5+$0x20] =	vst v1  }
0xc2: {  	[tilespmem:s5+$0x30] =	vst v2  }
0xc3: {  	[tilespmem:s5+$0x40] =	vst v3  }
0xc4: {  	[tilespmem:s5+$0x50] =	vst v4  }
0xc5: {  	[tilespmem:s5+$0x60] =	vst v5  }
0xc6: {  	s5 =	sld [smem:$0x7C4];
	_ =	sdelay $0x1  }
0xc7: {  	[hbm4b:s1+s24] =	stream.strided.scatter [tilespmem:s0], [sflag:$0x1], $0x4000, s26, s24, $0x38;
	[tilespmem:$0x1CF00] =	vst v63  }
0xc8: {  	s11 =	sld [smem:$0x7CE];
	p4 =	seq.s32 s5, $0x1  }
0xc9: {  	s5 =	sshrl.u32 @!p4 s28, $0x3;
	s6 =	simm.s32 @!p4 $0x1  }
0xca: {  	s8 =	simm.s32 @!p4 $0x20;
	s9 =	simm.s32 @!p4 $0x80;
	s10 =	simm.s32 @!p4 $0x1C43  }
0xcb: {  	[spmem:s5@s8], [sflag:s10] =	dma.strided @!p4 [hbm:s11@s9], $0x800, s6, $0x10   }
0xcc: {  	s6 =	simm.s32 @!p4 $0x3  }
0xcd: {  	_ =	swait.ge @!p4 [sflag:s6], $0x800  }
0xce: {  	[sflag:s6] =	ssyncset.done @!p4 $0x0  }
0xcf: {  	s20 =	rddreg [dreg:$0x6];
	[sflag:s6] =	ssyncadd.s32 @!p4 $0xFFFFF800  }
0xd0: {  	[tilespmem:s25], [sflag:$0x2] =	stream.strided.gather [hbm4b:s20+s24], $0x18700, s26, s24, $0x38;
	[tilespmem:$0x1CF00] =	vst v63  }
0xd1: {  	_ =	swait.ge [sflag:s2], $0x4000  }
0xd2: {  	[sflag:s2] =	ssyncset.done $0x0  }
0xd3: {  	[sflag:s2] =	ssyncadd.s32 $0xFFFFC000  }
0xd4: {  	[bflag:$0x0] =	sbarrier.arrive $0xFFFF  }
0xd5: {  	[tilespmem:s0], [sflag:$0x3] =	stream.strided.gather [spmem:s28], $0x4000, s29, s24, $0x38;
	[tilespmem:$0x1CF00] =	vst v63  }
0xd6: {  	_ =	swait.ge [sflag:s31], $0x4000  }
0xd7: {  	[sflag:s31] =	ssyncset.done $0x0  }
0xd8: {  	[sflag:s31] =	ssyncadd.s32 $0xFFFFC000  }
0xd9: {  	_ =	swait.ge [sflag:s3], $0x18700  }
0xda: {  	[sflag:s3] =	ssyncset.done $0x0  }
0xdb: {  	s6 =	simm.s32 $0x18780;
	[sflag:s3] =	ssyncadd.s32 $0xFFFE7900  }
0xdc: {  	v0 =	vld [tilespmem:s6+$0x70]  }
0xdd: {  	v1 =	vld [tilespmem:s6+$0xFFFFFF90]  }
0xde: {  	v2 =	vld [tilespmem:s6+$0xFFFFFFA0]  }
0xdf: {  	v3 =	vld [tilespmem:s6+$0xFFFFFFB0]  }
0xe0: {  	v4 =	vld [tilespmem:s6+$0xFFFFFFC0]  }
0xe1: {  	v5 =	vld [tilespmem:s6+$0xFFFFFFD0]  }
0xe2: {  	v6 =	vld [tilespmem:s6+$0xFFFFFFE0]  }
0xe3: {  	v7 =	vld [tilespmem:s6+$0xFFFFFFF0]  }
0xe4: {  	v8 =	vld [tilespmem:s6+$0x0]  }
0xe5: {  	v9 =	vld [tilespmem:s6+$0x10]  }
0xe6: {  	v10 =	vld [tilespmem:s6+$0x20]  }
0xe7: {  	v11 =	vld [tilespmem:s6+$0x30]  }
0xe8: {  	v12 =	vld [tilespmem:s6+$0x40]  }
0xe9: {  	v13 =	vld [tilespmem:s6+$0x50]  }
0xea: {  	v14 =	vld [tilespmem:s6+$0x60]  }
0xeb: {  	v15 =	vld [tilespmem:s6+$0xFFFFFF80]  }
0xec: {  	v0 =	vld.idx.msk [tilespmem:v0+s25+$0x0], $0xffff  }
0xed: {  	v1 =	vld.idx.msk [tilespmem:v1+s25+$0x0], $0xffff  }
0xee: {  	v2 =	vld.idx.msk [tilespmem:v2+s25+$0x0], $0xffff  }
0xef: {  	v3 =	vld.idx.msk [tilespmem:v3+s25+$0x0], $0xffff  }
0xf0: {  	v4 =	vld.idx.msk [tilespmem:v4+s25+$0x0], $0xffff  }
0xf1: {  	v5 =	vld.idx.msk [tilespmem:v5+s25+$0x0], $0xffff  }
0xf2: {  	v6 =	vld.idx.msk [tilespmem:v6+s25+$0x0], $0xffff;
	[tilespmem:s6+$0x70] =	vst v0  }
0xf3: {  	v7 =	vld.idx.msk [tilespmem:v7+s25+$0x0], $0xffff;
	[tilespmem:s6+$0xFFFFFF90] =	vst v1  }
0xf4: {  	v15 =	vld.idx.msk [tilespmem:v15+s25+$0x0], $0xffff;
	[tilespmem:s6+$0xFFFFFFA0] =	vst v2  }
0xf5: {  	v8 =	vld.idx.msk [tilespmem:v8+s25+$0x0], $0xffff;
	[tilespmem:s6+$0xFFFFFFB0] =	vst v3  }
0xf6: {  	[tilespmem:s6+$0xFFFFFFC0] =	vst v4;
	v0 =	vld.idx.msk [tilespmem:v9+s25+$0x0], $0xffff  }
0xf7: {  	[tilespmem:s6+$0xFFFFFFD0] =	vst v5;
	v1 =	vld.idx.msk [tilespmem:v10+s25+$0x0], $0xffff  }
0xf8: {  	[tilespmem:s6+$0xFFFFFFE0] =	vst v6;
	v2 =	vld.idx.msk [tilespmem:v11+s25+$0x0], $0xffff  }
0xf9: {  	[tilespmem:s6+$0xFFFFFFF0] =	vst v7;
	v3 =	vld.idx.msk [tilespmem:v12+s25+$0x0], $0xffff  }
0xfa: {  	[tilespmem:s6+$0xFFFFFF80] =	vst v15;
	v4 =	vld.idx.msk [tilespmem:v13+s25+$0x0], $0xffff  }
0xfb: {  	s8 =	simm.s32 $0x0;
	s9 =	simm.s32 $0x18880;
	[tilespmem:s6+$0x0] =	vst v8;
	v5 =	vld.idx.msk [tilespmem:v14+s25+$0x0], $0xffff  }
.LBB2_4:
0xfc: {  	v6 =	vld [tilespmem:s9+$0x70];
	s8 =	sadd.s32 $0x10, s8;
	[tilespmem:s6+$0x10] =	vst v0  }
0xfd: {  	v0 =	vld [tilespmem:s9+$0xFFFFFF90];
	p4 =	slt.u32 s8, $0x3F0;
	[tilespmem:s6+$0x20] =	vst v1  }
0xfe: {  	v1 =	vld [tilespmem:s9+$0xFFFFFFA0];
	[tilespmem:s6+$0x30] =	vst v2  }
0xff: {  	v2 =	vld [tilespmem:s9+$0xFFFFFFB0];
	[tilespmem:s6+$0x40] =	vst v3  }
0x100: {  	v3 =	vld [tilespmem:s9+$0xFFFFFFC0];
	[tilespmem:s6+$0x50] =	vst v4  }
0x101: {  	v4 =	vld [tilespmem:s9+$0xFFFFFFD0];
	[tilespmem:s6+$0x60] =	vst v5;
	s6 =	smov.u32 s9  }
0x102: {  	v5 =	vld [tilespmem:s9+$0xFFFFFFE0]  }
0x103: {  	v7 =	vld [tilespmem:s9+$0xFFFFFFF0]  }
0x104: {  	v6 =	vld.idx.msk [tilespmem:v6+s25+$0x0], $0xffff  }
0x105: {  	v8 =	vld [tilespmem:s9+$0x0]  }
0x106: {  	v9 =	vld [tilespmem:s9+$0x10]  }
0x107: {  	v10 =	vld [tilespmem:s9+$0x20]  }
0x108: {  	v11 =	vld [tilespmem:s9+$0x30]  }
0x109: {  	v12 =	vld [tilespmem:s9+$0x40]  }
0x10a: {  	v13 =	vld [tilespmem:s9+$0x50];
	[tilespmem:s9+$0x70] =	vst v6  }
0x10b: {  	v6 =	vld [tilespmem:s9+$0x60]  }
0x10c: {  	v14 =	vld [tilespmem:s9+$0xFFFFFF80]  }
0x10d: {  	v0 =	vld.idx.msk [tilespmem:v0+s25+$0x0], $0xffff  }
0x10e: {  	v1 =	vld.idx.msk [tilespmem:v1+s25+$0x0], $0xffff  }
0x10f: {  	v2 =	vld.idx.msk [tilespmem:v2+s25+$0x0], $0xffff  }
0x110: {  	v3 =	vld.idx.msk [tilespmem:v3+s25+$0x0], $0xffff  }
0x111: {  	v4 =	vld.idx.msk [tilespmem:v4+s25+$0x0], $0xffff  }
0x112: {  	v5 =	vld.idx.msk [tilespmem:v5+s25+$0x0], $0xffff  }
0x113: {  	[tilespmem:s9+$0xFFFFFF90] =	vst v0;
	v7 =	vld.idx.msk [tilespmem:v7+s25+$0x0], $0xffff  }
0x114: {  	v14 =	vld.idx.msk [tilespmem:v14+s25+$0x0], $0xffff;
	[tilespmem:s9+$0xFFFFFFA0] =	vst v1  }
0x115: {  	[tilespmem:s9+$0xFFFFFFB0] =	vst v2;
	v8 =	vld.idx.msk [tilespmem:v8+s25+$0x0], $0xffff  }
0x116: {  	[tilespmem:s9+$0xFFFFFFC0] =	vst v3;
	v0 =	vld.idx.msk [tilespmem:v9+s25+$0x0], $0xffff  }
.Ltmp1:
0x117: {  	[tilespmem:s9+$0xFFFFFFD0] =	vst v4;
	v1 =	vld.idx.msk [tilespmem:v10+s25+$0x0], $0xffff;
	(pc) =	sbr.rel @p4 .LBB2_4-.Ltmp1, $4  }
0x118: {  	[tilespmem:s9+$0xFFFFFFE0] =	vst v5;
	v2 =	vld.idx.msk [tilespmem:v11+s25+$0x0], $0xffff  }
0x119: {  	[tilespmem:s9+$0xFFFFFFF0] =	vst v7;
	v3 =	vld.idx.msk [tilespmem:v12+s25+$0x0], $0xffff  }
0x11a: {  	[tilespmem:s9+$0xFFFFFF80] =	vst v14;
	v4 =	vld.idx.msk [tilespmem:v13+s25+$0x0], $0xffff  }
0x11b: {  	s9 =	sadd.s32 $0x100, s9;
	[tilespmem:s6+$0x0] =	vst v8;
	v5 =	vld.idx.msk [tilespmem:v6+s25+$0x0], $0xffff  }
0x11c: {  	[tilespmem:s6+$0x10] =	vst v0  }
0x11d: {  	[tilespmem:s6+$0x20] =	vst v1  }
0x11e: {  	[tilespmem:s6+$0x30] =	vst v2  }
0x11f: {  	[tilespmem:s6+$0x40] =	vst v3  }
0x120: {  	[tilespmem:s6+$0x50] =	vst v4  }
0x121: {  	[tilespmem:s6+$0x60] =	vst v5  }
0x122: {  	s6 =	sld [smem:$0x7E8]  }
0x123: {  	s19 =	sld [smem:$0x7C5];
	_ =	sdelay $0x1  }
0x124: {  	[hbm4b:s6+s24] =	stream.strided.scatter [tilespmem:s0], [sflag:$0x1], $0x4000, s26, s24, $0x38;
	[tilespmem:$0x1CF00] =	vst v63  }
0x125: {  	s12 =	sld [smem:$0x7CF];
	p4 =	seq.s32 s19, $0x1  }
0x126: {  	s6 =	sshrl.u32 @!p4 s30, $0x3;
	s8 =	simm.s32 @!p4 $0x1  }
0x127: {  	s9 =	simm.s32 @!p4 $0x20;
	s10 =	simm.s32 @!p4 $0x80;
	s11 =	simm.s32 @!p4 $0x1C83  }
0x128: {  	[spmem:s6@s9], [sflag:s11] =	dma.strided @!p4 [hbm:s12@s10], $0x800, s8, $0x10   }
0x129: {  	s8 =	simm.s32 @!p4 $0x3  }
0x12a: {  	_ =	swait.ge @!p4 [sflag:s8], $0x800  }
0x12b: {  	[sflag:s8] =	ssyncset.done @!p4 $0x0  }
0x12c: {  	s20 =	rddreg [dreg:$0x7];
	[sflag:s8] =	ssyncadd.s32 @!p4 $0xFFFFF800  }
0x12d: {  	[tilespmem:s25], [sflag:$0x2] =	stream.strided.gather [hbm4b:s20+s24], $0x18700, s26, s24, $0x38;
	[tilespmem:$0x1CF00] =	vst v63  }
0x12e: {  	_ =	swait.ge [sflag:s2], $0x4000  }
0x12f: {  	[sflag:s2] =	ssyncset.done $0x0  }
0x130: {  	[sflag:s2] =	ssyncadd.s32 $0xFFFFC000  }
0x131: {  	[bflag:$0x0] =	sbarrier.arrive $0xFFFF  }
0x132: {  	[tilespmem:s0], [sflag:$0x3] =	stream.strided.gather [spmem:s30], $0x4000, s29, s24, $0x38;
	[tilespmem:$0x1CF00] =	vst v63  }
0x133: {  	_ =	swait.ge [sflag:s31], $0x4000  }
0x134: {  	[sflag:s31] =	ssyncset.done $0x0  }
0x135: {  	[sflag:s31] =	ssyncadd.s32 $0xFFFFC000  }
0x136: {  	_ =	swait.ge [sflag:s3], $0x18700  }
0x137: {  	[sflag:s3] =	ssyncset.done $0x0  }
0x138: {  	s8 =	simm.s32 $0x18780;
	[sflag:s3] =	ssyncadd.s32 $0xFFFE7900  }
0x139: {  	v0 =	vld [tilespmem:s8+$0x70]  }
0x13a: {  	v1 =	vld [tilespmem:s8+$0xFFFFFF90]  }
0x13b: {  	v2 =	vld [tilespmem:s8+$0xFFFFFFA0]  }
0x13c: {  	v3 =	vld [tilespmem:s8+$0xFFFFFFB0]  }
0x13d: {  	v4 =	vld [tilespmem:s8+$0xFFFFFFC0]  }
0x13e: {  	v5 =	vld [tilespmem:s8+$0xFFFFFFD0]  }
0x13f: {  	v6 =	vld [tilespmem:s8+$0xFFFFFFE0]  }
0x140: {  	v7 =	vld [tilespmem:s8+$0xFFFFFFF0]  }
0x141: {  	v8 =	vld [tilespmem:s8+$0x0]  }
0x142: {  	v9 =	vld [tilespmem:s8+$0x10]  }
0x143: {  	v10 =	vld [tilespmem:s8+$0x20]  }
0x144: {  	v11 =	vld [tilespmem:s8+$0x30]  }
0x145: {  	v12 =	vld [tilespmem:s8+$0x40]  }
0x146: {  	v13 =	vld [tilespmem:s8+$0x50]  }
0x147: {  	v14 =	vld [tilespmem:s8+$0x60]  }
0x148: {  	v15 =	vld [tilespmem:s8+$0xFFFFFF80]  }
0x149: {  	v0 =	vld.idx.msk [tilespmem:v0+s25+$0x0], $0xffff  }
0x14a: {  	v1 =	vld.idx.msk [tilespmem:v1+s25+$0x0], $0xffff  }
0x14b: {  	v2 =	vld.idx.msk [tilespmem:v2+s25+$0x0], $0xffff  }
0x14c: {  	v3 =	vld.idx.msk [tilespmem:v3+s25+$0x0], $0xffff  }
0x14d: {  	v4 =	vld.idx.msk [tilespmem:v4+s25+$0x0], $0xffff  }
0x14e: {  	v5 =	vld.idx.msk [tilespmem:v5+s25+$0x0], $0xffff  }
0x14f: {  	v6 =	vld.idx.msk [tilespmem:v6+s25+$0x0], $0xffff;
	[tilespmem:s8+$0x70] =	vst v0  }
0x150: {  	v7 =	vld.idx.msk [tilespmem:v7+s25+$0x0], $0xffff;
	[tilespmem:s8+$0xFFFFFF90] =	vst v1  }
0x151: {  	v15 =	vld.idx.msk [tilespmem:v15+s25+$0x0], $0xffff;
	[tilespmem:s8+$0xFFFFFFA0] =	vst v2  }
0x152: {  	v8 =	vld.idx.msk [tilespmem:v8+s25+$0x0], $0xffff;
	[tilespmem:s8+$0xFFFFFFB0] =	vst v3  }
0x153: {  	[tilespmem:s8+$0xFFFFFFC0] =	vst v4;
	v0 =	vld.idx.msk [tilespmem:v9+s25+$0x0], $0xffff  }
0x154: {  	[tilespmem:s8+$0xFFFFFFD0] =	vst v5;
	v1 =	vld.idx.msk [tilespmem:v10+s25+$0x0], $0xffff  }
0x155: {  	[tilespmem:s8+$0xFFFFFFE0] =	vst v6;
	v2 =	vld.idx.msk [tilespmem:v11+s25+$0x0], $0xffff  }
0x156: {  	[tilespmem:s8+$0xFFFFFFF0] =	vst v7;
	v3 =	vld.idx.msk [tilespmem:v12+s25+$0x0], $0xffff  }
0x157: {  	[tilespmem:s8+$0xFFFFFF80] =	vst v15;
	v4 =	vld.idx.msk [tilespmem:v13+s25+$0x0], $0xffff  }
0x158: {  	s9 =	simm.s32 $0x0;
	s10 =	simm.s32 $0x18880;
	[tilespmem:s8+$0x0] =	vst v8;
	v5 =	vld.idx.msk [tilespmem:v14+s25+$0x0], $0xffff  }
.LBB2_6:
0x159: {  	v6 =	vld [tilespmem:s10+$0x70];
	s9 =	sadd.s32 $0x10, s9;
	[tilespmem:s8+$0x10] =	vst v0  }
0x15a: {  	v0 =	vld [tilespmem:s10+$0xFFFFFF90];
	p4 =	slt.u32 s9, $0x3F0;
	[tilespmem:s8+$0x20] =	vst v1  }
0x15b: {  	v1 =	vld [tilespmem:s10+$0xFFFFFFA0];
	[tilespmem:s8+$0x30] =	vst v2  }
0x15c: {  	v2 =	vld [tilespmem:s10+$0xFFFFFFB0];
	[tilespmem:s8+$0x40] =	vst v3  }
0x15d: {  	v3 =	vld [tilespmem:s10+$0xFFFFFFC0];
	[tilespmem:s8+$0x50] =	vst v4  }
0x15e: {  	v4 =	vld [tilespmem:s10+$0xFFFFFFD0];
	[tilespmem:s8+$0x60] =	vst v5;
	s8 =	smov.u32 s10  }
0x15f: {  	v5 =	vld [tilespmem:s10+$0xFFFFFFE0]  }
0x160: {  	v7 =	vld [tilespmem:s10+$0xFFFFFFF0]  }
0x161: {  	v6 =	vld.idx.msk [tilespmem:v6+s25+$0x0], $0xffff  }
0x162: {  	v8 =	vld [tilespmem:s10+$0x0]  }
0x163: {  	v9 =	vld [tilespmem:s10+$0x10]  }
0x164: {  	v10 =	vld [tilespmem:s10+$0x20]  }
0x165: {  	v11 =	vld [tilespmem:s10+$0x30]  }
0x166: {  	v12 =	vld [tilespmem:s10+$0x40]  }
0x167: {  	v13 =	vld [tilespmem:s10+$0x50];
	[tilespmem:s10+$0x70] =	vst v6  }
0x168: {  	v6 =	vld [tilespmem:s10+$0x60]  }
0x169: {  	v14 =	vld [tilespmem:s10+$0xFFFFFF80]  }
0x16a: {  	v0 =	vld.idx.msk [tilespmem:v0+s25+$0x0], $0xffff  }
0x16b: {  	v1 =	vld.idx.msk [tilespmem:v1+s25+$0x0], $0xffff  }
0x16c: {  	v2 =	vld.idx.msk [tilespmem:v2+s25+$0x0], $0xffff  }
0x16d: {  	v3 =	vld.idx.msk [tilespmem:v3+s25+$0x0], $0xffff  }
0x16e: {  	v4 =	vld.idx.msk [tilespmem:v4+s25+$0x0], $0xffff  }
0x16f: {  	v5 =	vld.idx.msk [tilespmem:v5+s25+$0x0], $0xffff  }
0x170: {  	[tilespmem:s10+$0xFFFFFF90] =	vst v0;
	v7 =	vld.idx.msk [tilespmem:v7+s25+$0x0], $0xffff  }
0x171: {  	v14 =	vld.idx.msk [tilespmem:v14+s25+$0x0], $0xffff;
	[tilespmem:s10+$0xFFFFFFA0] =	vst v1  }
0x172: {  	[tilespmem:s10+$0xFFFFFFB0] =	vst v2;
	v8 =	vld.idx.msk [tilespmem:v8+s25+$0x0], $0xffff  }
0x173: {  	[tilespmem:s10+$0xFFFFFFC0] =	vst v3;
	v0 =	vld.idx.msk [tilespmem:v9+s25+$0x0], $0xffff  }
.Ltmp2:
0x174: {  	[tilespmem:s10+$0xFFFFFFD0] =	vst v4;
	v1 =	vld.idx.msk [tilespmem:v10+s25+$0x0], $0xffff;
	(pc) =	sbr.rel @p4 .LBB2_6-.Ltmp2, $4  }
0x175: {  	[tilespmem:s10+$0xFFFFFFE0] =	vst v5;
	v2 =	vld.idx.msk [tilespmem:v11+s25+$0x0], $0xffff  }
0x176: {  	[tilespmem:s10+$0xFFFFFFF0] =	vst v7;
	v3 =	vld.idx.msk [tilespmem:v12+s25+$0x0], $0xffff  }
0x177: {  	[tilespmem:s10+$0xFFFFFF80] =	vst v14;
	v4 =	vld.idx.msk [tilespmem:v13+s25+$0x0], $0xffff  }
0x178: {  	s10 =	sadd.s32 $0x100, s10;
	[tilespmem:s8+$0x0] =	vst v8;
	v5 =	vld.idx.msk [tilespmem:v6+s25+$0x0], $0xffff  }
0x179: {  	[tilespmem:s8+$0x10] =	vst v0  }
0x17a: {  	[tilespmem:s8+$0x20] =	vst v1  }
0x17b: {  	[tilespmem:s8+$0x30] =	vst v2  }
0x17c: {  	[tilespmem:s8+$0x40] =	vst v3  }
0x17d: {  	[tilespmem:s8+$0x50] =	vst v4  }
0x17e: {  	[tilespmem:s8+$0x60] =	vst v5  }
0x17f: {  	s8 =	sld [smem:$0x7E9]  }
0x180: {  	s19 =	sld [smem:$0x7C6];
	_ =	sdelay $0x1  }
0x181: {  	[hbm4b:s8+s24] =	stream.strided.scatter [tilespmem:s0], [sflag:$0x1], $0x4000, s26, s24, $0x38;
	[tilespmem:$0x1CF00] =	vst v63  }
0x182: {  	s13 =	sld [smem:$0x7D0];
	p4 =	seq.s32 s19, $0x1  }
0x183: {  	s8 =	sshrl.u32 @!p4 s28, $0x3;
	s9 =	simm.s32 @!p4 $0x1  }
0x184: {  	s10 =	simm.s32 @!p4 $0x20;
	s11 =	simm.s32 @!p4 $0x80;
	s12 =	simm.s32 @!p4 $0x1CC3  }
0x185: {  	[spmem:s8@s10], [sflag:s12] =	dma.strided @!p4 [hbm:s13@s11], $0x800, s9, $0x10   }
0x186: {  	s9 =	simm.s32 @!p4 $0x3  }
0x187: {  	_ =	swait.ge @!p4 [sflag:s9], $0x800  }
0x188: {  	[sflag:s9] =	ssyncset.done @!p4 $0x0  }
0x189: {  	s20 =	rddreg [dreg:$0x8];
	[sflag:s9] =	ssyncadd.s32 @!p4 $0xFFFFF800  }
0x18a: {  	[tilespmem:s25], [sflag:$0x2] =	stream.strided.gather [hbm4b:s20+s24], $0x18700, s26, s24, $0x38;
	[tilespmem:$0x1CF00] =	vst v63  }
0x18b: {  	_ =	swait.ge [sflag:s2], $0x4000  }
0x18c: {  	[sflag:s2] =	ssyncset.done $0x0  }
0x18d: {  	[sflag:s2] =	ssyncadd.s32 $0xFFFFC000  }
0x18e: {  	[bflag:$0x0] =	sbarrier.arrive $0xFFFF  }
0x18f: {  	[tilespmem:s0], [sflag:$0x3] =	stream.strided.gather [spmem:s28], $0x4000, s29, s24, $0x38;
	[tilespmem:$0x1CF00] =	vst v63  }
0x190: {  	_ =	swait.ge [sflag:s31], $0x4000  }
0x191: {  	[sflag:s31] =	ssyncset.done $0x0  }
0x192: {  	[sflag:s31] =	ssyncadd.s32 $0xFFFFC000  }
0x193: {  	_ =	swait.ge [sflag:s3], $0x18700  }
0x194: {  	[sflag:s3] =	ssyncset.done $0x0  }
0x195: {  	s9 =	simm.s32 $0x18780;
	[sflag:s3] =	ssyncadd.s32 $0xFFFE7900  }
0x196: {  	v0 =	vld [tilespmem:s9+$0x70]  }
0x197: {  	v1 =	vld [tilespmem:s9+$0xFFFFFF90]  }
0x198: {  	v2 =	vld [tilespmem:s9+$0xFFFFFFA0]  }
0x199: {  	v3 =	vld [tilespmem:s9+$0xFFFFFFB0]  }
0x19a: {  	v4 =	vld [tilespmem:s9+$0xFFFFFFC0]  }
0x19b: {  	v5 =	vld [tilespmem:s9+$0xFFFFFFD0]  }
0x19c: {  	v6 =	vld [tilespmem:s9+$0xFFFFFFE0]  }
0x19d: {  	v7 =	vld [tilespmem:s9+$0xFFFFFFF0]  }
0x19e: {  	v8 =	vld [tilespmem:s9+$0x0]  }
0x19f: {  	v9 =	vld [tilespmem:s9+$0x10]  }
0x1a0: {  	v10 =	vld [tilespmem:s9+$0x20]  }
0x1a1: {  	v11 =	vld [tilespmem:s9+$0x30]  }
0x1a2: {  	v12 =	vld [tilespmem:s9+$0x40]  }
0x1a3: {  	v13 =	vld [tilespmem:s9+$0x50]  }
0x1a4: {  	v14 =	vld [tilespmem:s9+$0x60]  }
0x1a5: {  	v15 =	vld [tilespmem:s9+$0xFFFFFF80]  }
0x1a6: {  	v0 =	vld.idx.msk [tilespmem:v0+s25+$0x0], $0xffff  }
0x1a7: {  	v1 =	vld.idx.msk [tilespmem:v1+s25+$0x0], $0xffff  }
0x1a8: {  	v2 =	vld.idx.msk [tilespmem:v2+s25+$0x0], $0xffff  }
0x1a9: {  	v3 =	vld.idx.msk [tilespmem:v3+s25+$0x0], $0xffff  }
0x1aa: {  	v4 =	vld.idx.msk [tilespmem:v4+s25+$0x0], $0xffff  }
0x1ab: {  	v5 =	vld.idx.msk [tilespmem:v5+s25+$0x0], $0xffff  }
0x1ac: {  	v6 =	vld.idx.msk [tilespmem:v6+s25+$0x0], $0xffff;
	[tilespmem:s9+$0x70] =	vst v0  }
0x1ad: {  	v7 =	vld.idx.msk [tilespmem:v7+s25+$0x0], $0xffff;
	[tilespmem:s9+$0xFFFFFF90] =	vst v1  }
0x1ae: {  	v15 =	vld.idx.msk [tilespmem:v15+s25+$0x0], $0xffff;
	[tilespmem:s9+$0xFFFFFFA0] =	vst v2  }
0x1af: {  	v8 =	vld.idx.msk [tilespmem:v8+s25+$0x0], $0xffff;
	[tilespmem:s9+$0xFFFFFFB0] =	vst v3  }
0x1b0: {  	[tilespmem:s9+$0xFFFFFFC0] =	vst v4;
	v0 =	vld.idx.msk [tilespmem:v9+s25+$0x0], $0xffff  }
0x1b1: {  	[tilespmem:s9+$0xFFFFFFD0] =	vst v5;
	v1 =	vld.idx.msk [tilespmem:v10+s25+$0x0], $0xffff  }
0x1b2: {  	[tilespmem:s9+$0xFFFFFFE0] =	vst v6;
	v2 =	vld.idx.msk [tilespmem:v11+s25+$0x0], $0xffff  }
0x1b3: {  	[tilespmem:s9+$0xFFFFFFF0] =	vst v7;
	v3 =	vld.idx.msk [tilespmem:v12+s25+$0x0], $0xffff  }
0x1b4: {  	[tilespmem:s9+$0xFFFFFF80] =	vst v15;
	v4 =	vld.idx.msk [tilespmem:v13+s25+$0x0], $0xffff  }
0x1b5: {  	s10 =	simm.s32 $0x0;
	s11 =	simm.s32 $0x18880;
	[tilespmem:s9+$0x0] =	vst v8;
	v5 =	vld.idx.msk [tilespmem:v14+s25+$0x0], $0xffff  }
.LBB2_8:
0x1b6: {  	v6 =	vld [tilespmem:s11+$0x70];
	s10 =	sadd.s32 $0x10, s10;
	[tilespmem:s9+$0x10] =	vst v0  }
0x1b7: {  	v0 =	vld [tilespmem:s11+$0xFFFFFF90];
	p4 =	slt.u32 s10, $0x3F0;
	[tilespmem:s9+$0x20] =	vst v1  }
0x1b8: {  	v1 =	vld [tilespmem:s11+$0xFFFFFFA0];
	[tilespmem:s9+$0x30] =	vst v2  }
0x1b9: {  	v2 =	vld [tilespmem:s11+$0xFFFFFFB0];
	[tilespmem:s9+$0x40] =	vst v3  }
0x1ba: {  	v3 =	vld [tilespmem:s11+$0xFFFFFFC0];
	[tilespmem:s9+$0x50] =	vst v4  }
0x1bb: {  	v4 =	vld [tilespmem:s11+$0xFFFFFFD0];
	[tilespmem:s9+$0x60] =	vst v5;
	s9 =	smov.u32 s11  }
0x1bc: {  	v5 =	vld [tilespmem:s11+$0xFFFFFFE0]  }
0x1bd: {  	v7 =	vld [tilespmem:s11+$0xFFFFFFF0]  }
0x1be: {  	v6 =	vld.idx.msk [tilespmem:v6+s25+$0x0], $0xffff  }
0x1bf: {  	v8 =	vld [tilespmem:s11+$0x0]  }
0x1c0: {  	v9 =	vld [tilespmem:s11+$0x10]  }
0x1c1: {  	v10 =	vld [tilespmem:s11+$0x20]  }
0x1c2: {  	v11 =	vld [tilespmem:s11+$0x30]  }
0x1c3: {  	v12 =	vld [tilespmem:s11+$0x40]  }
0x1c4: {  	v13 =	vld [tilespmem:s11+$0x50];
	[tilespmem:s11+$0x70] =	vst v6  }
0x1c5: {  	v6 =	vld [tilespmem:s11+$0x60]  }
0x1c6: {  	v14 =	vld [tilespmem:s11+$0xFFFFFF80]  }
0x1c7: {  	v0 =	vld.idx.msk [tilespmem:v0+s25+$0x0], $0xffff  }
0x1c8: {  	v1 =	vld.idx.msk [tilespmem:v1+s25+$0x0], $0xffff  }
0x1c9: {  	v2 =	vld.idx.msk [tilespmem:v2+s25+$0x0], $0xffff  }
0x1ca: {  	v3 =	vld.idx.msk [tilespmem:v3+s25+$0x0], $0xffff  }
0x1cb: {  	v4 =	vld.idx.msk [tilespmem:v4+s25+$0x0], $0xffff  }
0x1cc: {  	v5 =	vld.idx.msk [tilespmem:v5+s25+$0x0], $0xffff  }
0x1cd: {  	[tilespmem:s11+$0xFFFFFF90] =	vst v0;
	v7 =	vld.idx.msk [tilespmem:v7+s25+$0x0], $0xffff  }
0x1ce: {  	v14 =	vld.idx.msk [tilespmem:v14+s25+$0x0], $0xffff;
	[tilespmem:s11+$0xFFFFFFA0] =	vst v1  }
0x1cf: {  	[tilespmem:s11+$0xFFFFFFB0] =	vst v2;
	v8 =	vld.idx.msk [tilespmem:v8+s25+$0x0], $0xffff  }
0x1d0: {  	[tilespmem:s11+$0xFFFFFFC0] =	vst v3;
	v0 =	vld.idx.msk [tilespmem:v9+s25+$0x0], $0xffff  }
.Ltmp3:
0x1d1: {  	[tilespmem:s11+$0xFFFFFFD0] =	vst v4;
	v1 =	vld.idx.msk [tilespmem:v10+s25+$0x0], $0xffff;
	(pc) =	sbr.rel @p4 .LBB2_8-.Ltmp3, $4  }
0x1d2: {  	[tilespmem:s11+$0xFFFFFFE0] =	vst v5;
	v2 =	vld.idx.msk [tilespmem:v11+s25+$0x0], $0xffff  }
0x1d3: {  	[tilespmem:s11+$0xFFFFFFF0] =	vst v7;
	v3 =	vld.idx.msk [tilespmem:v12+s25+$0x0], $0xffff  }
0x1d4: {  	[tilespmem:s11+$0xFFFFFF80] =	vst v14;
	v4 =	vld.idx.msk [tilespmem:v13+s25+$0x0], $0xffff  }
0x1d5: {  	s11 =	sadd.s32 $0x100, s11;
	[tilespmem:s9+$0x0] =	vst v8;
	v5 =	vld.idx.msk [tilespmem:v6+s25+$0x0], $0xffff  }
0x1d6: {  	[tilespmem:s9+$0x10] =	vst v0  }
0x1d7: {  	[tilespmem:s9+$0x20] =	vst v1  }
0x1d8: {  	[tilespmem:s9+$0x30] =	vst v2  }
0x1d9: {  	[tilespmem:s9+$0x40] =	vst v3  }
0x1da: {  	[tilespmem:s9+$0x50] =	vst v4  }
0x1db: {  	[tilespmem:s9+$0x60] =	vst v5  }
0x1dc: {  	s9 =	sld [smem:$0x7EA]  }
0x1dd: {  	s19 =	sld [smem:$0x7C7];
	_ =	sdelay $0x1  }
0x1de: {  	[hbm4b:s9+s24] =	stream.strided.scatter [tilespmem:s0], [sflag:$0x1], $0x4000, s26, s24, $0x38;
	[tilespmem:$0x1CF00] =	vst v63  }
0x1df: {  	s14 =	sld [smem:$0x7D1];
	p4 =	seq.s32 s19, $0x1  }
0x1e0: {  	s9 =	sshrl.u32 @!p4 s30, $0x3;
	s10 =	simm.s32 @!p4 $0x1  }
0x1e1: {  	s11 =	simm.s32 @!p4 $0x20;
	s12 =	simm.s32 @!p4 $0x80;
	s13 =	simm.s32 @!p4 $0x1D03  }
0x1e2: {  	[spmem:s9@s11], [sflag:s13] =	dma.strided @!p4 [hbm:s14@s12], $0x800, s10, $0x10   }
0x1e3: {  	s10 =	simm.s32 @!p4 $0x3  }
0x1e4: {  	_ =	swait.ge @!p4 [sflag:s10], $0x800  }
0x1e5: {  	[sflag:s10] =	ssyncset.done @!p4 $0x0  }
0x1e6: {  	s20 =	rddreg [dreg:$0x9];
	[sflag:s10] =	ssyncadd.s32 @!p4 $0xFFFFF800  }
0x1e7: {  	[tilespmem:s25], [sflag:$0x2] =	stream.strided.gather [hbm4b:s20+s24], $0x18700, s26, s24, $0x38;
	[tilespmem:$0x1CF00] =	vst v63  }
0x1e8: {  	_ =	swait.ge [sflag:s2], $0x4000  }
0x1e9: {  	[sflag:s2] =	ssyncset.done $0x0  }
0x1ea: {  	[sflag:s2] =	ssyncadd.s32 $0xFFFFC000  }
0x1eb: {  	[bflag:$0x0] =	sbarrier.arrive $0xFFFF  }
0x1ec: {  	[tilespmem:s0], [sflag:$0x3] =	stream.strided.gather [spmem:s30], $0x4000, s29, s24, $0x38;
	[tilespmem:$0x1CF00] =	vst v63  }
0x1ed: {  	_ =	swait.ge [sflag:s31], $0x4000  }
0x1ee: {  	[sflag:s31] =	ssyncset.done $0x0  }
0x1ef: {  	[sflag:s31] =	ssyncadd.s32 $0xFFFFC000  }
0x1f0: {  	_ =	swait.ge [sflag:s3], $0x18700  }
0x1f1: {  	[sflag:s3] =	ssyncset.done $0x0  }
0x1f2: {  	s10 =	simm.s32 $0x18780;
	[sflag:s3] =	ssyncadd.s32 $0xFFFE7900  }
0x1f3: {  	v0 =	vld [tilespmem:s10+$0x70]  }
0x1f4: {  	v1 =	vld [tilespmem:s10+$0xFFFFFF90]  }
0x1f5: {  	v2 =	vld [tilespmem:s10+$0xFFFFFFA0]  }
0x1f6: {  	v3 =	vld [tilespmem:s10+$0xFFFFFFB0]  }
0x1f7: {  	v4 =	vld [tilespmem:s10+$0xFFFFFFC0]  }
0x1f8: {  	v5 =	vld [tilespmem:s10+$0xFFFFFFD0]  }
0x1f9: {  	v6 =	vld [tilespmem:s10+$0xFFFFFFE0]  }
0x1fa: {  	v7 =	vld [tilespmem:s10+$0xFFFFFFF0]  }
0x1fb: {  	v8 =	vld [tilespmem:s10+$0x0]  }
0x1fc: {  	v9 =	vld [tilespmem:s10+$0x10]  }
0x1fd: {  	v10 =	vld [tilespmem:s10+$0x20]  }
0x1fe: {  	v11 =	vld [tilespmem:s10+$0x30]  }
0x1ff: {  	v12 =	vld [tilespmem:s10+$0x40]  }
0x200: {  	v13 =	vld [tilespmem:s10+$0x50]  }
0x201: {  	v14 =	vld [tilespmem:s10+$0x60]  }
0x202: {  	v15 =	vld [tilespmem:s10+$0xFFFFFF80]  }
0x203: {  	v0 =	vld.idx.msk [tilespmem:v0+s25+$0x0], $0xffff  }
0x204: {  	v1 =	vld.idx.msk [tilespmem:v1+s25+$0x0], $0xffff  }
0x205: {  	v2 =	vld.idx.msk [tilespmem:v2+s25+$0x0], $0xffff  }
0x206: {  	v3 =	vld.idx.msk [tilespmem:v3+s25+$0x0], $0xffff  }
0x207: {  	v4 =	vld.idx.msk [tilespmem:v4+s25+$0x0], $0xffff  }
0x208: {  	v5 =	vld.idx.msk [tilespmem:v5+s25+$0x0], $0xffff  }
0x209: {  	v6 =	vld.idx.msk [tilespmem:v6+s25+$0x0], $0xffff;
	[tilespmem:s10+$0x70] =	vst v0  }
0x20a: {  	v7 =	vld.idx.msk [tilespmem:v7+s25+$0x0], $0xffff;
	[tilespmem:s10+$0xFFFFFF90] =	vst v1  }
0x20b: {  	v15 =	vld.idx.msk [tilespmem:v15+s25+$0x0], $0xffff;
	[tilespmem:s10+$0xFFFFFFA0] =	vst v2  }
0x20c: {  	v8 =	vld.idx.msk [tilespmem:v8+s25+$0x0], $0xffff;
	[tilespmem:s10+$0xFFFFFFB0] =	vst v3  }
0x20d: {  	[tilespmem:s10+$0xFFFFFFC0] =	vst v4;
	v0 =	vld.idx.msk [tilespmem:v9+s25+$0x0], $0xffff  }
0x20e: {  	[tilespmem:s10+$0xFFFFFFD0] =	vst v5;
	v1 =	vld.idx.msk [tilespmem:v10+s25+$0x0], $0xffff  }
0x20f: {  	[tilespmem:s10+$0xFFFFFFE0] =	vst v6;
	v2 =	vld.idx.msk [tilespmem:v11+s25+$0x0], $0xffff  }
0x210: {  	[tilespmem:s10+$0xFFFFFFF0] =	vst v7;
	v3 =	vld.idx.msk [tilespmem:v12+s25+$0x0], $0xffff  }
0x211: {  	[tilespmem:s10+$0xFFFFFF80] =	vst v15;
	v4 =	vld.idx.msk [tilespmem:v13+s25+$0x0], $0xffff  }
0x212: {  	s11 =	simm.s32 $0x0;
	s12 =	simm.s32 $0x18880;
	[tilespmem:s10+$0x0] =	vst v8;
	v5 =	vld.idx.msk [tilespmem:v14+s25+$0x0], $0xffff  }
.LBB2_10:
0x213: {  	v6 =	vld [tilespmem:s12+$0x70];
	s11 =	sadd.s32 $0x10, s11;
	[tilespmem:s10+$0x10] =	vst v0  }
0x214: {  	v0 =	vld [tilespmem:s12+$0xFFFFFF90];
	p4 =	slt.u32 s11, $0x3F0;
	[tilespmem:s10+$0x20] =	vst v1  }
0x215: {  	v1 =	vld [tilespmem:s12+$0xFFFFFFA0];
	[tilespmem:s10+$0x30] =	vst v2  }
0x216: {  	v2 =	vld [tilespmem:s12+$0xFFFFFFB0];
	[tilespmem:s10+$0x40] =	vst v3  }
0x217: {  	v3 =	vld [tilespmem:s12+$0xFFFFFFC0];
	[tilespmem:s10+$0x50] =	vst v4  }
0x218: {  	v4 =	vld [tilespmem:s12+$0xFFFFFFD0];
	[tilespmem:s10+$0x60] =	vst v5;
	s10 =	smov.u32 s12  }
0x219: {  	v5 =	vld [tilespmem:s12+$0xFFFFFFE0]  }
0x21a: {  	v7 =	vld [tilespmem:s12+$0xFFFFFFF0]  }
0x21b: {  	v6 =	vld.idx.msk [tilespmem:v6+s25+$0x0], $0xffff  }
0x21c: {  	v8 =	vld [tilespmem:s12+$0x0]  }
0x21d: {  	v9 =	vld [tilespmem:s12+$0x10]  }
0x21e: {  	v10 =	vld [tilespmem:s12+$0x20]  }
0x21f: {  	v11 =	vld [tilespmem:s12+$0x30]  }
0x220: {  	v12 =	vld [tilespmem:s12+$0x40]  }
0x221: {  	v13 =	vld [tilespmem:s12+$0x50];
	[tilespmem:s12+$0x70] =	vst v6  }
0x222: {  	v6 =	vld [tilespmem:s12+$0x60]  }
0x223: {  	v14 =	vld [tilespmem:s12+$0xFFFFFF80]  }
0x224: {  	v0 =	vld.idx.msk [tilespmem:v0+s25+$0x0], $0xffff  }
0x225: {  	v1 =	vld.idx.msk [tilespmem:v1+s25+$0x0], $0xffff  }
0x226: {  	v2 =	vld.idx.msk [tilespmem:v2+s25+$0x0], $0xffff  }
0x227: {  	v3 =	vld.idx.msk [tilespmem:v3+s25+$0x0], $0xffff  }
0x228: {  	v4 =	vld.idx.msk [tilespmem:v4+s25+$0x0], $0xffff  }
0x229: {  	v5 =	vld.idx.msk [tilespmem:v5+s25+$0x0], $0xffff  }
0x22a: {  	[tilespmem:s12+$0xFFFFFF90] =	vst v0;
	v7 =	vld.idx.msk [tilespmem:v7+s25+$0x0], $0xffff  }
0x22b: {  	v14 =	vld.idx.msk [tilespmem:v14+s25+$0x0], $0xffff;
	[tilespmem:s12+$0xFFFFFFA0] =	vst v1  }
0x22c: {  	[tilespmem:s12+$0xFFFFFFB0] =	vst v2;
	v8 =	vld.idx.msk [tilespmem:v8+s25+$0x0], $0xffff  }
0x22d: {  	[tilespmem:s12+$0xFFFFFFC0] =	vst v3;
	v0 =	vld.idx.msk [tilespmem:v9+s25+$0x0], $0xffff  }
.Ltmp4:
0x22e: {  	[tilespmem:s12+$0xFFFFFFD0] =	vst v4;
	v1 =	vld.idx.msk [tilespmem:v10+s25+$0x0], $0xffff;
	(pc) =	sbr.rel @p4 .LBB2_10-.Ltmp4, $4  }
0x22f: {  	[tilespmem:s12+$0xFFFFFFE0] =	vst v5;
	v2 =	vld.idx.msk [tilespmem:v11+s25+$0x0], $0xffff  }
0x230: {  	[tilespmem:s12+$0xFFFFFFF0] =	vst v7;
	v3 =	vld.idx.msk [tilespmem:v12+s25+$0x0], $0xffff  }
0x231: {  	[tilespmem:s12+$0xFFFFFF80] =	vst v14;
	v4 =	vld.idx.msk [tilespmem:v13+s25+$0x0], $0xffff  }
0x232: {  	s12 =	sadd.s32 $0x100, s12;
	[tilespmem:s10+$0x0] =	vst v8;
	v5 =	vld.idx.msk [tilespmem:v6+s25+$0x0], $0xffff  }
0x233: {  	[tilespmem:s10+$0x10] =	vst v0  }
0x234: {  	[tilespmem:s10+$0x20] =	vst v1  }
0x235: {  	[tilespmem:s10+$0x30] =	vst v2  }
0x236: {  	[tilespmem:s10+$0x40] =	vst v3  }
0x237: {  	[tilespmem:s10+$0x50] =	vst v4  }
0x238: {  	[tilespmem:s10+$0x60] =	vst v5  }
0x239: {  	s10 =	sld [smem:$0x7EB];
	_ =	sdelay $0x1  }
0x23a: {  	s11 =	simm.s32 @!p5 $0x1;
	s12 =	simm.s32 @!p5 $0x20;
	s15 =	sld [smem:$0x7D2]  }
0x23b: {  	[hbm4b:s10+s24] =	stream.strided.scatter [tilespmem:s0], [sflag:$0x1], $0x4000, s26, s24, $0x38;
	[tilespmem:$0x1CF00] =	vst v63  }
0x23c: {  	s13 =	simm.s32 @!p5 $0x80;
	s14 =	simm.s32 @!p5 $0x1D43;
	s10 =	sshrl.u32 @!p5 s28, $0x3  }
0x23d: {  	[spmem:s10@s12], [sflag:s14] =	dma.strided @!p5 [hbm:s15@s13], $0x800, s11, $0x10   }
0x23e: {  	s11 =	simm.s32 @!p5 $0x3  }
0x23f: {  	_ =	swait.ge @!p5 [sflag:s11], $0x800  }
0x240: {  	[sflag:s11] =	ssyncset.done @!p5 $0x0  }
0x241: {  	s20 =	rddreg [dreg:$0xa];
	[sflag:s11] =	ssyncadd.s32 @!p5 $0xFFFFF800  }
0x242: {  	[tilespmem:s25], [sflag:$0x2] =	stream.strided.gather [hbm4b:s20+s24], $0x18700, s26, s24, $0x38;
	[tilespmem:$0x1CF00] =	vst v63  }
0x243: {  	_ =	swait.ge [sflag:s2], $0x4000  }
0x244: {  	[sflag:s2] =	ssyncset.done $0x0  }
0x245: {  	[sflag:s2] =	ssyncadd.s32 $0xFFFFC000  }
0x246: {  	[bflag:$0x0] =	sbarrier.arrive $0xFFFF  }
0x247: {  	[tilespmem:s0], [sflag:$0x3] =	stream.strided.gather [spmem:s28], $0x4000, s29, s24, $0x38;
	[tilespmem:$0x1CF00] =	vst v63  }
0x248: {  	_ =	swait.ge [sflag:s31], $0x4000  }
0x249: {  	[sflag:s31] =	ssyncset.done $0x0  }
0x24a: {  	[sflag:s31] =	ssyncadd.s32 $0xFFFFC000  }
0x24b: {  	_ =	swait.ge [sflag:s3], $0x18700  }
0x24c: {  	[sflag:s3] =	ssyncset.done $0x0  }
0x24d: {  	s11 =	simm.s32 $0x18780;
	[sflag:s3] =	ssyncadd.s32 $0xFFFE7900  }
0x24e: {  	v0 =	vld [tilespmem:s11+$0x70]  }
0x24f: {  	v1 =	vld [tilespmem:s11+$0xFFFFFF90]  }
0x250: {  	v2 =	vld [tilespmem:s11+$0xFFFFFFA0]  }
0x251: {  	v3 =	vld [tilespmem:s11+$0xFFFFFFB0]  }
0x252: {  	v4 =	vld [tilespmem:s11+$0xFFFFFFC0]  }
0x253: {  	v5 =	vld [tilespmem:s11+$0xFFFFFFD0]  }
0x254: {  	v6 =	vld [tilespmem:s11+$0xFFFFFFE0]  }
0x255: {  	v7 =	vld [tilespmem:s11+$0xFFFFFFF0]  }
0x256: {  	v8 =	vld [tilespmem:s11+$0x0]  }
0x257: {  	v9 =	vld [tilespmem:s11+$0x10]  }
0x258: {  	v10 =	vld [tilespmem:s11+$0x20]  }
0x259: {  	v11 =	vld [tilespmem:s11+$0x30]  }
0x25a: {  	v12 =	vld [tilespmem:s11+$0x40]  }
0x25b: {  	v13 =	vld [tilespmem:s11+$0x50]  }
0x25c: {  	v14 =	vld [tilespmem:s11+$0x60]  }
0x25d: {  	v15 =	vld [tilespmem:s11+$0xFFFFFF80]  }
0x25e: {  	v0 =	vld.idx.msk [tilespmem:v0+s25+$0x0], $0xffff  }
0x25f: {  	v1 =	vld.idx.msk [tilespmem:v1+s25+$0x0], $0xffff  }
0x260: {  	v2 =	vld.idx.msk [tilespmem:v2+s25+$0x0], $0xffff  }
0x261: {  	v3 =	vld.idx.msk [tilespmem:v3+s25+$0x0], $0xffff  }
0x262: {  	v4 =	vld.idx.msk [tilespmem:v4+s25+$0x0], $0xffff  }
0x263: {  	v5 =	vld.idx.msk [tilespmem:v5+s25+$0x0], $0xffff  }
0x264: {  	v6 =	vld.idx.msk [tilespmem:v6+s25+$0x0], $0xffff;
	[tilespmem:s11+$0x70] =	vst v0  }
0x265: {  	v7 =	vld.idx.msk [tilespmem:v7+s25+$0x0], $0xffff;
	[tilespmem:s11+$0xFFFFFF90] =	vst v1  }
0x266: {  	v15 =	vld.idx.msk [tilespmem:v15+s25+$0x0], $0xffff;
	[tilespmem:s11+$0xFFFFFFA0] =	vst v2  }
0x267: {  	v8 =	vld.idx.msk [tilespmem:v8+s25+$0x0], $0xffff;
	[tilespmem:s11+$0xFFFFFFB0] =	vst v3  }
0x268: {  	[tilespmem:s11+$0xFFFFFFC0] =	vst v4;
	v0 =	vld.idx.msk [tilespmem:v9+s25+$0x0], $0xffff  }
0x269: {  	[tilespmem:s11+$0xFFFFFFD0] =	vst v5;
	v1 =	vld.idx.msk [tilespmem:v10+s25+$0x0], $0xffff  }
0x26a: {  	[tilespmem:s11+$0xFFFFFFE0] =	vst v6;
	v2 =	vld.idx.msk [tilespmem:v11+s25+$0x0], $0xffff  }
0x26b: {  	[tilespmem:s11+$0xFFFFFFF0] =	vst v7;
	v3 =	vld.idx.msk [tilespmem:v12+s25+$0x0], $0xffff  }
0x26c: {  	[tilespmem:s11+$0xFFFFFF80] =	vst v15;
	v4 =	vld.idx.msk [tilespmem:v13+s25+$0x0], $0xffff  }
0x26d: {  	s12 =	simm.s32 $0x0;
	s13 =	simm.s32 $0x18880;
	[tilespmem:s11+$0x0] =	vst v8;
	v5 =	vld.idx.msk [tilespmem:v14+s25+$0x0], $0xffff  }
.LBB2_12:
0x26e: {  	v6 =	vld [tilespmem:s13+$0x70];
	s12 =	sadd.s32 $0x10, s12;
	[tilespmem:s11+$0x10] =	vst v0  }
0x26f: {  	v0 =	vld [tilespmem:s13+$0xFFFFFF90];
	p4 =	slt.u32 s12, $0x3F0;
	[tilespmem:s11+$0x20] =	vst v1  }
0x270: {  	v1 =	vld [tilespmem:s13+$0xFFFFFFA0];
	[tilespmem:s11+$0x30] =	vst v2  }
0x271: {  	v2 =	vld [tilespmem:s13+$0xFFFFFFB0];
	[tilespmem:s11+$0x40] =	vst v3  }
0x272: {  	v3 =	vld [tilespmem:s13+$0xFFFFFFC0];
	[tilespmem:s11+$0x50] =	vst v4  }
0x273: {  	v4 =	vld [tilespmem:s13+$0xFFFFFFD0];
	[tilespmem:s11+$0x60] =	vst v5;
	s11 =	smov.u32 s13  }
0x274: {  	v5 =	vld [tilespmem:s13+$0xFFFFFFE0]  }
0x275: {  	v7 =	vld [tilespmem:s13+$0xFFFFFFF0]  }
0x276: {  	v6 =	vld.idx.msk [tilespmem:v6+s25+$0x0], $0xffff  }
0x277: {  	v8 =	vld [tilespmem:s13+$0x0]  }
0x278: {  	v9 =	vld [tilespmem:s13+$0x10]  }
0x279: {  	v10 =	vld [tilespmem:s13+$0x20]  }
0x27a: {  	v11 =	vld [tilespmem:s13+$0x30]  }
0x27b: {  	v12 =	vld [tilespmem:s13+$0x40]  }
0x27c: {  	v13 =	vld [tilespmem:s13+$0x50];
	[tilespmem:s13+$0x70] =	vst v6  }
0x27d: {  	v6 =	vld [tilespmem:s13+$0x60]  }
0x27e: {  	v14 =	vld [tilespmem:s13+$0xFFFFFF80]  }
0x27f: {  	v0 =	vld.idx.msk [tilespmem:v0+s25+$0x0], $0xffff  }
0x280: {  	v1 =	vld.idx.msk [tilespmem:v1+s25+$0x0], $0xffff  }
0x281: {  	v2 =	vld.idx.msk [tilespmem:v2+s25+$0x0], $0xffff  }
0x282: {  	v3 =	vld.idx.msk [tilespmem:v3+s25+$0x0], $0xffff  }
0x283: {  	v4 =	vld.idx.msk [tilespmem:v4+s25+$0x0], $0xffff  }
0x284: {  	v5 =	vld.idx.msk [tilespmem:v5+s25+$0x0], $0xffff  }
0x285: {  	[tilespmem:s13+$0xFFFFFF90] =	vst v0;
	v7 =	vld.idx.msk [tilespmem:v7+s25+$0x0], $0xffff  }
0x286: {  	v14 =	vld.idx.msk [tilespmem:v14+s25+$0x0], $0xffff;
	[tilespmem:s13+$0xFFFFFFA0] =	vst v1  }
0x287: {  	[tilespmem:s13+$0xFFFFFFB0] =	vst v2;
	v8 =	vld.idx.msk [tilespmem:v8+s25+$0x0], $0xffff  }
0x288: {  	[tilespmem:s13+$0xFFFFFFC0] =	vst v3;
	v0 =	vld.idx.msk [tilespmem:v9+s25+$0x0], $0xffff  }
.Ltmp5:
0x289: {  	[tilespmem:s13+$0xFFFFFFD0] =	vst v4;
	v1 =	vld.idx.msk [tilespmem:v10+s25+$0x0], $0xffff;
	(pc) =	sbr.rel @p4 .LBB2_12-.Ltmp5, $4  }
0x28a: {  	[tilespmem:s13+$0xFFFFFFE0] =	vst v5;
	v2 =	vld.idx.msk [tilespmem:v11+s25+$0x0], $0xffff  }
0x28b: {  	[tilespmem:s13+$0xFFFFFFF0] =	vst v7;
	v3 =	vld.idx.msk [tilespmem:v12+s25+$0x0], $0xffff  }
0x28c: {  	[tilespmem:s13+$0xFFFFFF80] =	vst v14;
	v4 =	vld.idx.msk [tilespmem:v13+s25+$0x0], $0xffff  }
0x28d: {  	s13 =	sadd.s32 $0x100, s13;
	[tilespmem:s11+$0x0] =	vst v8;
	v5 =	vld.idx.msk [tilespmem:v6+s25+$0x0], $0xffff  }
0x28e: {  	[tilespmem:s11+$0x10] =	vst v0  }
0x28f: {  	[tilespmem:s11+$0x20] =	vst v1  }
0x290: {  	[tilespmem:s11+$0x30] =	vst v2  }
0x291: {  	[tilespmem:s11+$0x40] =	vst v3  }
0x292: {  	[tilespmem:s11+$0x50] =	vst v4  }
0x293: {  	[tilespmem:s11+$0x60] =	vst v5  }
0x294: {  	s11 =	sld [smem:$0x7EC];
	_ =	sdelay $0x1  }
0x295: {  	s12 =	simm.s32 @!p6 $0x1;
	s13 =	simm.s32 @!p6 $0x20;
	s16 =	sld [smem:$0x7D3]  }
0x296: {  	[hbm4b:s11+s24] =	stream.strided.scatter [tilespmem:s0], [sflag:$0x1], $0x4000, s26, s24, $0x38;
	[tilespmem:$0x1CF00] =	vst v63  }
0x297: {  	s14 =	simm.s32 @!p6 $0x80;
	s15 =	simm.s32 @!p6 $0x1D83;
	s11 =	sshrl.u32 @!p6 s30, $0x3  }
0x298: {  	[spmem:s11@s13], [sflag:s15] =	dma.strided @!p6 [hbm:s16@s14], $0x800, s12, $0x10   }
0x299: {  	s12 =	simm.s32 @!p6 $0x3  }
0x29a: {  	_ =	swait.ge @!p6 [sflag:s12], $0x800  }
0x29b: {  	[sflag:s12] =	ssyncset.done @!p6 $0x0  }
0x29c: {  	s20 =	rddreg [dreg:$0xb];
	[sflag:s12] =	ssyncadd.s32 @!p6 $0xFFFFF800  }
0x29d: {  	[tilespmem:s25], [sflag:$0x2] =	stream.strided.gather [hbm4b:s20+s24], $0x18700, s26, s24, $0x38;
	[tilespmem:$0x1CF00] =	vst v63  }
0x29e: {  	_ =	swait.ge [sflag:s2], $0x4000  }
0x29f: {  	[sflag:s2] =	ssyncset.done $0x0  }
0x2a0: {  	[sflag:s2] =	ssyncadd.s32 $0xFFFFC000  }
0x2a1: {  	[bflag:$0x0] =	sbarrier.arrive $0xFFFF  }
0x2a2: {  	[tilespmem:s0], [sflag:$0x3] =	stream.strided.gather [spmem:s30], $0x4000, s29, s24, $0x38;
	[tilespmem:$0x1CF00] =	vst v63  }
0x2a3: {  	_ =	swait.ge [sflag:s31], $0x4000  }
0x2a4: {  	[sflag:s31] =	ssyncset.done $0x0  }
0x2a5: {  	[sflag:s31] =	ssyncadd.s32 $0xFFFFC000  }
0x2a6: {  	_ =	swait.ge [sflag:s3], $0x18700  }
0x2a7: {  	[sflag:s3] =	ssyncset.done $0x0  }
0x2a8: {  	s12 =	simm.s32 $0x18780;
	[sflag:s3] =	ssyncadd.s32 $0xFFFE7900  }
0x2a9: {  	v0 =	vld [tilespmem:s12+$0x70]  }
0x2aa: {  	v1 =	vld [tilespmem:s12+$0xFFFFFF90]  }
0x2ab: {  	v2 =	vld [tilespmem:s12+$0xFFFFFFA0]  }
0x2ac: {  	v3 =	vld [tilespmem:s12+$0xFFFFFFB0]  }
0x2ad: {  	v4 =	vld [tilespmem:s12+$0xFFFFFFC0]  }
0x2ae: {  	v5 =	vld [tilespmem:s12+$0xFFFFFFD0]  }
0x2af: {  	v6 =	vld [tilespmem:s12+$0xFFFFFFE0]  }
0x2b0: {  	v7 =	vld [tilespmem:s12+$0xFFFFFFF0]  }
0x2b1: {  	v8 =	vld [tilespmem:s12+$0x0]  }
0x2b2: {  	v9 =	vld [tilespmem:s12+$0x10]  }
0x2b3: {  	v10 =	vld [tilespmem:s12+$0x20]  }
0x2b4: {  	v11 =	vld [tilespmem:s12+$0x30]  }
0x2b5: {  	v12 =	vld [tilespmem:s12+$0x40]  }
0x2b6: {  	v13 =	vld [tilespmem:s12+$0x50]  }
0x2b7: {  	v14 =	vld [tilespmem:s12+$0x60]  }
0x2b8: {  	v15 =	vld [tilespmem:s12+$0xFFFFFF80]  }
0x2b9: {  	v0 =	vld.idx.msk [tilespmem:v0+s25+$0x0], $0xffff  }
0x2ba: {  	v1 =	vld.idx.msk [tilespmem:v1+s25+$0x0], $0xffff  }
0x2bb: {  	v2 =	vld.idx.msk [tilespmem:v2+s25+$0x0], $0xffff  }
0x2bc: {  	v3 =	vld.idx.msk [tilespmem:v3+s25+$0x0], $0xffff  }
0x2bd: {  	v4 =	vld.idx.msk [tilespmem:v4+s25+$0x0], $0xffff  }
0x2be: {  	v5 =	vld.idx.msk [tilespmem:v5+s25+$0x0], $0xffff  }
0x2bf: {  	v6 =	vld.idx.msk [tilespmem:v6+s25+$0x0], $0xffff;
	[tilespmem:s12+$0x70] =	vst v0  }
0x2c0: {  	v7 =	vld.idx.msk [tilespmem:v7+s25+$0x0], $0xffff;
	[tilespmem:s12+$0xFFFFFF90] =	vst v1  }
0x2c1: {  	v15 =	vld.idx.msk [tilespmem:v15+s25+$0x0], $0xffff;
	[tilespmem:s12+$0xFFFFFFA0] =	vst v2  }
0x2c2: {  	v8 =	vld.idx.msk [tilespmem:v8+s25+$0x0], $0xffff;
	[tilespmem:s12+$0xFFFFFFB0] =	vst v3  }
0x2c3: {  	[tilespmem:s12+$0xFFFFFFC0] =	vst v4;
	v0 =	vld.idx.msk [tilespmem:v9+s25+$0x0], $0xffff  }
0x2c4: {  	[tilespmem:s12+$0xFFFFFFD0] =	vst v5;
	v1 =	vld.idx.msk [tilespmem:v10+s25+$0x0], $0xffff  }
0x2c5: {  	[tilespmem:s12+$0xFFFFFFE0] =	vst v6;
	v2 =	vld.idx.msk [tilespmem:v11+s25+$0x0], $0xffff  }
0x2c6: {  	[tilespmem:s12+$0xFFFFFFF0] =	vst v7;
	v3 =	vld.idx.msk [tilespmem:v12+s25+$0x0], $0xffff  }
0x2c7: {  	[tilespmem:s12+$0xFFFFFF80] =	vst v15;
	v4 =	vld.idx.msk [tilespmem:v13+s25+$0x0], $0xffff  }
0x2c8: {  	s13 =	simm.s32 $0x0;
	s14 =	simm.s32 $0x18880;
	[tilespmem:s12+$0x0] =	vst v8;
	v5 =	vld.idx.msk [tilespmem:v14+s25+$0x0], $0xffff  }
.LBB2_14:
0x2c9: {  	v6 =	vld [tilespmem:s14+$0x70];
	s13 =	sadd.s32 $0x10, s13;
	[tilespmem:s12+$0x10] =	vst v0  }
0x2ca: {  	v0 =	vld [tilespmem:s14+$0xFFFFFF90];
	p4 =	slt.u32 s13, $0x3F0;
	[tilespmem:s12+$0x20] =	vst v1  }
0x2cb: {  	v1 =	vld [tilespmem:s14+$0xFFFFFFA0];
	[tilespmem:s12+$0x30] =	vst v2  }
0x2cc: {  	v2 =	vld [tilespmem:s14+$0xFFFFFFB0];
	[tilespmem:s12+$0x40] =	vst v3  }
0x2cd: {  	v3 =	vld [tilespmem:s14+$0xFFFFFFC0];
	[tilespmem:s12+$0x50] =	vst v4  }
0x2ce: {  	v4 =	vld [tilespmem:s14+$0xFFFFFFD0];
	[tilespmem:s12+$0x60] =	vst v5;
	s12 =	smov.u32 s14  }
0x2cf: {  	v5 =	vld [tilespmem:s14+$0xFFFFFFE0]  }
0x2d0: {  	v7 =	vld [tilespmem:s14+$0xFFFFFFF0]  }
0x2d1: {  	v6 =	vld.idx.msk [tilespmem:v6+s25+$0x0], $0xffff  }
0x2d2: {  	v8 =	vld [tilespmem:s14+$0x0]  }
0x2d3: {  	v9 =	vld [tilespmem:s14+$0x10]  }
0x2d4: {  	v10 =	vld [tilespmem:s14+$0x20]  }
0x2d5: {  	v11 =	vld [tilespmem:s14+$0x30]  }
0x2d6: {  	v12 =	vld [tilespmem:s14+$0x40]  }
0x2d7: {  	v13 =	vld [tilespmem:s14+$0x50];
	[tilespmem:s14+$0x70] =	vst v6  }
0x2d8: {  	v6 =	vld [tilespmem:s14+$0x60]  }
0x2d9: {  	v14 =	vld [tilespmem:s14+$0xFFFFFF80]  }
0x2da: {  	v0 =	vld.idx.msk [tilespmem:v0+s25+$0x0], $0xffff  }
0x2db: {  	v1 =	vld.idx.msk [tilespmem:v1+s25+$0x0], $0xffff  }
0x2dc: {  	v2 =	vld.idx.msk [tilespmem:v2+s25+$0x0], $0xffff  }
0x2dd: {  	v3 =	vld.idx.msk [tilespmem:v3+s25+$0x0], $0xffff  }
0x2de: {  	v4 =	vld.idx.msk [tilespmem:v4+s25+$0x0], $0xffff  }
0x2df: {  	v5 =	vld.idx.msk [tilespmem:v5+s25+$0x0], $0xffff  }
0x2e0: {  	[tilespmem:s14+$0xFFFFFF90] =	vst v0;
	v7 =	vld.idx.msk [tilespmem:v7+s25+$0x0], $0xffff  }
0x2e1: {  	v14 =	vld.idx.msk [tilespmem:v14+s25+$0x0], $0xffff;
	[tilespmem:s14+$0xFFFFFFA0] =	vst v1  }
0x2e2: {  	[tilespmem:s14+$0xFFFFFFB0] =	vst v2;
	v8 =	vld.idx.msk [tilespmem:v8+s25+$0x0], $0xffff  }
0x2e3: {  	[tilespmem:s14+$0xFFFFFFC0] =	vst v3;
	v0 =	vld.idx.msk [tilespmem:v9+s25+$0x0], $0xffff  }
.Ltmp6:
0x2e4: {  	[tilespmem:s14+$0xFFFFFFD0] =	vst v4;
	v1 =	vld.idx.msk [tilespmem:v10+s25+$0x0], $0xffff;
	(pc) =	sbr.rel @p4 .LBB2_14-.Ltmp6, $4  }
0x2e5: {  	[tilespmem:s14+$0xFFFFFFE0] =	vst v5;
	v2 =	vld.idx.msk [tilespmem:v11+s25+$0x0], $0xffff  }
0x2e6: {  	[tilespmem:s14+$0xFFFFFFF0] =	vst v7;
	v3 =	vld.idx.msk [tilespmem:v12+s25+$0x0], $0xffff  }
0x2e7: {  	[tilespmem:s14+$0xFFFFFF80] =	vst v14;
	v4 =	vld.idx.msk [tilespmem:v13+s25+$0x0], $0xffff  }
0x2e8: {  	s14 =	sadd.s32 $0x100, s14;
	[tilespmem:s12+$0x0] =	vst v8;
	v5 =	vld.idx.msk [tilespmem:v6+s25+$0x0], $0xffff  }
0x2e9: {  	[tilespmem:s12+$0x10] =	vst v0  }
0x2ea: {  	[tilespmem:s12+$0x20] =	vst v1  }
0x2eb: {  	[tilespmem:s12+$0x30] =	vst v2  }
0x2ec: {  	[tilespmem:s12+$0x40] =	vst v3  }
0x2ed: {  	[tilespmem:s12+$0x50] =	vst v4  }
0x2ee: {  	[tilespmem:s12+$0x60] =	vst v5  }
0x2ef: {  	s12 =	sld [smem:$0x7ED];
	_ =	sdelay $0x1  }
0x2f0: {  	s13 =	simm.s32 @!p1 $0x1;
	s14 =	simm.s32 @!p1 $0x20;
	s17 =	sld [smem:$0x7D4]  }
0x2f1: {  	[hbm4b:s12+s24] =	stream.strided.scatter [tilespmem:s0], [sflag:$0x1], $0x4000, s26, s24, $0x38;
	[tilespmem:$0x1CF00] =	vst v63  }
0x2f2: {  	s15 =	simm.s32 @!p1 $0x80;
	s16 =	simm.s32 @!p1 $0x1DC3;
	s12 =	sshrl.u32 @!p1 s28, $0x3  }
0x2f3: {  	[spmem:s12@s14], [sflag:s16] =	dma.strided @!p1 [hbm:s17@s15], $0x800, s13, $0x10   }
0x2f4: {  	s13 =	simm.s32 @!p1 $0x3  }
0x2f5: {  	_ =	swait.ge @!p1 [sflag:s13], $0x800  }
0x2f6: {  	[sflag:s13] =	ssyncset.done @!p1 $0x0  }
0x2f7: {  	s20 =	rddreg [dreg:$0xc];
	[sflag:s13] =	ssyncadd.s32 @!p1 $0xFFFFF800  }
0x2f8: {  	[tilespmem:s25], [sflag:$0x2] =	stream.strided.gather [hbm4b:s20+s24], $0x18700, s26, s24, $0x38;
	[tilespmem:$0x1CF00] =	vst v63  }
0x2f9: {  	_ =	swait.ge [sflag:s2], $0x4000  }
0x2fa: {  	[sflag:s2] =	ssyncset.done $0x0  }
0x2fb: {  	[sflag:s2] =	ssyncadd.s32 $0xFFFFC000  }
0x2fc: {  	[bflag:$0x0] =	sbarrier.arrive $0xFFFF  }
0x2fd: {  	[tilespmem:s0], [sflag:$0x3] =	stream.strided.gather [spmem:s28], $0x4000, s29, s24, $0x38;
	[tilespmem:$0x1CF00] =	vst v63  }
0x2fe: {  	_ =	swait.ge [sflag:s31], $0x4000  }
0x2ff: {  	[sflag:s31] =	ssyncset.done $0x0  }
0x300: {  	[sflag:s31] =	ssyncadd.s32 $0xFFFFC000  }
0x301: {  	_ =	swait.ge [sflag:s3], $0x18700  }
0x302: {  	[sflag:s3] =	ssyncset.done $0x0  }
0x303: {  	s13 =	simm.s32 $0x18780;
	[sflag:s3] =	ssyncadd.s32 $0xFFFE7900  }
0x304: {  	v0 =	vld [tilespmem:s13+$0x70]  }
0x305: {  	v1 =	vld [tilespmem:s13+$0xFFFFFF90]  }
0x306: {  	v2 =	vld [tilespmem:s13+$0xFFFFFFA0]  }
0x307: {  	v3 =	vld [tilespmem:s13+$0xFFFFFFB0]  }
0x308: {  	v4 =	vld [tilespmem:s13+$0xFFFFFFC0]  }
0x309: {  	v5 =	vld [tilespmem:s13+$0xFFFFFFD0]  }
0x30a: {  	v6 =	vld [tilespmem:s13+$0xFFFFFFE0]  }
0x30b: {  	v7 =	vld [tilespmem:s13+$0xFFFFFFF0]  }
0x30c: {  	v8 =	vld [tilespmem:s13+$0x0]  }
0x30d: {  	v9 =	vld [tilespmem:s13+$0x10]  }
0x30e: {  	v10 =	vld [tilespmem:s13+$0x20]  }
0x30f: {  	v11 =	vld [tilespmem:s13+$0x30]  }
0x310: {  	v12 =	vld [tilespmem:s13+$0x40]  }
0x311: {  	v13 =	vld [tilespmem:s13+$0x50]  }
0x312: {  	v14 =	vld [tilespmem:s13+$0x60]  }
0x313: {  	v15 =	vld [tilespmem:s13+$0xFFFFFF80]  }
0x314: {  	v0 =	vld.idx.msk [tilespmem:v0+s25+$0x0], $0xffff  }
0x315: {  	v1 =	vld.idx.msk [tilespmem:v1+s25+$0x0], $0xffff  }
0x316: {  	v2 =	vld.idx.msk [tilespmem:v2+s25+$0x0], $0xffff  }
0x317: {  	v3 =	vld.idx.msk [tilespmem:v3+s25+$0x0], $0xffff  }
0x318: {  	v4 =	vld.idx.msk [tilespmem:v4+s25+$0x0], $0xffff  }
0x319: {  	v5 =	vld.idx.msk [tilespmem:v5+s25+$0x0], $0xffff  }
0x31a: {  	v6 =	vld.idx.msk [tilespmem:v6+s25+$0x0], $0xffff;
	[tilespmem:s13+$0x70] =	vst v0  }
0x31b: {  	v7 =	vld.idx.msk [tilespmem:v7+s25+$0x0], $0xffff;
	[tilespmem:s13+$0xFFFFFF90] =	vst v1  }
0x31c: {  	v15 =	vld.idx.msk [tilespmem:v15+s25+$0x0], $0xffff;
	[tilespmem:s13+$0xFFFFFFA0] =	vst v2  }
0x31d: {  	v8 =	vld.idx.msk [tilespmem:v8+s25+$0x0], $0xffff;
	[tilespmem:s13+$0xFFFFFFB0] =	vst v3  }
0x31e: {  	[tilespmem:s13+$0xFFFFFFC0] =	vst v4;
	v0 =	vld.idx.msk [tilespmem:v9+s25+$0x0], $0xffff  }
0x31f: {  	[tilespmem:s13+$0xFFFFFFD0] =	vst v5;
	v1 =	vld.idx.msk [tilespmem:v10+s25+$0x0], $0xffff  }
0x320: {  	[tilespmem:s13+$0xFFFFFFE0] =	vst v6;
	v2 =	vld.idx.msk [tilespmem:v11+s25+$0x0], $0xffff  }
0x321: {  	[tilespmem:s13+$0xFFFFFFF0] =	vst v7;
	v3 =	vld.idx.msk [tilespmem:v12+s25+$0x0], $0xffff  }
0x322: {  	[tilespmem:s13+$0xFFFFFF80] =	vst v15;
	v4 =	vld.idx.msk [tilespmem:v13+s25+$0x0], $0xffff  }
0x323: {  	s14 =	simm.s32 $0x0;
	s15 =	simm.s32 $0x18880;
	[tilespmem:s13+$0x0] =	vst v8;
	v5 =	vld.idx.msk [tilespmem:v14+s25+$0x0], $0xffff  }
.LBB2_16:
0x324: {  	v6 =	vld [tilespmem:s15+$0x70];
	s14 =	sadd.s32 $0x10, s14;
	[tilespmem:s13+$0x10] =	vst v0  }
0x325: {  	v0 =	vld [tilespmem:s15+$0xFFFFFF90];
	p4 =	slt.u32 s14, $0x3F0;
	[tilespmem:s13+$0x20] =	vst v1  }
0x326: {  	v1 =	vld [tilespmem:s15+$0xFFFFFFA0];
	[tilespmem:s13+$0x30] =	vst v2  }
0x327: {  	v2 =	vld [tilespmem:s15+$0xFFFFFFB0];
	[tilespmem:s13+$0x40] =	vst v3  }
0x328: {  	v3 =	vld [tilespmem:s15+$0xFFFFFFC0];
	[tilespmem:s13+$0x50] =	vst v4  }
0x329: {  	v4 =	vld [tilespmem:s15+$0xFFFFFFD0];
	[tilespmem:s13+$0x60] =	vst v5;
	s13 =	smov.u32 s15  }
0x32a: {  	v5 =	vld [tilespmem:s15+$0xFFFFFFE0]  }
0x32b: {  	v7 =	vld [tilespmem:s15+$0xFFFFFFF0]  }
0x32c: {  	v6 =	vld.idx.msk [tilespmem:v6+s25+$0x0], $0xffff  }
0x32d: {  	v8 =	vld [tilespmem:s15+$0x0]  }
0x32e: {  	v9 =	vld [tilespmem:s15+$0x10]  }
0x32f: {  	v10 =	vld [tilespmem:s15+$0x20]  }
0x330: {  	v11 =	vld [tilespmem:s15+$0x30]  }
0x331: {  	v12 =	vld [tilespmem:s15+$0x40]  }
0x332: {  	v13 =	vld [tilespmem:s15+$0x50];
	[tilespmem:s15+$0x70] =	vst v6  }
0x333: {  	v6 =	vld [tilespmem:s15+$0x60]  }
0x334: {  	v14 =	vld [tilespmem:s15+$0xFFFFFF80]  }
0x335: {  	v0 =	vld.idx.msk [tilespmem:v0+s25+$0x0], $0xffff  }
0x336: {  	v1 =	vld.idx.msk [tilespmem:v1+s25+$0x0], $0xffff  }
0x337: {  	v2 =	vld.idx.msk [tilespmem:v2+s25+$0x0], $0xffff  }
0x338: {  	v3 =	vld.idx.msk [tilespmem:v3+s25+$0x0], $0xffff  }
0x339: {  	v4 =	vld.idx.msk [tilespmem:v4+s25+$0x0], $0xffff  }
0x33a: {  	v5 =	vld.idx.msk [tilespmem:v5+s25+$0x0], $0xffff  }
0x33b: {  	[tilespmem:s15+$0xFFFFFF90] =	vst v0;
	v7 =	vld.idx.msk [tilespmem:v7+s25+$0x0], $0xffff  }
0x33c: {  	v14 =	vld.idx.msk [tilespmem:v14+s25+$0x0], $0xffff;
	[tilespmem:s15+$0xFFFFFFA0] =	vst v1  }
0x33d: {  	[tilespmem:s15+$0xFFFFFFB0] =	vst v2;
	v8 =	vld.idx.msk [tilespmem:v8+s25+$0x0], $0xffff  }
0x33e: {  	[tilespmem:s15+$0xFFFFFFC0] =	vst v3;
	v0 =	vld.idx.msk [tilespmem:v9+s25+$0x0], $0xffff  }
.Ltmp7:
0x33f: {  	[tilespmem:s15+$0xFFFFFFD0] =	vst v4;
	v1 =	vld.idx.msk [tilespmem:v10+s25+$0x0], $0xffff;
	(pc) =	sbr.rel @p4 .LBB2_16-.Ltmp7, $4  }
0x340: {  	[tilespmem:s15+$0xFFFFFFE0] =	vst v5;
	v2 =	vld.idx.msk [tilespmem:v11+s25+$0x0], $0xffff  }
0x341: {  	[tilespmem:s15+$0xFFFFFFF0] =	vst v7;
	v3 =	vld.idx.msk [tilespmem:v12+s25+$0x0], $0xffff  }
0x342: {  	[tilespmem:s15+$0xFFFFFF80] =	vst v14;
	v4 =	vld.idx.msk [tilespmem:v13+s25+$0x0], $0xffff  }
0x343: {  	s15 =	sadd.s32 $0x100, s15;
	[tilespmem:s13+$0x0] =	vst v8;
	v5 =	vld.idx.msk [tilespmem:v6+s25+$0x0], $0xffff  }
0x344: {  	[tilespmem:s13+$0x10] =	vst v0  }
0x345: {  	[tilespmem:s13+$0x20] =	vst v1  }
0x346: {  	[tilespmem:s13+$0x30] =	vst v2  }
0x347: {  	[tilespmem:s13+$0x40] =	vst v3  }
0x348: {  	[tilespmem:s13+$0x50] =	vst v4  }
0x349: {  	[tilespmem:s13+$0x60] =	vst v5  }
0x34a: {  	s13 =	sld [smem:$0x7EE];
	_ =	sdelay $0x1  }
0x34b: {  	s14 =	simm.s32 @!p2 $0x1;
	s15 =	simm.s32 @!p2 $0x20;
	s18 =	sld [smem:$0x7D5]  }
0x34c: {  	[hbm4b:s13+s24] =	stream.strided.scatter [tilespmem:s0], [sflag:$0x1], $0x4000, s26, s24, $0x38;
	[tilespmem:$0x1CF00] =	vst v63  }
0x34d: {  	s16 =	simm.s32 @!p2 $0x80;
	s17 =	simm.s32 @!p2 $0x1E03;
	s13 =	sshrl.u32 @!p2 s30, $0x3  }
0x34e: {  	[spmem:s13@s15], [sflag:s17] =	dma.strided @!p2 [hbm:s18@s16], $0x800, s14, $0x10   }
0x34f: {  	s14 =	simm.s32 @!p2 $0x3  }
0x350: {  	_ =	swait.ge @!p2 [sflag:s14], $0x800  }
0x351: {  	[sflag:s14] =	ssyncset.done @!p2 $0x0  }
0x352: {  	s20 =	rddreg [dreg:$0xd];
	[sflag:s14] =	ssyncadd.s32 @!p2 $0xFFFFF800  }
0x353: {  	[tilespmem:s25], [sflag:$0x2] =	stream.strided.gather [hbm4b:s20+s24], $0x18700, s26, s24, $0x38;
	[tilespmem:$0x1CF00] =	vst v63  }
0x354: {  	_ =	swait.ge [sflag:s2], $0x4000  }
0x355: {  	[sflag:s2] =	ssyncset.done $0x0  }
0x356: {  	[sflag:s2] =	ssyncadd.s32 $0xFFFFC000  }
0x357: {  	[bflag:$0x0] =	sbarrier.arrive $0xFFFF  }
0x358: {  	[tilespmem:s0], [sflag:$0x3] =	stream.strided.gather [spmem:s30], $0x4000, s29, s24, $0x38;
	[tilespmem:$0x1CF00] =	vst v63  }
0x359: {  	_ =	swait.ge [sflag:s31], $0x4000  }
0x35a: {  	[sflag:s31] =	ssyncset.done $0x0  }
0x35b: {  	[sflag:s31] =	ssyncadd.s32 $0xFFFFC000  }
0x35c: {  	_ =	swait.ge [sflag:s3], $0x18700  }
0x35d: {  	[sflag:s3] =	ssyncset.done $0x0  }
0x35e: {  	s14 =	simm.s32 $0x18780;
	[sflag:s3] =	ssyncadd.s32 $0xFFFE7900  }
0x35f: {  	v0 =	vld [tilespmem:s14+$0x70]  }
0x360: {  	v1 =	vld [tilespmem:s14+$0xFFFFFF90]  }
0x361: {  	v2 =	vld [tilespmem:s14+$0xFFFFFFA0]  }
0x362: {  	v3 =	vld [tilespmem:s14+$0xFFFFFFB0]  }
0x363: {  	v4 =	vld [tilespmem:s14+$0xFFFFFFC0]  }
0x364: {  	v5 =	vld [tilespmem:s14+$0xFFFFFFD0]  }
0x365: {  	v6 =	vld [tilespmem:s14+$0xFFFFFFE0]  }
0x366: {  	v7 =	vld [tilespmem:s14+$0xFFFFFFF0]  }
0x367: {  	v8 =	vld [tilespmem:s14+$0x0]  }
0x368: {  	v9 =	vld [tilespmem:s14+$0x10]  }
0x369: {  	v10 =	vld [tilespmem:s14+$0x20]  }
0x36a: {  	v11 =	vld [tilespmem:s14+$0x30]  }
0x36b: {  	v12 =	vld [tilespmem:s14+$0x40]  }
0x36c: {  	v13 =	vld [tilespmem:s14+$0x50]  }
0x36d: {  	v14 =	vld [tilespmem:s14+$0x60]  }
0x36e: {  	v15 =	vld [tilespmem:s14+$0xFFFFFF80]  }
0x36f: {  	v0 =	vld.idx.msk [tilespmem:v0+s25+$0x0], $0xffff  }
0x370: {  	v1 =	vld.idx.msk [tilespmem:v1+s25+$0x0], $0xffff  }
0x371: {  	v2 =	vld.idx.msk [tilespmem:v2+s25+$0x0], $0xffff  }
0x372: {  	v3 =	vld.idx.msk [tilespmem:v3+s25+$0x0], $0xffff  }
0x373: {  	v4 =	vld.idx.msk [tilespmem:v4+s25+$0x0], $0xffff  }
0x374: {  	v5 =	vld.idx.msk [tilespmem:v5+s25+$0x0], $0xffff  }
0x375: {  	v6 =	vld.idx.msk [tilespmem:v6+s25+$0x0], $0xffff;
	[tilespmem:s14+$0x70] =	vst v0  }
0x376: {  	v7 =	vld.idx.msk [tilespmem:v7+s25+$0x0], $0xffff;
	[tilespmem:s14+$0xFFFFFF90] =	vst v1  }
0x377: {  	v15 =	vld.idx.msk [tilespmem:v15+s25+$0x0], $0xffff;
	[tilespmem:s14+$0xFFFFFFA0] =	vst v2  }
0x378: {  	v8 =	vld.idx.msk [tilespmem:v8+s25+$0x0], $0xffff;
	[tilespmem:s14+$0xFFFFFFB0] =	vst v3  }
0x379: {  	[tilespmem:s14+$0xFFFFFFC0] =	vst v4;
	v0 =	vld.idx.msk [tilespmem:v9+s25+$0x0], $0xffff  }
0x37a: {  	[tilespmem:s14+$0xFFFFFFD0] =	vst v5;
	v1 =	vld.idx.msk [tilespmem:v10+s25+$0x0], $0xffff  }
0x37b: {  	[tilespmem:s14+$0xFFFFFFE0] =	vst v6;
	v2 =	vld.idx.msk [tilespmem:v11+s25+$0x0], $0xffff  }
0x37c: {  	[tilespmem:s14+$0xFFFFFFF0] =	vst v7;
	v3 =	vld.idx.msk [tilespmem:v12+s25+$0x0], $0xffff  }
0x37d: {  	[tilespmem:s14+$0xFFFFFF80] =	vst v15;
	v4 =	vld.idx.msk [tilespmem:v13+s25+$0x0], $0xffff  }
0x37e: {  	s15 =	simm.s32 $0x0;
	s16 =	simm.s32 $0x18880;
	[tilespmem:s14+$0x0] =	vst v8;
	v5 =	vld.idx.msk [tilespmem:v14+s25+$0x0], $0xffff  }
.LBB2_18:
0x37f: {  	v6 =	vld [tilespmem:s16+$0x70];
	s15 =	sadd.s32 $0x10, s15;
	[tilespmem:s14+$0x10] =	vst v0  }
0x380: {  	v0 =	vld [tilespmem:s16+$0xFFFFFF90];
	p4 =	slt.u32 s15, $0x3F0;
	[tilespmem:s14+$0x20] =	vst v1  }
0x381: {  	v1 =	vld [tilespmem:s16+$0xFFFFFFA0];
	[tilespmem:s14+$0x30] =	vst v2  }
0x382: {  	v2 =	vld [tilespmem:s16+$0xFFFFFFB0];
	[tilespmem:s14+$0x40] =	vst v3  }
0x383: {  	v3 =	vld [tilespmem:s16+$0xFFFFFFC0];
	[tilespmem:s14+$0x50] =	vst v4  }
0x384: {  	v4 =	vld [tilespmem:s16+$0xFFFFFFD0];
	[tilespmem:s14+$0x60] =	vst v5;
	s14 =	smov.u32 s16  }
0x385: {  	v5 =	vld [tilespmem:s16+$0xFFFFFFE0]  }
0x386: {  	v7 =	vld [tilespmem:s16+$0xFFFFFFF0]  }
0x387: {  	v6 =	vld.idx.msk [tilespmem:v6+s25+$0x0], $0xffff  }
0x388: {  	v8 =	vld [tilespmem:s16+$0x0]  }
0x389: {  	v9 =	vld [tilespmem:s16+$0x10]  }
0x38a: {  	v10 =	vld [tilespmem:s16+$0x20]  }
0x38b: {  	v11 =	vld [tilespmem:s16+$0x30]  }
0x38c: {  	v12 =	vld [tilespmem:s16+$0x40]  }
0x38d: {  	v13 =	vld [tilespmem:s16+$0x50];
	[tilespmem:s16+$0x70] =	vst v6  }
0x38e: {  	v6 =	vld [tilespmem:s16+$0x60]  }
0x38f: {  	v14 =	vld [tilespmem:s16+$0xFFFFFF80]  }
0x390: {  	v0 =	vld.idx.msk [tilespmem:v0+s25+$0x0], $0xffff  }
0x391: {  	v1 =	vld.idx.msk [tilespmem:v1+s25+$0x0], $0xffff  }
0x392: {  	v2 =	vld.idx.msk [tilespmem:v2+s25+$0x0], $0xffff  }
0x393: {  	v3 =	vld.idx.msk [tilespmem:v3+s25+$0x0], $0xffff  }
0x394: {  	v4 =	vld.idx.msk [tilespmem:v4+s25+$0x0], $0xffff  }
0x395: {  	v5 =	vld.idx.msk [tilespmem:v5+s25+$0x0], $0xffff  }
0x396: {  	[tilespmem:s16+$0xFFFFFF90] =	vst v0;
	v7 =	vld.idx.msk [tilespmem:v7+s25+$0x0], $0xffff  }
0x397: {  	v14 =	vld.idx.msk [tilespmem:v14+s25+$0x0], $0xffff;
	[tilespmem:s16+$0xFFFFFFA0] =	vst v1  }
0x398: {  	[tilespmem:s16+$0xFFFFFFB0] =	vst v2;
	v8 =	vld.idx.msk [tilespmem:v8+s25+$0x0], $0xffff  }
0x399: {  	[tilespmem:s16+$0xFFFFFFC0] =	vst v3;
	v0 =	vld.idx.msk [tilespmem:v9+s25+$0x0], $0xffff  }
.Ltmp8:
0x39a: {  	[tilespmem:s16+$0xFFFFFFD0] =	vst v4;
	v1 =	vld.idx.msk [tilespmem:v10+s25+$0x0], $0xffff;
	(pc) =	sbr.rel @p4 .LBB2_18-.Ltmp8, $4  }
0x39b: {  	[tilespmem:s16+$0xFFFFFFE0] =	vst v5;
	v2 =	vld.idx.msk [tilespmem:v11+s25+$0x0], $0xffff  }
0x39c: {  	[tilespmem:s16+$0xFFFFFFF0] =	vst v7;
	v3 =	vld.idx.msk [tilespmem:v12+s25+$0x0], $0xffff  }
0x39d: {  	[tilespmem:s16+$0xFFFFFF80] =	vst v14;
	v4 =	vld.idx.msk [tilespmem:v13+s25+$0x0], $0xffff  }
0x39e: {  	s16 =	sadd.s32 $0x100, s16;
	[tilespmem:s14+$0x0] =	vst v8;
	v5 =	vld.idx.msk [tilespmem:v6+s25+$0x0], $0xffff  }
0x39f: {  	[tilespmem:s14+$0x10] =	vst v0  }
0x3a0: {  	[tilespmem:s14+$0x20] =	vst v1  }
0x3a1: {  	[tilespmem:s14+$0x30] =	vst v2  }
0x3a2: {  	[tilespmem:s14+$0x40] =	vst v3  }
0x3a3: {  	[tilespmem:s14+$0x50] =	vst v4  }
0x3a4: {  	[tilespmem:s14+$0x60] =	vst v5  }
0x3a5: {  	s14 =	sld [smem:$0x7EF];
	_ =	sdelay $0x1  }
0x3a6: {  	s15 =	simm.s32 @!p3 $0x1;
	s16 =	simm.s32 @!p3 $0x20;
	s19 =	sld [smem:$0x7D6]  }
0x3a7: {  	[hbm4b:s14+s24] =	stream.strided.scatter [tilespmem:s0], [sflag:$0x1], $0x4000, s26, s24, $0x38;
	[tilespmem:$0x1CF00] =	vst v63  }
0x3a8: {  	s17 =	simm.s32 @!p3 $0x80;
	s18 =	simm.s32 @!p3 $0x1E43;
	s14 =	sshrl.u32 @!p3 s28, $0x3  }
0x3a9: {  	[spmem:s14@s16], [sflag:s18] =	dma.strided @!p3 [hbm:s19@s17], $0x800, s15, $0x10   }
0x3aa: {  	s15 =	simm.s32 @!p3 $0x3  }
0x3ab: {  	_ =	swait.ge @!p3 [sflag:s15], $0x800  }
0x3ac: {  	[sflag:s15] =	ssyncset.done @!p3 $0x0  }
0x3ad: {  	s20 =	rddreg [dreg:$0xe];
	[sflag:s15] =	ssyncadd.s32 @!p3 $0xFFFFF800  }
0x3ae: {  	[tilespmem:s25], [sflag:$0x2] =	stream.strided.gather [hbm4b:s20+s24], $0x18700, s26, s24, $0x38;
	[tilespmem:$0x1CF00] =	vst v63  }
0x3af: {  	_ =	swait.ge [sflag:s2], $0x4000  }
0x3b0: {  	[sflag:s2] =	ssyncset.done $0x0  }
0x3b1: {  	[sflag:s2] =	ssyncadd.s32 $0xFFFFC000  }
0x3b2: {  	[bflag:$0x0] =	sbarrier.arrive $0xFFFF  }
0x3b3: {  	[tilespmem:s0], [sflag:$0x3] =	stream.strided.gather [spmem:s28], $0x4000, s29, s24, $0x38;
	[tilespmem:$0x1CF00] =	vst v63  }
0x3b4: {  	_ =	swait.ge [sflag:s31], $0x4000  }
0x3b5: {  	[sflag:s31] =	ssyncset.done $0x0  }
0x3b6: {  	[sflag:s31] =	ssyncadd.s32 $0xFFFFC000  }
0x3b7: {  	_ =	swait.ge [sflag:s3], $0x18700  }
0x3b8: {  	[sflag:s3] =	ssyncset.done $0x0  }
0x3b9: {  	s15 =	simm.s32 $0x18780;
	[sflag:s3] =	ssyncadd.s32 $0xFFFE7900  }
0x3ba: {  	v0 =	vld [tilespmem:s15+$0x70]  }
0x3bb: {  	v1 =	vld [tilespmem:s15+$0xFFFFFF90]  }
0x3bc: {  	v2 =	vld [tilespmem:s15+$0xFFFFFFA0]  }
0x3bd: {  	v3 =	vld [tilespmem:s15+$0xFFFFFFB0]  }
0x3be: {  	v4 =	vld [tilespmem:s15+$0xFFFFFFC0]  }
0x3bf: {  	v5 =	vld [tilespmem:s15+$0xFFFFFFD0]  }
0x3c0: {  	v6 =	vld [tilespmem:s15+$0xFFFFFFE0]  }
0x3c1: {  	v7 =	vld [tilespmem:s15+$0xFFFFFFF0]  }
0x3c2: {  	v8 =	vld [tilespmem:s15+$0x0]  }
0x3c3: {  	v9 =	vld [tilespmem:s15+$0x10]  }
0x3c4: {  	v10 =	vld [tilespmem:s15+$0x20]  }
0x3c5: {  	v11 =	vld [tilespmem:s15+$0x30]  }
0x3c6: {  	v12 =	vld [tilespmem:s15+$0x40]  }
0x3c7: {  	v13 =	vld [tilespmem:s15+$0x50]  }
0x3c8: {  	v14 =	vld [tilespmem:s15+$0x60]  }
0x3c9: {  	v15 =	vld [tilespmem:s15+$0xFFFFFF80]  }
0x3ca: {  	v0 =	vld.idx.msk [tilespmem:v0+s25+$0x0], $0xffff  }
0x3cb: {  	v1 =	vld.idx.msk [tilespmem:v1+s25+$0x0], $0xffff  }
0x3cc: {  	v2 =	vld.idx.msk [tilespmem:v2+s25+$0x0], $0xffff  }
0x3cd: {  	v3 =	vld.idx.msk [tilespmem:v3+s25+$0x0], $0xffff  }
0x3ce: {  	v4 =	vld.idx.msk [tilespmem:v4+s25+$0x0], $0xffff  }
0x3cf: {  	v5 =	vld.idx.msk [tilespmem:v5+s25+$0x0], $0xffff  }
0x3d0: {  	v6 =	vld.idx.msk [tilespmem:v6+s25+$0x0], $0xffff;
	[tilespmem:s15+$0x70] =	vst v0  }
0x3d1: {  	v7 =	vld.idx.msk [tilespmem:v7+s25+$0x0], $0xffff;
	[tilespmem:s15+$0xFFFFFF90] =	vst v1  }
0x3d2: {  	v15 =	vld.idx.msk [tilespmem:v15+s25+$0x0], $0xffff;
	[tilespmem:s15+$0xFFFFFFA0] =	vst v2  }
0x3d3: {  	v8 =	vld.idx.msk [tilespmem:v8+s25+$0x0], $0xffff;
	[tilespmem:s15+$0xFFFFFFB0] =	vst v3  }
0x3d4: {  	[tilespmem:s15+$0xFFFFFFC0] =	vst v4;
	v0 =	vld.idx.msk [tilespmem:v9+s25+$0x0], $0xffff  }
0x3d5: {  	[tilespmem:s15+$0xFFFFFFD0] =	vst v5;
	v1 =	vld.idx.msk [tilespmem:v10+s25+$0x0], $0xffff  }
0x3d6: {  	[tilespmem:s15+$0xFFFFFFE0] =	vst v6;
	v2 =	vld.idx.msk [tilespmem:v11+s25+$0x0], $0xffff  }
0x3d7: {  	[tilespmem:s15+$0xFFFFFFF0] =	vst v7;
	v3 =	vld.idx.msk [tilespmem:v12+s25+$0x0], $0xffff  }
0x3d8: {  	[tilespmem:s15+$0xFFFFFF80] =	vst v15;
	v4 =	vld.idx.msk [tilespmem:v13+s25+$0x0], $0xffff  }
0x3d9: {  	s16 =	simm.s32 $0x0;
	s17 =	simm.s32 $0x18880;
	[tilespmem:s15+$0x0] =	vst v8;
	v5 =	vld.idx.msk [tilespmem:v14+s25+$0x0], $0xffff  }
.LBB2_20:
0x3da: {  	v6 =	vld [tilespmem:s17+$0x70];
	s16 =	sadd.s32 $0x10, s16;
	[tilespmem:s15+$0x10] =	vst v0  }
0x3db: {  	v0 =	vld [tilespmem:s17+$0xFFFFFF90];
	p4 =	slt.u32 s16, $0x3F0;
	[tilespmem:s15+$0x20] =	vst v1  }
0x3dc: {  	v1 =	vld [tilespmem:s17+$0xFFFFFFA0];
	[tilespmem:s15+$0x30] =	vst v2  }
0x3dd: {  	v2 =	vld [tilespmem:s17+$0xFFFFFFB0];
	[tilespmem:s15+$0x40] =	vst v3  }
0x3de: {  	v3 =	vld [tilespmem:s17+$0xFFFFFFC0];
	[tilespmem:s15+$0x50] =	vst v4  }
0x3df: {  	v4 =	vld [tilespmem:s17+$0xFFFFFFD0];
	[tilespmem:s15+$0x60] =	vst v5;
	s15 =	smov.u32 s17  }
0x3e0: {  	v5 =	vld [tilespmem:s17+$0xFFFFFFE0]  }
0x3e1: {  	v7 =	vld [tilespmem:s17+$0xFFFFFFF0]  }
0x3e2: {  	v6 =	vld.idx.msk [tilespmem:v6+s25+$0x0], $0xffff  }
0x3e3: {  	v8 =	vld [tilespmem:s17+$0x0]  }
0x3e4: {  	v9 =	vld [tilespmem:s17+$0x10]  }
0x3e5: {  	v10 =	vld [tilespmem:s17+$0x20]  }
0x3e6: {  	v11 =	vld [tilespmem:s17+$0x30]  }
0x3e7: {  	v12 =	vld [tilespmem:s17+$0x40]  }
0x3e8: {  	v13 =	vld [tilespmem:s17+$0x50];
	[tilespmem:s17+$0x70] =	vst v6  }
0x3e9: {  	v6 =	vld [tilespmem:s17+$0x60]  }
0x3ea: {  	v14 =	vld [tilespmem:s17+$0xFFFFFF80]  }
0x3eb: {  	v0 =	vld.idx.msk [tilespmem:v0+s25+$0x0], $0xffff  }
0x3ec: {  	v1 =	vld.idx.msk [tilespmem:v1+s25+$0x0], $0xffff  }
0x3ed: {  	v2 =	vld.idx.msk [tilespmem:v2+s25+$0x0], $0xffff  }
0x3ee: {  	v3 =	vld.idx.msk [tilespmem:v3+s25+$0x0], $0xffff  }
0x3ef: {  	v4 =	vld.idx.msk [tilespmem:v4+s25+$0x0], $0xffff  }
0x3f0: {  	v5 =	vld.idx.msk [tilespmem:v5+s25+$0x0], $0xffff  }
0x3f1: {  	[tilespmem:s17+$0xFFFFFF90] =	vst v0;
	v7 =	vld.idx.msk [tilespmem:v7+s25+$0x0], $0xffff  }
0x3f2: {  	v14 =	vld.idx.msk [tilespmem:v14+s25+$0x0], $0xffff;
	[tilespmem:s17+$0xFFFFFFA0] =	vst v1  }
0x3f3: {  	[tilespmem:s17+$0xFFFFFFB0] =	vst v2;
	v8 =	vld.idx.msk [tilespmem:v8+s25+$0x0], $0xffff  }
0x3f4: {  	[tilespmem:s17+$0xFFFFFFC0] =	vst v3;
	v0 =	vld.idx.msk [tilespmem:v9+s25+$0x0], $0xffff  }
.Ltmp9:
0x3f5: {  	[tilespmem:s17+$0xFFFFFFD0] =	vst v4;
	v1 =	vld.idx.msk [tilespmem:v10+s25+$0x0], $0xffff;
	(pc) =	sbr.rel @p4 .LBB2_20-.Ltmp9, $4  }
0x3f6: {  	[tilespmem:s17+$0xFFFFFFE0] =	vst v5;
	v2 =	vld.idx.msk [tilespmem:v11+s25+$0x0], $0xffff  }
0x3f7: {  	[tilespmem:s17+$0xFFFFFFF0] =	vst v7;
	v3 =	vld.idx.msk [tilespmem:v12+s25+$0x0], $0xffff  }
0x3f8: {  	[tilespmem:s17+$0xFFFFFF80] =	vst v14;
	v4 =	vld.idx.msk [tilespmem:v13+s25+$0x0], $0xffff  }
0x3f9: {  	s17 =	sadd.s32 $0x100, s17;
	[tilespmem:s15+$0x0] =	vst v8;
	v5 =	vld.idx.msk [tilespmem:v6+s25+$0x0], $0xffff  }
0x3fa: {  	[tilespmem:s15+$0x10] =	vst v0  }
0x3fb: {  	[tilespmem:s15+$0x20] =	vst v1  }
0x3fc: {  	[tilespmem:s15+$0x30] =	vst v2  }
0x3fd: {  	[tilespmem:s15+$0x40] =	vst v3  }
0x3fe: {  	[tilespmem:s15+$0x50] =	vst v4  }
0x3ff: {  	[tilespmem:s15+$0x60] =	vst v5  }
0x400: {  	s15 =	sld [smem:$0x7F0]  }
0x401: {  	s19 =	sld [smem:$0x7C8];
	_ =	sdelay $0x1  }
0x402: {  	[hbm4b:s15+s24] =	stream.strided.scatter [tilespmem:s0], [sflag:$0x1], $0x4000, s26, s24, $0x38;
	[tilespmem:$0x1CF00] =	vst v63  }
0x403: {  	s20 =	sld [smem:$0x7D7];
	p4 =	seq.s32 s19, $0x1  }
0x404: {  	s15 =	sshrl.u32 @!p4 s30, $0x3;
	s16 =	simm.s32 @!p4 $0x1  }
0x405: {  	s17 =	simm.s32 @!p4 $0x20;
	s18 =	simm.s32 @!p4 $0x80;
	s19 =	simm.s32 @!p4 $0x1E83  }
0x406: {  	[spmem:s15@s17], [sflag:s19] =	dma.strided @!p4 [hbm:s20@s18], $0x800, s16, $0x10   }
0x407: {  	s15 =	simm.s32 @!p4 $0x3  }
0x408: {  	_ =	swait.ge @!p4 [sflag:s15], $0x800  }
0x409: {  	[sflag:s15] =	ssyncset.done @!p4 $0x0  }
0x40a: {  	s20 =	rddreg [dreg:$0xf];
	[sflag:s15] =	ssyncadd.s32 @!p4 $0xFFFFF800  }
0x40b: {  	[tilespmem:s25], [sflag:$0x2] =	stream.strided.gather [hbm4b:s20+s24], $0x18700, s26, s24, $0x38;
	[tilespmem:$0x1CF00] =	vst v63  }
0x40c: {  	_ =	swait.ge [sflag:s2], $0x4000  }
0x40d: {  	[sflag:s2] =	ssyncset.done $0x0  }
0x40e: {  	[sflag:s2] =	ssyncadd.s32 $0xFFFFC000  }
0x40f: {  	[bflag:$0x0] =	sbarrier.arrive $0xFFFF  }
0x410: {  	[tilespmem:s0], [sflag:$0x3] =	stream.strided.gather [spmem:s30], $0x4000, s29, s24, $0x38;
	[tilespmem:$0x1CF00] =	vst v63  }
0x411: {  	_ =	swait.ge [sflag:s31], $0x4000  }
0x412: {  	[sflag:s31] =	ssyncset.done $0x0  }
0x413: {  	[sflag:s31] =	ssyncadd.s32 $0xFFFFC000  }
0x414: {  	_ =	swait.ge [sflag:s3], $0x18700  }
0x415: {  	[sflag:s3] =	ssyncset.done $0x0  }
0x416: {  	s15 =	simm.s32 $0x18780;
	[sflag:s3] =	ssyncadd.s32 $0xFFFE7900  }
0x417: {  	v0 =	vld [tilespmem:s15+$0x70]  }
0x418: {  	v1 =	vld [tilespmem:s15+$0xFFFFFF90]  }
0x419: {  	v2 =	vld [tilespmem:s15+$0xFFFFFFA0]  }
0x41a: {  	v3 =	vld [tilespmem:s15+$0xFFFFFFB0]  }
0x41b: {  	v4 =	vld [tilespmem:s15+$0xFFFFFFC0]  }
0x41c: {  	v5 =	vld [tilespmem:s15+$0xFFFFFFD0]  }
0x41d: {  	v6 =	vld [tilespmem:s15+$0xFFFFFFE0]  }
0x41e: {  	v7 =	vld [tilespmem:s15+$0xFFFFFFF0]  }
0x41f: {  	v8 =	vld [tilespmem:s15+$0x0]  }
0x420: {  	v9 =	vld [tilespmem:s15+$0x10]  }
0x421: {  	v10 =	vld [tilespmem:s15+$0x20]  }
0x422: {  	v11 =	vld [tilespmem:s15+$0x30]  }
0x423: {  	v12 =	vld [tilespmem:s15+$0x40]  }
0x424: {  	v13 =	vld [tilespmem:s15+$0x50]  }
0x425: {  	v14 =	vld [tilespmem:s15+$0x60]  }
0x426: {  	v15 =	vld [tilespmem:s15+$0xFFFFFF80]  }
0x427: {  	v0 =	vld.idx.msk [tilespmem:v0+s25+$0x0], $0xffff  }
0x428: {  	v1 =	vld.idx.msk [tilespmem:v1+s25+$0x0], $0xffff  }
0x429: {  	v2 =	vld.idx.msk [tilespmem:v2+s25+$0x0], $0xffff  }
0x42a: {  	v3 =	vld.idx.msk [tilespmem:v3+s25+$0x0], $0xffff  }
0x42b: {  	v4 =	vld.idx.msk [tilespmem:v4+s25+$0x0], $0xffff  }
0x42c: {  	v5 =	vld.idx.msk [tilespmem:v5+s25+$0x0], $0xffff  }
0x42d: {  	v6 =	vld.idx.msk [tilespmem:v6+s25+$0x0], $0xffff;
	[tilespmem:s15+$0x70] =	vst v0  }
0x42e: {  	v7 =	vld.idx.msk [tilespmem:v7+s25+$0x0], $0xffff;
	[tilespmem:s15+$0xFFFFFF90] =	vst v1  }
0x42f: {  	v15 =	vld.idx.msk [tilespmem:v15+s25+$0x0], $0xffff;
	[tilespmem:s15+$0xFFFFFFA0] =	vst v2  }
0x430: {  	v8 =	vld.idx.msk [tilespmem:v8+s25+$0x0], $0xffff;
	[tilespmem:s15+$0xFFFFFFB0] =	vst v3  }
0x431: {  	[tilespmem:s15+$0xFFFFFFC0] =	vst v4;
	v0 =	vld.idx.msk [tilespmem:v9+s25+$0x0], $0xffff  }
0x432: {  	[tilespmem:s15+$0xFFFFFFD0] =	vst v5;
	v1 =	vld.idx.msk [tilespmem:v10+s25+$0x0], $0xffff  }
0x433: {  	[tilespmem:s15+$0xFFFFFFE0] =	vst v6;
	v2 =	vld.idx.msk [tilespmem:v11+s25+$0x0], $0xffff  }
0x434: {  	[tilespmem:s15+$0xFFFFFFF0] =	vst v7;
	v3 =	vld.idx.msk [tilespmem:v12+s25+$0x0], $0xffff  }
0x435: {  	[tilespmem:s15+$0xFFFFFF80] =	vst v15;
	v4 =	vld.idx.msk [tilespmem:v13+s25+$0x0], $0xffff  }
0x436: {  	s16 =	simm.s32 $0x0;
	s17 =	simm.s32 $0x18880;
	[tilespmem:s15+$0x0] =	vst v8;
	v5 =	vld.idx.msk [tilespmem:v14+s25+$0x0], $0xffff  }
.LBB2_22:
0x437: {  	v6 =	vld [tilespmem:s17+$0x70];
	s16 =	sadd.s32 $0x10, s16;
	[tilespmem:s15+$0x10] =	vst v0  }
0x438: {  	v0 =	vld [tilespmem:s17+$0xFFFFFF90];
	p4 =	slt.u32 s16, $0x3F0;
	[tilespmem:s15+$0x20] =	vst v1  }
0x439: {  	v1 =	vld [tilespmem:s17+$0xFFFFFFA0];
	[tilespmem:s15+$0x30] =	vst v2  }
0x43a: {  	v2 =	vld [tilespmem:s17+$0xFFFFFFB0];
	[tilespmem:s15+$0x40] =	vst v3  }
0x43b: {  	v3 =	vld [tilespmem:s17+$0xFFFFFFC0];
	[tilespmem:s15+$0x50] =	vst v4  }
0x43c: {  	v4 =	vld [tilespmem:s17+$0xFFFFFFD0];
	[tilespmem:s15+$0x60] =	vst v5;
	s15 =	smov.u32 s17  }
0x43d: {  	v5 =	vld [tilespmem:s17+$0xFFFFFFE0]  }
0x43e: {  	v7 =	vld [tilespmem:s17+$0xFFFFFFF0]  }
0x43f: {  	v6 =	vld.idx.msk [tilespmem:v6+s25+$0x0], $0xffff  }
0x440: {  	v8 =	vld [tilespmem:s17+$0x0]  }
0x441: {  	v9 =	vld [tilespmem:s17+$0x10]  }
0x442: {  	v10 =	vld [tilespmem:s17+$0x20]  }
0x443: {  	v11 =	vld [tilespmem:s17+$0x30]  }
0x444: {  	v12 =	vld [tilespmem:s17+$0x40]  }
0x445: {  	v13 =	vld [tilespmem:s17+$0x50];
	[tilespmem:s17+$0x70] =	vst v6  }
0x446: {  	v6 =	vld [tilespmem:s17+$0x60]  }
0x447: {  	v14 =	vld [tilespmem:s17+$0xFFFFFF80]  }
0x448: {  	v0 =	vld.idx.msk [tilespmem:v0+s25+$0x0], $0xffff  }
0x449: {  	v1 =	vld.idx.msk [tilespmem:v1+s25+$0x0], $0xffff  }
0x44a: {  	v2 =	vld.idx.msk [tilespmem:v2+s25+$0x0], $0xffff  }
0x44b: {  	v3 =	vld.idx.msk [tilespmem:v3+s25+$0x0], $0xffff  }
0x44c: {  	v4 =	vld.idx.msk [tilespmem:v4+s25+$0x0], $0xffff  }
0x44d: {  	v5 =	vld.idx.msk [tilespmem:v5+s25+$0x0], $0xffff  }
0x44e: {  	[tilespmem:s17+$0xFFFFFF90] =	vst v0;
	v7 =	vld.idx.msk [tilespmem:v7+s25+$0x0], $0xffff  }
0x44f: {  	v14 =	vld.idx.msk [tilespmem:v14+s25+$0x0], $0xffff;
	[tilespmem:s17+$0xFFFFFFA0] =	vst v1  }
0x450: {  	[tilespmem:s17+$0xFFFFFFB0] =	vst v2;
	v8 =	vld.idx.msk [tilespmem:v8+s25+$0x0], $0xffff  }
0x451: {  	[tilespmem:s17+$0xFFFFFFC0] =	vst v3;
	v0 =	vld.idx.msk [tilespmem:v9+s25+$0x0], $0xffff  }
.Ltmp10:
0x452: {  	[tilespmem:s17+$0xFFFFFFD0] =	vst v4;
	v1 =	vld.idx.msk [tilespmem:v10+s25+$0x0], $0xffff;
	(pc) =	sbr.rel @p4 .LBB2_22-.Ltmp10, $4  }
0x453: {  	[tilespmem:s17+$0xFFFFFFE0] =	vst v5;
	v2 =	vld.idx.msk [tilespmem:v11+s25+$0x0], $0xffff  }
0x454: {  	[tilespmem:s17+$0xFFFFFFF0] =	vst v7;
	v3 =	vld.idx.msk [tilespmem:v12+s25+$0x0], $0xffff  }
0x455: {  	[tilespmem:s17+$0xFFFFFF80] =	vst v14;
	v4 =	vld.idx.msk [tilespmem:v13+s25+$0x0], $0xffff  }
0x456: {  	s17 =	sadd.s32 $0x100, s17;
	[tilespmem:s15+$0x0] =	vst v8;
	v5 =	vld.idx.msk [tilespmem:v6+s25+$0x0], $0xffff  }
0x457: {  	[tilespmem:s15+$0x10] =	vst v0  }
0x458: {  	[tilespmem:s15+$0x20] =	vst v1  }
0x459: {  	[tilespmem:s15+$0x30] =	vst v2  }
0x45a: {  	[tilespmem:s15+$0x40] =	vst v3  }
0x45b: {  	[tilespmem:s15+$0x50] =	vst v4  }
0x45c: {  	[tilespmem:s15+$0x60] =	vst v5  }
0x45d: {  	s15 =	sld [smem:$0x7F1]  }
0x45e: {  	s19 =	sld [smem:$0x7C9];
	_ =	sdelay $0x1  }
0x45f: {  	[hbm4b:s15+s24] =	stream.strided.scatter [tilespmem:s0], [sflag:$0x1], $0x4000, s26, s24, $0x38;
	[tilespmem:$0x1CF00] =	vst v63  }
0x460: {  	s20 =	sld [smem:$0x7D8];
	p4 =	seq.s32 s19, $0x1  }
0x461: {  	s15 =	sshrl.u32 @!p4 s28, $0x3;
	s16 =	simm.s32 @!p4 $0x1  }
0x462: {  	s17 =	simm.s32 @!p4 $0x20;
	s18 =	simm.s32 @!p4 $0x80;
	s19 =	simm.s32 @!p4 $0x1EC3  }
0x463: {  	[spmem:s15@s17], [sflag:s19] =	dma.strided @!p4 [hbm:s20@s18], $0x800, s16, $0x10   }
0x464: {  	s15 =	simm.s32 @!p4 $0x3  }
0x465: {  	_ =	swait.ge @!p4 [sflag:s15], $0x800  }
0x466: {  	[sflag:s15] =	ssyncset.done @!p4 $0x0  }
0x467: {  	s20 =	rddreg [dreg:$0x10];
	[sflag:s15] =	ssyncadd.s32 @!p4 $0xFFFFF800  }
0x468: {  	[tilespmem:s25], [sflag:$0x2] =	stream.strided.gather [hbm4b:s20+s24], $0x18700, s26, s24, $0x38;
	[tilespmem:$0x1CF00] =	vst v63  }
0x469: {  	_ =	swait.ge [sflag:s2], $0x4000  }
0x46a: {  	[sflag:s2] =	ssyncset.done $0x0  }
0x46b: {  	[sflag:s2] =	ssyncadd.s32 $0xFFFFC000  }
0x46c: {  	[bflag:$0x0] =	sbarrier.arrive $0xFFFF  }
0x46d: {  	[tilespmem:s0], [sflag:$0x3] =	stream.strided.gather [spmem:s28], $0x4000, s29, s24, $0x38;
	[tilespmem:$0x1CF00] =	vst v63  }
0x46e: {  	_ =	swait.ge [sflag:s31], $0x4000  }
0x46f: {  	[sflag:s31] =	ssyncset.done $0x0  }
0x470: {  	[sflag:s31] =	ssyncadd.s32 $0xFFFFC000  }
0x471: {  	_ =	swait.ge [sflag:s3], $0x18700  }
0x472: {  	[sflag:s3] =	ssyncset.done $0x0  }
0x473: {  	s15 =	simm.s32 $0x18780;
	[sflag:s3] =	ssyncadd.s32 $0xFFFE7900  }
0x474: {  	v0 =	vld [tilespmem:s15+$0x70]  }
0x475: {  	v1 =	vld [tilespmem:s15+$0xFFFFFF90]  }
0x476: {  	v2 =	vld [tilespmem:s15+$0xFFFFFFA0]  }
0x477: {  	v3 =	vld [tilespmem:s15+$0xFFFFFFB0]  }
0x478: {  	v4 =	vld [tilespmem:s15+$0xFFFFFFC0]  }
0x479: {  	v5 =	vld [tilespmem:s15+$0xFFFFFFD0]  }
0x47a: {  	v6 =	vld [tilespmem:s15+$0xFFFFFFE0]  }
0x47b: {  	v7 =	vld [tilespmem:s15+$0xFFFFFFF0]  }
0x47c: {  	v8 =	vld [tilespmem:s15+$0x0]  }
0x47d: {  	v9 =	vld [tilespmem:s15+$0x10]  }
0x47e: {  	v10 =	vld [tilespmem:s15+$0x20]  }
0x47f: {  	v11 =	vld [tilespmem:s15+$0x30]  }
0x480: {  	v12 =	vld [tilespmem:s15+$0x40]  }
0x481: {  	v13 =	vld [tilespmem:s15+$0x50]  }
0x482: {  	v14 =	vld [tilespmem:s15+$0x60]  }
0x483: {  	v15 =	vld [tilespmem:s15+$0xFFFFFF80]  }
0x484: {  	v0 =	vld.idx.msk [tilespmem:v0+s25+$0x0], $0xffff  }
0x485: {  	v1 =	vld.idx.msk [tilespmem:v1+s25+$0x0], $0xffff  }
0x486: {  	v2 =	vld.idx.msk [tilespmem:v2+s25+$0x0], $0xffff  }
0x487: {  	v3 =	vld.idx.msk [tilespmem:v3+s25+$0x0], $0xffff  }
0x488: {  	v4 =	vld.idx.msk [tilespmem:v4+s25+$0x0], $0xffff  }
0x489: {  	v5 =	vld.idx.msk [tilespmem:v5+s25+$0x0], $0xffff  }
0x48a: {  	v6 =	vld.idx.msk [tilespmem:v6+s25+$0x0], $0xffff;
	[tilespmem:s15+$0x70] =	vst v0  }
0x48b: {  	v7 =	vld.idx.msk [tilespmem:v7+s25+$0x0], $0xffff;
	[tilespmem:s15+$0xFFFFFF90] =	vst v1  }
0x48c: {  	v15 =	vld.idx.msk [tilespmem:v15+s25+$0x0], $0xffff;
	[tilespmem:s15+$0xFFFFFFA0] =	vst v2  }
0x48d: {  	v8 =	vld.idx.msk [tilespmem:v8+s25+$0x0], $0xffff;
	[tilespmem:s15+$0xFFFFFFB0] =	vst v3  }
0x48e: {  	[tilespmem:s15+$0xFFFFFFC0] =	vst v4;
	v0 =	vld.idx.msk [tilespmem:v9+s25+$0x0], $0xffff  }
0x48f: {  	[tilespmem:s15+$0xFFFFFFD0] =	vst v5;
	v1 =	vld.idx.msk [tilespmem:v10+s25+$0x0], $0xffff  }
0x490: {  	[tilespmem:s15+$0xFFFFFFE0] =	vst v6;
	v2 =	vld.idx.msk [tilespmem:v11+s25+$0x0], $0xffff  }
0x491: {  	[tilespmem:s15+$0xFFFFFFF0] =	vst v7;
	v3 =	vld.idx.msk [tilespmem:v12+s25+$0x0], $0xffff  }
0x492: {  	[tilespmem:s15+$0xFFFFFF80] =	vst v15;
	v4 =	vld.idx.msk [tilespmem:v13+s25+$0x0], $0xffff  }
0x493: {  	s16 =	simm.s32 $0x0;
	s17 =	simm.s32 $0x18880;
	[tilespmem:s15+$0x0] =	vst v8;
	v5 =	vld.idx.msk [tilespmem:v14+s25+$0x0], $0xffff  }
.LBB2_24:
0x494: {  	v6 =	vld [tilespmem:s17+$0x70];
	s16 =	sadd.s32 $0x10, s16;
	[tilespmem:s15+$0x10] =	vst v0  }
0x495: {  	v0 =	vld [tilespmem:s17+$0xFFFFFF90];
	p4 =	slt.u32 s16, $0x3F0;
	[tilespmem:s15+$0x20] =	vst v1  }
0x496: {  	v1 =	vld [tilespmem:s17+$0xFFFFFFA0];
	[tilespmem:s15+$0x30] =	vst v2  }
0x497: {  	v2 =	vld [tilespmem:s17+$0xFFFFFFB0];
	[tilespmem:s15+$0x40] =	vst v3  }
0x498: {  	v3 =	vld [tilespmem:s17+$0xFFFFFFC0];
	[tilespmem:s15+$0x50] =	vst v4  }
0x499: {  	v4 =	vld [tilespmem:s17+$0xFFFFFFD0];
	[tilespmem:s15+$0x60] =	vst v5;
	s15 =	smov.u32 s17  }
0x49a: {  	v5 =	vld [tilespmem:s17+$0xFFFFFFE0]  }
0x49b: {  	v7 =	vld [tilespmem:s17+$0xFFFFFFF0]  }
0x49c: {  	v6 =	vld.idx.msk [tilespmem:v6+s25+$0x0], $0xffff  }
0x49d: {  	v8 =	vld [tilespmem:s17+$0x0]  }
0x49e: {  	v9 =	vld [tilespmem:s17+$0x10]  }
0x49f: {  	v10 =	vld [tilespmem:s17+$0x20]  }
0x4a0: {  	v11 =	vld [tilespmem:s17+$0x30]  }
0x4a1: {  	v12 =	vld [tilespmem:s17+$0x40]  }
0x4a2: {  	v13 =	vld [tilespmem:s17+$0x50];
	[tilespmem:s17+$0x70] =	vst v6  }
0x4a3: {  	v6 =	vld [tilespmem:s17+$0x60]  }
0x4a4: {  	v14 =	vld [tilespmem:s17+$0xFFFFFF80]  }
0x4a5: {  	v0 =	vld.idx.msk [tilespmem:v0+s25+$0x0], $0xffff  }
0x4a6: {  	v1 =	vld.idx.msk [tilespmem:v1+s25+$0x0], $0xffff  }
0x4a7: {  	v2 =	vld.idx.msk [tilespmem:v2+s25+$0x0], $0xffff  }
0x4a8: {  	v3 =	vld.idx.msk [tilespmem:v3+s25+$0x0], $0xffff  }
0x4a9: {  	v4 =	vld.idx.msk [tilespmem:v4+s25+$0x0], $0xffff  }
0x4aa: {  	v5 =	vld.idx.msk [tilespmem:v5+s25+$0x0], $0xffff  }
0x4ab: {  	[tilespmem:s17+$0xFFFFFF90] =	vst v0;
	v7 =	vld.idx.msk [tilespmem:v7+s25+$0x0], $0xffff  }
0x4ac: {  	v14 =	vld.idx.msk [tilespmem:v14+s25+$0x0], $0xffff;
	[tilespmem:s17+$0xFFFFFFA0] =	vst v1  }
0x4ad: {  	[tilespmem:s17+$0xFFFFFFB0] =	vst v2;
	v8 =	vld.idx.msk [tilespmem:v8+s25+$0x0], $0xffff  }
0x4ae: {  	[tilespmem:s17+$0xFFFFFFC0] =	vst v3;
	v0 =	vld.idx.msk [tilespmem:v9+s25+$0x0], $0xffff  }
.Ltmp11:
0x4af: {  	[tilespmem:s17+$0xFFFFFFD0] =	vst v4;
	v1 =	vld.idx.msk [tilespmem:v10+s25+$0x0], $0xffff;
	(pc) =	sbr.rel @p4 .LBB2_24-.Ltmp11, $4  }
0x4b0: {  	[tilespmem:s17+$0xFFFFFFE0] =	vst v5;
	v2 =	vld.idx.msk [tilespmem:v11+s25+$0x0], $0xffff  }
0x4b1: {  	[tilespmem:s17+$0xFFFFFFF0] =	vst v7;
	v3 =	vld.idx.msk [tilespmem:v12+s25+$0x0], $0xffff  }
0x4b2: {  	[tilespmem:s17+$0xFFFFFF80] =	vst v14;
	v4 =	vld.idx.msk [tilespmem:v13+s25+$0x0], $0xffff  }
0x4b3: {  	s17 =	sadd.s32 $0x100, s17;
	[tilespmem:s15+$0x0] =	vst v8;
	v5 =	vld.idx.msk [tilespmem:v6+s25+$0x0], $0xffff  }
0x4b4: {  	[tilespmem:s15+$0x10] =	vst v0  }
0x4b5: {  	[tilespmem:s15+$0x20] =	vst v1  }
0x4b6: {  	[tilespmem:s15+$0x30] =	vst v2  }
0x4b7: {  	[tilespmem:s15+$0x40] =	vst v3  }
0x4b8: {  	[tilespmem:s15+$0x50] =	vst v4  }
0x4b9: {  	[tilespmem:s15+$0x60] =	vst v5  }
0x4ba: {  	s15 =	sld [smem:$0x7F2]  }
0x4bb: {  	s19 =	sld [smem:$0x7CA];
	_ =	sdelay $0x1  }
0x4bc: {  	[hbm4b:s15+s24] =	stream.strided.scatter [tilespmem:s0], [sflag:$0x1], $0x4000, s26, s24, $0x38;
	[tilespmem:$0x1CF00] =	vst v63  }
0x4bd: {  	s20 =	sld [smem:$0x7D9];
	p4 =	seq.s32 s19, $0x1  }
0x4be: {  	s15 =	sshrl.u32 @!p4 s30, $0x3;
	s16 =	simm.s32 @!p4 $0x1  }
0x4bf: {  	s17 =	simm.s32 @!p4 $0x20;
	s18 =	simm.s32 @!p4 $0x80;
	s19 =	simm.s32 @!p4 $0x1F03  }
0x4c0: {  	[spmem:s15@s17], [sflag:s19] =	dma.strided @!p4 [hbm:s20@s18], $0x800, s16, $0x10   }
0x4c1: {  	s15 =	simm.s32 @!p4 $0x3  }
0x4c2: {  	_ =	swait.ge @!p4 [sflag:s15], $0x800  }
0x4c3: {  	[sflag:s15] =	ssyncset.done @!p4 $0x0  }
0x4c4: {  	s20 =	rddreg [dreg:$0x11];
	[sflag:s15] =	ssyncadd.s32 @!p4 $0xFFFFF800  }
0x4c5: {  	[tilespmem:s25], [sflag:$0x2] =	stream.strided.gather [hbm4b:s20+s24], $0x18700, s26, s24, $0x38;
	[tilespmem:$0x1CF00] =	vst v63  }
0x4c6: {  	_ =	swait.ge [sflag:s2], $0x4000  }
0x4c7: {  	[sflag:s2] =	ssyncset.done $0x0  }
0x4c8: {  	[sflag:s2] =	ssyncadd.s32 $0xFFFFC000  }
0x4c9: {  	[bflag:$0x0] =	sbarrier.arrive $0xFFFF  }
0x4ca: {  	[tilespmem:s0], [sflag:$0x3] =	stream.strided.gather [spmem:s30], $0x4000, s29, s24, $0x38;
	[tilespmem:$0x1CF00] =	vst v63  }
0x4cb: {  	_ =	swait.ge [sflag:s31], $0x4000  }
0x4cc: {  	[sflag:s31] =	ssyncset.done $0x0  }
0x4cd: {  	[sflag:s31] =	ssyncadd.s32 $0xFFFFC000  }
0x4ce: {  	_ =	swait.ge [sflag:s3], $0x18700  }
0x4cf: {  	[sflag:s3] =	ssyncset.done $0x0  }
0x4d0: {  	s15 =	simm.s32 $0x18780;
	[sflag:s3] =	ssyncadd.s32 $0xFFFE7900  }
0x4d1: {  	v0 =	vld [tilespmem:s15+$0x70]  }
0x4d2: {  	v1 =	vld [tilespmem:s15+$0xFFFFFF90]  }
0x4d3: {  	v2 =	vld [tilespmem:s15+$0xFFFFFFA0]  }
0x4d4: {  	v3 =	vld [tilespmem:s15+$0xFFFFFFB0]  }
0x4d5: {  	v4 =	vld [tilespmem:s15+$0xFFFFFFC0]  }
0x4d6: {  	v5 =	vld [tilespmem:s15+$0xFFFFFFD0]  }
0x4d7: {  	v6 =	vld [tilespmem:s15+$0xFFFFFFE0]  }
0x4d8: {  	v7 =	vld [tilespmem:s15+$0xFFFFFFF0]  }
0x4d9: {  	v8 =	vld [tilespmem:s15+$0x0]  }
0x4da: {  	v9 =	vld [tilespmem:s15+$0x10]  }
0x4db: {  	v10 =	vld [tilespmem:s15+$0x20]  }
0x4dc: {  	v11 =	vld [tilespmem:s15+$0x30]  }
0x4dd: {  	v12 =	vld [tilespmem:s15+$0x40]  }
0x4de: {  	v13 =	vld [tilespmem:s15+$0x50]  }
0x4df: {  	v14 =	vld [tilespmem:s15+$0x60]  }
0x4e0: {  	v15 =	vld [tilespmem:s15+$0xFFFFFF80]  }
0x4e1: {  	v0 =	vld.idx.msk [tilespmem:v0+s25+$0x0], $0xffff  }
0x4e2: {  	v1 =	vld.idx.msk [tilespmem:v1+s25+$0x0], $0xffff  }
0x4e3: {  	v2 =	vld.idx.msk [tilespmem:v2+s25+$0x0], $0xffff  }
0x4e4: {  	v3 =	vld.idx.msk [tilespmem:v3+s25+$0x0], $0xffff  }
0x4e5: {  	v4 =	vld.idx.msk [tilespmem:v4+s25+$0x0], $0xffff  }
0x4e6: {  	v5 =	vld.idx.msk [tilespmem:v5+s25+$0x0], $0xffff  }
0x4e7: {  	v6 =	vld.idx.msk [tilespmem:v6+s25+$0x0], $0xffff;
	[tilespmem:s15+$0x70] =	vst v0  }
0x4e8: {  	v7 =	vld.idx.msk [tilespmem:v7+s25+$0x0], $0xffff;
	[tilespmem:s15+$0xFFFFFF90] =	vst v1  }
0x4e9: {  	v15 =	vld.idx.msk [tilespmem:v15+s25+$0x0], $0xffff;
	[tilespmem:s15+$0xFFFFFFA0] =	vst v2  }
0x4ea: {  	v8 =	vld.idx.msk [tilespmem:v8+s25+$0x0], $0xffff;
	[tilespmem:s15+$0xFFFFFFB0] =	vst v3  }
0x4eb: {  	[tilespmem:s15+$0xFFFFFFC0] =	vst v4;
	v0 =	vld.idx.msk [tilespmem:v9+s25+$0x0], $0xffff  }
0x4ec: {  	[tilespmem:s15+$0xFFFFFFD0] =	vst v5;
	v1 =	vld.idx.msk [tilespmem:v10+s25+$0x0], $0xffff  }
0x4ed: {  	[tilespmem:s15+$0xFFFFFFE0] =	vst v6;
	v2 =	vld.idx.msk [tilespmem:v11+s25+$0x0], $0xffff  }
0x4ee: {  	[tilespmem:s15+$0xFFFFFFF0] =	vst v7;
	v3 =	vld.idx.msk [tilespmem:v12+s25+$0x0], $0xffff  }
0x4ef: {  	[tilespmem:s15+$0xFFFFFF80] =	vst v15;
	v4 =	vld.idx.msk [tilespmem:v13+s25+$0x0], $0xffff  }
0x4f0: {  	s16 =	simm.s32 $0x0;
	s17 =	simm.s32 $0x18880;
	[tilespmem:s15+$0x0] =	vst v8;
	v5 =	vld.idx.msk [tilespmem:v14+s25+$0x0], $0xffff  }
.LBB2_26:
0x4f1: {  	v6 =	vld [tilespmem:s17+$0x70];
	s16 =	sadd.s32 $0x10, s16;
	[tilespmem:s15+$0x10] =	vst v0  }
0x4f2: {  	v0 =	vld [tilespmem:s17+$0xFFFFFF90];
	p4 =	slt.u32 s16, $0x3F0;
	[tilespmem:s15+$0x20] =	vst v1  }
0x4f3: {  	v1 =	vld [tilespmem:s17+$0xFFFFFFA0];
	[tilespmem:s15+$0x30] =	vst v2  }
0x4f4: {  	v2 =	vld [tilespmem:s17+$0xFFFFFFB0];
	[tilespmem:s15+$0x40] =	vst v3  }
0x4f5: {  	v3 =	vld [tilespmem:s17+$0xFFFFFFC0];
	[tilespmem:s15+$0x50] =	vst v4  }
0x4f6: {  	v4 =	vld [tilespmem:s17+$0xFFFFFFD0];
	[tilespmem:s15+$0x60] =	vst v5;
	s15 =	smov.u32 s17  }
0x4f7: {  	v5 =	vld [tilespmem:s17+$0xFFFFFFE0]  }
0x4f8: {  	v7 =	vld [tilespmem:s17+$0xFFFFFFF0]  }
0x4f9: {  	v6 =	vld.idx.msk [tilespmem:v6+s25+$0x0], $0xffff  }
0x4fa: {  	v8 =	vld [tilespmem:s17+$0x0]  }
0x4fb: {  	v9 =	vld [tilespmem:s17+$0x10]  }
0x4fc: {  	v10 =	vld [tilespmem:s17+$0x20]  }
0x4fd: {  	v11 =	vld [tilespmem:s17+$0x30]  }
0x4fe: {  	v12 =	vld [tilespmem:s17+$0x40]  }
0x4ff: {  	v13 =	vld [tilespmem:s17+$0x50];
	[tilespmem:s17+$0x70] =	vst v6  }
0x500: {  	v6 =	vld [tilespmem:s17+$0x60]  }
0x501: {  	v14 =	vld [tilespmem:s17+$0xFFFFFF80]  }
0x502: {  	v0 =	vld.idx.msk [tilespmem:v0+s25+$0x0], $0xffff  }
0x503: {  	v1 =	vld.idx.msk [tilespmem:v1+s25+$0x0], $0xffff  }
0x504: {  	v2 =	vld.idx.msk [tilespmem:v2+s25+$0x0], $0xffff  }
0x505: {  	v3 =	vld.idx.msk [tilespmem:v3+s25+$0x0], $0xffff  }
0x506: {  	v4 =	vld.idx.msk [tilespmem:v4+s25+$0x0], $0xffff  }
0x507: {  	v5 =	vld.idx.msk [tilespmem:v5+s25+$0x0], $0xffff  }
0x508: {  	[tilespmem:s17+$0xFFFFFF90] =	vst v0;
	v7 =	vld.idx.msk [tilespmem:v7+s25+$0x0], $0xffff  }
0x509: {  	v14 =	vld.idx.msk [tilespmem:v14+s25+$0x0], $0xffff;
	[tilespmem:s17+$0xFFFFFFA0] =	vst v1  }
0x50a: {  	[tilespmem:s17+$0xFFFFFFB0] =	vst v2;
	v8 =	vld.idx.msk [tilespmem:v8+s25+$0x0], $0xffff  }
0x50b: {  	[tilespmem:s17+$0xFFFFFFC0] =	vst v3;
	v0 =	vld.idx.msk [tilespmem:v9+s25+$0x0], $0xffff  }
.Ltmp12:
0x50c: {  	[tilespmem:s17+$0xFFFFFFD0] =	vst v4;
	v1 =	vld.idx.msk [tilespmem:v10+s25+$0x0], $0xffff;
	(pc) =	sbr.rel @p4 .LBB2_26-.Ltmp12, $4  }
0x50d: {  	[tilespmem:s17+$0xFFFFFFE0] =	vst v5;
	v2 =	vld.idx.msk [tilespmem:v11+s25+$0x0], $0xffff  }
0x50e: {  	[tilespmem:s17+$0xFFFFFFF0] =	vst v7;
	v3 =	vld.idx.msk [tilespmem:v12+s25+$0x0], $0xffff  }
0x50f: {  	[tilespmem:s17+$0xFFFFFF80] =	vst v14;
	v4 =	vld.idx.msk [tilespmem:v13+s25+$0x0], $0xffff  }
0x510: {  	s17 =	sadd.s32 $0x100, s17;
	[tilespmem:s15+$0x0] =	vst v8;
	v5 =	vld.idx.msk [tilespmem:v6+s25+$0x0], $0xffff  }
0x511: {  	[tilespmem:s15+$0x10] =	vst v0  }
0x512: {  	[tilespmem:s15+$0x20] =	vst v1  }
0x513: {  	[tilespmem:s15+$0x30] =	vst v2  }
0x514: {  	[tilespmem:s15+$0x40] =	vst v3  }
0x515: {  	[tilespmem:s15+$0x50] =	vst v4  }
0x516: {  	[tilespmem:s15+$0x60] =	vst v5  }
0x517: {  	s15 =	sld [smem:$0x7F3]  }
0x518: {  	s19 =	sld [smem:$0x7CB];
	_ =	sdelay $0x1  }
0x519: {  	[hbm4b:s15+s24] =	stream.strided.scatter [tilespmem:s0], [sflag:$0x1], $0x4000, s26, s24, $0x38;
	[tilespmem:$0x1CF00] =	vst v63  }
0x51a: {  	s20 =	sld [smem:$0x7DA];
	p4 =	seq.s32 s19, $0x1  }
0x51b: {  	s15 =	sshrl.u32 @!p4 s28, $0x3;
	s16 =	simm.s32 @!p4 $0x1  }
0x51c: {  	s17 =	simm.s32 @!p4 $0x20;
	s18 =	simm.s32 @!p4 $0x80;
	s19 =	simm.s32 @!p4 $0x1F43  }
0x51d: {  	[spmem:s15@s17], [sflag:s19] =	dma.strided @!p4 [hbm:s20@s18], $0x800, s16, $0x10   }
0x51e: {  	s15 =	simm.s32 @!p4 $0x3  }
0x51f: {  	_ =	swait.ge @!p4 [sflag:s15], $0x800  }
0x520: {  	[sflag:s15] =	ssyncset.done @!p4 $0x0  }
0x521: {  	s20 =	rddreg [dreg:$0x12];
	[sflag:s15] =	ssyncadd.s32 @!p4 $0xFFFFF800  }
0x522: {  	[tilespmem:s25], [sflag:$0x2] =	stream.strided.gather [hbm4b:s20+s24], $0x18700, s26, s24, $0x38;
	[tilespmem:$0x1CF00] =	vst v63  }
0x523: {  	_ =	swait.ge [sflag:s2], $0x4000  }
0x524: {  	[sflag:s2] =	ssyncset.done $0x0  }
0x525: {  	[sflag:s2] =	ssyncadd.s32 $0xFFFFC000  }
0x526: {  	[bflag:$0x0] =	sbarrier.arrive $0xFFFF  }
0x527: {  	[tilespmem:s0], [sflag:$0x3] =	stream.strided.gather [spmem:s28], $0x4000, s29, s24, $0x38;
	[tilespmem:$0x1CF00] =	vst v63  }
0x528: {  	_ =	swait.ge [sflag:s31], $0x4000  }
0x529: {  	[sflag:s31] =	ssyncset.done $0x0  }
0x52a: {  	[sflag:s31] =	ssyncadd.s32 $0xFFFFC000  }
0x52b: {  	_ =	swait.ge [sflag:s3], $0x18700  }
0x52c: {  	[sflag:s3] =	ssyncset.done $0x0  }
0x52d: {  	s15 =	simm.s32 $0x18780;
	[sflag:s3] =	ssyncadd.s32 $0xFFFE7900  }
0x52e: {  	v0 =	vld [tilespmem:s15+$0x70]  }
0x52f: {  	v1 =	vld [tilespmem:s15+$0xFFFFFF90]  }
0x530: {  	v2 =	vld [tilespmem:s15+$0xFFFFFFA0]  }
0x531: {  	v3 =	vld [tilespmem:s15+$0xFFFFFFB0]  }
0x532: {  	v4 =	vld [tilespmem:s15+$0xFFFFFFC0]  }
0x533: {  	v5 =	vld [tilespmem:s15+$0xFFFFFFD0]  }
0x534: {  	v6 =	vld [tilespmem:s15+$0xFFFFFFE0]  }
0x535: {  	v7 =	vld [tilespmem:s15+$0xFFFFFFF0]  }
0x536: {  	v8 =	vld [tilespmem:s15+$0x0]  }
0x537: {  	v9 =	vld [tilespmem:s15+$0x10]  }
0x538: {  	v10 =	vld [tilespmem:s15+$0x20]  }
0x539: {  	v11 =	vld [tilespmem:s15+$0x30]  }
0x53a: {  	v12 =	vld [tilespmem:s15+$0x40]  }
0x53b: {  	v13 =	vld [tilespmem:s15+$0x50]  }
0x53c: {  	v14 =	vld [tilespmem:s15+$0x60]  }
0x53d: {  	v15 =	vld [tilespmem:s15+$0xFFFFFF80]  }
0x53e: {  	v0 =	vld.idx.msk [tilespmem:v0+s25+$0x0], $0xffff  }
0x53f: {  	v1 =	vld.idx.msk [tilespmem:v1+s25+$0x0], $0xffff  }
0x540: {  	v2 =	vld.idx.msk [tilespmem:v2+s25+$0x0], $0xffff  }
0x541: {  	v3 =	vld.idx.msk [tilespmem:v3+s25+$0x0], $0xffff  }
0x542: {  	v4 =	vld.idx.msk [tilespmem:v4+s25+$0x0], $0xffff  }
0x543: {  	v5 =	vld.idx.msk [tilespmem:v5+s25+$0x0], $0xffff  }
0x544: {  	v6 =	vld.idx.msk [tilespmem:v6+s25+$0x0], $0xffff;
	[tilespmem:s15+$0x70] =	vst v0  }
0x545: {  	v7 =	vld.idx.msk [tilespmem:v7+s25+$0x0], $0xffff;
	[tilespmem:s15+$0xFFFFFF90] =	vst v1  }
0x546: {  	v15 =	vld.idx.msk [tilespmem:v15+s25+$0x0], $0xffff;
	[tilespmem:s15+$0xFFFFFFA0] =	vst v2  }
0x547: {  	v8 =	vld.idx.msk [tilespmem:v8+s25+$0x0], $0xffff;
	[tilespmem:s15+$0xFFFFFFB0] =	vst v3  }
0x548: {  	[tilespmem:s15+$0xFFFFFFC0] =	vst v4;
	v0 =	vld.idx.msk [tilespmem:v9+s25+$0x0], $0xffff  }
0x549: {  	[tilespmem:s15+$0xFFFFFFD0] =	vst v5;
	v1 =	vld.idx.msk [tilespmem:v10+s25+$0x0], $0xffff  }
0x54a: {  	[tilespmem:s15+$0xFFFFFFE0] =	vst v6;
	v2 =	vld.idx.msk [tilespmem:v11+s25+$0x0], $0xffff  }
0x54b: {  	[tilespmem:s15+$0xFFFFFFF0] =	vst v7;
	v3 =	vld.idx.msk [tilespmem:v12+s25+$0x0], $0xffff  }
0x54c: {  	[tilespmem:s15+$0xFFFFFF80] =	vst v15;
	v4 =	vld.idx.msk [tilespmem:v13+s25+$0x0], $0xffff  }
0x54d: {  	s16 =	simm.s32 $0x0;
	s17 =	simm.s32 $0x18880;
	[tilespmem:s15+$0x0] =	vst v8;
	v5 =	vld.idx.msk [tilespmem:v14+s25+$0x0], $0xffff  }
.LBB2_28:
0x54e: {  	v6 =	vld [tilespmem:s17+$0x70];
	s16 =	sadd.s32 $0x10, s16;
	[tilespmem:s15+$0x10] =	vst v0  }
0x54f: {  	v0 =	vld [tilespmem:s17+$0xFFFFFF90];
	p4 =	slt.u32 s16, $0x3F0;
	[tilespmem:s15+$0x20] =	vst v1  }
0x550: {  	v1 =	vld [tilespmem:s17+$0xFFFFFFA0];
	[tilespmem:s15+$0x30] =	vst v2  }
0x551: {  	v2 =	vld [tilespmem:s17+$0xFFFFFFB0];
	[tilespmem:s15+$0x40] =	vst v3  }
0x552: {  	v3 =	vld [tilespmem:s17+$0xFFFFFFC0];
	[tilespmem:s15+$0x50] =	vst v4  }
0x553: {  	v4 =	vld [tilespmem:s17+$0xFFFFFFD0];
	[tilespmem:s15+$0x60] =	vst v5;
	s15 =	smov.u32 s17  }
0x554: {  	v5 =	vld [tilespmem:s17+$0xFFFFFFE0]  }
0x555: {  	v7 =	vld [tilespmem:s17+$0xFFFFFFF0]  }
0x556: {  	v6 =	vld.idx.msk [tilespmem:v6+s25+$0x0], $0xffff  }
0x557: {  	v8 =	vld [tilespmem:s17+$0x0]  }
0x558: {  	v9 =	vld [tilespmem:s17+$0x10]  }
0x559: {  	v10 =	vld [tilespmem:s17+$0x20]  }
0x55a: {  	v11 =	vld [tilespmem:s17+$0x30]  }
0x55b: {  	v12 =	vld [tilespmem:s17+$0x40]  }
0x55c: {  	v13 =	vld [tilespmem:s17+$0x50];
	[tilespmem:s17+$0x70] =	vst v6  }
0x55d: {  	v6 =	vld [tilespmem:s17+$0x60]  }
0x55e: {  	v14 =	vld [tilespmem:s17+$0xFFFFFF80]  }
0x55f: {  	v0 =	vld.idx.msk [tilespmem:v0+s25+$0x0], $0xffff  }
0x560: {  	v1 =	vld.idx.msk [tilespmem:v1+s25+$0x0], $0xffff  }
0x561: {  	v2 =	vld.idx.msk [tilespmem:v2+s25+$0x0], $0xffff  }
0x562: {  	v3 =	vld.idx.msk [tilespmem:v3+s25+$0x0], $0xffff  }
0x563: {  	v4 =	vld.idx.msk [tilespmem:v4+s25+$0x0], $0xffff  }
0x564: {  	v5 =	vld.idx.msk [tilespmem:v5+s25+$0x0], $0xffff  }
0x565: {  	[tilespmem:s17+$0xFFFFFF90] =	vst v0;
	v7 =	vld.idx.msk [tilespmem:v7+s25+$0x0], $0xffff  }
0x566: {  	v14 =	vld.idx.msk [tilespmem:v14+s25+$0x0], $0xffff;
	[tilespmem:s17+$0xFFFFFFA0] =	vst v1  }
0x567: {  	[tilespmem:s17+$0xFFFFFFB0] =	vst v2;
	v8 =	vld.idx.msk [tilespmem:v8+s25+$0x0], $0xffff  }
0x568: {  	[tilespmem:s17+$0xFFFFFFC0] =	vst v3;
	v0 =	vld.idx.msk [tilespmem:v9+s25+$0x0], $0xffff  }
.Ltmp13:
0x569: {  	[tilespmem:s17+$0xFFFFFFD0] =	vst v4;
	v1 =	vld.idx.msk [tilespmem:v10+s25+$0x0], $0xffff;
	(pc) =	sbr.rel @p4 .LBB2_28-.Ltmp13, $4  }
0x56a: {  	[tilespmem:s17+$0xFFFFFFE0] =	vst v5;
	v2 =	vld.idx.msk [tilespmem:v11+s25+$0x0], $0xffff  }
0x56b: {  	[tilespmem:s17+$0xFFFFFFF0] =	vst v7;
	v3 =	vld.idx.msk [tilespmem:v12+s25+$0x0], $0xffff  }
0x56c: {  	[tilespmem:s17+$0xFFFFFF80] =	vst v14;
	v4 =	vld.idx.msk [tilespmem:v13+s25+$0x0], $0xffff  }
0x56d: {  	s17 =	sadd.s32 $0x100, s17;
	[tilespmem:s15+$0x0] =	vst v8;
	v5 =	vld.idx.msk [tilespmem:v6+s25+$0x0], $0xffff  }
0x56e: {  	[tilespmem:s15+$0x10] =	vst v0  }
0x56f: {  	[tilespmem:s15+$0x20] =	vst v1  }
0x570: {  	[tilespmem:s15+$0x30] =	vst v2  }
0x571: {  	[tilespmem:s15+$0x40] =	vst v3  }
0x572: {  	[tilespmem:s15+$0x50] =	vst v4  }
0x573: {  	[tilespmem:s15+$0x60] =	vst v5  }
0x574: {  	s15 =	sld [smem:$0x7F4]  }
0x575: {  	s19 =	sld [smem:$0x7CC];
	_ =	sdelay $0x1  }
0x576: {  	[hbm4b:s15+s24] =	stream.strided.scatter [tilespmem:s0], [sflag:$0x1], $0x4000, s26, s24, $0x38;
	[tilespmem:$0x1CF00] =	vst v63  }
0x577: {  	s20 =	sld [smem:$0x7DB];
	p4 =	seq.s32 s19, $0x1  }
0x578: {  	s15 =	sshrl.u32 @!p4 s30, $0x3;
	s16 =	simm.s32 @!p4 $0x1  }
0x579: {  	s17 =	simm.s32 @!p4 $0x20;
	s18 =	simm.s32 @!p4 $0x80;
	s19 =	simm.s32 @!p4 $0x1F83  }
0x57a: {  	[spmem:s15@s17], [sflag:s19] =	dma.strided @!p4 [hbm:s20@s18], $0x800, s16, $0x10   }
0x57b: {  	s15 =	simm.s32 @!p4 $0x3  }
0x57c: {  	_ =	swait.ge @!p4 [sflag:s15], $0x800  }
0x57d: {  	[sflag:s15] =	ssyncset.done @!p4 $0x0  }
0x57e: {  	s20 =	rddreg [dreg:$0x13];
	[sflag:s15] =	ssyncadd.s32 @!p4 $0xFFFFF800  }
0x57f: {  	[tilespmem:s25], [sflag:$0x2] =	stream.strided.gather [hbm4b:s20+s24], $0x18700, s26, s24, $0x38;
	[tilespmem:$0x1CF00] =	vst v63  }
0x580: {  	_ =	swait.ge [sflag:s2], $0x4000  }
0x581: {  	[sflag:s2] =	ssyncset.done $0x0  }
0x582: {  	[sflag:s2] =	ssyncadd.s32 $0xFFFFC000  }
0x583: {  	[bflag:$0x0] =	sbarrier.arrive $0xFFFF  }
0x584: {  	[tilespmem:s0], [sflag:$0x3] =	stream.strided.gather [spmem:s30], $0x4000, s29, s24, $0x38;
	[tilespmem:$0x1CF00] =	vst v63  }
0x585: {  	_ =	swait.ge [sflag:s31], $0x4000  }
0x586: {  	[sflag:s31] =	ssyncset.done $0x0  }
0x587: {  	[sflag:s31] =	ssyncadd.s32 $0xFFFFC000  }
0x588: {  	_ =	swait.ge [sflag:s3], $0x18700  }
0x589: {  	[sflag:s3] =	ssyncset.done $0x0  }
0x58a: {  	s15 =	simm.s32 $0x18780;
	[sflag:s3] =	ssyncadd.s32 $0xFFFE7900  }
0x58b: {  	v0 =	vld [tilespmem:s15+$0x70]  }
0x58c: {  	v1 =	vld [tilespmem:s15+$0xFFFFFF90]  }
0x58d: {  	v2 =	vld [tilespmem:s15+$0xFFFFFFA0]  }
0x58e: {  	v3 =	vld [tilespmem:s15+$0xFFFFFFB0]  }
0x58f: {  	v4 =	vld [tilespmem:s15+$0xFFFFFFC0]  }
0x590: {  	v5 =	vld [tilespmem:s15+$0xFFFFFFD0]  }
0x591: {  	v6 =	vld [tilespmem:s15+$0xFFFFFFE0]  }
0x592: {  	v7 =	vld [tilespmem:s15+$0xFFFFFFF0]  }
0x593: {  	v8 =	vld [tilespmem:s15+$0x0]  }
0x594: {  	v9 =	vld [tilespmem:s15+$0x10]  }
0x595: {  	v10 =	vld [tilespmem:s15+$0x20]  }
0x596: {  	v11 =	vld [tilespmem:s15+$0x30]  }
0x597: {  	v12 =	vld [tilespmem:s15+$0x40]  }
0x598: {  	v13 =	vld [tilespmem:s15+$0x50]  }
0x599: {  	v14 =	vld [tilespmem:s15+$0x60]  }
0x59a: {  	v15 =	vld [tilespmem:s15+$0xFFFFFF80]  }
0x59b: {  	v0 =	vld.idx.msk [tilespmem:v0+s25+$0x0], $0xffff  }
0x59c: {  	v1 =	vld.idx.msk [tilespmem:v1+s25+$0x0], $0xffff  }
0x59d: {  	v2 =	vld.idx.msk [tilespmem:v2+s25+$0x0], $0xffff  }
0x59e: {  	v3 =	vld.idx.msk [tilespmem:v3+s25+$0x0], $0xffff  }
0x59f: {  	v4 =	vld.idx.msk [tilespmem:v4+s25+$0x0], $0xffff  }
0x5a0: {  	v5 =	vld.idx.msk [tilespmem:v5+s25+$0x0], $0xffff  }
0x5a1: {  	v6 =	vld.idx.msk [tilespmem:v6+s25+$0x0], $0xffff;
	[tilespmem:s15+$0x70] =	vst v0  }
0x5a2: {  	v7 =	vld.idx.msk [tilespmem:v7+s25+$0x0], $0xffff;
	[tilespmem:s15+$0xFFFFFF90] =	vst v1  }
0x5a3: {  	v15 =	vld.idx.msk [tilespmem:v15+s25+$0x0], $0xffff;
	[tilespmem:s15+$0xFFFFFFA0] =	vst v2  }
0x5a4: {  	v8 =	vld.idx.msk [tilespmem:v8+s25+$0x0], $0xffff;
	[tilespmem:s15+$0xFFFFFFB0] =	vst v3  }
0x5a5: {  	[tilespmem:s15+$0xFFFFFFC0] =	vst v4;
	v0 =	vld.idx.msk [tilespmem:v9+s25+$0x0], $0xffff  }
0x5a6: {  	[tilespmem:s15+$0xFFFFFFD0] =	vst v5;
	v1 =	vld.idx.msk [tilespmem:v10+s25+$0x0], $0xffff  }
0x5a7: {  	[tilespmem:s15+$0xFFFFFFE0] =	vst v6;
	v2 =	vld.idx.msk [tilespmem:v11+s25+$0x0], $0xffff  }
0x5a8: {  	[tilespmem:s15+$0xFFFFFFF0] =	vst v7;
	v3 =	vld.idx.msk [tilespmem:v12+s25+$0x0], $0xffff  }
0x5a9: {  	[tilespmem:s15+$0xFFFFFF80] =	vst v15;
	v4 =	vld.idx.msk [tilespmem:v13+s25+$0x0], $0xffff  }
0x5aa: {  	s16 =	simm.s32 $0x0;
	s17 =	simm.s32 $0x18880;
	[tilespmem:s15+$0x0] =	vst v8;
	v5 =	vld.idx.msk [tilespmem:v14+s25+$0x0], $0xffff  }
.LBB2_30:
0x5ab: {  	v6 =	vld [tilespmem:s17+$0x70];
	s16 =	sadd.s32 $0x10, s16;
	[tilespmem:s15+$0x10] =	vst v0  }
0x5ac: {  	v0 =	vld [tilespmem:s17+$0xFFFFFF90];
	p4 =	slt.u32 s16, $0x3F0;
	[tilespmem:s15+$0x20] =	vst v1  }
0x5ad: {  	v1 =	vld [tilespmem:s17+$0xFFFFFFA0];
	[tilespmem:s15+$0x30] =	vst v2  }
0x5ae: {  	v2 =	vld [tilespmem:s17+$0xFFFFFFB0];
	[tilespmem:s15+$0x40] =	vst v3  }
0x5af: {  	v3 =	vld [tilespmem:s17+$0xFFFFFFC0];
	[tilespmem:s15+$0x50] =	vst v4  }
0x5b0: {  	v4 =	vld [tilespmem:s17+$0xFFFFFFD0];
	[tilespmem:s15+$0x60] =	vst v5;
	s15 =	smov.u32 s17  }
0x5b1: {  	v5 =	vld [tilespmem:s17+$0xFFFFFFE0]  }
0x5b2: {  	v7 =	vld [tilespmem:s17+$0xFFFFFFF0]  }
0x5b3: {  	v6 =	vld.idx.msk [tilespmem:v6+s25+$0x0], $0xffff  }
0x5b4: {  	v8 =	vld [tilespmem:s17+$0x0]  }
0x5b5: {  	v9 =	vld [tilespmem:s17+$0x10]  }
0x5b6: {  	v10 =	vld [tilespmem:s17+$0x20]  }
0x5b7: {  	v11 =	vld [tilespmem:s17+$0x30]  }
0x5b8: {  	v12 =	vld [tilespmem:s17+$0x40]  }
0x5b9: {  	v13 =	vld [tilespmem:s17+$0x50];
	[tilespmem:s17+$0x70] =	vst v6  }
0x5ba: {  	v6 =	vld [tilespmem:s17+$0x60]  }
0x5bb: {  	v14 =	vld [tilespmem:s17+$0xFFFFFF80]  }
0x5bc: {  	v0 =	vld.idx.msk [tilespmem:v0+s25+$0x0], $0xffff  }
0x5bd: {  	v1 =	vld.idx.msk [tilespmem:v1+s25+$0x0], $0xffff  }
0x5be: {  	v2 =	vld.idx.msk [tilespmem:v2+s25+$0x0], $0xffff  }
0x5bf: {  	v3 =	vld.idx.msk [tilespmem:v3+s25+$0x0], $0xffff  }
0x5c0: {  	v4 =	vld.idx.msk [tilespmem:v4+s25+$0x0], $0xffff  }
0x5c1: {  	v5 =	vld.idx.msk [tilespmem:v5+s25+$0x0], $0xffff  }
0x5c2: {  	[tilespmem:s17+$0xFFFFFF90] =	vst v0;
	v7 =	vld.idx.msk [tilespmem:v7+s25+$0x0], $0xffff  }
0x5c3: {  	v14 =	vld.idx.msk [tilespmem:v14+s25+$0x0], $0xffff;
	[tilespmem:s17+$0xFFFFFFA0] =	vst v1  }
0x5c4: {  	[tilespmem:s17+$0xFFFFFFB0] =	vst v2;
	v8 =	vld.idx.msk [tilespmem:v8+s25+$0x0], $0xffff  }
0x5c5: {  	[tilespmem:s17+$0xFFFFFFC0] =	vst v3;
	v0 =	vld.idx.msk [tilespmem:v9+s25+$0x0], $0xffff  }
.Ltmp14:
0x5c6: {  	[tilespmem:s17+$0xFFFFFFD0] =	vst v4;
	v1 =	vld.idx.msk [tilespmem:v10+s25+$0x0], $0xffff;
	(pc) =	sbr.rel @p4 .LBB2_30-.Ltmp14, $4  }
0x5c7: {  	[tilespmem:s17+$0xFFFFFFE0] =	vst v5;
	v2 =	vld.idx.msk [tilespmem:v11+s25+$0x0], $0xffff  }
0x5c8: {  	[tilespmem:s17+$0xFFFFFFF0] =	vst v7;
	v3 =	vld.idx.msk [tilespmem:v12+s25+$0x0], $0xffff  }
0x5c9: {  	[tilespmem:s17+$0xFFFFFF80] =	vst v14;
	v4 =	vld.idx.msk [tilespmem:v13+s25+$0x0], $0xffff  }
0x5ca: {  	s17 =	sadd.s32 $0x100, s17;
	[tilespmem:s15+$0x0] =	vst v8;
	v5 =	vld.idx.msk [tilespmem:v6+s25+$0x0], $0xffff  }
0x5cb: {  	[tilespmem:s15+$0x10] =	vst v0  }
0x5cc: {  	[tilespmem:s15+$0x20] =	vst v1  }
0x5cd: {  	[tilespmem:s15+$0x30] =	vst v2  }
0x5ce: {  	[tilespmem:s15+$0x40] =	vst v3  }
0x5cf: {  	[tilespmem:s15+$0x50] =	vst v4  }
0x5d0: {  	[tilespmem:s15+$0x60] =	vst v5  }
0x5d1: {  	s15 =	sld [smem:$0x7F5]  }
0x5d2: {  	s19 =	sld [smem:$0x7CD];
	_ =	sdelay $0x1  }
0x5d3: {  	[hbm4b:s15+s24] =	stream.strided.scatter [tilespmem:s0], [sflag:$0x1], $0x4000, s26, s24, $0x38;
	[tilespmem:$0x1CF00] =	vst v63  }
0x5d4: {  	s20 =	sld [smem:$0x7DC];
	p4 =	seq.s32 s19, $0x1  }
0x5d5: {  	s15 =	sshrl.u32 @!p4 s28, $0x3;
	s16 =	simm.s32 @!p4 $0x1  }
0x5d6: {  	s17 =	simm.s32 @!p4 $0x20;
	s18 =	simm.s32 @!p4 $0x80;
	s19 =	simm.s32 @!p4 $0x1FC3  }
0x5d7: {  	[spmem:s15@s17], [sflag:s19] =	dma.strided @!p4 [hbm:s20@s18], $0x800, s16, $0x10   }
0x5d8: {  	s15 =	simm.s32 @!p4 $0x3  }
0x5d9: {  	_ =	swait.ge @!p4 [sflag:s15], $0x800  }
0x5da: {  	[sflag:s15] =	ssyncset.done @!p4 $0x0  }
0x5db: {  	s20 =	rddreg [dreg:$0x14];
	[sflag:s15] =	ssyncadd.s32 @!p4 $0xFFFFF800  }
0x5dc: {  	[tilespmem:s25], [sflag:$0x2] =	stream.strided.gather [hbm4b:s20+s24], $0x18700, s26, s24, $0x38;
	[tilespmem:$0x1CF00] =	vst v63  }
0x5dd: {  	_ =	swait.ge [sflag:s2], $0x4000  }
0x5de: {  	[sflag:s2] =	ssyncset.done $0x0  }
0x5df: {  	[sflag:s2] =	ssyncadd.s32 $0xFFFFC000  }
0x5e0: {  	[bflag:$0x0] =	sbarrier.arrive $0xFFFF  }
0x5e1: {  	[tilespmem:s0], [sflag:$0x3] =	stream.strided.gather [spmem:s28], $0x4000, s29, s24, $0x38;
	[tilespmem:$0x1CF00] =	vst v63  }
0x5e2: {  	_ =	swait.ge [sflag:s31], $0x4000  }
0x5e3: {  	[sflag:s31] =	ssyncset.done $0x0  }
0x5e4: {  	[sflag:s31] =	ssyncadd.s32 $0xFFFFC000  }
0x5e5: {  	_ =	swait.ge [sflag:s3], $0x18700  }
0x5e6: {  	[sflag:s3] =	ssyncset.done $0x0  }
0x5e7: {  	s15 =	simm.s32 $0x18780;
	[sflag:s3] =	ssyncadd.s32 $0xFFFE7900  }
0x5e8: {  	v0 =	vld [tilespmem:s15+$0x70]  }
0x5e9: {  	v1 =	vld [tilespmem:s15+$0xFFFFFF90]  }
0x5ea: {  	v2 =	vld [tilespmem:s15+$0xFFFFFFA0]  }
0x5eb: {  	v3 =	vld [tilespmem:s15+$0xFFFFFFB0]  }
0x5ec: {  	v4 =	vld [tilespmem:s15+$0xFFFFFFC0]  }
0x5ed: {  	v5 =	vld [tilespmem:s15+$0xFFFFFFD0]  }
0x5ee: {  	v6 =	vld [tilespmem:s15+$0xFFFFFFE0]  }
0x5ef: {  	v7 =	vld [tilespmem:s15+$0xFFFFFFF0]  }
0x5f0: {  	v8 =	vld [tilespmem:s15+$0x0]  }
0x5f1: {  	v9 =	vld [tilespmem:s15+$0x10]  }
0x5f2: {  	v10 =	vld [tilespmem:s15+$0x20]  }
0x5f3: {  	v11 =	vld [tilespmem:s15+$0x30]  }
0x5f4: {  	v12 =	vld [tilespmem:s15+$0x40]  }
0x5f5: {  	v13 =	vld [tilespmem:s15+$0x50]  }
0x5f6: {  	v14 =	vld [tilespmem:s15+$0x60]  }
0x5f7: {  	v15 =	vld [tilespmem:s15+$0xFFFFFF80]  }
0x5f8: {  	v0 =	vld.idx.msk [tilespmem:v0+s25+$0x0], $0xffff  }
0x5f9: {  	v1 =	vld.idx.msk [tilespmem:v1+s25+$0x0], $0xffff  }
0x5fa: {  	v2 =	vld.idx.msk [tilespmem:v2+s25+$0x0], $0xffff  }
0x5fb: {  	v3 =	vld.idx.msk [tilespmem:v3+s25+$0x0], $0xffff  }
0x5fc: {  	v4 =	vld.idx.msk [tilespmem:v4+s25+$0x0], $0xffff  }
0x5fd: {  	v5 =	vld.idx.msk [tilespmem:v5+s25+$0x0], $0xffff  }
0x5fe: {  	v6 =	vld.idx.msk [tilespmem:v6+s25+$0x0], $0xffff;
	[tilespmem:s15+$0x70] =	vst v0  }
0x5ff: {  	v7 =	vld.idx.msk [tilespmem:v7+s25+$0x0], $0xffff;
	[tilespmem:s15+$0xFFFFFF90] =	vst v1  }
0x600: {  	v15 =	vld.idx.msk [tilespmem:v15+s25+$0x0], $0xffff;
	[tilespmem:s15+$0xFFFFFFA0] =	vst v2  }
0x601: {  	v8 =	vld.idx.msk [tilespmem:v8+s25+$0x0], $0xffff;
	[tilespmem:s15+$0xFFFFFFB0] =	vst v3  }
0x602: {  	[tilespmem:s15+$0xFFFFFFC0] =	vst v4;
	v0 =	vld.idx.msk [tilespmem:v9+s25+$0x0], $0xffff  }
0x603: {  	[tilespmem:s15+$0xFFFFFFD0] =	vst v5;
	v1 =	vld.idx.msk [tilespmem:v10+s25+$0x0], $0xffff  }
0x604: {  	[tilespmem:s15+$0xFFFFFFE0] =	vst v6;
	v2 =	vld.idx.msk [tilespmem:v11+s25+$0x0], $0xffff  }
0x605: {  	[tilespmem:s15+$0xFFFFFFF0] =	vst v7;
	v3 =	vld.idx.msk [tilespmem:v12+s25+$0x0], $0xffff  }
0x606: {  	[tilespmem:s15+$0xFFFFFF80] =	vst v15;
	v4 =	vld.idx.msk [tilespmem:v13+s25+$0x0], $0xffff  }
0x607: {  	s16 =	simm.s32 $0x0;
	s17 =	simm.s32 $0x18880;
	[tilespmem:s15+$0x0] =	vst v8;
	v5 =	vld.idx.msk [tilespmem:v14+s25+$0x0], $0xffff  }
.LBB2_32:
0x608: {  	v6 =	vld [tilespmem:s17+$0x70];
	s16 =	sadd.s32 $0x10, s16;
	[tilespmem:s15+$0x10] =	vst v0  }
0x609: {  	v0 =	vld [tilespmem:s17+$0xFFFFFF90];
	p4 =	slt.u32 s16, $0x3F0;
	[tilespmem:s15+$0x20] =	vst v1  }
0x60a: {  	v1 =	vld [tilespmem:s17+$0xFFFFFFA0];
	[tilespmem:s15+$0x30] =	vst v2  }
0x60b: {  	v2 =	vld [tilespmem:s17+$0xFFFFFFB0];
	[tilespmem:s15+$0x40] =	vst v3  }
0x60c: {  	v3 =	vld [tilespmem:s17+$0xFFFFFFC0];
	[tilespmem:s15+$0x50] =	vst v4  }
0x60d: {  	v4 =	vld [tilespmem:s17+$0xFFFFFFD0];
	[tilespmem:s15+$0x60] =	vst v5;
	s15 =	smov.u32 s17  }
0x60e: {  	v5 =	vld [tilespmem:s17+$0xFFFFFFE0]  }
0x60f: {  	v7 =	vld [tilespmem:s17+$0xFFFFFFF0]  }
0x610: {  	v6 =	vld.idx.msk [tilespmem:v6+s25+$0x0], $0xffff  }
0x611: {  	v8 =	vld [tilespmem:s17+$0x0]  }
0x612: {  	v9 =	vld [tilespmem:s17+$0x10]  }
0x613: {  	v10 =	vld [tilespmem:s17+$0x20]  }
0x614: {  	v11 =	vld [tilespmem:s17+$0x30]  }
0x615: {  	v12 =	vld [tilespmem:s17+$0x40]  }
0x616: {  	v13 =	vld [tilespmem:s17+$0x50];
	[tilespmem:s17+$0x70] =	vst v6  }
0x617: {  	v6 =	vld [tilespmem:s17+$0x60]  }
0x618: {  	v14 =	vld [tilespmem:s17+$0xFFFFFF80]  }
0x619: {  	v0 =	vld.idx.msk [tilespmem:v0+s25+$0x0], $0xffff  }
0x61a: {  	v1 =	vld.idx.msk [tilespmem:v1+s25+$0x0], $0xffff  }
0x61b: {  	v2 =	vld.idx.msk [tilespmem:v2+s25+$0x0], $0xffff  }
0x61c: {  	v3 =	vld.idx.msk [tilespmem:v3+s25+$0x0], $0xffff  }
0x61d: {  	v4 =	vld.idx.msk [tilespmem:v4+s25+$0x0], $0xffff  }
0x61e: {  	v5 =	vld.idx.msk [tilespmem:v5+s25+$0x0], $0xffff  }
0x61f: {  	[tilespmem:s17+$0xFFFFFF90] =	vst v0;
	v7 =	vld.idx.msk [tilespmem:v7+s25+$0x0], $0xffff  }
0x620: {  	v14 =	vld.idx.msk [tilespmem:v14+s25+$0x0], $0xffff;
	[tilespmem:s17+$0xFFFFFFA0] =	vst v1  }
0x621: {  	[tilespmem:s17+$0xFFFFFFB0] =	vst v2;
	v8 =	vld.idx.msk [tilespmem:v8+s25+$0x0], $0xffff  }
0x622: {  	[tilespmem:s17+$0xFFFFFFC0] =	vst v3;
	v0 =	vld.idx.msk [tilespmem:v9+s25+$0x0], $0xffff  }
.Ltmp15:
0x623: {  	[tilespmem:s17+$0xFFFFFFD0] =	vst v4;
	v1 =	vld.idx.msk [tilespmem:v10+s25+$0x0], $0xffff;
	(pc) =	sbr.rel @p4 .LBB2_32-.Ltmp15, $4  }
0x624: {  	[tilespmem:s17+$0xFFFFFFE0] =	vst v5;
	v2 =	vld.idx.msk [tilespmem:v11+s25+$0x0], $0xffff  }
0x625: {  	[tilespmem:s17+$0xFFFFFFF0] =	vst v7;
	v3 =	vld.idx.msk [tilespmem:v12+s25+$0x0], $0xffff  }
0x626: {  	[tilespmem:s17+$0xFFFFFF80] =	vst v14;
	v4 =	vld.idx.msk [tilespmem:v13+s25+$0x0], $0xffff  }
0x627: {  	s17 =	sadd.s32 $0x100, s17;
	[tilespmem:s15+$0x0] =	vst v8;
	v5 =	vld.idx.msk [tilespmem:v6+s25+$0x0], $0xffff  }
0x628: {  	[tilespmem:s15+$0x10] =	vst v0  }
0x629: {  	[tilespmem:s15+$0x20] =	vst v1  }
0x62a: {  	[tilespmem:s15+$0x30] =	vst v2  }
0x62b: {  	[tilespmem:s15+$0x40] =	vst v3  }
0x62c: {  	[tilespmem:s15+$0x50] =	vst v4  }
0x62d: {  	[tilespmem:s15+$0x60] =	vst v5  }
0x62e: {  	s15 =	sld [smem:$0x7F6];
	_ =	sdelay $0x1  }
0x62f: {  	s16 =	simm.s32 @!p0 $0x20;
	s19 =	sld [smem:$0x7DD]  }
0x630: {  	[hbm4b:s15+s24] =	stream.strided.scatter [tilespmem:s0], [sflag:$0x1], $0x4000, s26, s24, $0x38;
	[tilespmem:$0x1CF00] =	vst v63  }
0x631: {  	s17 =	simm.s32 @!p0 $0x80;
	s18 =	simm.s32 @!p0 $0x1C03;
	s15 =	simm.s32 @!p0 $0x1  }
0x632: {  	[spmem:s7@s16], [sflag:s18] =	dma.strided @!p0 [hbm:s19@s17], $0x800, s15, $0x10   }
0x633: {  	s7 =	simm.s32 @!p0 $0x3  }
0x634: {  	_ =	swait.ge @!p0 [sflag:s7], $0x800  }
0x635: {  	[sflag:s7] =	ssyncset.done @!p0 $0x0  }
0x636: {  	s20 =	rddreg [dreg:$0x15];
	[sflag:s7] =	ssyncadd.s32 @!p0 $0xFFFFF800  }
0x637: {  	[tilespmem:s25], [sflag:$0x2] =	stream.strided.gather [hbm4b:s20+s24], $0x18700, s26, s24, $0x38;
	[tilespmem:$0x1CF00] =	vst v63  }
0x638: {  	_ =	swait.ge [sflag:s2], $0x4000  }
0x639: {  	[sflag:s2] =	ssyncset.done $0x0  }
0x63a: {  	[sflag:s2] =	ssyncadd.s32 $0xFFFFC000  }
0x63b: {  	[bflag:$0x0] =	sbarrier.arrive $0xFFFF  }
0x63c: {  	[tilespmem:s0], [sflag:$0x3] =	stream.strided.gather [spmem:s30], $0x4000, s29, s24, $0x38;
	[tilespmem:$0x1CF00] =	vst v63  }
0x63d: {  	_ =	swait.ge [sflag:s31], $0x4000  }
0x63e: {  	[sflag:s31] =	ssyncset.done $0x0  }
0x63f: {  	[sflag:s31] =	ssyncadd.s32 $0xFFFFC000  }
0x640: {  	_ =	swait.ge [sflag:s3], $0x18700  }
0x641: {  	[sflag:s3] =	ssyncset.done $0x0  }
0x642: {  	s7 =	simm.s32 $0x18780;
	[sflag:s3] =	ssyncadd.s32 $0xFFFE7900  }
0x643: {  	v0 =	vld [tilespmem:s7+$0x70]  }
0x644: {  	v1 =	vld [tilespmem:s7+$0xFFFFFF90]  }
0x645: {  	v2 =	vld [tilespmem:s7+$0xFFFFFFA0]  }
0x646: {  	v3 =	vld [tilespmem:s7+$0xFFFFFFB0]  }
0x647: {  	v4 =	vld [tilespmem:s7+$0xFFFFFFC0]  }
0x648: {  	v5 =	vld [tilespmem:s7+$0xFFFFFFD0]  }
0x649: {  	v6 =	vld [tilespmem:s7+$0xFFFFFFE0]  }
0x64a: {  	v7 =	vld [tilespmem:s7+$0xFFFFFFF0]  }
0x64b: {  	v8 =	vld [tilespmem:s7+$0x0]  }
0x64c: {  	v9 =	vld [tilespmem:s7+$0x10]  }
0x64d: {  	v10 =	vld [tilespmem:s7+$0x20]  }
0x64e: {  	v11 =	vld [tilespmem:s7+$0x30]  }
0x64f: {  	v12 =	vld [tilespmem:s7+$0x40]  }
0x650: {  	v13 =	vld [tilespmem:s7+$0x50]  }
0x651: {  	v14 =	vld [tilespmem:s7+$0x60]  }
0x652: {  	v15 =	vld [tilespmem:s7+$0xFFFFFF80]  }
0x653: {  	v0 =	vld.idx.msk [tilespmem:v0+s25+$0x0], $0xffff  }
0x654: {  	v1 =	vld.idx.msk [tilespmem:v1+s25+$0x0], $0xffff  }
0x655: {  	v2 =	vld.idx.msk [tilespmem:v2+s25+$0x0], $0xffff  }
0x656: {  	v3 =	vld.idx.msk [tilespmem:v3+s25+$0x0], $0xffff  }
0x657: {  	v4 =	vld.idx.msk [tilespmem:v4+s25+$0x0], $0xffff  }
0x658: {  	v5 =	vld.idx.msk [tilespmem:v5+s25+$0x0], $0xffff  }
0x659: {  	v6 =	vld.idx.msk [tilespmem:v6+s25+$0x0], $0xffff;
	[tilespmem:s7+$0x70] =	vst v0  }
0x65a: {  	v7 =	vld.idx.msk [tilespmem:v7+s25+$0x0], $0xffff;
	[tilespmem:s7+$0xFFFFFF90] =	vst v1  }
0x65b: {  	v15 =	vld.idx.msk [tilespmem:v15+s25+$0x0], $0xffff;
	[tilespmem:s7+$0xFFFFFFA0] =	vst v2  }
0x65c: {  	v8 =	vld.idx.msk [tilespmem:v8+s25+$0x0], $0xffff;
	[tilespmem:s7+$0xFFFFFFB0] =	vst v3  }
0x65d: {  	[tilespmem:s7+$0xFFFFFFC0] =	vst v4;
	v0 =	vld.idx.msk [tilespmem:v9+s25+$0x0], $0xffff  }
0x65e: {  	[tilespmem:s7+$0xFFFFFFD0] =	vst v5;
	v1 =	vld.idx.msk [tilespmem:v10+s25+$0x0], $0xffff  }
0x65f: {  	[tilespmem:s7+$0xFFFFFFE0] =	vst v6;
	v2 =	vld.idx.msk [tilespmem:v11+s25+$0x0], $0xffff  }
0x660: {  	[tilespmem:s7+$0xFFFFFFF0] =	vst v7;
	v3 =	vld.idx.msk [tilespmem:v12+s25+$0x0], $0xffff  }
0x661: {  	[tilespmem:s7+$0xFFFFFF80] =	vst v15;
	v4 =	vld.idx.msk [tilespmem:v13+s25+$0x0], $0xffff  }
0x662: {  	s15 =	simm.s32 $0x0;
	s16 =	simm.s32 $0x18880;
	[tilespmem:s7+$0x0] =	vst v8;
	v5 =	vld.idx.msk [tilespmem:v14+s25+$0x0], $0xffff  }
.LBB2_34:
0x663: {  	v6 =	vld [tilespmem:s16+$0x70];
	s15 =	sadd.s32 $0x10, s15;
	[tilespmem:s7+$0x10] =	vst v0  }
0x664: {  	v0 =	vld [tilespmem:s16+$0xFFFFFF90];
	p4 =	slt.u32 s15, $0x3F0;
	[tilespmem:s7+$0x20] =	vst v1  }
0x665: {  	v1 =	vld [tilespmem:s16+$0xFFFFFFA0];
	[tilespmem:s7+$0x30] =	vst v2  }
0x666: {  	v2 =	vld [tilespmem:s16+$0xFFFFFFB0];
	[tilespmem:s7+$0x40] =	vst v3  }
0x667: {  	v3 =	vld [tilespmem:s16+$0xFFFFFFC0];
	[tilespmem:s7+$0x50] =	vst v4  }
0x668: {  	v4 =	vld [tilespmem:s16+$0xFFFFFFD0];
	[tilespmem:s7+$0x60] =	vst v5;
	s7 =	smov.u32 s16  }
0x669: {  	v5 =	vld [tilespmem:s16+$0xFFFFFFE0]  }
0x66a: {  	v7 =	vld [tilespmem:s16+$0xFFFFFFF0]  }
0x66b: {  	v6 =	vld.idx.msk [tilespmem:v6+s25+$0x0], $0xffff  }
0x66c: {  	v8 =	vld [tilespmem:s16+$0x0]  }
0x66d: {  	v9 =	vld [tilespmem:s16+$0x10]  }
0x66e: {  	v10 =	vld [tilespmem:s16+$0x20]  }
0x66f: {  	v11 =	vld [tilespmem:s16+$0x30]  }
0x670: {  	v12 =	vld [tilespmem:s16+$0x40]  }
0x671: {  	v13 =	vld [tilespmem:s16+$0x50];
	[tilespmem:s16+$0x70] =	vst v6  }
0x672: {  	v6 =	vld [tilespmem:s16+$0x60]  }
0x673: {  	v14 =	vld [tilespmem:s16+$0xFFFFFF80]  }
0x674: {  	v0 =	vld.idx.msk [tilespmem:v0+s25+$0x0], $0xffff  }
0x675: {  	v1 =	vld.idx.msk [tilespmem:v1+s25+$0x0], $0xffff  }
0x676: {  	v2 =	vld.idx.msk [tilespmem:v2+s25+$0x0], $0xffff  }
0x677: {  	v3 =	vld.idx.msk [tilespmem:v3+s25+$0x0], $0xffff  }
0x678: {  	v4 =	vld.idx.msk [tilespmem:v4+s25+$0x0], $0xffff  }
0x679: {  	v5 =	vld.idx.msk [tilespmem:v5+s25+$0x0], $0xffff  }
0x67a: {  	[tilespmem:s16+$0xFFFFFF90] =	vst v0;
	v7 =	vld.idx.msk [tilespmem:v7+s25+$0x0], $0xffff  }
0x67b: {  	v14 =	vld.idx.msk [tilespmem:v14+s25+$0x0], $0xffff;
	[tilespmem:s16+$0xFFFFFFA0] =	vst v1  }
0x67c: {  	[tilespmem:s16+$0xFFFFFFB0] =	vst v2;
	v8 =	vld.idx.msk [tilespmem:v8+s25+$0x0], $0xffff  }
0x67d: {  	[tilespmem:s16+$0xFFFFFFC0] =	vst v3;
	v0 =	vld.idx.msk [tilespmem:v9+s25+$0x0], $0xffff  }
.Ltmp16:
0x67e: {  	[tilespmem:s16+$0xFFFFFFD0] =	vst v4;
	v1 =	vld.idx.msk [tilespmem:v10+s25+$0x0], $0xffff;
	(pc) =	sbr.rel @p4 .LBB2_34-.Ltmp16, $4  }
0x67f: {  	[tilespmem:s16+$0xFFFFFFE0] =	vst v5;
	v2 =	vld.idx.msk [tilespmem:v11+s25+$0x0], $0xffff  }
0x680: {  	[tilespmem:s16+$0xFFFFFFF0] =	vst v7;
	v3 =	vld.idx.msk [tilespmem:v12+s25+$0x0], $0xffff  }
0x681: {  	[tilespmem:s16+$0xFFFFFF80] =	vst v14;
	v4 =	vld.idx.msk [tilespmem:v13+s25+$0x0], $0xffff  }
0x682: {  	s16 =	sadd.s32 $0x100, s16;
	[tilespmem:s7+$0x0] =	vst v8;
	v5 =	vld.idx.msk [tilespmem:v6+s25+$0x0], $0xffff  }
0x683: {  	[tilespmem:s7+$0x10] =	vst v0  }
0x684: {  	[tilespmem:s7+$0x20] =	vst v1  }
0x685: {  	[tilespmem:s7+$0x30] =	vst v2  }
0x686: {  	[tilespmem:s7+$0x40] =	vst v3  }
0x687: {  	[tilespmem:s7+$0x50] =	vst v4  }
0x688: {  	[tilespmem:s7+$0x60] =	vst v5  }
0x689: {  	s7 =	sld [smem:$0x7F7]  }
0x68a: {  	s19 =	sld [smem:$0x7C4];
	_ =	sdelay $0x1  }
0x68b: {  	[hbm4b:s7+s24] =	stream.strided.scatter [tilespmem:s0], [sflag:$0x1], $0x4000, s26, s24, $0x38;
	[tilespmem:$0x1CF00] =	vst v63  }
0x68c: {  	s18 =	sld [smem:$0x7DE];
	p4 =	seq.s32 s19, $0x1  }
0x68d: {  	s7 =	simm.s32 @!p4 $0x1  }
0x68e: {  	s15 =	simm.s32 @!p4 $0x20;
	s16 =	simm.s32 @!p4 $0x80;
	s17 =	simm.s32 @!p4 $0x1C43  }
0x68f: {  	[spmem:s5@s15], [sflag:s17] =	dma.strided @!p4 [hbm:s18@s16], $0x800, s7, $0x10   }
0x690: {  	s5 =	simm.s32 @!p4 $0x3  }
0x691: {  	_ =	swait.ge @!p4 [sflag:s5], $0x800  }
0x692: {  	[sflag:s5] =	ssyncset.done @!p4 $0x0  }
0x693: {  	s20 =	rddreg [dreg:$0x16];
	[sflag:s5] =	ssyncadd.s32 @!p4 $0xFFFFF800  }
0x694: {  	[tilespmem:s25], [sflag:$0x2] =	stream.strided.gather [hbm4b:s20+s24], $0x18700, s26, s24, $0x38;
	[tilespmem:$0x1CF00] =	vst v63  }
0x695: {  	_ =	swait.ge [sflag:s2], $0x4000  }
0x696: {  	[sflag:s2] =	ssyncset.done $0x0  }
0x697: {  	[sflag:s2] =	ssyncadd.s32 $0xFFFFC000  }
0x698: {  	[bflag:$0x0] =	sbarrier.arrive $0xFFFF  }
0x699: {  	[tilespmem:s0], [sflag:$0x3] =	stream.strided.gather [spmem:s28], $0x4000, s29, s24, $0x38;
	[tilespmem:$0x1CF00] =	vst v63  }
0x69a: {  	_ =	swait.ge [sflag:s31], $0x4000  }
0x69b: {  	[sflag:s31] =	ssyncset.done $0x0  }
0x69c: {  	[sflag:s31] =	ssyncadd.s32 $0xFFFFC000  }
0x69d: {  	_ =	swait.ge [sflag:s3], $0x18700  }
0x69e: {  	[sflag:s3] =	ssyncset.done $0x0  }
0x69f: {  	s5 =	simm.s32 $0x18780;
	[sflag:s3] =	ssyncadd.s32 $0xFFFE7900  }
0x6a0: {  	v0 =	vld [tilespmem:s5+$0x70]  }
0x6a1: {  	v1 =	vld [tilespmem:s5+$0xFFFFFF90]  }
0x6a2: {  	v2 =	vld [tilespmem:s5+$0xFFFFFFA0]  }
0x6a3: {  	v3 =	vld [tilespmem:s5+$0xFFFFFFB0]  }
0x6a4: {  	v4 =	vld [tilespmem:s5+$0xFFFFFFC0]  }
0x6a5: {  	v5 =	vld [tilespmem:s5+$0xFFFFFFD0]  }
0x6a6: {  	v6 =	vld [tilespmem:s5+$0xFFFFFFE0]  }
0x6a7: {  	v7 =	vld [tilespmem:s5+$0xFFFFFFF0]  }
0x6a8: {  	v8 =	vld [tilespmem:s5+$0x0]  }
0x6a9: {  	v9 =	vld [tilespmem:s5+$0x10]  }
0x6aa: {  	v10 =	vld [tilespmem:s5+$0x20]  }
0x6ab: {  	v11 =	vld [tilespmem:s5+$0x30]  }
0x6ac: {  	v12 =	vld [tilespmem:s5+$0x40]  }
0x6ad: {  	v13 =	vld [tilespmem:s5+$0x50]  }
0x6ae: {  	v14 =	vld [tilespmem:s5+$0x60]  }
0x6af: {  	v15 =	vld [tilespmem:s5+$0xFFFFFF80]  }
0x6b0: {  	v0 =	vld.idx.msk [tilespmem:v0+s25+$0x0], $0xffff  }
0x6b1: {  	v1 =	vld.idx.msk [tilespmem:v1+s25+$0x0], $0xffff  }
0x6b2: {  	v2 =	vld.idx.msk [tilespmem:v2+s25+$0x0], $0xffff  }
0x6b3: {  	v3 =	vld.idx.msk [tilespmem:v3+s25+$0x0], $0xffff  }
0x6b4: {  	v4 =	vld.idx.msk [tilespmem:v4+s25+$0x0], $0xffff  }
0x6b5: {  	v5 =	vld.idx.msk [tilespmem:v5+s25+$0x0], $0xffff  }
0x6b6: {  	v6 =	vld.idx.msk [tilespmem:v6+s25+$0x0], $0xffff;
	[tilespmem:s5+$0x70] =	vst v0  }
0x6b7: {  	v7 =	vld.idx.msk [tilespmem:v7+s25+$0x0], $0xffff;
	[tilespmem:s5+$0xFFFFFF90] =	vst v1  }
0x6b8: {  	v15 =	vld.idx.msk [tilespmem:v15+s25+$0x0], $0xffff;
	[tilespmem:s5+$0xFFFFFFA0] =	vst v2  }
0x6b9: {  	v8 =	vld.idx.msk [tilespmem:v8+s25+$0x0], $0xffff;
	[tilespmem:s5+$0xFFFFFFB0] =	vst v3  }
0x6ba: {  	[tilespmem:s5+$0xFFFFFFC0] =	vst v4;
	v0 =	vld.idx.msk [tilespmem:v9+s25+$0x0], $0xffff  }
0x6bb: {  	[tilespmem:s5+$0xFFFFFFD0] =	vst v5;
	v1 =	vld.idx.msk [tilespmem:v10+s25+$0x0], $0xffff  }
0x6bc: {  	[tilespmem:s5+$0xFFFFFFE0] =	vst v6;
	v2 =	vld.idx.msk [tilespmem:v11+s25+$0x0], $0xffff  }
0x6bd: {  	[tilespmem:s5+$0xFFFFFFF0] =	vst v7;
	v3 =	vld.idx.msk [tilespmem:v12+s25+$0x0], $0xffff  }
0x6be: {  	[tilespmem:s5+$0xFFFFFF80] =	vst v15;
	v4 =	vld.idx.msk [tilespmem:v13+s25+$0x0], $0xffff  }
0x6bf: {  	s7 =	simm.s32 $0x0;
	s15 =	simm.s32 $0x18880;
	[tilespmem:s5+$0x0] =	vst v8;
	v5 =	vld.idx.msk [tilespmem:v14+s25+$0x0], $0xffff  }
.LBB2_36:
0x6c0: {  	v6 =	vld [tilespmem:s15+$0x70];
	s7 =	sadd.s32 $0x10, s7;
	[tilespmem:s5+$0x10] =	vst v0  }
0x6c1: {  	v0 =	vld [tilespmem:s15+$0xFFFFFF90];
	p4 =	slt.u32 s7, $0x3F0;
	[tilespmem:s5+$0x20] =	vst v1  }
0x6c2: {  	v1 =	vld [tilespmem:s15+$0xFFFFFFA0];
	[tilespmem:s5+$0x30] =	vst v2  }
0x6c3: {  	v2 =	vld [tilespmem:s15+$0xFFFFFFB0];
	[tilespmem:s5+$0x40] =	vst v3  }
0x6c4: {  	v3 =	vld [tilespmem:s15+$0xFFFFFFC0];
	[tilespmem:s5+$0x50] =	vst v4  }
0x6c5: {  	v4 =	vld [tilespmem:s15+$0xFFFFFFD0];
	[tilespmem:s5+$0x60] =	vst v5;
	s5 =	smov.u32 s15  }
0x6c6: {  	v5 =	vld [tilespmem:s15+$0xFFFFFFE0]  }
0x6c7: {  	v7 =	vld [tilespmem:s15+$0xFFFFFFF0]  }
0x6c8: {  	v6 =	vld.idx.msk [tilespmem:v6+s25+$0x0], $0xffff  }
0x6c9: {  	v8 =	vld [tilespmem:s15+$0x0]  }
0x6ca: {  	v9 =	vld [tilespmem:s15+$0x10]  }
0x6cb: {  	v10 =	vld [tilespmem:s15+$0x20]  }
0x6cc: {  	v11 =	vld [tilespmem:s15+$0x30]  }
0x6cd: {  	v12 =	vld [tilespmem:s15+$0x40]  }
0x6ce: {  	v13 =	vld [tilespmem:s15+$0x50];
	[tilespmem:s15+$0x70] =	vst v6  }
0x6cf: {  	v6 =	vld [tilespmem:s15+$0x60]  }
0x6d0: {  	v14 =	vld [tilespmem:s15+$0xFFFFFF80]  }
0x6d1: {  	v0 =	vld.idx.msk [tilespmem:v0+s25+$0x0], $0xffff  }
0x6d2: {  	v1 =	vld.idx.msk [tilespmem:v1+s25+$0x0], $0xffff  }
0x6d3: {  	v2 =	vld.idx.msk [tilespmem:v2+s25+$0x0], $0xffff  }
0x6d4: {  	v3 =	vld.idx.msk [tilespmem:v3+s25+$0x0], $0xffff  }
0x6d5: {  	v4 =	vld.idx.msk [tilespmem:v4+s25+$0x0], $0xffff  }
0x6d6: {  	v5 =	vld.idx.msk [tilespmem:v5+s25+$0x0], $0xffff  }
0x6d7: {  	[tilespmem:s15+$0xFFFFFF90] =	vst v0;
	v7 =	vld.idx.msk [tilespmem:v7+s25+$0x0], $0xffff  }
0x6d8: {  	v14 =	vld.idx.msk [tilespmem:v14+s25+$0x0], $0xffff;
	[tilespmem:s15+$0xFFFFFFA0] =	vst v1  }
0x6d9: {  	[tilespmem:s15+$0xFFFFFFB0] =	vst v2;
	v8 =	vld.idx.msk [tilespmem:v8+s25+$0x0], $0xffff  }
0x6da: {  	[tilespmem:s15+$0xFFFFFFC0] =	vst v3;
	v0 =	vld.idx.msk [tilespmem:v9+s25+$0x0], $0xffff  }
.Ltmp17:
0x6db: {  	[tilespmem:s15+$0xFFFFFFD0] =	vst v4;
	v1 =	vld.idx.msk [tilespmem:v10+s25+$0x0], $0xffff;
	(pc) =	sbr.rel @p4 .LBB2_36-.Ltmp17, $4  }
0x6dc: {  	[tilespmem:s15+$0xFFFFFFE0] =	vst v5;
	v2 =	vld.idx.msk [tilespmem:v11+s25+$0x0], $0xffff  }
0x6dd: {  	[tilespmem:s15+$0xFFFFFFF0] =	vst v7;
	v3 =	vld.idx.msk [tilespmem:v12+s25+$0x0], $0xffff  }
0x6de: {  	[tilespmem:s15+$0xFFFFFF80] =	vst v14;
	v4 =	vld.idx.msk [tilespmem:v13+s25+$0x0], $0xffff  }
0x6df: {  	s15 =	sadd.s32 $0x100, s15;
	[tilespmem:s5+$0x0] =	vst v8;
	v5 =	vld.idx.msk [tilespmem:v6+s25+$0x0], $0xffff  }
0x6e0: {  	[tilespmem:s5+$0x10] =	vst v0  }
0x6e1: {  	[tilespmem:s5+$0x20] =	vst v1  }
0x6e2: {  	[tilespmem:s5+$0x30] =	vst v2  }
0x6e3: {  	[tilespmem:s5+$0x40] =	vst v3  }
0x6e4: {  	[tilespmem:s5+$0x50] =	vst v4  }
0x6e5: {  	[tilespmem:s5+$0x60] =	vst v5  }
0x6e6: {  	s5 =	sld [smem:$0x7F8]  }
0x6e7: {  	s19 =	sld [smem:$0x7C5];
	_ =	sdelay $0x1  }
0x6e8: {  	[hbm4b:s5+s24] =	stream.strided.scatter [tilespmem:s0], [sflag:$0x1], $0x4000, s26, s24, $0x38;
	[tilespmem:$0x1CF00] =	vst v63  }
0x6e9: {  	s17 =	sld [smem:$0x7DF];
	p4 =	seq.s32 s19, $0x1  }
0x6ea: {  	s5 =	simm.s32 @!p4 $0x1  }
0x6eb: {  	s7 =	simm.s32 @!p4 $0x20;
	s15 =	simm.s32 @!p4 $0x80;
	s16 =	simm.s32 @!p4 $0x1C83  }
0x6ec: {  	[spmem:s6@s7], [sflag:s16] =	dma.strided @!p4 [hbm:s17@s15], $0x800, s5, $0x10   }
0x6ed: {  	s5 =	simm.s32 @!p4 $0x3  }
0x6ee: {  	_ =	swait.ge @!p4 [sflag:s5], $0x800  }
0x6ef: {  	[sflag:s5] =	ssyncset.done @!p4 $0x0  }
0x6f0: {  	s20 =	rddreg [dreg:$0x17];
	[sflag:s5] =	ssyncadd.s32 @!p4 $0xFFFFF800  }
0x6f1: {  	[tilespmem:s25], [sflag:$0x2] =	stream.strided.gather [hbm4b:s20+s24], $0x18700, s26, s24, $0x38;
	[tilespmem:$0x1CF00] =	vst v63  }
0x6f2: {  	_ =	swait.ge [sflag:s2], $0x4000  }
0x6f3: {  	[sflag:s2] =	ssyncset.done $0x0  }
0x6f4: {  	[sflag:s2] =	ssyncadd.s32 $0xFFFFC000  }
0x6f5: {  	[bflag:$0x0] =	sbarrier.arrive $0xFFFF  }
0x6f6: {  	[tilespmem:s0], [sflag:$0x3] =	stream.strided.gather [spmem:s30], $0x4000, s29, s24, $0x38;
	[tilespmem:$0x1CF00] =	vst v63  }
0x6f7: {  	_ =	swait.ge [sflag:s31], $0x4000  }
0x6f8: {  	[sflag:s31] =	ssyncset.done $0x0  }
0x6f9: {  	[sflag:s31] =	ssyncadd.s32 $0xFFFFC000  }
0x6fa: {  	_ =	swait.ge [sflag:s3], $0x18700  }
0x6fb: {  	[sflag:s3] =	ssyncset.done $0x0  }
0x6fc: {  	s5 =	simm.s32 $0x18780;
	[sflag:s3] =	ssyncadd.s32 $0xFFFE7900  }
0x6fd: {  	v0 =	vld [tilespmem:s5+$0x70]  }
0x6fe: {  	v1 =	vld [tilespmem:s5+$0xFFFFFF90]  }
0x6ff: {  	v2 =	vld [tilespmem:s5+$0xFFFFFFA0]  }
0x700: {  	v3 =	vld [tilespmem:s5+$0xFFFFFFB0]  }
0x701: {  	v4 =	vld [tilespmem:s5+$0xFFFFFFC0]  }
0x702: {  	v5 =	vld [tilespmem:s5+$0xFFFFFFD0]  }
0x703: {  	v6 =	vld [tilespmem:s5+$0xFFFFFFE0]  }
0x704: {  	v7 =	vld [tilespmem:s5+$0xFFFFFFF0]  }
0x705: {  	v8 =	vld [tilespmem:s5+$0x0]  }
0x706: {  	v9 =	vld [tilespmem:s5+$0x10]  }
0x707: {  	v10 =	vld [tilespmem:s5+$0x20]  }
0x708: {  	v11 =	vld [tilespmem:s5+$0x30]  }
0x709: {  	v12 =	vld [tilespmem:s5+$0x40]  }
0x70a: {  	v13 =	vld [tilespmem:s5+$0x50]  }
0x70b: {  	v14 =	vld [tilespmem:s5+$0x60]  }
0x70c: {  	v15 =	vld [tilespmem:s5+$0xFFFFFF80]  }
0x70d: {  	v0 =	vld.idx.msk [tilespmem:v0+s25+$0x0], $0xffff  }
0x70e: {  	v1 =	vld.idx.msk [tilespmem:v1+s25+$0x0], $0xffff  }
0x70f: {  	v2 =	vld.idx.msk [tilespmem:v2+s25+$0x0], $0xffff  }
0x710: {  	v3 =	vld.idx.msk [tilespmem:v3+s25+$0x0], $0xffff  }
0x711: {  	v4 =	vld.idx.msk [tilespmem:v4+s25+$0x0], $0xffff  }
0x712: {  	v5 =	vld.idx.msk [tilespmem:v5+s25+$0x0], $0xffff  }
0x713: {  	v6 =	vld.idx.msk [tilespmem:v6+s25+$0x0], $0xffff;
	[tilespmem:s5+$0x70] =	vst v0  }
0x714: {  	v7 =	vld.idx.msk [tilespmem:v7+s25+$0x0], $0xffff;
	[tilespmem:s5+$0xFFFFFF90] =	vst v1  }
0x715: {  	v15 =	vld.idx.msk [tilespmem:v15+s25+$0x0], $0xffff;
	[tilespmem:s5+$0xFFFFFFA0] =	vst v2  }
0x716: {  	v8 =	vld.idx.msk [tilespmem:v8+s25+$0x0], $0xffff;
	[tilespmem:s5+$0xFFFFFFB0] =	vst v3  }
0x717: {  	[tilespmem:s5+$0xFFFFFFC0] =	vst v4;
	v0 =	vld.idx.msk [tilespmem:v9+s25+$0x0], $0xffff  }
0x718: {  	[tilespmem:s5+$0xFFFFFFD0] =	vst v5;
	v1 =	vld.idx.msk [tilespmem:v10+s25+$0x0], $0xffff  }
0x719: {  	[tilespmem:s5+$0xFFFFFFE0] =	vst v6;
	v2 =	vld.idx.msk [tilespmem:v11+s25+$0x0], $0xffff  }
0x71a: {  	[tilespmem:s5+$0xFFFFFFF0] =	vst v7;
	v3 =	vld.idx.msk [tilespmem:v12+s25+$0x0], $0xffff  }
0x71b: {  	[tilespmem:s5+$0xFFFFFF80] =	vst v15;
	v4 =	vld.idx.msk [tilespmem:v13+s25+$0x0], $0xffff  }
0x71c: {  	s6 =	simm.s32 $0x0;
	s7 =	simm.s32 $0x18880;
	[tilespmem:s5+$0x0] =	vst v8;
	v5 =	vld.idx.msk [tilespmem:v14+s25+$0x0], $0xffff  }
.LBB2_38:
0x71d: {  	v6 =	vld [tilespmem:s7+$0x70];
	s6 =	sadd.s32 $0x10, s6;
	[tilespmem:s5+$0x10] =	vst v0  }
0x71e: {  	v0 =	vld [tilespmem:s7+$0xFFFFFF90];
	p4 =	slt.u32 s6, $0x3F0;
	[tilespmem:s5+$0x20] =	vst v1  }
0x71f: {  	v1 =	vld [tilespmem:s7+$0xFFFFFFA0];
	[tilespmem:s5+$0x30] =	vst v2  }
0x720: {  	v2 =	vld [tilespmem:s7+$0xFFFFFFB0];
	[tilespmem:s5+$0x40] =	vst v3  }
0x721: {  	v3 =	vld [tilespmem:s7+$0xFFFFFFC0];
	[tilespmem:s5+$0x50] =	vst v4  }
0x722: {  	v4 =	vld [tilespmem:s7+$0xFFFFFFD0];
	[tilespmem:s5+$0x60] =	vst v5;
	s5 =	smov.u32 s7  }
0x723: {  	v5 =	vld [tilespmem:s7+$0xFFFFFFE0]  }
0x724: {  	v7 =	vld [tilespmem:s7+$0xFFFFFFF0]  }
0x725: {  	v6 =	vld.idx.msk [tilespmem:v6+s25+$0x0], $0xffff  }
0x726: {  	v8 =	vld [tilespmem:s7+$0x0]  }
0x727: {  	v9 =	vld [tilespmem:s7+$0x10]  }
0x728: {  	v10 =	vld [tilespmem:s7+$0x20]  }
0x729: {  	v11 =	vld [tilespmem:s7+$0x30]  }
0x72a: {  	v12 =	vld [tilespmem:s7+$0x40]  }
0x72b: {  	v13 =	vld [tilespmem:s7+$0x50];
	[tilespmem:s7+$0x70] =	vst v6  }
0x72c: {  	v6 =	vld [tilespmem:s7+$0x60]  }
0x72d: {  	v14 =	vld [tilespmem:s7+$0xFFFFFF80]  }
0x72e: {  	v0 =	vld.idx.msk [tilespmem:v0+s25+$0x0], $0xffff  }
0x72f: {  	v1 =	vld.idx.msk [tilespmem:v1+s25+$0x0], $0xffff  }
0x730: {  	v2 =	vld.idx.msk [tilespmem:v2+s25+$0x0], $0xffff  }
0x731: {  	v3 =	vld.idx.msk [tilespmem:v3+s25+$0x0], $0xffff  }
0x732: {  	v4 =	vld.idx.msk [tilespmem:v4+s25+$0x0], $0xffff  }
0x733: {  	v5 =	vld.idx.msk [tilespmem:v5+s25+$0x0], $0xffff  }
0x734: {  	[tilespmem:s7+$0xFFFFFF90] =	vst v0;
	v7 =	vld.idx.msk [tilespmem:v7+s25+$0x0], $0xffff  }
0x735: {  	v14 =	vld.idx.msk [tilespmem:v14+s25+$0x0], $0xffff;
	[tilespmem:s7+$0xFFFFFFA0] =	vst v1  }
0x736: {  	[tilespmem:s7+$0xFFFFFFB0] =	vst v2;
	v8 =	vld.idx.msk [tilespmem:v8+s25+$0x0], $0xffff  }
0x737: {  	[tilespmem:s7+$0xFFFFFFC0] =	vst v3;
	v0 =	vld.idx.msk [tilespmem:v9+s25+$0x0], $0xffff  }
.Ltmp18:
0x738: {  	[tilespmem:s7+$0xFFFFFFD0] =	vst v4;
	v1 =	vld.idx.msk [tilespmem:v10+s25+$0x0], $0xffff;
	(pc) =	sbr.rel @p4 .LBB2_38-.Ltmp18, $4  }
0x739: {  	[tilespmem:s7+$0xFFFFFFE0] =	vst v5;
	v2 =	vld.idx.msk [tilespmem:v11+s25+$0x0], $0xffff  }
0x73a: {  	[tilespmem:s7+$0xFFFFFFF0] =	vst v7;
	v3 =	vld.idx.msk [tilespmem:v12+s25+$0x0], $0xffff  }
0x73b: {  	[tilespmem:s7+$0xFFFFFF80] =	vst v14;
	v4 =	vld.idx.msk [tilespmem:v13+s25+$0x0], $0xffff  }
0x73c: {  	s7 =	sadd.s32 $0x100, s7;
	[tilespmem:s5+$0x0] =	vst v8;
	v5 =	vld.idx.msk [tilespmem:v6+s25+$0x0], $0xffff  }
0x73d: {  	[tilespmem:s5+$0x10] =	vst v0  }
0x73e: {  	[tilespmem:s5+$0x20] =	vst v1  }
0x73f: {  	[tilespmem:s5+$0x30] =	vst v2  }
0x740: {  	[tilespmem:s5+$0x40] =	vst v3  }
0x741: {  	[tilespmem:s5+$0x50] =	vst v4  }
0x742: {  	[tilespmem:s5+$0x60] =	vst v5  }
0x743: {  	s5 =	sld [smem:$0x7F9]  }
0x744: {  	s19 =	sld [smem:$0x7C6];
	_ =	sdelay $0x1  }
0x745: {  	[hbm4b:s5+s24] =	stream.strided.scatter [tilespmem:s0], [sflag:$0x1], $0x4000, s26, s24, $0x38;
	[tilespmem:$0x1CF00] =	vst v63  }
0x746: {  	s16 =	sld [smem:$0x7E0];
	p4 =	seq.s32 s19, $0x1  }
0x747: {  	s5 =	simm.s32 @!p4 $0x1  }
0x748: {  	s6 =	simm.s32 @!p4 $0x20;
	s7 =	simm.s32 @!p4 $0x80;
	s15 =	simm.s32 @!p4 $0x1CC3  }
0x749: {  	[spmem:s8@s6], [sflag:s15] =	dma.strided @!p4 [hbm:s16@s7], $0x800, s5, $0x10   }
0x74a: {  	s5 =	simm.s32 @!p4 $0x3  }
0x74b: {  	_ =	swait.ge @!p4 [sflag:s5], $0x800  }
0x74c: {  	[sflag:s5] =	ssyncset.done @!p4 $0x0  }
0x74d: {  	s20 =	rddreg [dreg:$0x18];
	[sflag:s5] =	ssyncadd.s32 @!p4 $0xFFFFF800  }
0x74e: {  	[tilespmem:s25], [sflag:$0x2] =	stream.strided.gather [hbm4b:s20+s24], $0x18700, s26, s24, $0x38;
	[tilespmem:$0x1CF00] =	vst v63  }
0x74f: {  	_ =	swait.ge [sflag:s2], $0x4000  }
0x750: {  	[sflag:s2] =	ssyncset.done $0x0  }
0x751: {  	[sflag:s2] =	ssyncadd.s32 $0xFFFFC000  }
0x752: {  	[bflag:$0x0] =	sbarrier.arrive $0xFFFF  }
0x753: {  	[tilespmem:s0], [sflag:$0x3] =	stream.strided.gather [spmem:s28], $0x4000, s29, s24, $0x38;
	[tilespmem:$0x1CF00] =	vst v63  }
0x754: {  	_ =	swait.ge [sflag:s31], $0x4000  }
0x755: {  	[sflag:s31] =	ssyncset.done $0x0  }
0x756: {  	[sflag:s31] =	ssyncadd.s32 $0xFFFFC000  }
0x757: {  	_ =	swait.ge [sflag:s3], $0x18700  }
0x758: {  	[sflag:s3] =	ssyncset.done $0x0  }
0x759: {  	s5 =	simm.s32 $0x18780;
	[sflag:s3] =	ssyncadd.s32 $0xFFFE7900  }
0x75a: {  	v0 =	vld [tilespmem:s5+$0x70]  }
0x75b: {  	v1 =	vld [tilespmem:s5+$0xFFFFFF90]  }
0x75c: {  	v2 =	vld [tilespmem:s5+$0xFFFFFFA0]  }
0x75d: {  	v3 =	vld [tilespmem:s5+$0xFFFFFFB0]  }
0x75e: {  	v4 =	vld [tilespmem:s5+$0xFFFFFFC0]  }
0x75f: {  	v5 =	vld [tilespmem:s5+$0xFFFFFFD0]  }
0x760: {  	v6 =	vld [tilespmem:s5+$0xFFFFFFE0]  }
0x761: {  	v7 =	vld [tilespmem:s5+$0xFFFFFFF0]  }
0x762: {  	v8 =	vld [tilespmem:s5+$0x0]  }
0x763: {  	v9 =	vld [tilespmem:s5+$0x10]  }
0x764: {  	v10 =	vld [tilespmem:s5+$0x20]  }
0x765: {  	v11 =	vld [tilespmem:s5+$0x30]  }
0x766: {  	v12 =	vld [tilespmem:s5+$0x40]  }
0x767: {  	v13 =	vld [tilespmem:s5+$0x50]  }
0x768: {  	v14 =	vld [tilespmem:s5+$0x60]  }
0x769: {  	v15 =	vld [tilespmem:s5+$0xFFFFFF80]  }
0x76a: {  	v0 =	vld.idx.msk [tilespmem:v0+s25+$0x0], $0xffff  }
0x76b: {  	v1 =	vld.idx.msk [tilespmem:v1+s25+$0x0], $0xffff  }
0x76c: {  	v2 =	vld.idx.msk [tilespmem:v2+s25+$0x0], $0xffff  }
0x76d: {  	v3 =	vld.idx.msk [tilespmem:v3+s25+$0x0], $0xffff  }
0x76e: {  	v4 =	vld.idx.msk [tilespmem:v4+s25+$0x0], $0xffff  }
0x76f: {  	v5 =	vld.idx.msk [tilespmem:v5+s25+$0x0], $0xffff  }
0x770: {  	v6 =	vld.idx.msk [tilespmem:v6+s25+$0x0], $0xffff;
	[tilespmem:s5+$0x70] =	vst v0  }
0x771: {  	v7 =	vld.idx.msk [tilespmem:v7+s25+$0x0], $0xffff;
	[tilespmem:s5+$0xFFFFFF90] =	vst v1  }
0x772: {  	v15 =	vld.idx.msk [tilespmem:v15+s25+$0x0], $0xffff;
	[tilespmem:s5+$0xFFFFFFA0] =	vst v2  }
0x773: {  	v8 =	vld.idx.msk [tilespmem:v8+s25+$0x0], $0xffff;
	[tilespmem:s5+$0xFFFFFFB0] =	vst v3  }
0x774: {  	[tilespmem:s5+$0xFFFFFFC0] =	vst v4;
	v0 =	vld.idx.msk [tilespmem:v9+s25+$0x0], $0xffff  }
0x775: {  	[tilespmem:s5+$0xFFFFFFD0] =	vst v5;
	v1 =	vld.idx.msk [tilespmem:v10+s25+$0x0], $0xffff  }
0x776: {  	[tilespmem:s5+$0xFFFFFFE0] =	vst v6;
	v2 =	vld.idx.msk [tilespmem:v11+s25+$0x0], $0xffff  }
0x777: {  	[tilespmem:s5+$0xFFFFFFF0] =	vst v7;
	v3 =	vld.idx.msk [tilespmem:v12+s25+$0x0], $0xffff  }
0x778: {  	[tilespmem:s5+$0xFFFFFF80] =	vst v15;
	v4 =	vld.idx.msk [tilespmem:v13+s25+$0x0], $0xffff  }
0x779: {  	s6 =	simm.s32 $0x0;
	s7 =	simm.s32 $0x18880;
	[tilespmem:s5+$0x0] =	vst v8;
	v5 =	vld.idx.msk [tilespmem:v14+s25+$0x0], $0xffff  }
.LBB2_40:
0x77a: {  	v6 =	vld [tilespmem:s7+$0x70];
	s6 =	sadd.s32 $0x10, s6;
	[tilespmem:s5+$0x10] =	vst v0  }
0x77b: {  	v0 =	vld [tilespmem:s7+$0xFFFFFF90];
	p4 =	slt.u32 s6, $0x3F0;
	[tilespmem:s5+$0x20] =	vst v1  }
0x77c: {  	v1 =	vld [tilespmem:s7+$0xFFFFFFA0];
	[tilespmem:s5+$0x30] =	vst v2  }
0x77d: {  	v2 =	vld [tilespmem:s7+$0xFFFFFFB0];
	[tilespmem:s5+$0x40] =	vst v3  }
0x77e: {  	v3 =	vld [tilespmem:s7+$0xFFFFFFC0];
	[tilespmem:s5+$0x50] =	vst v4  }
0x77f: {  	v4 =	vld [tilespmem:s7+$0xFFFFFFD0];
	[tilespmem:s5+$0x60] =	vst v5;
	s5 =	smov.u32 s7  }
0x780: {  	v5 =	vld [tilespmem:s7+$0xFFFFFFE0]  }
0x781: {  	v7 =	vld [tilespmem:s7+$0xFFFFFFF0]  }
0x782: {  	v6 =	vld.idx.msk [tilespmem:v6+s25+$0x0], $0xffff  }
0x783: {  	v8 =	vld [tilespmem:s7+$0x0]  }
0x784: {  	v9 =	vld [tilespmem:s7+$0x10]  }
0x785: {  	v10 =	vld [tilespmem:s7+$0x20]  }
0x786: {  	v11 =	vld [tilespmem:s7+$0x30]  }
0x787: {  	v12 =	vld [tilespmem:s7+$0x40]  }
0x788: {  	v13 =	vld [tilespmem:s7+$0x50];
	[tilespmem:s7+$0x70] =	vst v6  }
0x789: {  	v6 =	vld [tilespmem:s7+$0x60]  }
0x78a: {  	v14 =	vld [tilespmem:s7+$0xFFFFFF80]  }
0x78b: {  	v0 =	vld.idx.msk [tilespmem:v0+s25+$0x0], $0xffff  }
0x78c: {  	v1 =	vld.idx.msk [tilespmem:v1+s25+$0x0], $0xffff  }
0x78d: {  	v2 =	vld.idx.msk [tilespmem:v2+s25+$0x0], $0xffff  }
0x78e: {  	v3 =	vld.idx.msk [tilespmem:v3+s25+$0x0], $0xffff  }
0x78f: {  	v4 =	vld.idx.msk [tilespmem:v4+s25+$0x0], $0xffff  }
0x790: {  	v5 =	vld.idx.msk [tilespmem:v5+s25+$0x0], $0xffff  }
0x791: {  	[tilespmem:s7+$0xFFFFFF90] =	vst v0;
	v7 =	vld.idx.msk [tilespmem:v7+s25+$0x0], $0xffff  }
0x792: {  	v14 =	vld.idx.msk [tilespmem:v14+s25+$0x0], $0xffff;
	[tilespmem:s7+$0xFFFFFFA0] =	vst v1  }
0x793: {  	[tilespmem:s7+$0xFFFFFFB0] =	vst v2;
	v8 =	vld.idx.msk [tilespmem:v8+s25+$0x0], $0xffff  }
0x794: {  	[tilespmem:s7+$0xFFFFFFC0] =	vst v3;
	v0 =	vld.idx.msk [tilespmem:v9+s25+$0x0], $0xffff  }
.Ltmp19:
0x795: {  	[tilespmem:s7+$0xFFFFFFD0] =	vst v4;
	v1 =	vld.idx.msk [tilespmem:v10+s25+$0x0], $0xffff;
	(pc) =	sbr.rel @p4 .LBB2_40-.Ltmp19, $4  }
0x796: {  	[tilespmem:s7+$0xFFFFFFE0] =	vst v5;
	v2 =	vld.idx.msk [tilespmem:v11+s25+$0x0], $0xffff  }
0x797: {  	[tilespmem:s7+$0xFFFFFFF0] =	vst v7;
	v3 =	vld.idx.msk [tilespmem:v12+s25+$0x0], $0xffff  }
0x798: {  	[tilespmem:s7+$0xFFFFFF80] =	vst v14;
	v4 =	vld.idx.msk [tilespmem:v13+s25+$0x0], $0xffff  }
0x799: {  	s7 =	sadd.s32 $0x100, s7;
	[tilespmem:s5+$0x0] =	vst v8;
	v5 =	vld.idx.msk [tilespmem:v6+s25+$0x0], $0xffff  }
0x79a: {  	[tilespmem:s5+$0x10] =	vst v0  }
0x79b: {  	[tilespmem:s5+$0x20] =	vst v1  }
0x79c: {  	[tilespmem:s5+$0x30] =	vst v2  }
0x79d: {  	[tilespmem:s5+$0x40] =	vst v3  }
0x79e: {  	[tilespmem:s5+$0x50] =	vst v4  }
0x79f: {  	[tilespmem:s5+$0x60] =	vst v5  }
0x7a0: {  	s5 =	sld [smem:$0x7FA]  }
0x7a1: {  	s19 =	sld [smem:$0x7C7];
	_ =	sdelay $0x1  }
0x7a2: {  	[hbm4b:s5+s24] =	stream.strided.scatter [tilespmem:s0], [sflag:$0x1], $0x4000, s26, s24, $0x38;
	[tilespmem:$0x1CF00] =	vst v63  }
0x7a3: {  	s15 =	sld [smem:$0x7E1];
	p4 =	seq.s32 s19, $0x1  }
0x7a4: {  	s5 =	simm.s32 @!p4 $0x1  }
0x7a5: {  	s6 =	simm.s32 @!p4 $0x20;
	s7 =	simm.s32 @!p4 $0x80;
	s8 =	simm.s32 @!p4 $0x1D03  }
0x7a6: {  	[spmem:s9@s6], [sflag:s8] =	dma.strided @!p4 [hbm:s15@s7], $0x800, s5, $0x10   }
0x7a7: {  	s5 =	simm.s32 @!p4 $0x3  }
0x7a8: {  	_ =	swait.ge @!p4 [sflag:s5], $0x800  }
0x7a9: {  	[sflag:s5] =	ssyncset.done @!p4 $0x0  }
0x7aa: {  	s20 =	rddreg [dreg:$0x19];
	[sflag:s5] =	ssyncadd.s32 @!p4 $0xFFFFF800  }
0x7ab: {  	[tilespmem:s25], [sflag:$0x2] =	stream.strided.gather [hbm4b:s20+s24], $0x18700, s26, s24, $0x38;
	[tilespmem:$0x1CF00] =	vst v63  }
0x7ac: {  	_ =	swait.ge [sflag:s2], $0x4000  }
0x7ad: {  	[sflag:s2] =	ssyncset.done $0x0  }
0x7ae: {  	[sflag:s2] =	ssyncadd.s32 $0xFFFFC000  }
0x7af: {  	[bflag:$0x0] =	sbarrier.arrive $0xFFFF  }
0x7b0: {  	[tilespmem:s0], [sflag:$0x3] =	stream.strided.gather [spmem:s30], $0x4000, s29, s24, $0x38;
	[tilespmem:$0x1CF00] =	vst v63  }
0x7b1: {  	_ =	swait.ge [sflag:s31], $0x4000  }
0x7b2: {  	[sflag:s31] =	ssyncset.done $0x0  }
0x7b3: {  	[sflag:s31] =	ssyncadd.s32 $0xFFFFC000  }
0x7b4: {  	_ =	swait.ge [sflag:s3], $0x18700  }
0x7b5: {  	[sflag:s3] =	ssyncset.done $0x0  }
0x7b6: {  	s5 =	simm.s32 $0x18780;
	[sflag:s3] =	ssyncadd.s32 $0xFFFE7900  }
0x7b7: {  	v0 =	vld [tilespmem:s5+$0x70]  }
0x7b8: {  	v1 =	vld [tilespmem:s5+$0xFFFFFF90]  }
0x7b9: {  	v2 =	vld [tilespmem:s5+$0xFFFFFFA0]  }
0x7ba: {  	v3 =	vld [tilespmem:s5+$0xFFFFFFB0]  }
0x7bb: {  	v4 =	vld [tilespmem:s5+$0xFFFFFFC0]  }
0x7bc: {  	v5 =	vld [tilespmem:s5+$0xFFFFFFD0]  }
0x7bd: {  	v6 =	vld [tilespmem:s5+$0xFFFFFFE0]  }
0x7be: {  	v7 =	vld [tilespmem:s5+$0xFFFFFFF0]  }
0x7bf: {  	v8 =	vld [tilespmem:s5+$0x0]  }
0x7c0: {  	v9 =	vld [tilespmem:s5+$0x10]  }
0x7c1: {  	v10 =	vld [tilespmem:s5+$0x20]  }
0x7c2: {  	v11 =	vld [tilespmem:s5+$0x30]  }
0x7c3: {  	v12 =	vld [tilespmem:s5+$0x40]  }
0x7c4: {  	v13 =	vld [tilespmem:s5+$0x50]  }
0x7c5: {  	v14 =	vld [tilespmem:s5+$0x60]  }
0x7c6: {  	v15 =	vld [tilespmem:s5+$0xFFFFFF80]  }
0x7c7: {  	v0 =	vld.idx.msk [tilespmem:v0+s25+$0x0], $0xffff  }
0x7c8: {  	v1 =	vld.idx.msk [tilespmem:v1+s25+$0x0], $0xffff  }
0x7c9: {  	v2 =	vld.idx.msk [tilespmem:v2+s25+$0x0], $0xffff  }
0x7ca: {  	v3 =	vld.idx.msk [tilespmem:v3+s25+$0x0], $0xffff  }
0x7cb: {  	v4 =	vld.idx.msk [tilespmem:v4+s25+$0x0], $0xffff  }
0x7cc: {  	v5 =	vld.idx.msk [tilespmem:v5+s25+$0x0], $0xffff  }
0x7cd: {  	v6 =	vld.idx.msk [tilespmem:v6+s25+$0x0], $0xffff;
	[tilespmem:s5+$0x70] =	vst v0  }
0x7ce: {  	v7 =	vld.idx.msk [tilespmem:v7+s25+$0x0], $0xffff;
	[tilespmem:s5+$0xFFFFFF90] =	vst v1  }
0x7cf: {  	v15 =	vld.idx.msk [tilespmem:v15+s25+$0x0], $0xffff;
	[tilespmem:s5+$0xFFFFFFA0] =	vst v2  }
0x7d0: {  	v8 =	vld.idx.msk [tilespmem:v8+s25+$0x0], $0xffff;
	[tilespmem:s5+$0xFFFFFFB0] =	vst v3  }
0x7d1: {  	[tilespmem:s5+$0xFFFFFFC0] =	vst v4;
	v0 =	vld.idx.msk [tilespmem:v9+s25+$0x0], $0xffff  }
0x7d2: {  	[tilespmem:s5+$0xFFFFFFD0] =	vst v5;
	v1 =	vld.idx.msk [tilespmem:v10+s25+$0x0], $0xffff  }
0x7d3: {  	[tilespmem:s5+$0xFFFFFFE0] =	vst v6;
	v2 =	vld.idx.msk [tilespmem:v11+s25+$0x0], $0xffff  }
0x7d4: {  	[tilespmem:s5+$0xFFFFFFF0] =	vst v7;
	v3 =	vld.idx.msk [tilespmem:v12+s25+$0x0], $0xffff  }
0x7d5: {  	[tilespmem:s5+$0xFFFFFF80] =	vst v15;
	v4 =	vld.idx.msk [tilespmem:v13+s25+$0x0], $0xffff  }
0x7d6: {  	s6 =	simm.s32 $0x0;
	s7 =	simm.s32 $0x18880;
	[tilespmem:s5+$0x0] =	vst v8;
	v5 =	vld.idx.msk [tilespmem:v14+s25+$0x0], $0xffff  }
.LBB2_42:
0x7d7: {  	v6 =	vld [tilespmem:s7+$0x70];
	s6 =	sadd.s32 $0x10, s6;
	[tilespmem:s5+$0x10] =	vst v0  }
0x7d8: {  	v0 =	vld [tilespmem:s7+$0xFFFFFF90];
	p4 =	slt.u32 s6, $0x3F0;
	[tilespmem:s5+$0x20] =	vst v1  }
0x7d9: {  	v1 =	vld [tilespmem:s7+$0xFFFFFFA0];
	[tilespmem:s5+$0x30] =	vst v2  }
0x7da: {  	v2 =	vld [tilespmem:s7+$0xFFFFFFB0];
	[tilespmem:s5+$0x40] =	vst v3  }
0x7db: {  	v3 =	vld [tilespmem:s7+$0xFFFFFFC0];
	[tilespmem:s5+$0x50] =	vst v4  }
0x7dc: {  	v4 =	vld [tilespmem:s7+$0xFFFFFFD0];
	[tilespmem:s5+$0x60] =	vst v5;
	s5 =	smov.u32 s7  }
0x7dd: {  	v5 =	vld [tilespmem:s7+$0xFFFFFFE0]  }
0x7de: {  	v7 =	vld [tilespmem:s7+$0xFFFFFFF0]  }
0x7df: {  	v6 =	vld.idx.msk [tilespmem:v6+s25+$0x0], $0xffff  }
0x7e0: {  	v8 =	vld [tilespmem:s7+$0x0]  }
0x7e1: {  	v9 =	vld [tilespmem:s7+$0x10]  }
0x7e2: {  	v10 =	vld [tilespmem:s7+$0x20]  }
0x7e3: {  	v11 =	vld [tilespmem:s7+$0x30]  }
0x7e4: {  	v12 =	vld [tilespmem:s7+$0x40]  }
0x7e5: {  	v13 =	vld [tilespmem:s7+$0x50];
	[tilespmem:s7+$0x70] =	vst v6  }
0x7e6: {  	v6 =	vld [tilespmem:s7+$0x60]  }
0x7e7: {  	v14 =	vld [tilespmem:s7+$0xFFFFFF80]  }
0x7e8: {  	v0 =	vld.idx.msk [tilespmem:v0+s25+$0x0], $0xffff  }
0x7e9: {  	v1 =	vld.idx.msk [tilespmem:v1+s25+$0x0], $0xffff  }
0x7ea: {  	v2 =	vld.idx.msk [tilespmem:v2+s25+$0x0], $0xffff  }
0x7eb: {  	v3 =	vld.idx.msk [tilespmem:v3+s25+$0x0], $0xffff  }
0x7ec: {  	v4 =	vld.idx.msk [tilespmem:v4+s25+$0x0], $0xffff  }
0x7ed: {  	v5 =	vld.idx.msk [tilespmem:v5+s25+$0x0], $0xffff  }
0x7ee: {  	[tilespmem:s7+$0xFFFFFF90] =	vst v0;
	v7 =	vld.idx.msk [tilespmem:v7+s25+$0x0], $0xffff  }
0x7ef: {  	v14 =	vld.idx.msk [tilespmem:v14+s25+$0x0], $0xffff;
	[tilespmem:s7+$0xFFFFFFA0] =	vst v1  }
0x7f0: {  	[tilespmem:s7+$0xFFFFFFB0] =	vst v2;
	v8 =	vld.idx.msk [tilespmem:v8+s25+$0x0], $0xffff  }
0x7f1: {  	[tilespmem:s7+$0xFFFFFFC0] =	vst v3;
	v0 =	vld.idx.msk [tilespmem:v9+s25+$0x0], $0xffff  }
.Ltmp20:
0x7f2: {  	[tilespmem:s7+$0xFFFFFFD0] =	vst v4;
	v1 =	vld.idx.msk [tilespmem:v10+s25+$0x0], $0xffff;
	(pc) =	sbr.rel @p4 .LBB2_42-.Ltmp20, $4  }
0x7f3: {  	[tilespmem:s7+$0xFFFFFFE0] =	vst v5;
	v2 =	vld.idx.msk [tilespmem:v11+s25+$0x0], $0xffff  }
0x7f4: {  	[tilespmem:s7+$0xFFFFFFF0] =	vst v7;
	v3 =	vld.idx.msk [tilespmem:v12+s25+$0x0], $0xffff  }
0x7f5: {  	[tilespmem:s7+$0xFFFFFF80] =	vst v14;
	v4 =	vld.idx.msk [tilespmem:v13+s25+$0x0], $0xffff  }
0x7f6: {  	s7 =	sadd.s32 $0x100, s7;
	[tilespmem:s5+$0x0] =	vst v8;
	v5 =	vld.idx.msk [tilespmem:v6+s25+$0x0], $0xffff  }
0x7f7: {  	[tilespmem:s5+$0x10] =	vst v0  }
0x7f8: {  	[tilespmem:s5+$0x20] =	vst v1  }
0x7f9: {  	[tilespmem:s5+$0x30] =	vst v2  }
0x7fa: {  	[tilespmem:s5+$0x40] =	vst v3  }
0x7fb: {  	[tilespmem:s5+$0x50] =	vst v4  }
0x7fc: {  	[tilespmem:s5+$0x60] =	vst v5  }
0x7fd: {  	s5 =	sld [smem:$0x7FB];
	_ =	sdelay $0x1  }
0x7fe: {  	s6 =	simm.s32 @!p5 $0x20;
	s9 =	sld [smem:$0x7E2]  }
0x7ff: {  	[hbm4b:s5+s24] =	stream.strided.scatter [tilespmem:s0], [sflag:$0x1], $0x4000, s26, s24, $0x38;
	[tilespmem:$0x1CF00] =	vst v63  }
0x800: {  	s7 =	simm.s32 @!p5 $0x80;
	s8 =	simm.s32 @!p5 $0x1D43;
	s5 =	simm.s32 @!p5 $0x1  }
0x801: {  	[spmem:s10@s6], [sflag:s8] =	dma.strided @!p5 [hbm:s9@s7], $0x800, s5, $0x10   }
0x802: {  	s5 =	simm.s32 @!p5 $0x3  }
0x803: {  	_ =	swait.ge @!p5 [sflag:s5], $0x800  }
0x804: {  	[sflag:s5] =	ssyncset.done @!p5 $0x0  }
0x805: {  	s20 =	rddreg [dreg:$0x1a];
	[sflag:s5] =	ssyncadd.s32 @!p5 $0xFFFFF800  }
0x806: {  	[tilespmem:s25], [sflag:$0x2] =	stream.strided.gather [hbm4b:s20+s24], $0x18700, s26, s24, $0x38;
	[tilespmem:$0x1CF00] =	vst v63  }
0x807: {  	_ =	swait.ge [sflag:s2], $0x4000  }
0x808: {  	[sflag:s2] =	ssyncset.done $0x0  }
0x809: {  	[sflag:s2] =	ssyncadd.s32 $0xFFFFC000  }
0x80a: {  	[bflag:$0x0] =	sbarrier.arrive $0xFFFF  }
0x80b: {  	[tilespmem:s0], [sflag:$0x3] =	stream.strided.gather [spmem:s28], $0x4000, s29, s24, $0x38;
	[tilespmem:$0x1CF00] =	vst v63  }
0x80c: {  	_ =	swait.ge [sflag:s31], $0x4000  }
0x80d: {  	[sflag:s31] =	ssyncset.done $0x0  }
0x80e: {  	[sflag:s31] =	ssyncadd.s32 $0xFFFFC000  }
0x80f: {  	_ =	swait.ge [sflag:s3], $0x18700  }
0x810: {  	[sflag:s3] =	ssyncset.done $0x0  }
0x811: {  	s5 =	simm.s32 $0x18780;
	[sflag:s3] =	ssyncadd.s32 $0xFFFE7900  }
0x812: {  	v0 =	vld [tilespmem:s5+$0x70]  }
0x813: {  	v1 =	vld [tilespmem:s5+$0xFFFFFF90]  }
0x814: {  	v2 =	vld [tilespmem:s5+$0xFFFFFFA0]  }
0x815: {  	v3 =	vld [tilespmem:s5+$0xFFFFFFB0]  }
0x816: {  	v4 =	vld [tilespmem:s5+$0xFFFFFFC0]  }
0x817: {  	v5 =	vld [tilespmem:s5+$0xFFFFFFD0]  }
0x818: {  	v6 =	vld [tilespmem:s5+$0xFFFFFFE0]  }
0x819: {  	v7 =	vld [tilespmem:s5+$0xFFFFFFF0]  }
0x81a: {  	v8 =	vld [tilespmem:s5+$0x0]  }
0x81b: {  	v9 =	vld [tilespmem:s5+$0x10]  }
0x81c: {  	v10 =	vld [tilespmem:s5+$0x20]  }
0x81d: {  	v11 =	vld [tilespmem:s5+$0x30]  }
0x81e: {  	v12 =	vld [tilespmem:s5+$0x40]  }
0x81f: {  	v13 =	vld [tilespmem:s5+$0x50]  }
0x820: {  	v14 =	vld [tilespmem:s5+$0x60]  }
0x821: {  	v15 =	vld [tilespmem:s5+$0xFFFFFF80]  }
0x822: {  	v0 =	vld.idx.msk [tilespmem:v0+s25+$0x0], $0xffff  }
0x823: {  	v1 =	vld.idx.msk [tilespmem:v1+s25+$0x0], $0xffff  }
0x824: {  	v2 =	vld.idx.msk [tilespmem:v2+s25+$0x0], $0xffff  }
0x825: {  	v3 =	vld.idx.msk [tilespmem:v3+s25+$0x0], $0xffff  }
0x826: {  	v4 =	vld.idx.msk [tilespmem:v4+s25+$0x0], $0xffff  }
0x827: {  	v5 =	vld.idx.msk [tilespmem:v5+s25+$0x0], $0xffff  }
0x828: {  	v6 =	vld.idx.msk [tilespmem:v6+s25+$0x0], $0xffff;
	[tilespmem:s5+$0x70] =	vst v0  }
0x829: {  	v7 =	vld.idx.msk [tilespmem:v7+s25+$0x0], $0xffff;
	[tilespmem:s5+$0xFFFFFF90] =	vst v1  }
0x82a: {  	v15 =	vld.idx.msk [tilespmem:v15+s25+$0x0], $0xffff;
	[tilespmem:s5+$0xFFFFFFA0] =	vst v2  }
0x82b: {  	v8 =	vld.idx.msk [tilespmem:v8+s25+$0x0], $0xffff;
	[tilespmem:s5+$0xFFFFFFB0] =	vst v3  }
0x82c: {  	[tilespmem:s5+$0xFFFFFFC0] =	vst v4;
	v0 =	vld.idx.msk [tilespmem:v9+s25+$0x0], $0xffff  }
0x82d: {  	[tilespmem:s5+$0xFFFFFFD0] =	vst v5;
	v1 =	vld.idx.msk [tilespmem:v10+s25+$0x0], $0xffff  }
0x82e: {  	[tilespmem:s5+$0xFFFFFFE0] =	vst v6;
	v2 =	vld.idx.msk [tilespmem:v11+s25+$0x0], $0xffff  }
0x82f: {  	[tilespmem:s5+$0xFFFFFFF0] =	vst v7;
	v3 =	vld.idx.msk [tilespmem:v12+s25+$0x0], $0xffff  }
0x830: {  	[tilespmem:s5+$0xFFFFFF80] =	vst v15;
	v4 =	vld.idx.msk [tilespmem:v13+s25+$0x0], $0xffff  }
0x831: {  	s6 =	simm.s32 $0x0;
	s7 =	simm.s32 $0x18880;
	[tilespmem:s5+$0x0] =	vst v8;
	v5 =	vld.idx.msk [tilespmem:v14+s25+$0x0], $0xffff  }
.LBB2_44:
0x832: {  	v6 =	vld [tilespmem:s7+$0x70];
	s6 =	sadd.s32 $0x10, s6;
	[tilespmem:s5+$0x10] =	vst v0  }
0x833: {  	v0 =	vld [tilespmem:s7+$0xFFFFFF90];
	p4 =	slt.u32 s6, $0x3F0;
	[tilespmem:s5+$0x20] =	vst v1  }
0x834: {  	v1 =	vld [tilespmem:s7+$0xFFFFFFA0];
	[tilespmem:s5+$0x30] =	vst v2  }
0x835: {  	v2 =	vld [tilespmem:s7+$0xFFFFFFB0];
	[tilespmem:s5+$0x40] =	vst v3  }
0x836: {  	v3 =	vld [tilespmem:s7+$0xFFFFFFC0];
	[tilespmem:s5+$0x50] =	vst v4  }
0x837: {  	v4 =	vld [tilespmem:s7+$0xFFFFFFD0];
	[tilespmem:s5+$0x60] =	vst v5;
	s5 =	smov.u32 s7  }
0x838: {  	v5 =	vld [tilespmem:s7+$0xFFFFFFE0]  }
0x839: {  	v7 =	vld [tilespmem:s7+$0xFFFFFFF0]  }
0x83a: {  	v6 =	vld.idx.msk [tilespmem:v6+s25+$0x0], $0xffff  }
0x83b: {  	v8 =	vld [tilespmem:s7+$0x0]  }
0x83c: {  	v9 =	vld [tilespmem:s7+$0x10]  }
0x83d: {  	v10 =	vld [tilespmem:s7+$0x20]  }
0x83e: {  	v11 =	vld [tilespmem:s7+$0x30]  }
0x83f: {  	v12 =	vld [tilespmem:s7+$0x40]  }
0x840: {  	v13 =	vld [tilespmem:s7+$0x50];
	[tilespmem:s7+$0x70] =	vst v6  }
0x841: {  	v6 =	vld [tilespmem:s7+$0x60]  }
0x842: {  	v14 =	vld [tilespmem:s7+$0xFFFFFF80]  }
0x843: {  	v0 =	vld.idx.msk [tilespmem:v0+s25+$0x0], $0xffff  }
0x844: {  	v1 =	vld.idx.msk [tilespmem:v1+s25+$0x0], $0xffff  }
0x845: {  	v2 =	vld.idx.msk [tilespmem:v2+s25+$0x0], $0xffff  }
0x846: {  	v3 =	vld.idx.msk [tilespmem:v3+s25+$0x0], $0xffff  }
0x847: {  	v4 =	vld.idx.msk [tilespmem:v4+s25+$0x0], $0xffff  }
0x848: {  	v5 =	vld.idx.msk [tilespmem:v5+s25+$0x0], $0xffff  }
0x849: {  	[tilespmem:s7+$0xFFFFFF90] =	vst v0;
	v7 =	vld.idx.msk [tilespmem:v7+s25+$0x0], $0xffff  }
0x84a: {  	v14 =	vld.idx.msk [tilespmem:v14+s25+$0x0], $0xffff;
	[tilespmem:s7+$0xFFFFFFA0] =	vst v1  }
0x84b: {  	[tilespmem:s7+$0xFFFFFFB0] =	vst v2;
	v8 =	vld.idx.msk [tilespmem:v8+s25+$0x0], $0xffff  }
0x84c: {  	[tilespmem:s7+$0xFFFFFFC0] =	vst v3;
	v0 =	vld.idx.msk [tilespmem:v9+s25+$0x0], $0xffff  }
.Ltmp21:
0x84d: {  	[tilespmem:s7+$0xFFFFFFD0] =	vst v4;
	v1 =	vld.idx.msk [tilespmem:v10+s25+$0x0], $0xffff;
	(pc) =	sbr.rel @p4 .LBB2_44-.Ltmp21, $4  }
0x84e: {  	[tilespmem:s7+$0xFFFFFFE0] =	vst v5;
	v2 =	vld.idx.msk [tilespmem:v11+s25+$0x0], $0xffff  }
0x84f: {  	[tilespmem:s7+$0xFFFFFFF0] =	vst v7;
	v3 =	vld.idx.msk [tilespmem:v12+s25+$0x0], $0xffff  }
0x850: {  	[tilespmem:s7+$0xFFFFFF80] =	vst v14;
	v4 =	vld.idx.msk [tilespmem:v13+s25+$0x0], $0xffff  }
0x851: {  	s7 =	sadd.s32 $0x100, s7;
	[tilespmem:s5+$0x0] =	vst v8;
	v5 =	vld.idx.msk [tilespmem:v6+s25+$0x0], $0xffff  }
0x852: {  	[tilespmem:s5+$0x10] =	vst v0  }
0x853: {  	[tilespmem:s5+$0x20] =	vst v1  }
0x854: {  	[tilespmem:s5+$0x30] =	vst v2  }
0x855: {  	[tilespmem:s5+$0x40] =	vst v3  }
0x856: {  	[tilespmem:s5+$0x50] =	vst v4  }
0x857: {  	[tilespmem:s5+$0x60] =	vst v5  }
0x858: {  	s5 =	sld [smem:$0x7FC];
	_ =	sdelay $0x1  }
0x859: {  	s6 =	simm.s32 @!p6 $0x20;
	s9 =	sld [smem:$0x7E3]  }
0x85a: {  	[hbm4b:s5+s24] =	stream.strided.scatter [tilespmem:s0], [sflag:$0x1], $0x4000, s26, s24, $0x38;
	[tilespmem:$0x1CF00] =	vst v63  }
0x85b: {  	s7 =	simm.s32 @!p6 $0x80;
	s8 =	simm.s32 @!p6 $0x1D83;
	s5 =	simm.s32 @!p6 $0x1  }
0x85c: {  	[spmem:s11@s6], [sflag:s8] =	dma.strided @!p6 [hbm:s9@s7], $0x800, s5, $0x10   }
0x85d: {  	s5 =	simm.s32 @!p6 $0x3  }
0x85e: {  	_ =	swait.ge @!p6 [sflag:s5], $0x800  }
0x85f: {  	[sflag:s5] =	ssyncset.done @!p6 $0x0  }
0x860: {  	s20 =	rddreg [dreg:$0x1b];
	[sflag:s5] =	ssyncadd.s32 @!p6 $0xFFFFF800  }
0x861: {  	[tilespmem:s25], [sflag:$0x2] =	stream.strided.gather [hbm4b:s20+s24], $0x18700, s26, s24, $0x38;
	[tilespmem:$0x1CF00] =	vst v63  }
0x862: {  	_ =	swait.ge [sflag:s2], $0x4000  }
0x863: {  	[sflag:s2] =	ssyncset.done $0x0  }
0x864: {  	[sflag:s2] =	ssyncadd.s32 $0xFFFFC000  }
0x865: {  	[bflag:$0x0] =	sbarrier.arrive $0xFFFF  }
0x866: {  	[tilespmem:s0], [sflag:$0x3] =	stream.strided.gather [spmem:s30], $0x4000, s29, s24, $0x38;
	[tilespmem:$0x1CF00] =	vst v63  }
0x867: {  	_ =	swait.ge [sflag:s31], $0x4000  }
0x868: {  	[sflag:s31] =	ssyncset.done $0x0  }
0x869: {  	[sflag:s31] =	ssyncadd.s32 $0xFFFFC000  }
0x86a: {  	_ =	swait.ge [sflag:s3], $0x18700  }
0x86b: {  	[sflag:s3] =	ssyncset.done $0x0  }
0x86c: {  	s5 =	simm.s32 $0x18780;
	[sflag:s3] =	ssyncadd.s32 $0xFFFE7900  }
0x86d: {  	v0 =	vld [tilespmem:s5+$0x70]  }
0x86e: {  	v1 =	vld [tilespmem:s5+$0xFFFFFF90]  }
0x86f: {  	v2 =	vld [tilespmem:s5+$0xFFFFFFA0]  }
0x870: {  	v3 =	vld [tilespmem:s5+$0xFFFFFFB0]  }
0x871: {  	v4 =	vld [tilespmem:s5+$0xFFFFFFC0]  }
0x872: {  	v5 =	vld [tilespmem:s5+$0xFFFFFFD0]  }
0x873: {  	v6 =	vld [tilespmem:s5+$0xFFFFFFE0]  }
0x874: {  	v7 =	vld [tilespmem:s5+$0xFFFFFFF0]  }
0x875: {  	v8 =	vld [tilespmem:s5+$0x0]  }
0x876: {  	v9 =	vld [tilespmem:s5+$0x10]  }
0x877: {  	v10 =	vld [tilespmem:s5+$0x20]  }
0x878: {  	v11 =	vld [tilespmem:s5+$0x30]  }
0x879: {  	v12 =	vld [tilespmem:s5+$0x40]  }
0x87a: {  	v13 =	vld [tilespmem:s5+$0x50]  }
0x87b: {  	v14 =	vld [tilespmem:s5+$0x60]  }
0x87c: {  	v15 =	vld [tilespmem:s5+$0xFFFFFF80]  }
0x87d: {  	v0 =	vld.idx.msk [tilespmem:v0+s25+$0x0], $0xffff  }
0x87e: {  	v1 =	vld.idx.msk [tilespmem:v1+s25+$0x0], $0xffff  }
0x87f: {  	v2 =	vld.idx.msk [tilespmem:v2+s25+$0x0], $0xffff  }
0x880: {  	v3 =	vld.idx.msk [tilespmem:v3+s25+$0x0], $0xffff  }
0x881: {  	v4 =	vld.idx.msk [tilespmem:v4+s25+$0x0], $0xffff  }
0x882: {  	v5 =	vld.idx.msk [tilespmem:v5+s25+$0x0], $0xffff  }
0x883: {  	v6 =	vld.idx.msk [tilespmem:v6+s25+$0x0], $0xffff;
	[tilespmem:s5+$0x70] =	vst v0  }
0x884: {  	v7 =	vld.idx.msk [tilespmem:v7+s25+$0x0], $0xffff;
	[tilespmem:s5+$0xFFFFFF90] =	vst v1  }
0x885: {  	v15 =	vld.idx.msk [tilespmem:v15+s25+$0x0], $0xffff;
	[tilespmem:s5+$0xFFFFFFA0] =	vst v2  }
0x886: {  	v8 =	vld.idx.msk [tilespmem:v8+s25+$0x0], $0xffff;
	[tilespmem:s5+$0xFFFFFFB0] =	vst v3  }
0x887: {  	[tilespmem:s5+$0xFFFFFFC0] =	vst v4;
	v0 =	vld.idx.msk [tilespmem:v9+s25+$0x0], $0xffff  }
0x888: {  	[tilespmem:s5+$0xFFFFFFD0] =	vst v5;
	v1 =	vld.idx.msk [tilespmem:v10+s25+$0x0], $0xffff  }
0x889: {  	[tilespmem:s5+$0xFFFFFFE0] =	vst v6;
	v2 =	vld.idx.msk [tilespmem:v11+s25+$0x0], $0xffff  }
0x88a: {  	[tilespmem:s5+$0xFFFFFFF0] =	vst v7;
	v3 =	vld.idx.msk [tilespmem:v12+s25+$0x0], $0xffff  }
0x88b: {  	[tilespmem:s5+$0xFFFFFF80] =	vst v15;
	v4 =	vld.idx.msk [tilespmem:v13+s25+$0x0], $0xffff  }
0x88c: {  	s6 =	simm.s32 $0x0;
	s7 =	simm.s32 $0x18880;
	[tilespmem:s5+$0x0] =	vst v8;
	v5 =	vld.idx.msk [tilespmem:v14+s25+$0x0], $0xffff  }
.LBB2_46:
0x88d: {  	v6 =	vld [tilespmem:s7+$0x70];
	s6 =	sadd.s32 $0x10, s6;
	[tilespmem:s5+$0x10] =	vst v0  }
0x88e: {  	v0 =	vld [tilespmem:s7+$0xFFFFFF90];
	p4 =	slt.u32 s6, $0x3F0;
	[tilespmem:s5+$0x20] =	vst v1  }
0x88f: {  	v1 =	vld [tilespmem:s7+$0xFFFFFFA0];
	[tilespmem:s5+$0x30] =	vst v2  }
0x890: {  	v2 =	vld [tilespmem:s7+$0xFFFFFFB0];
	[tilespmem:s5+$0x40] =	vst v3  }
0x891: {  	v3 =	vld [tilespmem:s7+$0xFFFFFFC0];
	[tilespmem:s5+$0x50] =	vst v4  }
0x892: {  	v4 =	vld [tilespmem:s7+$0xFFFFFFD0];
	[tilespmem:s5+$0x60] =	vst v5;
	s5 =	smov.u32 s7  }
0x893: {  	v5 =	vld [tilespmem:s7+$0xFFFFFFE0]  }
0x894: {  	v7 =	vld [tilespmem:s7+$0xFFFFFFF0]  }
0x895: {  	v6 =	vld.idx.msk [tilespmem:v6+s25+$0x0], $0xffff  }
0x896: {  	v8 =	vld [tilespmem:s7+$0x0]  }
0x897: {  	v9 =	vld [tilespmem:s7+$0x10]  }
0x898: {  	v10 =	vld [tilespmem:s7+$0x20]  }
0x899: {  	v11 =	vld [tilespmem:s7+$0x30]  }
0x89a: {  	v12 =	vld [tilespmem:s7+$0x40]  }
0x89b: {  	v13 =	vld [tilespmem:s7+$0x50];
	[tilespmem:s7+$0x70] =	vst v6  }
0x89c: {  	v6 =	vld [tilespmem:s7+$0x60]  }
0x89d: {  	v14 =	vld [tilespmem:s7+$0xFFFFFF80]  }
0x89e: {  	v0 =	vld.idx.msk [tilespmem:v0+s25+$0x0], $0xffff  }
0x89f: {  	v1 =	vld.idx.msk [tilespmem:v1+s25+$0x0], $0xffff  }
0x8a0: {  	v2 =	vld.idx.msk [tilespmem:v2+s25+$0x0], $0xffff  }
0x8a1: {  	v3 =	vld.idx.msk [tilespmem:v3+s25+$0x0], $0xffff  }
0x8a2: {  	v4 =	vld.idx.msk [tilespmem:v4+s25+$0x0], $0xffff  }
0x8a3: {  	v5 =	vld.idx.msk [tilespmem:v5+s25+$0x0], $0xffff  }
0x8a4: {  	[tilespmem:s7+$0xFFFFFF90] =	vst v0;
	v7 =	vld.idx.msk [tilespmem:v7+s25+$0x0], $0xffff  }
0x8a5: {  	v14 =	vld.idx.msk [tilespmem:v14+s25+$0x0], $0xffff;
	[tilespmem:s7+$0xFFFFFFA0] =	vst v1  }
0x8a6: {  	[tilespmem:s7+$0xFFFFFFB0] =	vst v2;
	v8 =	vld.idx.msk [tilespmem:v8+s25+$0x0], $0xffff  }
0x8a7: {  	[tilespmem:s7+$0xFFFFFFC0] =	vst v3;
	v0 =	vld.idx.msk [tilespmem:v9+s25+$0x0], $0xffff  }
.Ltmp22:
0x8a8: {  	[tilespmem:s7+$0xFFFFFFD0] =	vst v4;
	v1 =	vld.idx.msk [tilespmem:v10+s25+$0x0], $0xffff;
	(pc) =	sbr.rel @p4 .LBB2_46-.Ltmp22, $4  }
0x8a9: {  	[tilespmem:s7+$0xFFFFFFE0] =	vst v5;
	v2 =	vld.idx.msk [tilespmem:v11+s25+$0x0], $0xffff  }
0x8aa: {  	[tilespmem:s7+$0xFFFFFFF0] =	vst v7;
	v3 =	vld.idx.msk [tilespmem:v12+s25+$0x0], $0xffff  }
0x8ab: {  	[tilespmem:s7+$0xFFFFFF80] =	vst v14;
	v4 =	vld.idx.msk [tilespmem:v13+s25+$0x0], $0xffff  }
0x8ac: {  	s7 =	sadd.s32 $0x100, s7;
	[tilespmem:s5+$0x0] =	vst v8;
	v5 =	vld.idx.msk [tilespmem:v6+s25+$0x0], $0xffff  }
0x8ad: {  	[tilespmem:s5+$0x10] =	vst v0  }
0x8ae: {  	[tilespmem:s5+$0x20] =	vst v1  }
0x8af: {  	[tilespmem:s5+$0x30] =	vst v2  }
0x8b0: {  	[tilespmem:s5+$0x40] =	vst v3  }
0x8b1: {  	[tilespmem:s5+$0x50] =	vst v4  }
0x8b2: {  	[tilespmem:s5+$0x60] =	vst v5  }
0x8b3: {  	s5 =	sld [smem:$0x7FD];
	_ =	sdelay $0x1  }
0x8b4: {  	s6 =	simm.s32 @!p1 $0x20;
	s9 =	sld [smem:$0x7E4]  }
0x8b5: {  	[hbm4b:s5+s24] =	stream.strided.scatter [tilespmem:s0], [sflag:$0x1], $0x4000, s26, s24, $0x38;
	[tilespmem:$0x1CF00] =	vst v63  }
0x8b6: {  	s7 =	simm.s32 @!p1 $0x80;
	s8 =	simm.s32 @!p1 $0x1DC3;
	s5 =	simm.s32 @!p1 $0x1  }
0x8b7: {  	[spmem:s12@s6], [sflag:s8] =	dma.strided @!p1 [hbm:s9@s7], $0x800, s5, $0x10   }
0x8b8: {  	s5 =	simm.s32 @!p1 $0x3  }
0x8b9: {  	_ =	swait.ge @!p1 [sflag:s5], $0x800  }
0x8ba: {  	[sflag:s5] =	ssyncset.done @!p1 $0x0  }
0x8bb: {  	s20 =	rddreg [dreg:$0x1c];
	[sflag:s5] =	ssyncadd.s32 @!p1 $0xFFFFF800  }
0x8bc: {  	[tilespmem:s25], [sflag:$0x2] =	stream.strided.gather [hbm4b:s20+s24], $0x18700, s26, s24, $0x38;
	[tilespmem:$0x1CF00] =	vst v63  }
0x8bd: {  	_ =	swait.ge [sflag:s2], $0x4000  }
0x8be: {  	[sflag:s2] =	ssyncset.done $0x0  }
0x8bf: {  	[sflag:s2] =	ssyncadd.s32 $0xFFFFC000  }
0x8c0: {  	[bflag:$0x0] =	sbarrier.arrive $0xFFFF  }
0x8c1: {  	[tilespmem:s0], [sflag:$0x3] =	stream.strided.gather [spmem:s28], $0x4000, s29, s24, $0x38;
	[tilespmem:$0x1CF00] =	vst v63  }
0x8c2: {  	_ =	swait.ge [sflag:s31], $0x4000  }
0x8c3: {  	[sflag:s31] =	ssyncset.done $0x0  }
0x8c4: {  	[sflag:s31] =	ssyncadd.s32 $0xFFFFC000  }
0x8c5: {  	_ =	swait.ge [sflag:s3], $0x18700  }
0x8c6: {  	[sflag:s3] =	ssyncset.done $0x0  }
0x8c7: {  	s5 =	simm.s32 $0x18780;
	[sflag:s3] =	ssyncadd.s32 $0xFFFE7900  }
0x8c8: {  	v0 =	vld [tilespmem:s5+$0x70]  }
0x8c9: {  	v1 =	vld [tilespmem:s5+$0xFFFFFF90]  }
0x8ca: {  	v2 =	vld [tilespmem:s5+$0xFFFFFFA0]  }
0x8cb: {  	v3 =	vld [tilespmem:s5+$0xFFFFFFB0]  }
0x8cc: {  	v4 =	vld [tilespmem:s5+$0xFFFFFFC0]  }
0x8cd: {  	v5 =	vld [tilespmem:s5+$0xFFFFFFD0]  }
0x8ce: {  	v6 =	vld [tilespmem:s5+$0xFFFFFFE0]  }
0x8cf: {  	v7 =	vld [tilespmem:s5+$0xFFFFFFF0]  }
0x8d0: {  	v8 =	vld [tilespmem:s5+$0x0]  }
0x8d1: {  	v9 =	vld [tilespmem:s5+$0x10]  }
0x8d2: {  	v10 =	vld [tilespmem:s5+$0x20]  }
0x8d3: {  	v11 =	vld [tilespmem:s5+$0x30]  }
0x8d4: {  	v12 =	vld [tilespmem:s5+$0x40]  }
0x8d5: {  	v13 =	vld [tilespmem:s5+$0x50]  }
0x8d6: {  	v14 =	vld [tilespmem:s5+$0x60]  }
0x8d7: {  	v15 =	vld [tilespmem:s5+$0xFFFFFF80]  }
0x8d8: {  	v0 =	vld.idx.msk [tilespmem:v0+s25+$0x0], $0xffff  }
0x8d9: {  	v1 =	vld.idx.msk [tilespmem:v1+s25+$0x0], $0xffff  }
0x8da: {  	v2 =	vld.idx.msk [tilespmem:v2+s25+$0x0], $0xffff  }
0x8db: {  	v3 =	vld.idx.msk [tilespmem:v3+s25+$0x0], $0xffff  }
0x8dc: {  	v4 =	vld.idx.msk [tilespmem:v4+s25+$0x0], $0xffff  }
0x8dd: {  	v5 =	vld.idx.msk [tilespmem:v5+s25+$0x0], $0xffff  }
0x8de: {  	v6 =	vld.idx.msk [tilespmem:v6+s25+$0x0], $0xffff;
	[tilespmem:s5+$0x70] =	vst v0  }
0x8df: {  	v7 =	vld.idx.msk [tilespmem:v7+s25+$0x0], $0xffff;
	[tilespmem:s5+$0xFFFFFF90] =	vst v1  }
0x8e0: {  	v15 =	vld.idx.msk [tilespmem:v15+s25+$0x0], $0xffff;
	[tilespmem:s5+$0xFFFFFFA0] =	vst v2  }
0x8e1: {  	v8 =	vld.idx.msk [tilespmem:v8+s25+$0x0], $0xffff;
	[tilespmem:s5+$0xFFFFFFB0] =	vst v3  }
0x8e2: {  	[tilespmem:s5+$0xFFFFFFC0] =	vst v4;
	v0 =	vld.idx.msk [tilespmem:v9+s25+$0x0], $0xffff  }
0x8e3: {  	[tilespmem:s5+$0xFFFFFFD0] =	vst v5;
	v1 =	vld.idx.msk [tilespmem:v10+s25+$0x0], $0xffff  }
0x8e4: {  	[tilespmem:s5+$0xFFFFFFE0] =	vst v6;
	v2 =	vld.idx.msk [tilespmem:v11+s25+$0x0], $0xffff  }
0x8e5: {  	[tilespmem:s5+$0xFFFFFFF0] =	vst v7;
	v3 =	vld.idx.msk [tilespmem:v12+s25+$0x0], $0xffff  }
0x8e6: {  	[tilespmem:s5+$0xFFFFFF80] =	vst v15;
	v4 =	vld.idx.msk [tilespmem:v13+s25+$0x0], $0xffff  }
0x8e7: {  	s6 =	simm.s32 $0x0;
	s7 =	simm.s32 $0x18880;
	[tilespmem:s5+$0x0] =	vst v8;
	v5 =	vld.idx.msk [tilespmem:v14+s25+$0x0], $0xffff  }
.LBB2_48:
0x8e8: {  	v6 =	vld [tilespmem:s7+$0x70];
	s6 =	sadd.s32 $0x10, s6;
	[tilespmem:s5+$0x10] =	vst v0  }
0x8e9: {  	v0 =	vld [tilespmem:s7+$0xFFFFFF90];
	p4 =	slt.u32 s6, $0x3F0;
	[tilespmem:s5+$0x20] =	vst v1  }
0x8ea: {  	v1 =	vld [tilespmem:s7+$0xFFFFFFA0];
	[tilespmem:s5+$0x30] =	vst v2  }
0x8eb: {  	v2 =	vld [tilespmem:s7+$0xFFFFFFB0];
	[tilespmem:s5+$0x40] =	vst v3  }
0x8ec: {  	v3 =	vld [tilespmem:s7+$0xFFFFFFC0];
	[tilespmem:s5+$0x50] =	vst v4  }
0x8ed: {  	v4 =	vld [tilespmem:s7+$0xFFFFFFD0];
	[tilespmem:s5+$0x60] =	vst v5;
	s5 =	smov.u32 s7  }
0x8ee: {  	v5 =	vld [tilespmem:s7+$0xFFFFFFE0]  }
0x8ef: {  	v7 =	vld [tilespmem:s7+$0xFFFFFFF0]  }
0x8f0: {  	v6 =	vld.idx.msk [tilespmem:v6+s25+$0x0], $0xffff  }
0x8f1: {  	v8 =	vld [tilespmem:s7+$0x0]  }
0x8f2: {  	v9 =	vld [tilespmem:s7+$0x10]  }
0x8f3: {  	v10 =	vld [tilespmem:s7+$0x20]  }
0x8f4: {  	v11 =	vld [tilespmem:s7+$0x30]  }
0x8f5: {  	v12 =	vld [tilespmem:s7+$0x40]  }
0x8f6: {  	v13 =	vld [tilespmem:s7+$0x50];
	[tilespmem:s7+$0x70] =	vst v6  }
0x8f7: {  	v6 =	vld [tilespmem:s7+$0x60]  }
0x8f8: {  	v14 =	vld [tilespmem:s7+$0xFFFFFF80]  }
0x8f9: {  	v0 =	vld.idx.msk [tilespmem:v0+s25+$0x0], $0xffff  }
0x8fa: {  	v1 =	vld.idx.msk [tilespmem:v1+s25+$0x0], $0xffff  }
0x8fb: {  	v2 =	vld.idx.msk [tilespmem:v2+s25+$0x0], $0xffff  }
0x8fc: {  	v3 =	vld.idx.msk [tilespmem:v3+s25+$0x0], $0xffff  }
0x8fd: {  	v4 =	vld.idx.msk [tilespmem:v4+s25+$0x0], $0xffff  }
0x8fe: {  	v5 =	vld.idx.msk [tilespmem:v5+s25+$0x0], $0xffff  }
0x8ff: {  	[tilespmem:s7+$0xFFFFFF90] =	vst v0;
	v7 =	vld.idx.msk [tilespmem:v7+s25+$0x0], $0xffff  }
0x900: {  	v14 =	vld.idx.msk [tilespmem:v14+s25+$0x0], $0xffff;
	[tilespmem:s7+$0xFFFFFFA0] =	vst v1  }
0x901: {  	[tilespmem:s7+$0xFFFFFFB0] =	vst v2;
	v8 =	vld.idx.msk [tilespmem:v8+s25+$0x0], $0xffff  }
0x902: {  	[tilespmem:s7+$0xFFFFFFC0] =	vst v3;
	v0 =	vld.idx.msk [tilespmem:v9+s25+$0x0], $0xffff  }
.Ltmp23:
0x903: {  	[tilespmem:s7+$0xFFFFFFD0] =	vst v4;
	v1 =	vld.idx.msk [tilespmem:v10+s25+$0x0], $0xffff;
	(pc) =	sbr.rel @p4 .LBB2_48-.Ltmp23, $4  }
0x904: {  	[tilespmem:s7+$0xFFFFFFE0] =	vst v5;
	v2 =	vld.idx.msk [tilespmem:v11+s25+$0x0], $0xffff  }
0x905: {  	[tilespmem:s7+$0xFFFFFFF0] =	vst v7;
	v3 =	vld.idx.msk [tilespmem:v12+s25+$0x0], $0xffff  }
0x906: {  	[tilespmem:s7+$0xFFFFFF80] =	vst v14;
	v4 =	vld.idx.msk [tilespmem:v13+s25+$0x0], $0xffff  }
0x907: {  	s7 =	sadd.s32 $0x100, s7;
	[tilespmem:s5+$0x0] =	vst v8;
	v5 =	vld.idx.msk [tilespmem:v6+s25+$0x0], $0xffff  }
0x908: {  	[tilespmem:s5+$0x10] =	vst v0  }
0x909: {  	[tilespmem:s5+$0x20] =	vst v1  }
0x90a: {  	[tilespmem:s5+$0x30] =	vst v2  }
0x90b: {  	[tilespmem:s5+$0x40] =	vst v3  }
0x90c: {  	[tilespmem:s5+$0x50] =	vst v4  }
0x90d: {  	[tilespmem:s5+$0x60] =	vst v5  }
0x90e: {  	s6 =	simm.s32 @!p2 $0x20;
	s9 =	sld [smem:$0x7E5]  }
0x90f: {  	s7 =	simm.s32 @!p2 $0x80;
	s8 =	simm.s32 @!p2 $0x1E03;
	s5 =	simm.s32 @!p2 $0x1  }
0x910: {  	[hbm4b:s21+s24] =	stream.strided.scatter [tilespmem:s0], [sflag:$0x1], $0x4000, s26, s24, $0x38;
	[tilespmem:$0x1CF00] =	vst v63  }
0x911: {  	[spmem:s13@s6], [sflag:s8] =	dma.strided @!p2 [hbm:s9@s7], $0x800, s5, $0x10   }
0x912: {  	s5 =	simm.s32 @!p2 $0x3  }
0x913: {  	_ =	swait.ge @!p2 [sflag:s5], $0x800  }
0x914: {  	[sflag:s5] =	ssyncset.done @!p2 $0x0  }
0x915: {  	s20 =	rddreg [dreg:$0x1d];
	[sflag:s5] =	ssyncadd.s32 @!p2 $0xFFFFF800  }
0x916: {  	[tilespmem:s25], [sflag:$0x2] =	stream.strided.gather [hbm4b:s20+s24], $0x18700, s26, s24, $0x38;
	[tilespmem:$0x1CF00] =	vst v63  }
0x917: {  	_ =	swait.ge [sflag:s2], $0x4000  }
0x918: {  	[sflag:s2] =	ssyncset.done $0x0  }
0x919: {  	[sflag:s2] =	ssyncadd.s32 $0xFFFFC000  }
0x91a: {  	[bflag:$0x0] =	sbarrier.arrive $0xFFFF  }
0x91b: {  	[tilespmem:s0], [sflag:$0x3] =	stream.strided.gather [spmem:s30], $0x4000, s29, s24, $0x38;
	[tilespmem:$0x1CF00] =	vst v63  }
0x91c: {  	_ =	swait.ge [sflag:s31], $0x4000  }
0x91d: {  	[sflag:s31] =	ssyncset.done $0x0  }
0x91e: {  	[sflag:s31] =	ssyncadd.s32 $0xFFFFC000  }
0x91f: {  	_ =	swait.ge [sflag:s3], $0x18700  }
0x920: {  	[sflag:s3] =	ssyncset.done $0x0  }
0x921: {  	s5 =	simm.s32 $0x18780;
	[sflag:s3] =	ssyncadd.s32 $0xFFFE7900  }
0x922: {  	v0 =	vld [tilespmem:s5+$0x70]  }
0x923: {  	v1 =	vld [tilespmem:s5+$0xFFFFFF90]  }
0x924: {  	v2 =	vld [tilespmem:s5+$0xFFFFFFA0]  }
0x925: {  	v3 =	vld [tilespmem:s5+$0xFFFFFFB0]  }
0x926: {  	v4 =	vld [tilespmem:s5+$0xFFFFFFC0]  }
0x927: {  	v5 =	vld [tilespmem:s5+$0xFFFFFFD0]  }
0x928: {  	v6 =	vld [tilespmem:s5+$0xFFFFFFE0]  }
0x929: {  	v7 =	vld [tilespmem:s5+$0xFFFFFFF0]  }
0x92a: {  	v8 =	vld [tilespmem:s5+$0x0]  }
0x92b: {  	v9 =	vld [tilespmem:s5+$0x10]  }
0x92c: {  	v10 =	vld [tilespmem:s5+$0x20]  }
0x92d: {  	v11 =	vld [tilespmem:s5+$0x30]  }
0x92e: {  	v12 =	vld [tilespmem:s5+$0x40]  }
0x92f: {  	v13 =	vld [tilespmem:s5+$0x50]  }
0x930: {  	v14 =	vld [tilespmem:s5+$0x60]  }
0x931: {  	v15 =	vld [tilespmem:s5+$0xFFFFFF80]  }
0x932: {  	v0 =	vld.idx.msk [tilespmem:v0+s25+$0x0], $0xffff  }
0x933: {  	v1 =	vld.idx.msk [tilespmem:v1+s25+$0x0], $0xffff  }
0x934: {  	v2 =	vld.idx.msk [tilespmem:v2+s25+$0x0], $0xffff  }
0x935: {  	v3 =	vld.idx.msk [tilespmem:v3+s25+$0x0], $0xffff  }
0x936: {  	v4 =	vld.idx.msk [tilespmem:v4+s25+$0x0], $0xffff  }
0x937: {  	v5 =	vld.idx.msk [tilespmem:v5+s25+$0x0], $0xffff  }
0x938: {  	v6 =	vld.idx.msk [tilespmem:v6+s25+$0x0], $0xffff;
	[tilespmem:s5+$0x70] =	vst v0  }
0x939: {  	v7 =	vld.idx.msk [tilespmem:v7+s25+$0x0], $0xffff;
	[tilespmem:s5+$0xFFFFFF90] =	vst v1  }
0x93a: {  	v15 =	vld.idx.msk [tilespmem:v15+s25+$0x0], $0xffff;
	[tilespmem:s5+$0xFFFFFFA0] =	vst v2  }
0x93b: {  	v8 =	vld.idx.msk [tilespmem:v8+s25+$0x0], $0xffff;
	[tilespmem:s5+$0xFFFFFFB0] =	vst v3  }
0x93c: {  	[tilespmem:s5+$0xFFFFFFC0] =	vst v4;
	v0 =	vld.idx.msk [tilespmem:v9+s25+$0x0], $0xffff  }
0x93d: {  	[tilespmem:s5+$0xFFFFFFD0] =	vst v5;
	v1 =	vld.idx.msk [tilespmem:v10+s25+$0x0], $0xffff  }
0x93e: {  	[tilespmem:s5+$0xFFFFFFE0] =	vst v6;
	v2 =	vld.idx.msk [tilespmem:v11+s25+$0x0], $0xffff  }
0x93f: {  	[tilespmem:s5+$0xFFFFFFF0] =	vst v7;
	v3 =	vld.idx.msk [tilespmem:v12+s25+$0x0], $0xffff  }
0x940: {  	[tilespmem:s5+$0xFFFFFF80] =	vst v15;
	v4 =	vld.idx.msk [tilespmem:v13+s25+$0x0], $0xffff  }
0x941: {  	s6 =	simm.s32 $0x0;
	s7 =	simm.s32 $0x18880;
	[tilespmem:s5+$0x0] =	vst v8;
	v5 =	vld.idx.msk [tilespmem:v14+s25+$0x0], $0xffff  }
.LBB2_50:
0x942: {  	v6 =	vld [tilespmem:s7+$0x70];
	s6 =	sadd.s32 $0x10, s6;
	[tilespmem:s5+$0x10] =	vst v0  }
0x943: {  	v0 =	vld [tilespmem:s7+$0xFFFFFF90];
	p4 =	slt.u32 s6, $0x3F0;
	[tilespmem:s5+$0x20] =	vst v1  }
0x944: {  	v1 =	vld [tilespmem:s7+$0xFFFFFFA0];
	[tilespmem:s5+$0x30] =	vst v2  }
0x945: {  	v2 =	vld [tilespmem:s7+$0xFFFFFFB0];
	[tilespmem:s5+$0x40] =	vst v3  }
0x946: {  	v3 =	vld [tilespmem:s7+$0xFFFFFFC0];
	[tilespmem:s5+$0x50] =	vst v4  }
0x947: {  	v4 =	vld [tilespmem:s7+$0xFFFFFFD0];
	[tilespmem:s5+$0x60] =	vst v5;
	s5 =	smov.u32 s7  }
0x948: {  	v5 =	vld [tilespmem:s7+$0xFFFFFFE0]  }
0x949: {  	v7 =	vld [tilespmem:s7+$0xFFFFFFF0]  }
0x94a: {  	v6 =	vld.idx.msk [tilespmem:v6+s25+$0x0], $0xffff  }
0x94b: {  	v8 =	vld [tilespmem:s7+$0x0]  }
0x94c: {  	v9 =	vld [tilespmem:s7+$0x10]  }
0x94d: {  	v10 =	vld [tilespmem:s7+$0x20]  }
0x94e: {  	v11 =	vld [tilespmem:s7+$0x30]  }
0x94f: {  	v12 =	vld [tilespmem:s7+$0x40]  }
0x950: {  	v13 =	vld [tilespmem:s7+$0x50];
	[tilespmem:s7+$0x70] =	vst v6  }
0x951: {  	v6 =	vld [tilespmem:s7+$0x60]  }
0x952: {  	v14 =	vld [tilespmem:s7+$0xFFFFFF80]  }
0x953: {  	v0 =	vld.idx.msk [tilespmem:v0+s25+$0x0], $0xffff  }
0x954: {  	v1 =	vld.idx.msk [tilespmem:v1+s25+$0x0], $0xffff  }
0x955: {  	v2 =	vld.idx.msk [tilespmem:v2+s25+$0x0], $0xffff  }
0x956: {  	v3 =	vld.idx.msk [tilespmem:v3+s25+$0x0], $0xffff  }
0x957: {  	v4 =	vld.idx.msk [tilespmem:v4+s25+$0x0], $0xffff  }
0x958: {  	v5 =	vld.idx.msk [tilespmem:v5+s25+$0x0], $0xffff  }
0x959: {  	[tilespmem:s7+$0xFFFFFF90] =	vst v0;
	v7 =	vld.idx.msk [tilespmem:v7+s25+$0x0], $0xffff  }
0x95a: {  	v14 =	vld.idx.msk [tilespmem:v14+s25+$0x0], $0xffff;
	[tilespmem:s7+$0xFFFFFFA0] =	vst v1  }
0x95b: {  	[tilespmem:s7+$0xFFFFFFB0] =	vst v2;
	v8 =	vld.idx.msk [tilespmem:v8+s25+$0x0], $0xffff  }
0x95c: {  	[tilespmem:s7+$0xFFFFFFC0] =	vst v3;
	v0 =	vld.idx.msk [tilespmem:v9+s25+$0x0], $0xffff  }
.Ltmp24:
0x95d: {  	[tilespmem:s7+$0xFFFFFFD0] =	vst v4;
	v1 =	vld.idx.msk [tilespmem:v10+s25+$0x0], $0xffff;
	(pc) =	sbr.rel @p4 .LBB2_50-.Ltmp24, $4  }
0x95e: {  	[tilespmem:s7+$0xFFFFFFE0] =	vst v5;
	v2 =	vld.idx.msk [tilespmem:v11+s25+$0x0], $0xffff  }
0x95f: {  	[tilespmem:s7+$0xFFFFFFF0] =	vst v7;
	v3 =	vld.idx.msk [tilespmem:v12+s25+$0x0], $0xffff  }
0x960: {  	[tilespmem:s7+$0xFFFFFF80] =	vst v14;
	v4 =	vld.idx.msk [tilespmem:v13+s25+$0x0], $0xffff  }
0x961: {  	s7 =	sadd.s32 $0x100, s7;
	[tilespmem:s5+$0x0] =	vst v8;
	v5 =	vld.idx.msk [tilespmem:v6+s25+$0x0], $0xffff  }
0x962: {  	[tilespmem:s5+$0x10] =	vst v0  }
0x963: {  	[tilespmem:s5+$0x20] =	vst v1  }
0x964: {  	[tilespmem:s5+$0x30] =	vst v2  }
0x965: {  	[tilespmem:s5+$0x40] =	vst v3  }
0x966: {  	[tilespmem:s5+$0x50] =	vst v4  }
0x967: {  	[tilespmem:s5+$0x60] =	vst v5  }
0x968: {  	s6 =	simm.s32 @!p3 $0x20;
	s9 =	sld [smem:$0x7E6]  }
0x969: {  	s7 =	simm.s32 @!p3 $0x80;
	s8 =	simm.s32 @!p3 $0x1E43;
	s5 =	simm.s32 @!p3 $0x1  }
0x96a: {  	[hbm4b:s22+s24] =	stream.strided.scatter [tilespmem:s0], [sflag:$0x1], $0x4000, s26, s24, $0x38;
	[tilespmem:$0x1CF00] =	vst v63  }
0x96b: {  	[spmem:s14@s6], [sflag:s8] =	dma.strided @!p3 [hbm:s9@s7], $0x800, s5, $0x10   }
0x96c: {  	s5 =	simm.s32 @!p3 $0x3  }
0x96d: {  	_ =	swait.ge @!p3 [sflag:s5], $0x800  }
0x96e: {  	[sflag:s5] =	ssyncset.done @!p3 $0x0  }
0x96f: {  	s20 =	rddreg [dreg:$0x1e];
	[sflag:s5] =	ssyncadd.s32 @!p3 $0xFFFFF800  }
0x970: {  	[tilespmem:s25], [sflag:$0x2] =	stream.strided.gather [hbm4b:s20+s24], $0x18700, s26, s24, $0x38;
	[tilespmem:$0x1CF00] =	vst v63  }
0x971: {  	_ =	swait.ge [sflag:s2], $0x4000  }
0x972: {  	[sflag:s2] =	ssyncset.done $0x0  }
0x973: {  	[sflag:s2] =	ssyncadd.s32 $0xFFFFC000  }
0x974: {  	[bflag:$0x0] =	sbarrier.arrive $0xFFFF  }
0x975: {  	[tilespmem:s0], [sflag:$0x3] =	stream.strided.gather [spmem:s28], $0x4000, s29, s24, $0x38;
	[tilespmem:$0x1CF00] =	vst v63  }
0x976: {  	_ =	swait.ge [sflag:s31], $0x4000  }
0x977: {  	[sflag:s31] =	ssyncset.done $0x0  }
0x978: {  	[sflag:s31] =	ssyncadd.s32 $0xFFFFC000  }
0x979: {  	_ =	swait.ge [sflag:s3], $0x18700  }
0x97a: {  	[sflag:s3] =	ssyncset.done $0x0  }
0x97b: {  	s5 =	simm.s32 $0x18780;
	[sflag:s3] =	ssyncadd.s32 $0xFFFE7900  }
0x97c: {  	v0 =	vld [tilespmem:s5+$0x70]  }
0x97d: {  	v1 =	vld [tilespmem:s5+$0xFFFFFF90]  }
0x97e: {  	v2 =	vld [tilespmem:s5+$0xFFFFFFA0]  }
0x97f: {  	v3 =	vld [tilespmem:s5+$0xFFFFFFB0]  }
0x980: {  	v4 =	vld [tilespmem:s5+$0xFFFFFFC0]  }
0x981: {  	v5 =	vld [tilespmem:s5+$0xFFFFFFD0]  }
0x982: {  	v6 =	vld [tilespmem:s5+$0xFFFFFFE0]  }
0x983: {  	v7 =	vld [tilespmem:s5+$0xFFFFFFF0]  }
0x984: {  	v8 =	vld [tilespmem:s5+$0x0]  }
0x985: {  	v9 =	vld [tilespmem:s5+$0x10]  }
0x986: {  	v10 =	vld [tilespmem:s5+$0x20]  }
0x987: {  	v11 =	vld [tilespmem:s5+$0x30]  }
0x988: {  	v12 =	vld [tilespmem:s5+$0x40]  }
0x989: {  	v13 =	vld [tilespmem:s5+$0x50]  }
0x98a: {  	v14 =	vld [tilespmem:s5+$0x60]  }
0x98b: {  	v15 =	vld [tilespmem:s5+$0xFFFFFF80]  }
0x98c: {  	v0 =	vld.idx.msk [tilespmem:v0+s25+$0x0], $0xffff  }
0x98d: {  	v1 =	vld.idx.msk [tilespmem:v1+s25+$0x0], $0xffff  }
0x98e: {  	v2 =	vld.idx.msk [tilespmem:v2+s25+$0x0], $0xffff  }
0x98f: {  	v3 =	vld.idx.msk [tilespmem:v3+s25+$0x0], $0xffff  }
0x990: {  	v4 =	vld.idx.msk [tilespmem:v4+s25+$0x0], $0xffff  }
0x991: {  	v5 =	vld.idx.msk [tilespmem:v5+s25+$0x0], $0xffff  }
0x992: {  	v6 =	vld.idx.msk [tilespmem:v6+s25+$0x0], $0xffff;
	[tilespmem:s5+$0x70] =	vst v0  }
0x993: {  	v7 =	vld.idx.msk [tilespmem:v7+s25+$0x0], $0xffff;
	[tilespmem:s5+$0xFFFFFF90] =	vst v1  }
0x994: {  	v15 =	vld.idx.msk [tilespmem:v15+s25+$0x0], $0xffff;
	[tilespmem:s5+$0xFFFFFFA0] =	vst v2  }
0x995: {  	v8 =	vld.idx.msk [tilespmem:v8+s25+$0x0], $0xffff;
	[tilespmem:s5+$0xFFFFFFB0] =	vst v3  }
0x996: {  	[tilespmem:s5+$0xFFFFFFC0] =	vst v4;
	v0 =	vld.idx.msk [tilespmem:v9+s25+$0x0], $0xffff  }
0x997: {  	[tilespmem:s5+$0xFFFFFFD0] =	vst v5;
	v1 =	vld.idx.msk [tilespmem:v10+s25+$0x0], $0xffff  }
0x998: {  	[tilespmem:s5+$0xFFFFFFE0] =	vst v6;
	v2 =	vld.idx.msk [tilespmem:v11+s25+$0x0], $0xffff  }
0x999: {  	[tilespmem:s5+$0xFFFFFFF0] =	vst v7;
	v3 =	vld.idx.msk [tilespmem:v12+s25+$0x0], $0xffff  }
0x99a: {  	[tilespmem:s5+$0xFFFFFF80] =	vst v15;
	v4 =	vld.idx.msk [tilespmem:v13+s25+$0x0], $0xffff  }
0x99b: {  	s6 =	simm.s32 $0x0;
	s7 =	simm.s32 $0x18880;
	[tilespmem:s5+$0x0] =	vst v8;
	v5 =	vld.idx.msk [tilespmem:v14+s25+$0x0], $0xffff  }
.LBB2_52:
0x99c: {  	v6 =	vld [tilespmem:s7+$0x70];
	s6 =	sadd.s32 $0x10, s6;
	[tilespmem:s5+$0x10] =	vst v0  }
0x99d: {  	v0 =	vld [tilespmem:s7+$0xFFFFFF90];
	p4 =	slt.u32 s6, $0x3F0;
	[tilespmem:s5+$0x20] =	vst v1  }
0x99e: {  	v1 =	vld [tilespmem:s7+$0xFFFFFFA0];
	[tilespmem:s5+$0x30] =	vst v2  }
0x99f: {  	v2 =	vld [tilespmem:s7+$0xFFFFFFB0];
	[tilespmem:s5+$0x40] =	vst v3  }
0x9a0: {  	v3 =	vld [tilespmem:s7+$0xFFFFFFC0];
	[tilespmem:s5+$0x50] =	vst v4  }
0x9a1: {  	v4 =	vld [tilespmem:s7+$0xFFFFFFD0];
	[tilespmem:s5+$0x60] =	vst v5;
	s5 =	smov.u32 s7  }
0x9a2: {  	v5 =	vld [tilespmem:s7+$0xFFFFFFE0]  }
0x9a3: {  	v7 =	vld [tilespmem:s7+$0xFFFFFFF0]  }
0x9a4: {  	v6 =	vld.idx.msk [tilespmem:v6+s25+$0x0], $0xffff  }
0x9a5: {  	v8 =	vld [tilespmem:s7+$0x0]  }
0x9a6: {  	v9 =	vld [tilespmem:s7+$0x10]  }
0x9a7: {  	v10 =	vld [tilespmem:s7+$0x20]  }
0x9a8: {  	v11 =	vld [tilespmem:s7+$0x30]  }
0x9a9: {  	v12 =	vld [tilespmem:s7+$0x40]  }
0x9aa: {  	v13 =	vld [tilespmem:s7+$0x50];
	[tilespmem:s7+$0x70] =	vst v6  }
0x9ab: {  	v6 =	vld [tilespmem:s7+$0x60]  }
0x9ac: {  	v14 =	vld [tilespmem:s7+$0xFFFFFF80]  }
0x9ad: {  	v0 =	vld.idx.msk [tilespmem:v0+s25+$0x0], $0xffff  }
0x9ae: {  	v1 =	vld.idx.msk [tilespmem:v1+s25+$0x0], $0xffff  }
0x9af: {  	v2 =	vld.idx.msk [tilespmem:v2+s25+$0x0], $0xffff  }
0x9b0: {  	v3 =	vld.idx.msk [tilespmem:v3+s25+$0x0], $0xffff  }
0x9b1: {  	v4 =	vld.idx.msk [tilespmem:v4+s25+$0x0], $0xffff  }
0x9b2: {  	v5 =	vld.idx.msk [tilespmem:v5+s25+$0x0], $0xffff  }
0x9b3: {  	[tilespmem:s7+$0xFFFFFF90] =	vst v0;
	v7 =	vld.idx.msk [tilespmem:v7+s25+$0x0], $0xffff  }
0x9b4: {  	v14 =	vld.idx.msk [tilespmem:v14+s25+$0x0], $0xffff;
	[tilespmem:s7+$0xFFFFFFA0] =	vst v1  }
0x9b5: {  	[tilespmem:s7+$0xFFFFFFB0] =	vst v2;
	v8 =	vld.idx.msk [tilespmem:v8+s25+$0x0], $0xffff  }
0x9b6: {  	[tilespmem:s7+$0xFFFFFFC0] =	vst v3;
	v0 =	vld.idx.msk [tilespmem:v9+s25+$0x0], $0xffff  }
.Ltmp25:
0x9b7: {  	[tilespmem:s7+$0xFFFFFFD0] =	vst v4;
	v1 =	vld.idx.msk [tilespmem:v10+s25+$0x0], $0xffff;
	(pc) =	sbr.rel @p4 .LBB2_52-.Ltmp25, $4  }
0x9b8: {  	[tilespmem:s7+$0xFFFFFFE0] =	vst v5;
	v2 =	vld.idx.msk [tilespmem:v11+s25+$0x0], $0xffff  }
0x9b9: {  	[tilespmem:s7+$0xFFFFFFF0] =	vst v7;
	v3 =	vld.idx.msk [tilespmem:v12+s25+$0x0], $0xffff  }
0x9ba: {  	[tilespmem:s7+$0xFFFFFF80] =	vst v14;
	v4 =	vld.idx.msk [tilespmem:v13+s25+$0x0], $0xffff  }
0x9bb: {  	s7 =	sadd.s32 $0x100, s7;
	[tilespmem:s5+$0x0] =	vst v8;
	v5 =	vld.idx.msk [tilespmem:v6+s25+$0x0], $0xffff  }
0x9bc: {  	[tilespmem:s5+$0x10] =	vst v0  }
0x9bd: {  	[tilespmem:s5+$0x20] =	vst v1  }
0x9be: {  	[tilespmem:s5+$0x30] =	vst v2  }
0x9bf: {  	[tilespmem:s5+$0x40] =	vst v3  }
0x9c0: {  	[tilespmem:s5+$0x50] =	vst v4  }
0x9c1: {  	[tilespmem:s5+$0x60] =	vst v5  }
0x9c2: {  	[hbm4b:s23+s24] =	stream.strided.scatter [tilespmem:s0], [sflag:$0x1], $0x4000, s26, s24, $0x38;
	[tilespmem:$0x1CF00] =	vst v63  }
0x9c3: {  	_ =	swait.ge [sflag:s2], $0x4000  }
0x9c4: {  	s20 =	sld [smem:$0x7E7];
	_ =	sdelay $0x1  }
0x9c5: {  	s4 =	sadd.s32 $0x1, s4  }
0x9c6: {  	p4 =	sne.s32 s4, s20  }
.Ltmp26:
0x9c7: {  	_ = 	snop;
	(pc) =	sbr.rel @p4 .LBB2_1-.Ltmp26, $3  }
0x9c8: {  	_ =	sdelay $0x1  }
0x9c9: {  	[sflag:s2] =	ssyncset.done $0x0  }
0x9ca: {  	[sflag:s2] =	ssyncadd.s32 $0xFFFFC000  }
0x9cb: {  	_ =	sfence.sel $0x180000  }
0x9cc: {  	[bflag:$0x0] =	sbarrier.arrive $0xFFFF  }
0x9cd: {  	_ =	strace $0x90000047  }
0x9ce: {  	[bflag:$0x2] =	sbarrier.arrive $0xFFFF  }
0x9cf: {  	s0 =	rddreg [dreg:$0x4]  }
0x9d0: {  	s0 =	sadd.s32 @!p0 $0x100000, s0  }
0x9d1: {  	[sflag:s0] =	ssyncadd.tile.s32 @!p0 $0x1;
	_ =	shalt  }
.Lfunc_end2:
_tile_overlayer_lowered:
.L_overlay_start_2:
0x9d2: {  	(tag) =	ssettag $0x2  }
0x9d3: {  	s0 =	rddreg [dreg:$0x0];
	s2 =	stileid.u32  }
0x9d4: {  	s1 =	rddreg [dreg:$0x1];
	p0 =	sne.s32 s2, $0x0  }
0x9d5: {  	s3 =	rddreg [dreg:$0x2];
	[bflag:$0x3] =	sbarrier.arrive $0xFFFF;
	s2 =	simm.s32 @!p0 $0x1C03  }
0x9d6: {  	[timem:s3], [sflag:s2] =	dma.local @!p0 [hbm:s0], s1  }
0x9d7: {  	s0 =	simm.s32 @!p0 $0x3  }
0x9d8: {  	_ =	swait.ge @!p0 [sflag:s0], s1  }
0x9d9: {  	s1 =	ssub.s32 @!p0 $0x0, s1;
	[sflag:s0] =	ssyncset.done @!p0 $0x0  }
0x9da: {  	[sflag:s0] =	ssyncadd.s32 @!p0 s1  }
0x9db: {  	[bflag:$0x3] =	sbarrier.arrive $0xFFFF  }
0x9dc: {  	_ =	shalt  }

</sc_bundles>
